<compile_context>
chip_gen: v7x
topology: tpu7x:2x2x1
jax: 0.10.2.dev20260603
libtpu: 0.0.44.dev20260713+nightly
codegen_flags: <defaults>
</compile_context>

<pallas_src>
import functools

import jax
import jax.numpy as jnp
from jax import lax
from jax.experimental import pallas as pl
from jax.experimental.pallas import tpu as pltpu
from jax.experimental.pallas import tpu_sc as plsc

ITEM_NUM = 1000000
EMBED = 32
NEGS_PER_CTX = 20
NC, NS, LANES = 2, 16, 16
NW = NC * NS
CHUNK = 112
NCHUNK = 4
PADC = CHUNK * NCHUNK
GPC = CHUNK // LANES


def _build_items(oitems):
    B, C = oitems.shape
    n_neg = C * NEGS_PER_CTX

    def body(o_ref, out_ref):
        pltpu.prng_seed(12345)
        bits = pltpu.prng_random_bits((B, n_neg))
        bits = lax.bitcast_convert_type(bits, jnp.int32)
        negs = (bits & jnp.int32(0x7FFFFFFF)) % jnp.int32(ITEM_NUM)
        pad = jnp.zeros((B, PADC - C - n_neg), jnp.int32)
        out_ref[...] = jnp.concatenate([o_ref[...], negs, pad], axis=1)

    return pl.pallas_call(
        body, out_shape=jax.ShapeDtypeStruct((B, PADC), jnp.int32)
    )(oitems.astype(jnp.int32))


def _sc_scores(items, iitem, Wi, Wo):
    B = iitem.shape[0]
    BPW = B // NW

    mesh = plsc.VectorSubcoreMesh(
        core_axis_name="c", subcore_axis_name="s",
        num_cores=NC, num_subcores=NS,
    )

    @functools.partial(
        pl.kernel,
        out_type=jax.ShapeDtypeStruct((B, PADC), jnp.float32),
        mesh=mesh,
        compiler_params=pltpu.CompilerParams(
            needs_layout_passes=False, use_tc_tiling_on_sc=False
        ),
        scratch_types=[
            pltpu.VMEM((BPW,), jnp.int32),
            pltpu.VMEM((BPW, EMBED), jnp.float32),
            pltpu.VMEM((BPW, PADC), jnp.int32),
            pltpu.VMEM((NCHUNK, CHUNK, EMBED), jnp.float32),
            pltpu.VMEM((NCHUNK, CHUNK, EMBED), jnp.float32),
            pltpu.VMEM((LANES, 17), jnp.float32),
            pltpu.VMEM((PADC,), jnp.float32),
            pltpu.VMEM((PADC,), jnp.float32),
            pltpu.SemaphoreType.DMA,
            pltpu.SemaphoreType.DMA,
            pltpu.SemaphoreType.DMA,
        ],
    )
    def sc_kernel(items_hbm, iitem_hbm, wi_hbm, wo_hbm, out_hbm,
                  iidx_v, ivecs_v, all_idx_v, rows0_v, rows1_v, tile_v,
                  scores0_v, scores1_v, isem, gsem0, gsem1):
        wid = lax.axis_index("s") * NC + lax.axis_index("c")
        base = wid * BPW
        rows_b = (rows0_v, rows1_v)
        scores_b = (scores0_v, scores1_v)
        gsem_b = (gsem0, gsem1)

        pltpu.sync_copy(iitem_hbm.at[pl.ds(base, BPW)], iidx_v)
        icp = pltpu.async_copy(wi_hbm.at[iidx_v], ivecs_v, isem)
        pltpu.sync_copy(items_hbm.at[pl.ds(base, BPW)], all_idx_v)
        icp.wait()

        def fire(lb, buf):
            for j in range(NCHUNK):
                pltpu.async_copy(
                    wo_hbm.at[all_idx_v.at[lb, pl.ds(j * CHUNK, CHUNK)]],
                    rows_b[buf].at[j],
                    gsem_b[buf],
                )

        def drain(buf):
            for j in range(NCHUNK):
                pltpu.make_async_copy(
                    wo_hbm.at[pl.ds(0, CHUNK)],
                    rows_b[buf].at[j],
                    gsem_b[buf],
                ).wait()

        def compute(lb, buf):
            iv0 = ivecs_v[lb, pl.ds(0, LANES)]
            iv1 = ivecs_v[lb, pl.ds(LANES, LANES)]
            ri = lax.iota(jnp.int32, LANES)
            for j in range(NCHUNK):

                def g_body(gi, c2, j=j):
                    rb = gi * LANES
                    for r in range(LANES):
                        r0 = rows_b[buf][j, rb + r, pl.ds(0, LANES)]
                        r1 = rows_b[buf][j, rb + r, pl.ds(LANES, LANES)]
                        tile_v[r, pl.ds(0, LANES)] = r0 * iv0 + r1 * iv1
                    vals = [
                        plsc.load_gather(
                            tile_v, [ri, jnp.full((LANES,), d, jnp.int32)]
                        )
                        for d in range(LANES)
                    ]
                    while len(vals) > 1:
                        vals = [vals[i] + vals[i + 1]
                                for i in range(0, len(vals), 2)]
                    scores_b[buf][pl.ds(j * CHUNK + rb, LANES)] = vals[0]
                    return c2

                lax.fori_loop(0, GPC, g_body, 0)
            pltpu.sync_copy(scores_b[buf], out_hbm.at[base + lb])

        fire(0, 0)

        def b2_body(t, carry):
            for half in range(2):
                lb = 2 * t + half
                nxt = lb + 1

                @pl.when(nxt < BPW)
                def _():
                    fire(nxt, 1 - half)

                drain(half)
                compute(lb, half)
            return carry

        lax.fori_loop(0, BPW // 2, b2_body, 0)

    return sc_kernel(items, iitem, Wi, Wo)


def _tc_loss(scores, C):
    n_cols = C + C * NEGS_PER_CTX

    def body(s_ref, out_ref):
        s = s_ref[...]
        col = lax.broadcasted_iota(jnp.int32, s.shape, 1)
        x = jnp.where(col < C, s, -s)
        ls = jnp.minimum(x, 0.0) - jnp.log1p(jnp.exp(-jnp.abs(x)))
        ls = jnp.where(col < n_cols, ls, 0.0)
        per_b = jnp.sum(ls, axis=1) / C
        out_ref[...] = (-jnp.mean(per_b))[None, None]

    out = pl.pallas_call(
        body, out_shape=jax.ShapeDtypeStruct((1, 1), jnp.float32)
    )(scores)
    return out[0, 0]


def kernel(iitem, oitems, Wi, Wo):
    B, C = oitems.shape
    items = _build_items(oitems)
    scores = _sc_scores(items, iitem.astype(jnp.int32), Wi, Wo)
    return _tc_loss(scores, C)

# --- scband reference (transcript-rebuilt; emitter-appended) ---
"""Pipeline reference for scband-sgns-5308579578065 (READ-ONLY COPY).

The authoritative reference and input builder live on the scoring server;
editing this copy changes nothing except your own understanding.
"""

import jax, jax.numpy as jnp
import numpy as np

ITEM_NUM = 1000000
EMBED_DIM = 32
N_NEGS = 20
BATCH = 4096
CONTEXT = 20


def setup_inputs(seed: int = 0) -> dict:
    key = jax.random.key(seed)
    k1, k2, k3, k4 = jax.random.split(key, 4)
    iitem = jax.random.randint(k1, (BATCH,), 0, ITEM_NUM)
    oitems = jax.random.randint(k2, (BATCH, CONTEXT), 0, ITEM_NUM)
    # learned parameters: input-side and output-side embedding tables
    Wi = jax.random.normal(k3, (ITEM_NUM, EMBED_DIM), dtype=jnp.float32) * 0.02
    Wo = jax.random.normal(k4, (ITEM_NUM, EMBED_DIM), dtype=jnp.float32) * 0.02
    return {"iitem": iitem, "oitems": oitems, "Wi": Wi, "Wo": Wo}


def reference(iitem, oitems, Wi, Wo):
    batch_size = iitem.shape[0]
    context_size = oitems.shape[1]
    # weights is None -> uniform negative sampling over [0, item_num-1].
    # Deterministic fixed key stands in for torch's in-forward RNG draw.
    nitems = jax.random.randint(
        jax.random.key(12345), (batch_size, context_size * N_NEGS), 0, ITEM_NUM
    )
    ivectors = jnp.take(Wi, iitem, axis=0)            # [B, D]  (unsqueezed dim folded into einsum)
    ovectors = jnp.take(Wo, oitems, axis=0)           # [B, C, D]
    nvectors = -jnp.take(Wo, nitems, axis=0)          # [B, C*n_negs, D]
    # bmm(ovectors, ivectors[:, :, None]).squeeze() -> [B, C]
    o_scores = jnp.einsum("bcd,bd->bc", ovectors, ivectors)
    oloss = jnp.mean(jnp.log(jax.nn.sigmoid(o_scores)), axis=1)          # [B]
    n_scores = jnp.einsum("bnd,bd->bn", nvectors, ivectors)              # [B, C*n_negs]
    nloss = jnp.mean(
        jnp.sum(
            jnp.log(jax.nn.sigmoid(n_scores)).reshape(batch_size, context_size, N_NEGS),
            axis=2,
        ),
        axis=1,
    )                                                                     # [B]
    return -jnp.mean(oloss + nloss)

if __name__ == "__main__":
    import jax
    _d = setup_inputs()
    print(jax.jit(kernel)(*tuple(_d.values())))

</pallas_src>

<mosaic_0001>
#map = affine_map<(d0, d1) -> (0, 0)>
#map1 = affine_map<(d0, d1) -> (0)>
module attributes {stable_mosaic.version = 14 : i64} {
  func.func @sc_kernel(%arg0: i32, %arg1: i32, %arg2: memref<4096x448xi32, #tpu.memory_space<hbm>>, %arg3: memref<4096xi32, #tpu.memory_space<hbm>>, %arg4: memref<1000000x32xf32, #tpu.memory_space<hbm>>, %arg5: memref<1000000x32xf32, #tpu.memory_space<hbm>>, %arg6: memref<4096x448xf32, #tpu.memory_space<hbm>>, %arg7: memref<128xi32, #tpu.memory_space<vmem>>, %arg8: memref<128x32xf32, #tpu.memory_space<vmem>>, %arg9: memref<128x448xi32, #tpu.memory_space<vmem>>, %arg10: memref<4x112x32xf32, #tpu.memory_space<vmem>>, %arg11: memref<4x112x32xf32, #tpu.memory_space<vmem>>, %arg12: memref<16x17xf32, #tpu.memory_space<vmem>>, %arg13: memref<448xf32, #tpu.memory_space<vmem>>, %arg14: memref<448xf32, #tpu.memory_space<vmem>>, %arg15: memref<!tpu.dma_semaphore, #tpu.memory_space<semaphore_mem>>, %arg16: memref<!tpu.dma_semaphore, #tpu.memory_space<semaphore_mem>>, %arg17: memref<!tpu.dma_semaphore, #tpu.memory_space<semaphore_mem>>) attributes {dimension_semantics = [#tpu.dimension_semantics<core_parallel>, #tpu.dimension_semantics<subcore_parallel>], iteration_bounds = array<i64: 2, 16>, scalar_prefetch = 0 : i64, scratch_operands = 11 : i64, tpu.core_type = #tpu.core_type<sc_vector_subcore>, window_params = [{transform_indices = #map}, {transform_indices = #map1}, {transform_indices = #map}, {transform_indices = #map}, {transform_indices = #map}]} {
    %mul3A = arith.constant 2 : i32
    %mul3A_0 = arith.muli %arg1, %mul3A : i32
    %add3A = arith.addi %mul3A_0, %arg0 : i32
    %mul3A_1 = arith.constant 128 : i32
    %mul3A_2 = arith.muli %add3A, %mul3A_1 : i32
    "tpu.region"() ({
      %run_scoped3A = tpu.sem_alloc : memref<!tpu.dma_semaphore, #tpu.memory_space<semaphore_mem>>
      %dma_start3A_60 = tpu.memref_slice %arg3[%mul3A_2] : memref<4096xi32, #tpu.memory_space<hbm>> -> memref<128xi32, #tpu.memory_space<hbm>>
      %dma_start3A_61 = tpu.memref_slice %arg3[%mul3A_2] : memref<4096xi32, #tpu.memory_space<hbm>> -> memref<128xi32, #tpu.memory_space<hbm>>
      tpu.enqueue_dma source(%dma_start3A_61 : memref<128xi32, #tpu.memory_space<hbm>>) target(%arg7 : memref<128xi32, #tpu.memory_space<vmem>>) target_semaphore(%run_scoped3A : memref<!tpu.dma_semaphore, #tpu.memory_space<semaphore_mem>>)
      %dma_wait3A_62 = tpu.memref_slice %arg3[%mul3A_2] : memref<4096xi32, #tpu.memory_space<hbm>> -> memref<128xi32, #tpu.memory_space<hbm>>
      %dma_wait3A_63 = tpu.memref_slice %arg3[%mul3A_2] : memref<4096xi32, #tpu.memory_space<hbm>> -> memref<128xi32, #tpu.memory_space<hbm>>
      tpu.wait_dma2 semaphore(%run_scoped3A : memref<!tpu.dma_semaphore, #tpu.memory_space<semaphore_mem>>) src(%dma_wait3A_63 : memref<128xi32, #tpu.memory_space<hbm>>) dst(%arg7 : memref<128xi32, #tpu.memory_space<vmem>>)
      tpu.yield
    }) : () -> ()
    %dma_start3A = arith.constant 0 : i32
    %dma_start3A_3 = arith.constant 0 : i32
    %dma_start3A_4 = tpu.memref_slice %arg4[%dma_start3A, %dma_start3A_3] : memref<1000000x32xf32, #tpu.memory_space<hbm>> -> memref<1000000x32xf32, #tpu.memory_space<hbm>>
    tpu.enqueue_indirect_dma source(%dma_start3A_4 : memref<1000000x32xf32, #tpu.memory_space<hbm>>) target(%arg8 : memref<128x32xf32, #tpu.memory_space<vmem>>) offsets(%arg7 : memref<128xi32, #tpu.memory_space<vmem>>) semaphore(%arg15 : memref<!tpu.dma_semaphore, #tpu.memory_space<semaphore_mem>>)
    "tpu.region"() ({
      %run_scoped3A = tpu.sem_alloc : memref<!tpu.dma_semaphore, #tpu.memory_space<semaphore_mem>>
      %dma_start3A_60 = arith.constant 0 : i32
      %dma_start3A_61 = tpu.memref_slice %arg2[%mul3A_2, %dma_start3A_60] : memref<4096x448xi32, #tpu.memory_space<hbm>> -> memref<128x448xi32, #tpu.memory_space<hbm>>
      %dma_start3A_62 = arith.constant 0 : i32
      %dma_start3A_63 = tpu.memref_slice %arg2[%mul3A_2, %dma_start3A_62] : memref<4096x448xi32, #tpu.memory_space<hbm>> -> memref<128x448xi32, #tpu.memory_space<hbm>>
      tpu.enqueue_dma source(%dma_start3A_63 : memref<128x448xi32, #tpu.memory_space<hbm>>) target(%arg9 : memref<128x448xi32, #tpu.memory_space<vmem>>) target_semaphore(%run_scoped3A : memref<!tpu.dma_semaphore, #tpu.memory_space<semaphore_mem>>)
      %dma_wait3A_64 = arith.constant 0 : i32
      %dma_wait3A_65 = tpu.memref_slice %arg2[%mul3A_2, %dma_wait3A_64] : memref<4096x448xi32, #tpu.memory_space<hbm>> -> memref<128x448xi32, #tpu.memory_space<hbm>>
      %dma_wait3A_66 = arith.constant 0 : i32
      %dma_wait3A_67 = tpu.memref_slice %arg2[%mul3A_2, %dma_wait3A_66] : memref<4096x448xi32, #tpu.memory_space<hbm>> -> memref<128x448xi32, #tpu.memory_space<hbm>>
      tpu.wait_dma2 semaphore(%run_scoped3A : memref<!tpu.dma_semaphore, #tpu.memory_space<semaphore_mem>>) src(%dma_wait3A_67 : memref<128x448xi32, #tpu.memory_space<hbm>>) dst(%arg9 : memref<128x448xi32, #tpu.memory_space<vmem>>)
      tpu.yield
    }) : () -> ()
    %dma_wait3A = arith.constant 0 : i32
    %dma_wait3A_5 = arith.constant 0 : i32
    %dma_wait3A_6 = tpu.memref_slice %arg4[%dma_wait3A, %dma_wait3A_5] : memref<1000000x32xf32, #tpu.memory_space<hbm>> -> memref<1000000x32xf32, #tpu.memory_space<hbm>>
    tpu.wait_indirect_dma semaphore(%arg15 : memref<!tpu.dma_semaphore, #tpu.memory_space<semaphore_mem>>) src(%dma_wait3A_6 : memref<1000000x32xf32, #tpu.memory_space<hbm>>) dst(%arg8 : memref<128x32xf32, #tpu.memory_space<vmem>>)
    %dma_start3A_7 = arith.constant 0 : i32
    %dma_start3A_8 = arith.constant 0 : i32
    %dma_start3A_9 = arith.constant 0 : i32
    %dma_start3A_10 = arith.constant 0 : i32
    %dma_start3A_11 = tpu.memref_slice %arg10[%dma_start3A_8, %dma_start3A_9, %dma_start3A_10] : memref<4x112x32xf32, #tpu.memory_space<vmem>> -> memref<1x112x32xf32, #tpu.memory_space<vmem>>
    %dma_start3A_12 = tpu.memref_squeeze %dma_start3A_11 : memref<1x112x32xf32, #tpu.memory_space<vmem>> -> memref<112x32xf32, #tpu.memory_space<vmem>>
    %dma_start3A_13 = arith.constant 0 : i32
    %dma_start3A_14 = tpu.memref_slice %arg9[%dma_start3A_7, %dma_start3A_13] : memref<128x448xi32, #tpu.memory_space<vmem>> -> memref<1x112xi32, #tpu.memory_space<vmem>>
    %dma_start3A_15 = tpu.memref_squeeze %dma_start3A_14 : memref<1x112xi32, #tpu.memory_space<vmem>> -> memref<112xi32, #tpu.memory_space<vmem>>
    %dma_start3A_16 = arith.constant 0 : i32
    %dma_start3A_17 = arith.constant 0 : i32
    %dma_start3A_18 = tpu.memref_slice %arg5[%dma_start3A_16, %dma_start3A_17] : memref<1000000x32xf32, #tpu.memory_space<hbm>> -> memref<1000000x32xf32, #tpu.memory_space<hbm>>
    tpu.enqueue_indirect_dma source(%dma_start3A_18 : memref<1000000x32xf32, #tpu.memory_space<hbm>>) target(%dma_start3A_12 : memref<112x32xf32, #tpu.memory_space<vmem>>) offsets(%dma_start3A_15 : memref<112xi32, #tpu.memory_space<vmem>>) semaphore(%arg16 : memref<!tpu.dma_semaphore, #tpu.memory_space<semaphore_mem>>)
    %dma_start3A_19 = arith.constant 0 : i32
    %dma_start3A_20 = arith.constant 1 : i32
    %dma_start3A_21 = arith.constant 0 : i32
    %dma_start3A_22 = arith.constant 0 : i32
    %dma_start3A_23 = tpu.memref_slice %arg10[%dma_start3A_20, %dma_start3A_21, %dma_start3A_22] : memref<4x112x32xf32, #tpu.memory_space<vmem>> -> memref<1x112x32xf32, #tpu.memory_space<vmem>>
    %dma_start3A_24 = tpu.memref_squeeze %dma_start3A_23 : memref<1x112x32xf32, #tpu.memory_space<vmem>> -> memref<112x32xf32, #tpu.memory_space<vmem>>
    %dma_start3A_25 = arith.constant 112 : i32
    %dma_start3A_26 = tpu.memref_slice %arg9[%dma_start3A_19, %dma_start3A_25] : memref<128x448xi32, #tpu.memory_space<vmem>> -> memref<1x112xi32, #tpu.memory_space<vmem>>
    %dma_start3A_27 = tpu.memref_squeeze %dma_start3A_26 : memref<1x112xi32, #tpu.memory_space<vmem>> -> memref<112xi32, #tpu.memory_space<vmem>>
    %dma_start3A_28 = arith.constant 0 : i32
    %dma_start3A_29 = arith.constant 0 : i32
    %dma_start3A_30 = tpu.memref_slice %arg5[%dma_start3A_28, %dma_start3A_29] : memref<1000000x32xf32, #tpu.memory_space<hbm>> -> memref<1000000x32xf32, #tpu.memory_space<hbm>>
    tpu.enqueue_indirect_dma source(%dma_start3A_30 : memref<1000000x32xf32, #tpu.memory_space<hbm>>) target(%dma_start3A_24 : memref<112x32xf32, #tpu.memory_space<vmem>>) offsets(%dma_start3A_27 : memref<112xi32, #tpu.memory_space<vmem>>) semaphore(%arg16 : memref<!tpu.dma_semaphore, #tpu.memory_space<semaphore_mem>>)
    %dma_start3A_31 = arith.constant 0 : i32
    %dma_start3A_32 = arith.constant 2 : i32
    %dma_start3A_33 = arith.constant 0 : i32
    %dma_start3A_34 = arith.constant 0 : i32
    %dma_start3A_35 = tpu.memref_slice %arg10[%dma_start3A_32, %dma_start3A_33, %dma_start3A_34] : memref<4x112x32xf32, #tpu.memory_space<vmem>> -> memref<1x112x32xf32, #tpu.memory_space<vmem>>
    %dma_start3A_36 = tpu.memref_squeeze %dma_start3A_35 : memref<1x112x32xf32, #tpu.memory_space<vmem>> -> memref<112x32xf32, #tpu.memory_space<vmem>>
    %dma_start3A_37 = arith.constant 224 : i32
    %dma_start3A_38 = tpu.memref_slice %arg9[%dma_start3A_31, %dma_start3A_37] : memref<128x448xi32, #tpu.memory_space<vmem>> -> memref<1x112xi32, #tpu.memory_space<vmem>>
    %dma_start3A_39 = tpu.memref_squeeze %dma_start3A_38 : memref<1x112xi32, #tpu.memory_space<vmem>> -> memref<112xi32, #tpu.memory_space<vmem>>
    %dma_start3A_40 = arith.constant 0 : i32
    %dma_start3A_41 = arith.constant 0 : i32
    %dma_start3A_42 = tpu.memref_slice %arg5[%dma_start3A_40, %dma_start3A_41] : memref<1000000x32xf32, #tpu.memory_space<hbm>> -> memref<1000000x32xf32, #tpu.memory_space<hbm>>
    tpu.enqueue_indirect_dma source(%dma_start3A_42 : memref<1000000x32xf32, #tpu.memory_space<hbm>>) target(%dma_start3A_36 : memref<112x32xf32, #tpu.memory_space<vmem>>) offsets(%dma_start3A_39 : memref<112xi32, #tpu.memory_space<vmem>>) semaphore(%arg16 : memref<!tpu.dma_semaphore, #tpu.memory_space<semaphore_mem>>)
    %dma_start3A_43 = arith.constant 0 : i32
    %dma_start3A_44 = arith.constant 3 : i32
    %dma_start3A_45 = arith.constant 0 : i32
    %dma_start3A_46 = arith.constant 0 : i32
    %dma_start3A_47 = tpu.memref_slice %arg10[%dma_start3A_44, %dma_start3A_45, %dma_start3A_46] : memref<4x112x32xf32, #tpu.memory_space<vmem>> -> memref<1x112x32xf32, #tpu.memory_space<vmem>>
    %dma_start3A_48 = tpu.memref_squeeze %dma_start3A_47 : memref<1x112x32xf32, #tpu.memory_space<vmem>> -> memref<112x32xf32, #tpu.memory_space<vmem>>
    %dma_start3A_49 = arith.constant 336 : i32
    %dma_start3A_50 = tpu.memref_slice %arg9[%dma_start3A_43, %dma_start3A_49] : memref<128x448xi32, #tpu.memory_space<vmem>> -> memref<1x112xi32, #tpu.memory_space<vmem>>
    %dma_start3A_51 = tpu.memref_squeeze %dma_start3A_50 : memref<1x112xi32, #tpu.memory_space<vmem>> -> memref<112xi32, #tpu.memory_space<vmem>>
    %dma_start3A_52 = arith.constant 0 : i32
    %dma_start3A_53 = arith.constant 0 : i32
    %dma_start3A_54 = tpu.memref_slice %arg5[%dma_start3A_52, %dma_start3A_53] : memref<1000000x32xf32, #tpu.memory_space<hbm>> -> memref<1000000x32xf32, #tpu.memory_space<hbm>>
    tpu.enqueue_indirect_dma source(%dma_start3A_54 : memref<1000000x32xf32, #tpu.memory_space<hbm>>) target(%dma_start3A_48 : memref<112x32xf32, #tpu.memory_space<vmem>>) offsets(%dma_start3A_51 : memref<112xi32, #tpu.memory_space<vmem>>) semaphore(%arg16 : memref<!tpu.dma_semaphore, #tpu.memory_space<semaphore_mem>>)
    %scan3A = arith.constant 0 : i32
    %scan3A_55 = arith.constant 0 : i32
    %scan3A_56 = arith.constant 64 : i32
    %scan3A_57 = arith.addi %scan3A_55, %scan3A_56 : i32
    %scan3A_58 = arith.constant 1 : i32
    scf.for %scan3A_60 = %scan3A_55 to %scan3A_57 step %scan3A_58  : i32 {
      %mul3A_61 = arith.constant 2 : i32
      %mul3A_62 = arith.muli %mul3A_61, %scan3A_60 : i32
      %add3A_63 = arith.constant 0 : i32
      %add3A_64 = arith.addi %mul3A_62, %add3A_63 : i32
      %add3A_65 = arith.constant 1 : i32
      %add3A_66 = arith.addi %add3A_64, %add3A_65 : i32
      %lt3A = arith.constant 128 : i32
      %lt3A_67 = arith.cmpi slt, %add3A_66, %lt3A : i32
      %convert_element_type3A = arith.extui %lt3A_67 : i1 to i32
      %cond3A = arith.constant 0 : i32
      %cond3A_68 = arith.cmpi ne, %convert_element_type3A, %cond3A : i32
      scf.if %cond3A_68 {
        %dma_start3A_262 = arith.constant 0 : i32
        %dma_start3A_263 = arith.constant 0 : i32
        %dma_start3A_264 = arith.constant 0 : i32
        %dma_start3A_265 = tpu.memref_slice %arg11[%dma_start3A_262, %dma_start3A_263, %dma_start3A_264] : memref<4x112x32xf32, #tpu.memory_space<vmem>> -> memref<1x112x32xf32, #tpu.memory_space<vmem>>
        %dma_start3A_266 = tpu.memref_squeeze %dma_start3A_265 : memref<1x112x32xf32, #tpu.memory_space<vmem>> -> memref<112x32xf32, #tpu.memory_space<vmem>>
        %dma_start3A_267 = arith.constant 0 : i32
        %dma_start3A_268 = tpu.memref_slice %arg9[%add3A_66, %dma_start3A_267] : memref<128x448xi32, #tpu.memory_space<vmem>> -> memref<1x112xi32, #tpu.memory_space<vmem>>
        %dma_start3A_269 = tpu.memref_squeeze %dma_start3A_268 : memref<1x112xi32, #tpu.memory_space<vmem>> -> memref<112xi32, #tpu.memory_space<vmem>>
        %dma_start3A_270 = arith.constant 0 : i32
        %dma_start3A_271 = arith.constant 0 : i32
        %dma_start3A_272 = tpu.memref_slice %arg5[%dma_start3A_270, %dma_start3A_271] : memref<1000000x32xf32, #tpu.memory_space<hbm>> -> memref<1000000x32xf32, #tpu.memory_space<hbm>>
        tpu.enqueue_indirect_dma source(%dma_start3A_272 : memref<1000000x32xf32, #tpu.memory_space<hbm>>) target(%dma_start3A_266 : memref<112x32xf32, #tpu.memory_space<vmem>>) offsets(%dma_start3A_269 : memref<112xi32, #tpu.memory_space<vmem>>) semaphore(%arg17 : memref<!tpu.dma_semaphore, #tpu.memory_space<semaphore_mem>>)
        %dma_start3A_273 = arith.constant 1 : i32
        %dma_start3A_274 = arith.constant 0 : i32
        %dma_start3A_275 = arith.constant 0 : i32
        %dma_start3A_276 = tpu.memref_slice %arg11[%dma_start3A_273, %dma_start3A_274, %dma_start3A_275] : memref<4x112x32xf32, #tpu.memory_space<vmem>> -> memref<1x112x32xf32, #tpu.memory_space<vmem>>
        %dma_start3A_277 = tpu.memref_squeeze %dma_start3A_276 : memref<1x112x32xf32, #tpu.memory_space<vmem>> -> memref<112x32xf32, #tpu.memory_space<vmem>>
        %dma_start3A_278 = arith.constant 112 : i32
        %dma_start3A_279 = tpu.memref_slice %arg9[%add3A_66, %dma_start3A_278] : memref<128x448xi32, #tpu.memory_space<vmem>> -> memref<1x112xi32, #tpu.memory_space<vmem>>
        %dma_start3A_280 = tpu.memref_squeeze %dma_start3A_279 : memref<1x112xi32, #tpu.memory_space<vmem>> -> memref<112xi32, #tpu.memory_space<vmem>>
        %dma_start3A_281 = arith.constant 0 : i32
        %dma_start3A_282 = arith.constant 0 : i32
        %dma_start3A_283 = tpu.memref_slice %arg5[%dma_start3A_281, %dma_start3A_282] : memref<1000000x32xf32, #tpu.memory_space<hbm>> -> memref<1000000x32xf32, #tpu.memory_space<hbm>>
        tpu.enqueue_indirect_dma source(%dma_start3A_283 : memref<1000000x32xf32, #tpu.memory_space<hbm>>) target(%dma_start3A_277 : memref<112x32xf32, #tpu.memory_space<vmem>>) offsets(%dma_start3A_280 : memref<112xi32, #tpu.memory_space<vmem>>) semaphore(%arg17 : memref<!tpu.dma_semaphore, #tpu.memory_space<semaphore_mem>>)
        %dma_start3A_284 = arith.constant 2 : i32
        %dma_start3A_285 = arith.constant 0 : i32
        %dma_start3A_286 = arith.constant 0 : i32
        %dma_start3A_287 = tpu.memref_slice %arg11[%dma_start3A_284, %dma_start3A_285, %dma_start3A_286] : memref<4x112x32xf32, #tpu.memory_space<vmem>> -> memref<1x112x32xf32, #tpu.memory_space<vmem>>
        %dma_start3A_288 = tpu.memref_squeeze %dma_start3A_287 : memref<1x112x32xf32, #tpu.memory_space<vmem>> -> memref<112x32xf32, #tpu.memory_space<vmem>>
        %dma_start3A_289 = arith.constant 224 : i32
        %dma_start3A_290 = tpu.memref_slice %arg9[%add3A_66, %dma_start3A_289] : memref<128x448xi32, #tpu.memory_space<vmem>> -> memref<1x112xi32, #tpu.memory_space<vmem>>
        %dma_start3A_291 = tpu.memref_squeeze %dma_start3A_290 : memref<1x112xi32, #tpu.memory_space<vmem>> -> memref<112xi32, #tpu.memory_space<vmem>>
        %dma_start3A_292 = arith.constant 0 : i32
        %dma_start3A_293 = arith.constant 0 : i32
        %dma_start3A_294 = tpu.memref_slice %arg5[%dma_start3A_292, %dma_start3A_293] : memref<1000000x32xf32, #tpu.memory_space<hbm>> -> memref<1000000x32xf32, #tpu.memory_space<hbm>>
        tpu.enqueue_indirect_dma source(%dma_start3A_294 : memref<1000000x32xf32, #tpu.memory_space<hbm>>) target(%dma_start3A_288 : memref<112x32xf32, #tpu.memory_space<vmem>>) offsets(%dma_start3A_291 : memref<112xi32, #tpu.memory_space<vmem>>) semaphore(%arg17 : memref<!tpu.dma_semaphore, #tpu.memory_space<semaphore_mem>>)
        %dma_start3A_295 = arith.constant 3 : i32
        %dma_start3A_296 = arith.constant 0 : i32
        %dma_start3A_297 = arith.constant 0 : i32
        %dma_start3A_298 = tpu.memref_slice %arg11[%dma_start3A_295, %dma_start3A_296, %dma_start3A_297] : memref<4x112x32xf32, #tpu.memory_space<vmem>> -> memref<1x112x32xf32, #tpu.memory_space<vmem>>
        %dma_start3A_299 = tpu.memref_squeeze %dma_start3A_298 : memref<1x112x32xf32, #tpu.memory_space<vmem>> -> memref<112x32xf32, #tpu.memory_space<vmem>>
        %dma_start3A_300 = arith.constant 336 : i32
        %dma_start3A_301 = tpu.memref_slice %arg9[%add3A_66, %dma_start3A_300] : memref<128x448xi32, #tpu.memory_space<vmem>> -> memref<1x112xi32, #tpu.memory_space<vmem>>
        %dma_start3A_302 = tpu.memref_squeeze %dma_start3A_301 : memref<1x112xi32, #tpu.memory_space<vmem>> -> memref<112xi32, #tpu.memory_space<vmem>>
        %dma_start3A_303 = arith.constant 0 : i32
        %dma_start3A_304 = arith.constant 0 : i32
        %dma_start3A_305 = tpu.memref_slice %arg5[%dma_start3A_303, %dma_start3A_304] : memref<1000000x32xf32, #tpu.memory_space<hbm>> -> memref<1000000x32xf32, #tpu.memory_space<hbm>>
        tpu.enqueue_indirect_dma source(%dma_start3A_305 : memref<1000000x32xf32, #tpu.memory_space<hbm>>) target(%dma_start3A_299 : memref<112x32xf32, #tpu.memory_space<vmem>>) offsets(%dma_start3A_302 : memref<112xi32, #tpu.memory_space<vmem>>) semaphore(%arg17 : memref<!tpu.dma_semaphore, #tpu.memory_space<semaphore_mem>>)
      } else {
      }
      %dma_wait3A_69 = arith.constant 0 : i32
      %dma_wait3A_70 = arith.constant 0 : i32
      %dma_wait3A_71 = arith.constant 0 : i32
      %dma_wait3A_72 = tpu.memref_slice %arg10[%dma_wait3A_69, %dma_wait3A_70, %dma_wait3A_71] : memref<4x112x32xf32, #tpu.memory_space<vmem>> -> memref<1x112x32xf32, #tpu.memory_space<vmem>>
      %dma_wait3A_73 = tpu.memref_squeeze %dma_wait3A_72 : memref<1x112x32xf32, #tpu.memory_space<vmem>> -> memref<112x32xf32, #tpu.memory_space<vmem>>
      %dma_wait3A_74 = arith.constant 0 : i32
      %dma_wait3A_75 = arith.constant 0 : i32
      %dma_wait3A_76 = tpu.memref_slice %arg5[%dma_wait3A_74, %dma_wait3A_75] : memref<1000000x32xf32, #tpu.memory_space<hbm>> -> memref<112x32xf32, #tpu.memory_space<hbm>>
      %dma_wait3A_77 = arith.constant 0 : i32
      %dma_wait3A_78 = arith.constant 0 : i32
      %dma_wait3A_79 = tpu.memref_slice %arg10[%dma_wait3A_69, %dma_wait3A_77, %dma_wait3A_78] : memref<4x112x32xf32, #tpu.memory_space<vmem>> -> memref<1x112x32xf32, #tpu.memory_space<vmem>>
      %dma_wait3A_80 = tpu.memref_squeeze %dma_wait3A_79 : memref<1x112x32xf32, #tpu.memory_space<vmem>> -> memref<112x32xf32, #tpu.memory_space<vmem>>
      %dma_wait3A_81 = arith.constant 0 : i32
      %dma_wait3A_82 = arith.constant 0 : i32
      %dma_wait3A_83 = tpu.memref_slice %arg5[%dma_wait3A_81, %dma_wait3A_82] : memref<1000000x32xf32, #tpu.memory_space<hbm>> -> memref<112x32xf32, #tpu.memory_space<hbm>>
      tpu.wait_dma2 semaphore(%arg16 : memref<!tpu.dma_semaphore, #tpu.memory_space<semaphore_mem>>) src(%dma_wait3A_83 : memref<112x32xf32, #tpu.memory_space<hbm>>) dst(%dma_wait3A_80 : memref<112x32xf32, #tpu.memory_space<vmem>>)
      %dma_wait3A_84 = arith.constant 1 : i32
      %dma_wait3A_85 = arith.constant 0 : i32
      %dma_wait3A_86 = arith.constant 0 : i32
      %dma_wait3A_87 = tpu.memref_slice %arg10[%dma_wait3A_84, %dma_wait3A_85, %dma_wait3A_86] : memref<4x112x32xf32, #tpu.memory_space<vmem>> -> memref<1x112x32xf32, #tpu.memory_space<vmem>>
      %dma_wait3A_88 = tpu.memref_squeeze %dma_wait3A_87 : memref<1x112x32xf32, #tpu.memory_space<vmem>> -> memref<112x32xf32, #tpu.memory_space<vmem>>
      %dma_wait3A_89 = arith.constant 0 : i32
      %dma_wait3A_90 = arith.constant 0 : i32
      %dma_wait3A_91 = tpu.memref_slice %arg5[%dma_wait3A_89, %dma_wait3A_90] : memref<1000000x32xf32, #tpu.memory_space<hbm>> -> memref<112x32xf32, #tpu.memory_space<hbm>>
      %dma_wait3A_92 = arith.constant 0 : i32
      %dma_wait3A_93 = arith.constant 0 : i32
      %dma_wait3A_94 = tpu.memref_slice %arg10[%dma_wait3A_84, %dma_wait3A_92, %dma_wait3A_93] : memref<4x112x32xf32, #tpu.memory_space<vmem>> -> memref<1x112x32xf32, #tpu.memory_space<vmem>>
      %dma_wait3A_95 = tpu.memref_squeeze %dma_wait3A_94 : memref<1x112x32xf32, #tpu.memory_space<vmem>> -> memref<112x32xf32, #tpu.memory_space<vmem>>
      %dma_wait3A_96 = arith.constant 0 : i32
      %dma_wait3A_97 = arith.constant 0 : i32
      %dma_wait3A_98 = tpu.memref_slice %arg5[%dma_wait3A_96, %dma_wait3A_97] : memref<1000000x32xf32, #tpu.memory_space<hbm>> -> memref<112x32xf32, #tpu.memory_space<hbm>>
      tpu.wait_dma2 semaphore(%arg16 : memref<!tpu.dma_semaphore, #tpu.memory_space<semaphore_mem>>) src(%dma_wait3A_98 : memref<112x32xf32, #tpu.memory_space<hbm>>) dst(%dma_wait3A_95 : memref<112x32xf32, #tpu.memory_space<vmem>>)
      %dma_wait3A_99 = arith.constant 2 : i32
      %dma_wait3A_100 = arith.constant 0 : i32
      %dma_wait3A_101 = arith.constant 0 : i32
      %dma_wait3A_102 = tpu.memref_slice %arg10[%dma_wait3A_99, %dma_wait3A_100, %dma_wait3A_101] : memref<4x112x32xf32, #tpu.memory_space<vmem>> -> memref<1x112x32xf32, #tpu.memory_space<vmem>>
      %dma_wait3A_103 = tpu.memref_squeeze %dma_wait3A_102 : memref<1x112x32xf32, #tpu.memory_space<vmem>> -> memref<112x32xf32, #tpu.memory_space<vmem>>
      %dma_wait3A_104 = arith.constant 0 : i32
      %dma_wait3A_105 = arith.constant 0 : i32
      %dma_wait3A_106 = tpu.memref_slice %arg5[%dma_wait3A_104, %dma_wait3A_105] : memref<1000000x32xf32, #tpu.memory_space<hbm>> -> memref<112x32xf32, #tpu.memory_space<hbm>>
      %dma_wait3A_107 = arith.constant 0 : i32
      %dma_wait3A_108 = arith.constant 0 : i32
      %dma_wait3A_109 = tpu.memref_slice %arg10[%dma_wait3A_99, %dma_wait3A_107, %dma_wait3A_108] : memref<4x112x32xf32, #tpu.memory_space<vmem>> -> memref<1x112x32xf32, #tpu.memory_space<vmem>>
      %dma_wait3A_110 = tpu.memref_squeeze %dma_wait3A_109 : memref<1x112x32xf32, #tpu.memory_space<vmem>> -> memref<112x32xf32, #tpu.memory_space<vmem>>
      %dma_wait3A_111 = arith.constant 0 : i32
      %dma_wait3A_112 = arith.constant 0 : i32
      %dma_wait3A_113 = tpu.memref_slice %arg5[%dma_wait3A_111, %dma_wait3A_112] : memref<1000000x32xf32, #tpu.memory_space<hbm>> -> memref<112x32xf32, #tpu.memory_space<hbm>>
      tpu.wait_dma2 semaphore(%arg16 : memref<!tpu.dma_semaphore, #tpu.memory_space<semaphore_mem>>) src(%dma_wait3A_113 : memref<112x32xf32, #tpu.memory_space<hbm>>) dst(%dma_wait3A_110 : memref<112x32xf32, #tpu.memory_space<vmem>>)
      %dma_wait3A_114 = arith.constant 3 : i32
      %dma_wait3A_115 = arith.constant 0 : i32
      %dma_wait3A_116 = arith.constant 0 : i32
      %dma_wait3A_117 = tpu.memref_slice %arg10[%dma_wait3A_114, %dma_wait3A_115, %dma_wait3A_116] : memref<4x112x32xf32, #tpu.memory_space<vmem>> -> memref<1x112x32xf32, #tpu.memory_space<vmem>>
      %dma_wait3A_118 = tpu.memref_squeeze %dma_wait3A_117 : memref<1x112x32xf32, #tpu.memory_space<vmem>> -> memref<112x32xf32, #tpu.memory_space<vmem>>
      %dma_wait3A_119 = arith.constant 0 : i32
      %dma_wait3A_120 = arith.constant 0 : i32
      %dma_wait3A_121 = tpu.memref_slice %arg5[%dma_wait3A_119, %dma_wait3A_120] : memref<1000000x32xf32, #tpu.memory_space<hbm>> -> memref<112x32xf32, #tpu.memory_space<hbm>>
      %dma_wait3A_122 = arith.constant 0 : i32
      %dma_wait3A_123 = arith.constant 0 : i32
      %dma_wait3A_124 = tpu.memref_slice %arg10[%dma_wait3A_114, %dma_wait3A_122, %dma_wait3A_123] : memref<4x112x32xf32, #tpu.memory_space<vmem>> -> memref<1x112x32xf32, #tpu.memory_space<vmem>>
      %dma_wait3A_125 = tpu.memref_squeeze %dma_wait3A_124 : memref<1x112x32xf32, #tpu.memory_space<vmem>> -> memref<112x32xf32, #tpu.memory_space<vmem>>
      %dma_wait3A_126 = arith.constant 0 : i32
      %dma_wait3A_127 = arith.constant 0 : i32
      %dma_wait3A_128 = tpu.memref_slice %arg5[%dma_wait3A_126, %dma_wait3A_127] : memref<1000000x32xf32, #tpu.memory_space<hbm>> -> memref<112x32xf32, #tpu.memory_space<hbm>>
      tpu.wait_dma2 semaphore(%arg16 : memref<!tpu.dma_semaphore, #tpu.memory_space<semaphore_mem>>) src(%dma_wait3A_128 : memref<112x32xf32, #tpu.memory_space<hbm>>) dst(%dma_wait3A_125 : memref<112x32xf32, #tpu.memory_space<vmem>>)
      %get3A = arith.index_cast %add3A_64 : i32 to index
      %get3A_129 = arith.constant 0 : index
      %get3A_130 = tpu.vector_load %arg8[%get3A, %get3A_129] {strides = array<i32>} : memref<128x32xf32, #tpu.memory_space<vmem>>, vector<16xf32>,
      %get3A_131 = arith.index_cast %add3A_64 : i32 to index
      %get3A_132 = arith.constant 16 : index
      %get3A_133 = tpu.vector_load %arg8[%get3A_131, %get3A_132] {strides = array<i32>} : memref<128x32xf32, #tpu.memory_space<vmem>>, vector<16xf32>,
      %iota3A = tpu.iota {dimensions = array<i32: 0>} : vector<16xi32>
      %scan3A_134 = arith.constant 0 : i32
      %scan3A_135 = arith.constant 0 : i32
      %scan3A_136 = arith.constant 7 : i32
      %scan3A_137 = arith.addi %scan3A_135, %scan3A_136 : i32
      %scan3A_138 = arith.constant 1 : i32
      scf.for %scan3A_262 = %scan3A_135 to %scan3A_137 step %scan3A_138  : i32 {
        %mul3A_263 = arith.constant 16 : i32
        %mul3A_264 = arith.muli %scan3A_262, %mul3A_263 : i32
        %add3A_265 = arith.constant 0 : i32
        %add3A_266 = arith.addi %mul3A_264, %add3A_265 : i32
        %get3A_267 = arith.constant 0 : i32
        %get3A_268 = arith.index_cast %get3A_267 : i32 to index
        %get3A_269 = arith.index_cast %add3A_266 : i32 to index
        %get3A_270 = arith.constant 0 : index
        %get3A_271 = tpu.vector_load %arg10[%get3A_268, %get3A_269, %get3A_270] {strides = array<i32>} : memref<4x112x32xf32, #tpu.memory_space<vmem>>, vector<16xf32>,
        %add3A_272 = arith.constant 0 : i32
        %add3A_273 = arith.addi %mul3A_264, %add3A_272 : i32
        %get3A_274 = arith.constant 0 : i32
        %get3A_275 = arith.index_cast %get3A_274 : i32 to index
        %get3A_276 = arith.index_cast %add3A_273 : i32 to index
        %get3A_277 = arith.constant 16 : index
        %get3A_278 = tpu.vector_load %arg10[%get3A_275, %get3A_276, %get3A_277] {strides = array<i32>} : memref<4x112x32xf32, #tpu.memory_space<vmem>>, vector<16xf32>,
        %mul3A_279 = arith.mulf %get3A_271, %get3A_130 : vector<16xf32>
        %mul3A_280 = arith.mulf %get3A_278, %get3A_133 : vector<16xf32>
        %add3A_281 = arith.addf %mul3A_279, %mul3A_280 : vector<16xf32>
        %swap3A = arith.constant 0 : i32
        %swap3A_282 = arith.index_cast %swap3A : i32 to index
        %swap3A_283 = arith.constant 0 : index
        %swap3A_284 = tpu.vector_load %arg12[%swap3A_282, %swap3A_283] {strides = array<i32>} : memref<16x17xf32, #tpu.memory_space<vmem>>, vector<16xf32>,
        tpu.vector_store %arg12[%swap3A_282, %swap3A_283], %add3A_281 {strides = array<i32>} : memref<16x17xf32, #tpu.memory_space<vmem>>, vector<16xf32>,
        %add3A_285 = arith.constant 1 : i32
        %add3A_286 = arith.addi %mul3A_264, %add3A_285 : i32
        %get3A_287 = arith.constant 0 : i32
        %get3A_288 = arith.index_cast %get3A_287 : i32 to index
        %get3A_289 = arith.index_cast %add3A_286 : i32 to index
        %get3A_290 = arith.constant 0 : index
        %get3A_291 = tpu.vector_load %arg10[%get3A_288, %get3A_289, %get3A_290] {strides = array<i32>} : memref<4x112x32xf32, #tpu.memory_space<vmem>>, vector<16xf32>,
        %add3A_292 = arith.constant 1 : i32
        %add3A_293 = arith.addi %mul3A_264, %add3A_292 : i32
        %get3A_294 = arith.constant 0 : i32
        %get3A_295 = arith.index_cast %get3A_294 : i32 to index
        %get3A_296 = arith.index_cast %add3A_293 : i32 to index
        %get3A_297 = arith.constant 16 : index
        %get3A_298 = tpu.vector_load %arg10[%get3A_295, %get3A_296, %get3A_297] {strides = array<i32>} : memref<4x112x32xf32, #tpu.memory_space<vmem>>, vector<16xf32>,
        %mul3A_299 = arith.mulf %get3A_291, %get3A_130 : vector<16xf32>
        %mul3A_300 = arith.mulf %get3A_298, %get3A_133 : vector<16xf32>
        %add3A_301 = arith.addf %mul3A_299, %mul3A_300 : vector<16xf32>
        %swap3A_302 = arith.constant 1 : i32
        %swap3A_303 = arith.index_cast %swap3A_302 : i32 to index
        %swap3A_304 = arith.constant 0 : index
        %swap3A_305 = tpu.vector_load %arg12[%swap3A_303, %swap3A_304] {strides = array<i32>} : memref<16x17xf32, #tpu.memory_space<vmem>>, vector<16xf32>,
        tpu.vector_store %arg12[%swap3A_303, %swap3A_304], %add3A_301 {strides = array<i32>} : memref<16x17xf32, #tpu.memory_space<vmem>>, vector<16xf32>,
        %add3A_306 = arith.constant 2 : i32
        %add3A_307 = arith.addi %mul3A_264, %add3A_306 : i32
        %get3A_308 = arith.constant 0 : i32
        %get3A_309 = arith.index_cast %get3A_308 : i32 to index
        %get3A_310 = arith.index_cast %add3A_307 : i32 to index
        %get3A_311 = arith.constant 0 : index
        %get3A_312 = tpu.vector_load %arg10[%get3A_309, %get3A_310, %get3A_311] {strides = array<i32>} : memref<4x112x32xf32, #tpu.memory_space<vmem>>, vector<16xf32>,
        %add3A_313 = arith.constant 2 : i32
        %add3A_314 = arith.addi %mul3A_264, %add3A_313 : i32
        %get3A_315 = arith.constant 0 : i32
        %get3A_316 = arith.index_cast %get3A_315 : i32 to index
        %get3A_317 = arith.index_cast %add3A_314 : i32 to index
        %get3A_318 = arith.constant 16 : index
        %get3A_319 = tpu.vector_load %arg10[%get3A_316, %get3A_317, %get3A_318] {strides = array<i32>} : memref<4x112x32xf32, #tpu.memory_space<vmem>>, vector<16xf32>,
        %mul3A_320 = arith.mulf %get3A_312, %get3A_130 : vector<16xf32>
        %mul3A_321 = arith.mulf %get3A_319, %get3A_133 : vector<16xf32>
        %add3A_322 = arith.addf %mul3A_320, %mul3A_321 : vector<16xf32>
        %swap3A_323 = arith.constant 2 : i32
        %swap3A_324 = arith.index_cast %swap3A_323 : i32 to index
        %swap3A_325 = arith.constant 0 : index
        %swap3A_326 = tpu.vector_load %arg12[%swap3A_324, %swap3A_325] {strides = array<i32>} : memref<16x17xf32, #tpu.memory_space<vmem>>, vector<16xf32>,
        tpu.vector_store %arg12[%swap3A_324, %swap3A_325], %add3A_322 {strides = array<i32>} : memref<16x17xf32, #tpu.memory_space<vmem>>, vector<16xf32>,
        %add3A_327 = arith.constant 3 : i32
        %add3A_328 = arith.addi %mul3A_264, %add3A_327 : i32
        %get3A_329 = arith.constant 0 : i32
        %get3A_330 = arith.index_cast %get3A_329 : i32 to index
        %get3A_331 = arith.index_cast %add3A_328 : i32 to index
        %get3A_332 = arith.constant 0 : index
        %get3A_333 = tpu.vector_load %arg10[%get3A_330, %get3A_331, %get3A_332] {strides = array<i32>} : memref<4x112x32xf32, #tpu.memory_space<vmem>>, vector<16xf32>,
        %add3A_334 = arith.constant 3 : i32
        %add3A_335 = arith.addi %mul3A_264, %add3A_334 : i32
        %get3A_336 = arith.constant 0 : i32
        %get3A_337 = arith.index_cast %get3A_336 : i32 to index
        %get3A_338 = arith.index_cast %add3A_335 : i32 to index
        %get3A_339 = arith.constant 16 : index
        %get3A_340 = tpu.vector_load %arg10[%get3A_337, %get3A_338, %get3A_339] {strides = array<i32>} : memref<4x112x32xf32, #tpu.memory_space<vmem>>, vector<16xf32>,
        %mul3A_341 = arith.mulf %get3A_333, %get3A_130 : vector<16xf32>
        %mul3A_342 = arith.mulf %get3A_340, %get3A_133 : vector<16xf32>
        %add3A_343 = arith.addf %mul3A_341, %mul3A_342 : vector<16xf32>
        %swap3A_344 = arith.constant 3 : i32
        %swap3A_345 = arith.index_cast %swap3A_344 : i32 to index
        %swap3A_346 = arith.constant 0 : index
        %swap3A_347 = tpu.vector_load %arg12[%swap3A_345, %swap3A_346] {strides = array<i32>} : memref<16x17xf32, #tpu.memory_space<vmem>>, vector<16xf32>,
        tpu.vector_store %arg12[%swap3A_345, %swap3A_346], %add3A_343 {strides = array<i32>} : memref<16x17xf32, #tpu.memory_space<vmem>>, vector<16xf32>,
        %add3A_348 = arith.constant 4 : i32
        %add3A_349 = arith.addi %mul3A_264, %add3A_348 : i32
        %get3A_350 = arith.constant 0 : i32
        %get3A_351 = arith.index_cast %get3A_350 : i32 to index
        %get3A_352 = arith.index_cast %add3A_349 : i32 to index
        %get3A_353 = arith.constant 0 : index
        %get3A_354 = tpu.vector_load %arg10[%get3A_351, %get3A_352, %get3A_353] {strides = array<i32>} : memref<4x112x32xf32, #tpu.memory_space<vmem>>, vector<16xf32>,
        %add3A_355 = arith.constant 4 : i32
        %add3A_356 = arith.addi %mul3A_264, %add3A_355 : i32
        %get3A_357 = arith.constant 0 : i32
        %get3A_358 = arith.index_cast %get3A_357 : i32 to index
        %get3A_359 = arith.index_cast %add3A_356 : i32 to index
        %get3A_360 = arith.constant 16 : index
        %get3A_361 = tpu.vector_load %arg10[%get3A_358, %get3A_359, %get3A_360] {strides = array<i32>} : memref<4x112x32xf32, #tpu.memory_space<vmem>>, vector<16xf32>,
        %mul3A_362 = arith.mulf %get3A_354, %get3A_130 : vector<16xf32>
        %mul3A_363 = arith.mulf %get3A_361, %get3A_133 : vector<16xf32>
        %add3A_364 = arith.addf %mul3A_362, %mul3A_363 : vector<16xf32>
        %swap3A_365 = arith.constant 4 : i32
        %swap3A_366 = arith.index_cast %swap3A_365 : i32 to index
        %swap3A_367 = arith.constant 0 : index
        %swap3A_368 = tpu.vector_load %arg12[%swap3A_366, %swap3A_367] {strides = array<i32>} : memref<16x17xf32, #tpu.memory_space<vmem>>, vector<16xf32>,
        tpu.vector_store %arg12[%swap3A_366, %swap3A_367], %add3A_364 {strides = array<i32>} : memref<16x17xf32, #tpu.memory_space<vmem>>, vector<16xf32>,
        %add3A_369 = arith.constant 5 : i32
        %add3A_370 = arith.addi %mul3A_264, %add3A_369 : i32
        %get3A_371 = arith.constant 0 : i32
        %get3A_372 = arith.index_cast %get3A_371 : i32 to index
        %get3A_373 = arith.index_cast %add3A_370 : i32 to index
        %get3A_374 = arith.constant 0 : index
        %get3A_375 = tpu.vector_load %arg10[%get3A_372, %get3A_373, %get3A_374] {strides = array<i32>} : memref<4x112x32xf32, #tpu.memory_space<vmem>>, vector<16xf32>,
        %add3A_376 = arith.constant 5 : i32
        %add3A_377 = arith.addi %mul3A_264, %add3A_376 : i32
        %get3A_378 = arith.constant 0 : i32
        %get3A_379 = arith.index_cast %get3A_378 : i32 to index
        %get3A_380 = arith.index_cast %add3A_377 : i32 to index
        %get3A_381 = arith.constant 16 : index
        %get3A_382 = tpu.vector_load %arg10[%get3A_379, %get3A_380, %get3A_381] {strides = array<i32>} : memref<4x112x32xf32, #tpu.memory_space<vmem>>, vector<16xf32>,
        %mul3A_383 = arith.mulf %get3A_375, %get3A_130 : vector<16xf32>
        %mul3A_384 = arith.mulf %get3A_382, %get3A_133 : vector<16xf32>
        %add3A_385 = arith.addf %mul3A_383, %mul3A_384 : vector<16xf32>
        %swap3A_386 = arith.constant 5 : i32
        %swap3A_387 = arith.index_cast %swap3A_386 : i32 to index
        %swap3A_388 = arith.constant 0 : index
        %swap3A_389 = tpu.vector_load %arg12[%swap3A_387, %swap3A_388] {strides = array<i32>} : memref<16x17xf32, #tpu.memory_space<vmem>>, vector<16xf32>,
        tpu.vector_store %arg12[%swap3A_387, %swap3A_388], %add3A_385 {strides = array<i32>} : memref<16x17xf32, #tpu.memory_space<vmem>>, vector<16xf32>,
        %add3A_390 = arith.constant 6 : i32
        %add3A_391 = arith.addi %mul3A_264, %add3A_390 : i32
        %get3A_392 = arith.constant 0 : i32
        %get3A_393 = arith.index_cast %get3A_392 : i32 to index
        %get3A_394 = arith.index_cast %add3A_391 : i32 to index
        %get3A_395 = arith.constant 0 : index
        %get3A_396 = tpu.vector_load %arg10[%get3A_393, %get3A_394, %get3A_395] {strides = array<i32>} : memref<4x112x32xf32, #tpu.memory_space<vmem>>, vector<16xf32>,
        %add3A_397 = arith.constant 6 : i32
        %add3A_398 = arith.addi %mul3A_264, %add3A_397 : i32
        %get3A_399 = arith.constant 0 : i32
        %get3A_400 = arith.index_cast %get3A_399 : i32 to index
        %get3A_401 = arith.index_cast %add3A_398 : i32 to index
        %get3A_402 = arith.constant 16 : index
        %get3A_403 = tpu.vector_load %arg10[%get3A_400, %get3A_401, %get3A_402] {strides = array<i32>} : memref<4x112x32xf32, #tpu.memory_space<vmem>>, vector<16xf32>,
        %mul3A_404 = arith.mulf %get3A_396, %get3A_130 : vector<16xf32>
        %mul3A_405 = arith.mulf %get3A_403, %get3A_133 : vector<16xf32>
        %add3A_406 = arith.addf %mul3A_404, %mul3A_405 : vector<16xf32>
        %swap3A_407 = arith.constant 6 : i32
        %swap3A_408 = arith.index_cast %swap3A_407 : i32 to index
        %swap3A_409 = arith.constant 0 : index
        %swap3A_410 = tpu.vector_load %arg12[%swap3A_408, %swap3A_409] {strides = array<i32>} : memref<16x17xf32, #tpu.memory_space<vmem>>, vector<16xf32>,
        tpu.vector_store %arg12[%swap3A_408, %swap3A_409], %add3A_406 {strides = array<i32>} : memref<16x17xf32, #tpu.memory_space<vmem>>, vector<16xf32>,
        %add3A_411 = arith.constant 7 : i32
        %add3A_412 = arith.addi %mul3A_264, %add3A_411 : i32
        %get3A_413 = arith.constant 0 : i32
        %get3A_414 = arith.index_cast %get3A_413 : i32 to index
        %get3A_415 = arith.index_cast %add3A_412 : i32 to index
        %get3A_416 = arith.constant 0 : index
        %get3A_417 = tpu.vector_load %arg10[%get3A_414, %get3A_415, %get3A_416] {strides = array<i32>} : memref<4x112x32xf32, #tpu.memory_space<vmem>>, vector<16xf32>,
        %add3A_418 = arith.constant 7 : i32
        %add3A_419 = arith.addi %mul3A_264, %add3A_418 : i32
        %get3A_420 = arith.constant 0 : i32
        %get3A_421 = arith.index_cast %get3A_420 : i32 to index
        %get3A_422 = arith.index_cast %add3A_419 : i32 to index
        %get3A_423 = arith.constant 16 : index
        %get3A_424 = tpu.vector_load %arg10[%get3A_421, %get3A_422, %get3A_423] {strides = array<i32>} : memref<4x112x32xf32, #tpu.memory_space<vmem>>, vector<16xf32>,
        %mul3A_425 = arith.mulf %get3A_417, %get3A_130 : vector<16xf32>
        %mul3A_426 = arith.mulf %get3A_424, %get3A_133 : vector<16xf32>
        %add3A_427 = arith.addf %mul3A_425, %mul3A_426 : vector<16xf32>
        %swap3A_428 = arith.constant 7 : i32
        %swap3A_429 = arith.index_cast %swap3A_428 : i32 to index
        %swap3A_430 = arith.constant 0 : index
        %swap3A_431 = tpu.vector_load %arg12[%swap3A_429, %swap3A_430] {strides = array<i32>} : memref<16x17xf32, #tpu.memory_space<vmem>>, vector<16xf32>,
        tpu.vector_store %arg12[%swap3A_429, %swap3A_430], %add3A_427 {strides = array<i32>} : memref<16x17xf32, #tpu.memory_space<vmem>>, vector<16xf32>,
        %add3A_432 = arith.constant 8 : i32
        %add3A_433 = arith.addi %mul3A_264, %add3A_432 : i32
        %get3A_434 = arith.constant 0 : i32
        %get3A_435 = arith.index_cast %get3A_434 : i32 to index
        %get3A_436 = arith.index_cast %add3A_433 : i32 to index
        %get3A_437 = arith.constant 0 : index
        %get3A_438 = tpu.vector_load %arg10[%get3A_435, %get3A_436, %get3A_437] {strides = array<i32>} : memref<4x112x32xf32, #tpu.memory_space<vmem>>, vector<16xf32>,
        %add3A_439 = arith.constant 8 : i32
        %add3A_440 = arith.addi %mul3A_264, %add3A_439 : i32
        %get3A_441 = arith.constant 0 : i32
        %get3A_442 = arith.index_cast %get3A_441 : i32 to index
        %get3A_443 = arith.index_cast %add3A_440 : i32 to index
        %get3A_444 = arith.constant 16 : index
        %get3A_445 = tpu.vector_load %arg10[%get3A_442, %get3A_443, %get3A_444] {strides = array<i32>} : memref<4x112x32xf32, #tpu.memory_space<vmem>>, vector<16xf32>,
        %mul3A_446 = arith.mulf %get3A_438, %get3A_130 : vector<16xf32>
        %mul3A_447 = arith.mulf %get3A_445, %get3A_133 : vector<16xf32>
        %add3A_448 = arith.addf %mul3A_446, %mul3A_447 : vector<16xf32>
        %swap3A_449 = arith.constant 8 : i32
        %swap3A_450 = arith.index_cast %swap3A_449 : i32 to index
        %swap3A_451 = arith.constant 0 : index
        %swap3A_452 = tpu.vector_load %arg12[%swap3A_450, %swap3A_451] {strides = array<i32>} : memref<16x17xf32, #tpu.memory_space<vmem>>, vector<16xf32>,
        tpu.vector_store %arg12[%swap3A_450, %swap3A_451], %add3A_448 {strides = array<i32>} : memref<16x17xf32, #tpu.memory_space<vmem>>, vector<16xf32>,
        %add3A_453 = arith.constant 9 : i32
        %add3A_454 = arith.addi %mul3A_264, %add3A_453 : i32
        %get3A_455 = arith.constant 0 : i32
        %get3A_456 = arith.index_cast %get3A_455 : i32 to index
        %get3A_457 = arith.index_cast %add3A_454 : i32 to index
        %get3A_458 = arith.constant 0 : index
        %get3A_459 = tpu.vector_load %arg10[%get3A_456, %get3A_457, %get3A_458] {strides = array<i32>} : memref<4x112x32xf32, #tpu.memory_space<vmem>>, vector<16xf32>,
        %add3A_460 = arith.constant 9 : i32
        %add3A_461 = arith.addi %mul3A_264, %add3A_460 : i32
        %get3A_462 = arith.constant 0 : i32
        %get3A_463 = arith.index_cast %get3A_462 : i32 to index
        %get3A_464 = arith.index_cast %add3A_461 : i32 to index
        %get3A_465 = arith.constant 16 : index
        %get3A_466 = tpu.vector_load %arg10[%get3A_463, %get3A_464, %get3A_465] {strides = array<i32>} : memref<4x112x32xf32, #tpu.memory_space<vmem>>, vector<16xf32>,
        %mul3A_467 = arith.mulf %get3A_459, %get3A_130 : vector<16xf32>
        %mul3A_468 = arith.mulf %get3A_466, %get3A_133 : vector<16xf32>
        %add3A_469 = arith.addf %mul3A_467, %mul3A_468 : vector<16xf32>
        %swap3A_470 = arith.constant 9 : i32
        %swap3A_471 = arith.index_cast %swap3A_470 : i32 to index
        %swap3A_472 = arith.constant 0 : index
        %swap3A_473 = tpu.vector_load %arg12[%swap3A_471, %swap3A_472] {strides = array<i32>} : memref<16x17xf32, #tpu.memory_space<vmem>>, vector<16xf32>,
        tpu.vector_store %arg12[%swap3A_471, %swap3A_472], %add3A_469 {strides = array<i32>} : memref<16x17xf32, #tpu.memory_space<vmem>>, vector<16xf32>,
        %add3A_474 = arith.constant 10 : i32
        %add3A_475 = arith.addi %mul3A_264, %add3A_474 : i32
        %get3A_476 = arith.constant 0 : i32
        %get3A_477 = arith.index_cast %get3A_476 : i32 to index
        %get3A_478 = arith.index_cast %add3A_475 : i32 to index
        %get3A_479 = arith.constant 0 : index
        %get3A_480 = tpu.vector_load %arg10[%get3A_477, %get3A_478, %get3A_479] {strides = array<i32>} : memref<4x112x32xf32, #tpu.memory_space<vmem>>, vector<16xf32>,
        %add3A_481 = arith.constant 10 : i32
        %add3A_482 = arith.addi %mul3A_264, %add3A_481 : i32
        %get3A_483 = arith.constant 0 : i32
        %get3A_484 = arith.index_cast %get3A_483 : i32 to index
        %get3A_485 = arith.index_cast %add3A_482 : i32 to index
        %get3A_486 = arith.constant 16 : index
        %get3A_487 = tpu.vector_load %arg10[%get3A_484, %get3A_485, %get3A_486] {strides = array<i32>} : memref<4x112x32xf32, #tpu.memory_space<vmem>>, vector<16xf32>,
        %mul3A_488 = arith.mulf %get3A_480, %get3A_130 : vector<16xf32>
        %mul3A_489 = arith.mulf %get3A_487, %get3A_133 : vector<16xf32>
        %add3A_490 = arith.addf %mul3A_488, %mul3A_489 : vector<16xf32>
        %swap3A_491 = arith.constant 10 : i32
        %swap3A_492 = arith.index_cast %swap3A_491 : i32 to index
        %swap3A_493 = arith.constant 0 : index
        %swap3A_494 = tpu.vector_load %arg12[%swap3A_492, %swap3A_493] {strides = array<i32>} : memref<16x17xf32, #tpu.memory_space<vmem>>, vector<16xf32>,
        tpu.vector_store %arg12[%swap3A_492, %swap3A_493], %add3A_490 {strides = array<i32>} : memref<16x17xf32, #tpu.memory_space<vmem>>, vector<16xf32>,
        %add3A_495 = arith.constant 11 : i32
        %add3A_496 = arith.addi %mul3A_264, %add3A_495 : i32
        %get3A_497 = arith.constant 0 : i32
        %get3A_498 = arith.index_cast %get3A_497 : i32 to index
        %get3A_499 = arith.index_cast %add3A_496 : i32 to index
        %get3A_500 = arith.constant 0 : index
        %get3A_501 = tpu.vector_load %arg10[%get3A_498, %get3A_499, %get3A_500] {strides = array<i32>} : memref<4x112x32xf32, #tpu.memory_space<vmem>>, vector<16xf32>,
        %add3A_502 = arith.constant 11 : i32
        %add3A_503 = arith.addi %mul3A_264, %add3A_502 : i32
        %get3A_504 = arith.constant 0 : i32
        %get3A_505 = arith.index_cast %get3A_504 : i32 to index
        %get3A_506 = arith.index_cast %add3A_503 : i32 to index
        %get3A_507 = arith.constant 16 : index
        %get3A_508 = tpu.vector_load %arg10[%get3A_505, %get3A_506, %get3A_507] {strides = array<i32>} : memref<4x112x32xf32, #tpu.memory_space<vmem>>, vector<16xf32>,
        %mul3A_509 = arith.mulf %get3A_501, %get3A_130 : vector<16xf32>
        %mul3A_510 = arith.mulf %get3A_508, %get3A_133 : vector<16xf32>
        %add3A_511 = arith.addf %mul3A_509, %mul3A_510 : vector<16xf32>
        %swap3A_512 = arith.constant 11 : i32
        %swap3A_513 = arith.index_cast %swap3A_512 : i32 to index
        %swap3A_514 = arith.constant 0 : index
        %swap3A_515 = tpu.vector_load %arg12[%swap3A_513, %swap3A_514] {strides = array<i32>} : memref<16x17xf32, #tpu.memory_space<vmem>>, vector<16xf32>,
        tpu.vector_store %arg12[%swap3A_513, %swap3A_514], %add3A_511 {strides = array<i32>} : memref<16x17xf32, #tpu.memory_space<vmem>>, vector<16xf32>,
        %add3A_516 = arith.constant 12 : i32
        %add3A_517 = arith.addi %mul3A_264, %add3A_516 : i32
        %get3A_518 = arith.constant 0 : i32
        %get3A_519 = arith.index_cast %get3A_518 : i32 to index
        %get3A_520 = arith.index_cast %add3A_517 : i32 to index
        %get3A_521 = arith.constant 0 : index
        %get3A_522 = tpu.vector_load %arg10[%get3A_519, %get3A_520, %get3A_521] {strides = array<i32>} : memref<4x112x32xf32, #tpu.memory_space<vmem>>, vector<16xf32>,
        %add3A_523 = arith.constant 12 : i32
        %add3A_524 = arith.addi %mul3A_264, %add3A_523 : i32
        %get3A_525 = arith.constant 0 : i32
        %get3A_526 = arith.index_cast %get3A_525 : i32 to index
        %get3A_527 = arith.index_cast %add3A_524 : i32 to index
        %get3A_528 = arith.constant 16 : index
        %get3A_529 = tpu.vector_load %arg10[%get3A_526, %get3A_527, %get3A_528] {strides = array<i32>} : memref<4x112x32xf32, #tpu.memory_space<vmem>>, vector<16xf32>,
        %mul3A_530 = arith.mulf %get3A_522, %get3A_130 : vector<16xf32>
        %mul3A_531 = arith.mulf %get3A_529, %get3A_133 : vector<16xf32>
        %add3A_532 = arith.addf %mul3A_530, %mul3A_531 : vector<16xf32>
        %swap3A_533 = arith.constant 12 : i32
        %swap3A_534 = arith.index_cast %swap3A_533 : i32 to index
        %swap3A_535 = arith.constant 0 : index
        %swap3A_536 = tpu.vector_load %arg12[%swap3A_534, %swap3A_535] {strides = array<i32>} : memref<16x17xf32, #tpu.memory_space<vmem>>, vector<16xf32>,
        tpu.vector_store %arg12[%swap3A_534, %swap3A_535], %add3A_532 {strides = array<i32>} : memref<16x17xf32, #tpu.memory_space<vmem>>, vector<16xf32>,
        %add3A_537 = arith.constant 13 : i32
        %add3A_538 = arith.addi %mul3A_264, %add3A_537 : i32
        %get3A_539 = arith.constant 0 : i32
        %get3A_540 = arith.index_cast %get3A_539 : i32 to index
        %get3A_541 = arith.index_cast %add3A_538 : i32 to index
        %get3A_542 = arith.constant 0 : index
        %get3A_543 = tpu.vector_load %arg10[%get3A_540, %get3A_541, %get3A_542] {strides = array<i32>} : memref<4x112x32xf32, #tpu.memory_space<vmem>>, vector<16xf32>,
        %add3A_544 = arith.constant 13 : i32
        %add3A_545 = arith.addi %mul3A_264, %add3A_544 : i32
        %get3A_546 = arith.constant 0 : i32
        %get3A_547 = arith.index_cast %get3A_546 : i32 to index
        %get3A_548 = arith.index_cast %add3A_545 : i32 to index
        %get3A_549 = arith.constant 16 : index
        %get3A_550 = tpu.vector_load %arg10[%get3A_547, %get3A_548, %get3A_549] {strides = array<i32>} : memref<4x112x32xf32, #tpu.memory_space<vmem>>, vector<16xf32>,
        %mul3A_551 = arith.mulf %get3A_543, %get3A_130 : vector<16xf32>
        %mul3A_552 = arith.mulf %get3A_550, %get3A_133 : vector<16xf32>
        %add3A_553 = arith.addf %mul3A_551, %mul3A_552 : vector<16xf32>
        %swap3A_554 = arith.constant 13 : i32
        %swap3A_555 = arith.index_cast %swap3A_554 : i32 to index
        %swap3A_556 = arith.constant 0 : index
        %swap3A_557 = tpu.vector_load %arg12[%swap3A_555, %swap3A_556] {strides = array<i32>} : memref<16x17xf32, #tpu.memory_space<vmem>>, vector<16xf32>,
        tpu.vector_store %arg12[%swap3A_555, %swap3A_556], %add3A_553 {strides = array<i32>} : memref<16x17xf32, #tpu.memory_space<vmem>>, vector<16xf32>,
        %add3A_558 = arith.constant 14 : i32
        %add3A_559 = arith.addi %mul3A_264, %add3A_558 : i32
        %get3A_560 = arith.constant 0 : i32
        %get3A_561 = arith.index_cast %get3A_560 : i32 to index
        %get3A_562 = arith.index_cast %add3A_559 : i32 to index
        %get3A_563 = arith.constant 0 : index
        %get3A_564 = tpu.vector_load %arg10[%get3A_561, %get3A_562, %get3A_563] {strides = array<i32>} : memref<4x112x32xf32, #tpu.memory_space<vmem>>, vector<16xf32>,
        %add3A_565 = arith.constant 14 : i32
        %add3A_566 = arith.addi %mul3A_264, %add3A_565 : i32
        %get3A_567 = arith.constant 0 : i32
        %get3A_568 = arith.index_cast %get3A_567 : i32 to index
        %get3A_569 = arith.index_cast %add3A_566 : i32 to index
        %get3A_570 = arith.constant 16 : index
        %get3A_571 = tpu.vector_load %arg10[%get3A_568, %get3A_569, %get3A_570] {strides = array<i32>} : memref<4x112x32xf32, #tpu.memory_space<vmem>>, vector<16xf32>,
        %mul3A_572 = arith.mulf %get3A_564, %get3A_130 : vector<16xf32>
        %mul3A_573 = arith.mulf %get3A_571, %get3A_133 : vector<16xf32>
        %add3A_574 = arith.addf %mul3A_572, %mul3A_573 : vector<16xf32>
        %swap3A_575 = arith.constant 14 : i32
        %swap3A_576 = arith.index_cast %swap3A_575 : i32 to index
        %swap3A_577 = arith.constant 0 : index
        %swap3A_578 = tpu.vector_load %arg12[%swap3A_576, %swap3A_577] {strides = array<i32>} : memref<16x17xf32, #tpu.memory_space<vmem>>, vector<16xf32>,
        tpu.vector_store %arg12[%swap3A_576, %swap3A_577], %add3A_574 {strides = array<i32>} : memref<16x17xf32, #tpu.memory_space<vmem>>, vector<16xf32>,
        %add3A_579 = arith.constant 15 : i32
        %add3A_580 = arith.addi %mul3A_264, %add3A_579 : i32
        %get3A_581 = arith.constant 0 : i32
        %get3A_582 = arith.index_cast %get3A_581 : i32 to index
        %get3A_583 = arith.index_cast %add3A_580 : i32 to index
        %get3A_584 = arith.constant 0 : index
        %get3A_585 = tpu.vector_load %arg10[%get3A_582, %get3A_583, %get3A_584] {strides = array<i32>} : memref<4x112x32xf32, #tpu.memory_space<vmem>>, vector<16xf32>,
        %add3A_586 = arith.constant 15 : i32
        %add3A_587 = arith.addi %mul3A_264, %add3A_586 : i32
        %get3A_588 = arith.constant 0 : i32
        %get3A_589 = arith.index_cast %get3A_588 : i32 to index
        %get3A_590 = arith.index_cast %add3A_587 : i32 to index
        %get3A_591 = arith.constant 16 : index
        %get3A_592 = tpu.vector_load %arg10[%get3A_589, %get3A_590, %get3A_591] {strides = array<i32>} : memref<4x112x32xf32, #tpu.memory_space<vmem>>, vector<16xf32>,
        %mul3A_593 = arith.mulf %get3A_585, %get3A_130 : vector<16xf32>
        %mul3A_594 = arith.mulf %get3A_592, %get3A_133 : vector<16xf32>
        %add3A_595 = arith.addf %mul3A_593, %mul3A_594 : vector<16xf32>
        %swap3A_596 = arith.constant 15 : i32
        %swap3A_597 = arith.index_cast %swap3A_596 : i32 to index
        %swap3A_598 = arith.constant 0 : index
        %swap3A_599 = tpu.vector_load %arg12[%swap3A_597, %swap3A_598] {strides = array<i32>} : memref<16x17xf32, #tpu.memory_space<vmem>>, vector<16xf32>,
        tpu.vector_store %arg12[%swap3A_597, %swap3A_598], %add3A_595 {strides = array<i32>} : memref<16x17xf32, #tpu.memory_space<vmem>>, vector<16xf32>,
        %broadcast_in_dim3A = arith.constant 0 : i32
        %broadcast_in_dim3A_600 = vector.broadcast %broadcast_in_dim3A : i32 to vector<16xi32>
        %gather3A = tpu.vector_load_idx %arg12[%iota3A, %broadcast_in_dim3A_600] : memref<16x17xf32, #tpu.memory_space<vmem>>[vector<16xi32>, vector<16xi32>], vector<16xf32>,
        %broadcast_in_dim3A_601 = arith.constant 1 : i32
        %broadcast_in_dim3A_602 = vector.broadcast %broadcast_in_dim3A_601 : i32 to vector<16xi32>
        %gather3A_603 = tpu.vector_load_idx %arg12[%iota3A, %broadcast_in_dim3A_602] : memref<16x17xf32, #tpu.memory_space<vmem>>[vector<16xi32>, vector<16xi32>], vector<16xf32>,
        %broadcast_in_dim3A_604 = arith.constant 2 : i32
        %broadcast_in_dim3A_605 = vector.broadcast %broadcast_in_dim3A_604 : i32 to vector<16xi32>
        %gather3A_606 = tpu.vector_load_idx %arg12[%iota3A, %broadcast_in_dim3A_605] : memref<16x17xf32, #tpu.memory_space<vmem>>[vector<16xi32>, vector<16xi32>], vector<16xf32>,
        %broadcast_in_dim3A_607 = arith.constant 3 : i32
        %broadcast_in_dim3A_608 = vector.broadcast %broadcast_in_dim3A_607 : i32 to vector<16xi32>
        %gather3A_609 = tpu.vector_load_idx %arg12[%iota3A, %broadcast_in_dim3A_608] : memref<16x17xf32, #tpu.memory_space<vmem>>[vector<16xi32>, vector<16xi32>], vector<16xf32>,
        %broadcast_in_dim3A_610 = arith.constant 4 : i32
        %broadcast_in_dim3A_611 = vector.broadcast %broadcast_in_dim3A_610 : i32 to vector<16xi32>
        %gather3A_612 = tpu.vector_load_idx %arg12[%iota3A, %broadcast_in_dim3A_611] : memref<16x17xf32, #tpu.memory_space<vmem>>[vector<16xi32>, vector<16xi32>], vector<16xf32>,
        %broadcast_in_dim3A_613 = arith.constant 5 : i32
        %broadcast_in_dim3A_614 = vector.broadcast %broadcast_in_dim3A_613 : i32 to vector<16xi32>
        %gather3A_615 = tpu.vector_load_idx %arg12[%iota3A, %broadcast_in_dim3A_614] : memref<16x17xf32, #tpu.memory_space<vmem>>[vector<16xi32>, vector<16xi32>], vector<16xf32>,
        %broadcast_in_dim3A_616 = arith.constant 6 : i32
        %broadcast_in_dim3A_617 = vector.broadcast %broadcast_in_dim3A_616 : i32 to vector<16xi32>
        %gather3A_618 = tpu.vector_load_idx %arg12[%iota3A, %broadcast_in_dim3A_617] : memref<16x17xf32, #tpu.memory_space<vmem>>[vector<16xi32>, vector<16xi32>], vector<16xf32>,
        %broadcast_in_dim3A_619 = arith.constant 7 : i32
        %broadcast_in_dim3A_620 = vector.broadcast %broadcast_in_dim3A_619 : i32 to vector<16xi32>
        %gather3A_621 = tpu.vector_load_idx %arg12[%iota3A, %broadcast_in_dim3A_620] : memref<16x17xf32, #tpu.memory_space<vmem>>[vector<16xi32>, vector<16xi32>], vector<16xf32>,
        %broadcast_in_dim3A_622 = arith.constant 8 : i32
        %broadcast_in_dim3A_623 = vector.broadcast %broadcast_in_dim3A_622 : i32 to vector<16xi32>
        %gather3A_624 = tpu.vector_load_idx %arg12[%iota3A, %broadcast_in_dim3A_623] : memref<16x17xf32, #tpu.memory_space<vmem>>[vector<16xi32>, vector<16xi32>], vector<16xf32>,
        %broadcast_in_dim3A_625 = arith.constant 9 : i32
        %broadcast_in_dim3A_626 = vector.broadcast %broadcast_in_dim3A_625 : i32 to vector<16xi32>
        %gather3A_627 = tpu.vector_load_idx %arg12[%iota3A, %broadcast_in_dim3A_626] : memref<16x17xf32, #tpu.memory_space<vmem>>[vector<16xi32>, vector<16xi32>], vector<16xf32>,
        %broadcast_in_dim3A_628 = arith.constant 10 : i32
        %broadcast_in_dim3A_629 = vector.broadcast %broadcast_in_dim3A_628 : i32 to vector<16xi32>
        %gather3A_630 = tpu.vector_load_idx %arg12[%iota3A, %broadcast_in_dim3A_629] : memref<16x17xf32, #tpu.memory_space<vmem>>[vector<16xi32>, vector<16xi32>], vector<16xf32>,
        %broadcast_in_dim3A_631 = arith.constant 11 : i32
        %broadcast_in_dim3A_632 = vector.broadcast %broadcast_in_dim3A_631 : i32 to vector<16xi32>
        %gather3A_633 = tpu.vector_load_idx %arg12[%iota3A, %broadcast_in_dim3A_632] : memref<16x17xf32, #tpu.memory_space<vmem>>[vector<16xi32>, vector<16xi32>], vector<16xf32>,
        %broadcast_in_dim3A_634 = arith.constant 12 : i32
        %broadcast_in_dim3A_635 = vector.broadcast %broadcast_in_dim3A_634 : i32 to vector<16xi32>
        %gather3A_636 = tpu.vector_load_idx %arg12[%iota3A, %broadcast_in_dim3A_635] : memref<16x17xf32, #tpu.memory_space<vmem>>[vector<16xi32>, vector<16xi32>], vector<16xf32>,
        %broadcast_in_dim3A_637 = arith.constant 13 : i32
        %broadcast_in_dim3A_638 = vector.broadcast %broadcast_in_dim3A_637 : i32 to vector<16xi32>
        %gather3A_639 = tpu.vector_load_idx %arg12[%iota3A, %broadcast_in_dim3A_638] : memref<16x17xf32, #tpu.memory_space<vmem>>[vector<16xi32>, vector<16xi32>], vector<16xf32>,
        %broadcast_in_dim3A_640 = arith.constant 14 : i32
        %broadcast_in_dim3A_641 = vector.broadcast %broadcast_in_dim3A_640 : i32 to vector<16xi32>
        %gather3A_642 = tpu.vector_load_idx %arg12[%iota3A, %broadcast_in_dim3A_641] : memref<16x17xf32, #tpu.memory_space<vmem>>[vector<16xi32>, vector<16xi32>], vector<16xf32>,
        %broadcast_in_dim3A_643 = arith.constant 15 : i32
        %broadcast_in_dim3A_644 = vector.broadcast %broadcast_in_dim3A_643 : i32 to vector<16xi32>
        %gather3A_645 = tpu.vector_load_idx %arg12[%iota3A, %broadcast_in_dim3A_644] : memref<16x17xf32, #tpu.memory_space<vmem>>[vector<16xi32>, vector<16xi32>], vector<16xf32>,
        %add3A_646 = arith.addf %gather3A, %gather3A_603 : vector<16xf32>
        %add3A_647 = arith.addf %gather3A_606, %gather3A_609 : vector<16xf32>
        %add3A_648 = arith.addf %gather3A_612, %gather3A_615 : vector<16xf32>
        %add3A_649 = arith.addf %gather3A_618, %gather3A_621 : vector<16xf32>
        %add3A_650 = arith.addf %gather3A_624, %gather3A_627 : vector<16xf32>
        %add3A_651 = arith.addf %gather3A_630, %gather3A_633 : vector<16xf32>
        %add3A_652 = arith.addf %gather3A_636, %gather3A_639 : vector<16xf32>
        %add3A_653 = arith.addf %gather3A_642, %gather3A_645 : vector<16xf32>
        %add3A_654 = arith.addf %add3A_646, %add3A_647 : vector<16xf32>
        %add3A_655 = arith.addf %add3A_648, %add3A_649 : vector<16xf32>
        %add3A_656 = arith.addf %add3A_650, %add3A_651 : vector<16xf32>
        %add3A_657 = arith.addf %add3A_652, %add3A_653 : vector<16xf32>
        %add3A_658 = arith.addf %add3A_654, %add3A_655 : vector<16xf32>
        %add3A_659 = arith.addf %add3A_656, %add3A_657 : vector<16xf32>
        %add3A_660 = arith.addf %add3A_658, %add3A_659 : vector<16xf32>
        %add3A_661 = arith.constant 0 : i32
        %add3A_662 = arith.addi %add3A_661, %mul3A_264 : i32
        %swap3A_663 = arith.index_cast %add3A_662 : i32 to index
        %swap3A_664 = tpu.vector_load %arg13[%swap3A_663] {strides = array<i32>} : memref<448xf32, #tpu.memory_space<vmem>>, vector<16xf32>,
        tpu.vector_store %arg13[%swap3A_663], %add3A_660 {strides = array<i32>} : memref<448xf32, #tpu.memory_space<vmem>>, vector<16xf32>,
      }
      %scan3A_139 = arith.constant 7 : i32
      %scan3A_140 = arith.constant 0 : i32
      %scan3A_141 = arith.constant 0 : i32
      %scan3A_142 = arith.constant 7 : i32
      %scan3A_143 = arith.addi %scan3A_141, %scan3A_142 : i32
      %scan3A_144 = arith.constant 1 : i32
      scf.for %scan3A_262 = %scan3A_141 to %scan3A_143 step %scan3A_144  : i32 {
        %mul3A_263 = arith.constant 16 : i32
        %mul3A_264 = arith.muli %scan3A_262, %mul3A_263 : i32
        %add3A_265 = arith.constant 0 : i32
        %add3A_266 = arith.addi %mul3A_264, %add3A_265 : i32
        %get3A_267 = arith.constant 1 : i32
        %get3A_268 = arith.index_cast %get3A_267 : i32 to index
        %get3A_269 = arith.index_cast %add3A_266 : i32 to index
        %get3A_270 = arith.constant 0 : index
        %get3A_271 = tpu.vector_load %arg10[%get3A_268, %get3A_269, %get3A_270] {strides = array<i32>} : memref<4x112x32xf32, #tpu.memory_space<vmem>>, vector<16xf32>,
        %add3A_272 = arith.constant 0 : i32
        %add3A_273 = arith.addi %mul3A_264, %add3A_272 : i32
        %get3A_274 = arith.constant 1 : i32
        %get3A_275 = arith.index_cast %get3A_274 : i32 to index
        %get3A_276 = arith.index_cast %add3A_273 : i32 to index
        %get3A_277 = arith.constant 16 : index
        %get3A_278 = tpu.vector_load %arg10[%get3A_275, %get3A_276, %get3A_277] {strides = array<i32>} : memref<4x112x32xf32, #tpu.memory_space<vmem>>, vector<16xf32>,
        %mul3A_279 = arith.mulf %get3A_271, %get3A_130 : vector<16xf32>
        %mul3A_280 = arith.mulf %get3A_278, %get3A_133 : vector<16xf32>
        %add3A_281 = arith.addf %mul3A_279, %mul3A_280 : vector<16xf32>
        %swap3A = arith.constant 0 : i32
        %swap3A_282 = arith.index_cast %swap3A : i32 to index
        %swap3A_283 = arith.constant 0 : index
        %swap3A_284 = tpu.vector_load %arg12[%swap3A_282, %swap3A_283] {strides = array<i32>} : memref<16x17xf32, #tpu.memory_space<vmem>>, vector<16xf32>,
        tpu.vector_store %arg12[%swap3A_282, %swap3A_283], %add3A_281 {strides = array<i32>} : memref<16x17xf32, #tpu.memory_space<vmem>>, vector<16xf32>,
        %add3A_285 = arith.constant 1 : i32
        %add3A_286 = arith.addi %mul3A_264, %add3A_285 : i32
        %get3A_287 = arith.constant 1 : i32
        %get3A_288 = arith.index_cast %get3A_287 : i32 to index
        %get3A_289 = arith.index_cast %add3A_286 : i32 to index
        %get3A_290 = arith.constant 0 : index
        %get3A_291 = tpu.vector_load %arg10[%get3A_288, %get3A_289, %get3A_290] {strides = array<i32>} : memref<4x112x32xf32, #tpu.memory_space<vmem>>, vector<16xf32>,
        %add3A_292 = arith.constant 1 : i32
        %add3A_293 = arith.addi %mul3A_264, %add3A_292 : i32
        %get3A_294 = arith.constant 1 : i32
        %get3A_295 = arith.index_cast %get3A_294 : i32 to index
        %get3A_296 = arith.index_cast %add3A_293 : i32 to index
        %get3A_297 = arith.constant 16 : index
        %get3A_298 = tpu.vector_load %arg10[%get3A_295, %get3A_296, %get3A_297] {strides = array<i32>} : memref<4x112x32xf32, #tpu.memory_space<vmem>>, vector<16xf32>,
        %mul3A_299 = arith.mulf %get3A_291, %get3A_130 : vector<16xf32>
        %mul3A_300 = arith.mulf %get3A_298, %get3A_133 : vector<16xf32>
        %add3A_301 = arith.addf %mul3A_299, %mul3A_300 : vector<16xf32>
        %swap3A_302 = arith.constant 1 : i32
        %swap3A_303 = arith.index_cast %swap3A_302 : i32 to index
        %swap3A_304 = arith.constant 0 : index
        %swap3A_305 = tpu.vector_load %arg12[%swap3A_303, %swap3A_304] {strides = array<i32>} : memref<16x17xf32, #tpu.memory_space<vmem>>, vector<16xf32>,
        tpu.vector_store %arg12[%swap3A_303, %swap3A_304], %add3A_301 {strides = array<i32>} : memref<16x17xf32, #tpu.memory_space<vmem>>, vector<16xf32>,
        %add3A_306 = arith.constant 2 : i32
        %add3A_307 = arith.addi %mul3A_264, %add3A_306 : i32
        %get3A_308 = arith.constant 1 : i32
        %get3A_309 = arith.index_cast %get3A_308 : i32 to index
        %get3A_310 = arith.index_cast %add3A_307 : i32 to index
        %get3A_311 = arith.constant 0 : index
        %get3A_312 = tpu.vector_load %arg10[%get3A_309, %get3A_310, %get3A_311] {strides = array<i32>} : memref<4x112x32xf32, #tpu.memory_space<vmem>>, vector<16xf32>,
        %add3A_313 = arith.constant 2 : i32
        %add3A_314 = arith.addi %mul3A_264, %add3A_313 : i32
        %get3A_315 = arith.constant 1 : i32
        %get3A_316 = arith.index_cast %get3A_315 : i32 to index
        %get3A_317 = arith.index_cast %add3A_314 : i32 to index
        %get3A_318 = arith.constant 16 : index
        %get3A_319 = tpu.vector_load %arg10[%get3A_316, %get3A_317, %get3A_318] {strides = array<i32>} : memref<4x112x32xf32, #tpu.memory_space<vmem>>, vector<16xf32>,
        %mul3A_320 = arith.mulf %get3A_312, %get3A_130 : vector<16xf32>
        %mul3A_321 = arith.mulf %get3A_319, %get3A_133 : vector<16xf32>
        %add3A_322 = arith.addf %mul3A_320, %mul3A_321 : vector<16xf32>
        %swap3A_323 = arith.constant 2 : i32
        %swap3A_324 = arith.index_cast %swap3A_323 : i32 to index
        %swap3A_325 = arith.constant 0 : index
        %swap3A_326 = tpu.vector_load %arg12[%swap3A_324, %swap3A_325] {strides = array<i32>} : memref<16x17xf32, #tpu.memory_space<vmem>>, vector<16xf32>,
        tpu.vector_store %arg12[%swap3A_324, %swap3A_325], %add3A_322 {strides = array<i32>} : memref<16x17xf32, #tpu.memory_space<vmem>>, vector<16xf32>,
        %add3A_327 = arith.constant 3 : i32
        %add3A_328 = arith.addi %mul3A_264, %add3A_327 : i32
        %get3A_329 = arith.constant 1 : i32
        %get3A_330 = arith.index_cast %get3A_329 : i32 to index
        %get3A_331 = arith.index_cast %add3A_328 : i32 to index
        %get3A_332 = arith.constant 0 : index
        %get3A_333 = tpu.vector_load %arg10[%get3A_330, %get3A_331, %get3A_332] {strides = array<i32>} : memref<4x112x32xf32, #tpu.memory_space<vmem>>, vector<16xf32>,
        %add3A_334 = arith.constant 3 : i32
        %add3A_335 = arith.addi %mul3A_264, %add3A_334 : i32
        %get3A_336 = arith.constant 1 : i32
        %get3A_337 = arith.index_cast %get3A_336 : i32 to index
        %get3A_338 = arith.index_cast %add3A_335 : i32 to index
        %get3A_339 = arith.constant 16 : index
        %get3A_340 = tpu.vector_load %arg10[%get3A_337, %get3A_338, %get3A_339] {strides = array<i32>} : memref<4x112x32xf32, #tpu.memory_space<vmem>>, vector<16xf32>,
        %mul3A_341 = arith.mulf %get3A_333, %get3A_130 : vector<16xf32>
        %mul3A_342 = arith.mulf %get3A_340, %get3A_133 : vector<16xf32>
        %add3A_343 = arith.addf %mul3A_341, %mul3A_342 : vector<16xf32>
        %swap3A_344 = arith.constant 3 : i32
        %swap3A_345 = arith.index_cast %swap3A_344 : i32 to index
        %swap3A_346 = arith.constant 0 : index
        %swap3A_347 = tpu.vector_load %arg12[%swap3A_345, %swap3A_346] {strides = array<i32>} : memref<16x17xf32, #tpu.memory_space<vmem>>, vector<16xf32>,
        tpu.vector_store %arg12[%swap3A_345, %swap3A_346], %add3A_343 {strides = array<i32>} : memref<16x17xf32, #tpu.memory_space<vmem>>, vector<16xf32>,
        %add3A_348 = arith.constant 4 : i32
        %add3A_349 = arith.addi %mul3A_264, %add3A_348 : i32
        %get3A_350 = arith.constant 1 : i32
        %get3A_351 = arith.index_cast %get3A_350 : i32 to index
        %get3A_352 = arith.index_cast %add3A_349 : i32 to index
        %get3A_353 = arith.constant 0 : index
        %get3A_354 = tpu.vector_load %arg10[%get3A_351, %get3A_352, %get3A_353] {strides = array<i32>} : memref<4x112x32xf32, #tpu.memory_space<vmem>>, vector<16xf32>,
        %add3A_355 = arith.constant 4 : i32
        %add3A_356 = arith.addi %mul3A_264, %add3A_355 : i32
        %get3A_357 = arith.constant 1 : i32
        %get3A_358 = arith.index_cast %get3A_357 : i32 to index
        %get3A_359 = arith.index_cast %add3A_356 : i32 to index
        %get3A_360 = arith.constant 16 : index
        %get3A_361 = tpu.vector_load %arg10[%get3A_358, %get3A_359, %get3A_360] {strides = array<i32>} : memref<4x112x32xf32, #tpu.memory_space<vmem>>, vector<16xf32>,
        %mul3A_362 = arith.mulf %get3A_354, %get3A_130 : vector<16xf32>
        %mul3A_363 = arith.mulf %get3A_361, %get3A_133 : vector<16xf32>
        %add3A_364 = arith.addf %mul3A_362, %mul3A_363 : vector<16xf32>
        %swap3A_365 = arith.constant 4 : i32
        %swap3A_366 = arith.index_cast %swap3A_365 : i32 to index
        %swap3A_367 = arith.constant 0 : index
        %swap3A_368 = tpu.vector_load %arg12[%swap3A_366, %swap3A_367] {strides = array<i32>} : memref<16x17xf32, #tpu.memory_space<vmem>>, vector<16xf32>,
        tpu.vector_store %arg12[%swap3A_366, %swap3A_367], %add3A_364 {strides = array<i32>} : memref<16x17xf32, #tpu.memory_space<vmem>>, vector<16xf32>,
        %add3A_369 = arith.constant 5 : i32
        %add3A_370 = arith.addi %mul3A_264, %add3A_369 : i32
        %get3A_371 = arith.constant 1 : i32
        %get3A_372 = arith.index_cast %get3A_371 : i32 to index
        %get3A_373 = arith.index_cast %add3A_370 : i32 to index
        %get3A_374 = arith.constant 0 : index
        %get3A_375 = tpu.vector_load %arg10[%get3A_372, %get3A_373, %get3A_374] {strides = array<i32>} : memref<4x112x32xf32, #tpu.memory_space<vmem>>, vector<16xf32>,
        %add3A_376 = arith.constant 5 : i32
        %add3A_377 = arith.addi %mul3A_264, %add3A_376 : i32
        %get3A_378 = arith.constant 1 : i32
        %get3A_379 = arith.index_cast %get3A_378 : i32 to index
        %get3A_380 = arith.index_cast %add3A_377 : i32 to index
        %get3A_381 = arith.constant 16 : index
        %get3A_382 = tpu.vector_load %arg10[%get3A_379, %get3A_380, %get3A_381] {strides = array<i32>} : memref<4x112x32xf32, #tpu.memory_space<vmem>>, vector<16xf32>,
        %mul3A_383 = arith.mulf %get3A_375, %get3A_130 : vector<16xf32>
        %mul3A_384 = arith.mulf %get3A_382, %get3A_133 : vector<16xf32>
        %add3A_385 = arith.addf %mul3A_383, %mul3A_384 : vector<16xf32>
        %swap3A_386 = arith.constant 5 : i32
        %swap3A_387 = arith.index_cast %swap3A_386 : i32 to index
        %swap3A_388 = arith.constant 0 : index
        %swap3A_389 = tpu.vector_load %arg12[%swap3A_387, %swap3A_388] {strides = array<i32>} : memref<16x17xf32, #tpu.memory_space<vmem>>, vector<16xf32>,
        tpu.vector_store %arg12[%swap3A_387, %swap3A_388], %add3A_385 {strides = array<i32>} : memref<16x17xf32, #tpu.memory_space<vmem>>, vector<16xf32>,
        %add3A_390 = arith.constant 6 : i32
        %add3A_391 = arith.addi %mul3A_264, %add3A_390 : i32
        %get3A_392 = arith.constant 1 : i32
        %get3A_393 = arith.index_cast %get3A_392 : i32 to index
        %get3A_394 = arith.index_cast %add3A_391 : i32 to index
        %get3A_395 = arith.constant 0 : index
        %get3A_396 = tpu.vector_load %arg10[%get3A_393, %get3A_394, %get3A_395] {strides = array<i32>} : memref<4x112x32xf32, #tpu.memory_space<vmem>>, vector<16xf32>,
        %add3A_397 = arith.constant 6 : i32
        %add3A_398 = arith.addi %mul3A_264, %add3A_397 : i32
        %get3A_399 = arith.constant 1 : i32
        %get3A_400 = arith.index_cast %get3A_399 : i32 to index
        %get3A_401 = arith.index_cast %add3A_398 : i32 to index
        %get3A_402 = arith.constant 16 : index
        %get3A_403 = tpu.vector_load %arg10[%get3A_400, %get3A_401, %get3A_402] {strides = array<i32>} : memref<4x112x32xf32, #tpu.memory_space<vmem>>, vector<16xf32>,
        %mul3A_404 = arith.mulf %get3A_396, %get3A_130 : vector<16xf32>
        %mul3A_405 = arith.mulf %get3A_403, %get3A_133 : vector<16xf32>
        %add3A_406 = arith.addf %mul3A_404, %mul3A_405 : vector<16xf32>
        %swap3A_407 = arith.constant 6 : i32
        %swap3A_408 = arith.index_cast %swap3A_407 : i32 to index
        %swap3A_409 = arith.constant 0 : index
        %swap3A_410 = tpu.vector_load %arg12[%swap3A_408, %swap3A_409] {strides = array<i32>} : memref<16x17xf32, #tpu.memory_space<vmem>>, vector<16xf32>,
        tpu.vector_store %arg12[%swap3A_408, %swap3A_409], %add3A_406 {strides = array<i32>} : memref<16x17xf32, #tpu.memory_space<vmem>>, vector<16xf32>,
        %add3A_411 = arith.constant 7 : i32
        %add3A_412 = arith.addi %mul3A_264, %add3A_411 : i32
        %get3A_413 = arith.constant 1 : i32
        %get3A_414 = arith.index_cast %get3A_413 : i32 to index
        %get3A_415 = arith.index_cast %add3A_412 : i32 to index
        %get3A_416 = arith.constant 0 : index
        %get3A_417 = tpu.vector_load %arg10[%get3A_414, %get3A_415, %get3A_416] {strides = array<i32>} : memref<4x112x32xf32, #tpu.memory_space<vmem>>, vector<16xf32>,
        %add3A_418 = arith.constant 7 : i32
        %add3A_419 = arith.addi %mul3A_264, %add3A_418 : i32
        %get3A_420 = arith.constant 1 : i32
        %get3A_421 = arith.index_cast %get3A_420 : i32 to index
        %get3A_422 = arith.index_cast %add3A_419 : i32 to index
        %get3A_423 = arith.constant 16 : index
        %get3A_424 = tpu.vector_load %arg10[%get3A_421, %get3A_422, %get3A_423] {strides = array<i32>} : memref<4x112x32xf32, #tpu.memory_space<vmem>>, vector<16xf32>,
        %mul3A_425 = arith.mulf %get3A_417, %get3A_130 : vector<16xf32>
        %mul3A_426 = arith.mulf %get3A_424, %get3A_133 : vector<16xf32>
        %add3A_427 = arith.addf %mul3A_425, %mul3A_426 : vector<16xf32>
        %swap3A_428 = arith.constant 7 : i32
        %swap3A_429 = arith.index_cast %swap3A_428 : i32 to index
        %swap3A_430 = arith.constant 0 : index
        %swap3A_431 = tpu.vector_load %arg12[%swap3A_429, %swap3A_430] {strides = array<i32>} : memref<16x17xf32, #tpu.memory_space<vmem>>, vector<16xf32>,
        tpu.vector_store %arg12[%swap3A_429, %swap3A_430], %add3A_427 {strides = array<i32>} : memref<16x17xf32, #tpu.memory_space<vmem>>, vector<16xf32>,
        %add3A_432 = arith.constant 8 : i32
        %add3A_433 = arith.addi %mul3A_264, %add3A_432 : i32
        %get3A_434 = arith.constant 1 : i32
        %get3A_435 = arith.index_cast %get3A_434 : i32 to index
        %get3A_436 = arith.index_cast %add3A_433 : i32 to index
        %get3A_437 = arith.constant 0 : index
        %get3A_438 = tpu.vector_load %arg10[%get3A_435, %get3A_436, %get3A_437] {strides = array<i32>} : memref<4x112x32xf32, #tpu.memory_space<vmem>>, vector<16xf32>,
        %add3A_439 = arith.constant 8 : i32
        %add3A_440 = arith.addi %mul3A_264, %add3A_439 : i32
        %get3A_441 = arith.constant 1 : i32
        %get3A_442 = arith.index_cast %get3A_441 : i32 to index
        %get3A_443 = arith.index_cast %add3A_440 : i32 to index
        %get3A_444 = arith.constant 16 : index
        %get3A_445 = tpu.vector_load %arg10[%get3A_442, %get3A_443, %get3A_444] {strides = array<i32>} : memref<4x112x32xf32, #tpu.memory_space<vmem>>, vector<16xf32>,
        %mul3A_446 = arith.mulf %get3A_438, %get3A_130 : vector<16xf32>
        %mul3A_447 = arith.mulf %get3A_445, %get3A_133 : vector<16xf32>
        %add3A_448 = arith.addf %mul3A_446, %mul3A_447 : vector<16xf32>
        %swap3A_449 = arith.constant 8 : i32
        %swap3A_450 = arith.index_cast %swap3A_449 : i32 to index
        %swap3A_451 = arith.constant 0 : index
        %swap3A_452 = tpu.vector_load %arg12[%swap3A_450, %swap3A_451] {strides = array<i32>} : memref<16x17xf32, #tpu.memory_space<vmem>>, vector<16xf32>,
        tpu.vector_store %arg12[%swap3A_450, %swap3A_451], %add3A_448 {strides = array<i32>} : memref<16x17xf32, #tpu.memory_space<vmem>>, vector<16xf32>,
        %add3A_453 = arith.constant 9 : i32
        %add3A_454 = arith.addi %mul3A_264, %add3A_453 : i32
        %get3A_455 = arith.constant 1 : i32
        %get3A_456 = arith.index_cast %get3A_455 : i32 to index
        %get3A_457 = arith.index_cast %add3A_454 : i32 to index
        %get3A_458 = arith.constant 0 : index
        %get3A_459 = tpu.vector_load %arg10[%get3A_456, %get3A_457, %get3A_458] {strides = array<i32>} : memref<4x112x32xf32, #tpu.memory_space<vmem>>, vector<16xf32>,
        %add3A_460 = arith.constant 9 : i32
        %add3A_461 = arith.addi %mul3A_264, %add3A_460 : i32
        %get3A_462 = arith.constant 1 : i32
        %get3A_463 = arith.index_cast %get3A_462 : i32 to index
        %get3A_464 = arith.index_cast %add3A_461 : i32 to index
        %get3A_465 = arith.constant 16 : index
        %get3A_466 = tpu.vector_load %arg10[%get3A_463, %get3A_464, %get3A_465] {strides = array<i32>} : memref<4x112x32xf32, #tpu.memory_space<vmem>>, vector<16xf32>,
        %mul3A_467 = arith.mulf %get3A_459, %get3A_130 : vector<16xf32>
        %mul3A_468 = arith.mulf %get3A_466, %get3A_133 : vector<16xf32>
        %add3A_469 = arith.addf %mul3A_467, %mul3A_468 : vector<16xf32>
        %swap3A_470 = arith.constant 9 : i32
        %swap3A_471 = arith.index_cast %swap3A_470 : i32 to index
        %swap3A_472 = arith.constant 0 : index
        %swap3A_473 = tpu.vector_load %arg12[%swap3A_471, %swap3A_472] {strides = array<i32>} : memref<16x17xf32, #tpu.memory_space<vmem>>, vector<16xf32>,
        tpu.vector_store %arg12[%swap3A_471, %swap3A_472], %add3A_469 {strides = array<i32>} : memref<16x17xf32, #tpu.memory_space<vmem>>, vector<16xf32>,
        %add3A_474 = arith.constant 10 : i32
        %add3A_475 = arith.addi %mul3A_264, %add3A_474 : i32
        %get3A_476 = arith.constant 1 : i32
        %get3A_477 = arith.index_cast %get3A_476 : i32 to index
        %get3A_478 = arith.index_cast %add3A_475 : i32 to index
        %get3A_479 = arith.constant 0 : index
        %get3A_480 = tpu.vector_load %arg10[%get3A_477, %get3A_478, %get3A_479] {strides = array<i32>} : memref<4x112x32xf32, #tpu.memory_space<vmem>>, vector<16xf32>,
        %add3A_481 = arith.constant 10 : i32
        %add3A_482 = arith.addi %mul3A_264, %add3A_481 : i32
        %get3A_483 = arith.constant 1 : i32
        %get3A_484 = arith.index_cast %get3A_483 : i32 to index
        %get3A_485 = arith.index_cast %add3A_482 : i32 to index
        %get3A_486 = arith.constant 16 : index
        %get3A_487 = tpu.vector_load %arg10[%get3A_484, %get3A_485, %get3A_486] {strides = array<i32>} : memref<4x112x32xf32, #tpu.memory_space<vmem>>, vector<16xf32>,
        %mul3A_488 = arith.mulf %get3A_480, %get3A_130 : vector<16xf32>
        %mul3A_489 = arith.mulf %get3A_487, %get3A_133 : vector<16xf32>
        %add3A_490 = arith.addf %mul3A_488, %mul3A_489 : vector<16xf32>
        %swap3A_491 = arith.constant 10 : i32
        %swap3A_492 = arith.index_cast %swap3A_491 : i32 to index
        %swap3A_493 = arith.constant 0 : index
        %swap3A_494 = tpu.vector_load %arg12[%swap3A_492, %swap3A_493] {strides = array<i32>} : memref<16x17xf32, #tpu.memory_space<vmem>>, vector<16xf32>,
        tpu.vector_store %arg12[%swap3A_492, %swap3A_493], %add3A_490 {strides = array<i32>} : memref<16x17xf32, #tpu.memory_space<vmem>>, vector<16xf32>,
        %add3A_495 = arith.constant 11 : i32
        %add3A_496 = arith.addi %mul3A_264, %add3A_495 : i32
        %get3A_497 = arith.constant 1 : i32
        %get3A_498 = arith.index_cast %get3A_497 : i32 to index
        %get3A_499 = arith.index_cast %add3A_496 : i32 to index
        %get3A_500 = arith.constant 0 : index
        %get3A_501 = tpu.vector_load %arg10[%get3A_498, %get3A_499, %get3A_500] {strides = array<i32>} : memref<4x112x32xf32, #tpu.memory_space<vmem>>, vector<16xf32>,
        %add3A_502 = arith.constant 11 : i32
        %add3A_503 = arith.addi %mul3A_264, %add3A_502 : i32
        %get3A_504 = arith.constant 1 : i32
        %get3A_505 = arith.index_cast %get3A_504 : i32 to index
        %get3A_506 = arith.index_cast %add3A_503 : i32 to index
        %get3A_507 = arith.constant 16 : index
        %get3A_508 = tpu.vector_load %arg10[%get3A_505, %get3A_506, %get3A_507] {strides = array<i32>} : memref<4x112x32xf32, #tpu.memory_space<vmem>>, vector<16xf32>,
        %mul3A_509 = arith.mulf %get3A_501, %get3A_130 : vector<16xf32>
        %mul3A_510 = arith.mulf %get3A_508, %get3A_133 : vector<16xf32>
        %add3A_511 = arith.addf %mul3A_509, %mul3A_510 : vector<16xf32>
        %swap3A_512 = arith.constant 11 : i32
        %swap3A_513 = arith.index_cast %swap3A_512 : i32 to index
        %swap3A_514 = arith.constant 0 : index
        %swap3A_515 = tpu.vector_load %arg12[%swap3A_513, %swap3A_514] {strides = array<i32>} : memref<16x17xf32, #tpu.memory_space<vmem>>, vector<16xf32>,
        tpu.vector_store %arg12[%swap3A_513, %swap3A_514], %add3A_511 {strides = array<i32>} : memref<16x17xf32, #tpu.memory_space<vmem>>, vector<16xf32>,
        %add3A_516 = arith.constant 12 : i32
        %add3A_517 = arith.addi %mul3A_264, %add3A_516 : i32
        %get3A_518 = arith.constant 1 : i32
        %get3A_519 = arith.index_cast %get3A_518 : i32 to index
        %get3A_520 = arith.index_cast %add3A_517 : i32 to index
        %get3A_521 = arith.constant 0 : index
        %get3A_522 = tpu.vector_load %arg10[%get3A_519, %get3A_520, %get3A_521] {strides = array<i32>} : memref<4x112x32xf32, #tpu.memory_space<vmem>>, vector<16xf32>,
        %add3A_523 = arith.constant 12 : i32
        %add3A_524 = arith.addi %mul3A_264, %add3A_523 : i32
        %get3A_525 = arith.constant 1 : i32
        %get3A_526 = arith.index_cast %get3A_525 : i32 to index
        %get3A_527 = arith.index_cast %add3A_524 : i32 to index
        %get3A_528 = arith.constant 16 : index
        %get3A_529 = tpu.vector_load %arg10[%get3A_526, %get3A_527, %get3A_528] {strides = array<i32>} : memref<4x112x32xf32, #tpu.memory_space<vmem>>, vector<16xf32>,
        %mul3A_530 = arith.mulf %get3A_522, %get3A_130 : vector<16xf32>
        %mul3A_531 = arith.mulf %get3A_529, %get3A_133 : vector<16xf32>
        %add3A_532 = arith.addf %mul3A_530, %mul3A_531 : vector<16xf32>
        %swap3A_533 = arith.constant 12 : i32
        %swap3A_534 = arith.index_cast %swap3A_533 : i32 to index
        %swap3A_535 = arith.constant 0 : index
        %swap3A_536 = tpu.vector_load %arg12[%swap3A_534, %swap3A_535] {strides = array<i32>} : memref<16x17xf32, #tpu.memory_space<vmem>>, vector<16xf32>,
        tpu.vector_store %arg12[%swap3A_534, %swap3A_535], %add3A_532 {strides = array<i32>} : memref<16x17xf32, #tpu.memory_space<vmem>>, vector<16xf32>,
        %add3A_537 = arith.constant 13 : i32
        %add3A_538 = arith.addi %mul3A_264, %add3A_537 : i32
        %get3A_539 = arith.constant 1 : i32
        %get3A_540 = arith.index_cast %get3A_539 : i32 to index
        %get3A_541 = arith.index_cast %add3A_538 : i32 to index
        %get3A_542 = arith.constant 0 : index
        %get3A_543 = tpu.vector_load %arg10[%get3A_540, %get3A_541, %get3A_542] {strides = array<i32>} : memref<4x112x32xf32, #tpu.memory_space<vmem>>, vector<16xf32>,
        %add3A_544 = arith.constant 13 : i32
        %add3A_545 = arith.addi %mul3A_264, %add3A_544 : i32
        %get3A_546 = arith.constant 1 : i32
        %get3A_547 = arith.index_cast %get3A_546 : i32 to index
        %get3A_548 = arith.index_cast %add3A_545 : i32 to index
        %get3A_549 = arith.constant 16 : index
        %get3A_550 = tpu.vector_load %arg10[%get3A_547, %get3A_548, %get3A_549] {strides = array<i32>} : memref<4x112x32xf32, #tpu.memory_space<vmem>>, vector<16xf32>,
        %mul3A_551 = arith.mulf %get3A_543, %get3A_130 : vector<16xf32>
        %mul3A_552 = arith.mulf %get3A_550, %get3A_133 : vector<16xf32>
        %add3A_553 = arith.addf %mul3A_551, %mul3A_552 : vector<16xf32>
        %swap3A_554 = arith.constant 13 : i32
        %swap3A_555 = arith.index_cast %swap3A_554 : i32 to index
        %swap3A_556 = arith.constant 0 : index
        %swap3A_557 = tpu.vector_load %arg12[%swap3A_555, %swap3A_556] {strides = array<i32>} : memref<16x17xf32, #tpu.memory_space<vmem>>, vector<16xf32>,
        tpu.vector_store %arg12[%swap3A_555, %swap3A_556], %add3A_553 {strides = array<i32>} : memref<16x17xf32, #tpu.memory_space<vmem>>, vector<16xf32>,
        %add3A_558 = arith.constant 14 : i32
        %add3A_559 = arith.addi %mul3A_264, %add3A_558 : i32
        %get3A_560 = arith.constant 1 : i32
        %get3A_561 = arith.index_cast %get3A_560 : i32 to index
        %get3A_562 = arith.index_cast %add3A_559 : i32 to index
        %get3A_563 = arith.constant 0 : index
        %get3A_564 = tpu.vector_load %arg10[%get3A_561, %get3A_562, %get3A_563] {strides = array<i32>} : memref<4x112x32xf32, #tpu.memory_space<vmem>>, vector<16xf32>,
        %add3A_565 = arith.constant 14 : i32
        %add3A_566 = arith.addi %mul3A_264, %add3A_565 : i32
        %get3A_567 = arith.constant 1 : i32
        %get3A_568 = arith.index_cast %get3A_567 : i32 to index
        %get3A_569 = arith.index_cast %add3A_566 : i32 to index
        %get3A_570 = arith.constant 16 : index
        %get3A_571 = tpu.vector_load %arg10[%get3A_568, %get3A_569, %get3A_570] {strides = array<i32>} : memref<4x112x32xf32, #tpu.memory_space<vmem>>, vector<16xf32>,
        %mul3A_572 = arith.mulf %get3A_564, %get3A_130 : vector<16xf32>
        %mul3A_573 = arith.mulf %get3A_571, %get3A_133 : vector<16xf32>
        %add3A_574 = arith.addf %mul3A_572, %mul3A_573 : vector<16xf32>
        %swap3A_575 = arith.constant 14 : i32
        %swap3A_576 = arith.index_cast %swap3A_575 : i32 to index
        %swap3A_577 = arith.constant 0 : index
        %swap3A_578 = tpu.vector_load %arg12[%swap3A_576, %swap3A_577] {strides = array<i32>} : memref<16x17xf32, #tpu.memory_space<vmem>>, vector<16xf32>,
        tpu.vector_store %arg12[%swap3A_576, %swap3A_577], %add3A_574 {strides = array<i32>} : memref<16x17xf32, #tpu.memory_space<vmem>>, vector<16xf32>,
        %add3A_579 = arith.constant 15 : i32
        %add3A_580 = arith.addi %mul3A_264, %add3A_579 : i32
        %get3A_581 = arith.constant 1 : i32
        %get3A_582 = arith.index_cast %get3A_581 : i32 to index
        %get3A_583 = arith.index_cast %add3A_580 : i32 to index
        %get3A_584 = arith.constant 0 : index
        %get3A_585 = tpu.vector_load %arg10[%get3A_582, %get3A_583, %get3A_584] {strides = array<i32>} : memref<4x112x32xf32, #tpu.memory_space<vmem>>, vector<16xf32>,
        %add3A_586 = arith.constant 15 : i32
        %add3A_587 = arith.addi %mul3A_264, %add3A_586 : i32
        %get3A_588 = arith.constant 1 : i32
        %get3A_589 = arith.index_cast %get3A_588 : i32 to index
        %get3A_590 = arith.index_cast %add3A_587 : i32 to index
        %get3A_591 = arith.constant 16 : index
        %get3A_592 = tpu.vector_load %arg10[%get3A_589, %get3A_590, %get3A_591] {strides = array<i32>} : memref<4x112x32xf32, #tpu.memory_space<vmem>>, vector<16xf32>,
        %mul3A_593 = arith.mulf %get3A_585, %get3A_130 : vector<16xf32>
        %mul3A_594 = arith.mulf %get3A_592, %get3A_133 : vector<16xf32>
        %add3A_595 = arith.addf %mul3A_593, %mul3A_594 : vector<16xf32>
        %swap3A_596 = arith.constant 15 : i32
        %swap3A_597 = arith.index_cast %swap3A_596 : i32 to index
        %swap3A_598 = arith.constant 0 : index
        %swap3A_599 = tpu.vector_load %arg12[%swap3A_597, %swap3A_598] {strides = array<i32>} : memref<16x17xf32, #tpu.memory_space<vmem>>, vector<16xf32>,
        tpu.vector_store %arg12[%swap3A_597, %swap3A_598], %add3A_595 {strides = array<i32>} : memref<16x17xf32, #tpu.memory_space<vmem>>, vector<16xf32>,
        %broadcast_in_dim3A = arith.constant 0 : i32
        %broadcast_in_dim3A_600 = vector.broadcast %broadcast_in_dim3A : i32 to vector<16xi32>
        %gather3A = tpu.vector_load_idx %arg12[%iota3A, %broadcast_in_dim3A_600] : memref<16x17xf32, #tpu.memory_space<vmem>>[vector<16xi32>, vector<16xi32>], vector<16xf32>,
        %broadcast_in_dim3A_601 = arith.constant 1 : i32
        %broadcast_in_dim3A_602 = vector.broadcast %broadcast_in_dim3A_601 : i32 to vector<16xi32>
        %gather3A_603 = tpu.vector_load_idx %arg12[%iota3A, %broadcast_in_dim3A_602] : memref<16x17xf32, #tpu.memory_space<vmem>>[vector<16xi32>, vector<16xi32>], vector<16xf32>,
        %broadcast_in_dim3A_604 = arith.constant 2 : i32
        %broadcast_in_dim3A_605 = vector.broadcast %broadcast_in_dim3A_604 : i32 to vector<16xi32>
        %gather3A_606 = tpu.vector_load_idx %arg12[%iota3A, %broadcast_in_dim3A_605] : memref<16x17xf32, #tpu.memory_space<vmem>>[vector<16xi32>, vector<16xi32>], vector<16xf32>,
        %broadcast_in_dim3A_607 = arith.constant 3 : i32
        %broadcast_in_dim3A_608 = vector.broadcast %broadcast_in_dim3A_607 : i32 to vector<16xi32>
        %gather3A_609 = tpu.vector_load_idx %arg12[%iota3A, %broadcast_in_dim3A_608] : memref<16x17xf32, #tpu.memory_space<vmem>>[vector<16xi32>, vector<16xi32>], vector<16xf32>,
        %broadcast_in_dim3A_610 = arith.constant 4 : i32
        %broadcast_in_dim3A_611 = vector.broadcast %broadcast_in_dim3A_610 : i32 to vector<16xi32>
        %gather3A_612 = tpu.vector_load_idx %arg12[%iota3A, %broadcast_in_dim3A_611] : memref<16x17xf32, #tpu.memory_space<vmem>>[vector<16xi32>, vector<16xi32>], vector<16xf32>,
        %broadcast_in_dim3A_613 = arith.constant 5 : i32
        %broadcast_in_dim3A_614 = vector.broadcast %broadcast_in_dim3A_613 : i32 to vector<16xi32>
        %gather3A_615 = tpu.vector_load_idx %arg12[%iota3A, %broadcast_in_dim3A_614] : memref<16x17xf32, #tpu.memory_space<vmem>>[vector<16xi32>, vector<16xi32>], vector<16xf32>,
        %broadcast_in_dim3A_616 = arith.constant 6 : i32
        %broadcast_in_dim3A_617 = vector.broadcast %broadcast_in_dim3A_616 : i32 to vector<16xi32>
        %gather3A_618 = tpu.vector_load_idx %arg12[%iota3A, %broadcast_in_dim3A_617] : memref<16x17xf32, #tpu.memory_space<vmem>>[vector<16xi32>, vector<16xi32>], vector<16xf32>,
        %broadcast_in_dim3A_619 = arith.constant 7 : i32
        %broadcast_in_dim3A_620 = vector.broadcast %broadcast_in_dim3A_619 : i32 to vector<16xi32>
        %gather3A_621 = tpu.vector_load_idx %arg12[%iota3A, %broadcast_in_dim3A_620] : memref<16x17xf32, #tpu.memory_space<vmem>>[vector<16xi32>, vector<16xi32>], vector<16xf32>,
        %broadcast_in_dim3A_622 = arith.constant 8 : i32
        %broadcast_in_dim3A_623 = vector.broadcast %broadcast_in_dim3A_622 : i32 to vector<16xi32>
        %gather3A_624 = tpu.vector_load_idx %arg12[%iota3A, %broadcast_in_dim3A_623] : memref<16x17xf32, #tpu.memory_space<vmem>>[vector<16xi32>, vector<16xi32>], vector<16xf32>,
        %broadcast_in_dim3A_625 = arith.constant 9 : i32
        %broadcast_in_dim3A_626 = vector.broadcast %broadcast_in_dim3A_625 : i32 to vector<16xi32>
        %gather3A_627 = tpu.vector_load_idx %arg12[%iota3A, %broadcast_in_dim3A_626] : memref<16x17xf32, #tpu.memory_space<vmem>>[vector<16xi32>, vector<16xi32>], vector<16xf32>,
        %broadcast_in_dim3A_628 = arith.constant 10 : i32
        %broadcast_in_dim3A_629 = vector.broadcast %broadcast_in_dim3A_628 : i32 to vector<16xi32>
        %gather3A_630 = tpu.vector_load_idx %arg12[%iota3A, %broadcast_in_dim3A_629] : memref<16x17xf32, #tpu.memory_space<vmem>>[vector<16xi32>, vector<16xi32>], vector<16xf32>,
        %broadcast_in_dim3A_631 = arith.constant 11 : i32
        %broadcast_in_dim3A_632 = vector.broadcast %broadcast_in_dim3A_631 : i32 to vector<16xi32>
        %gather3A_633 = tpu.vector_load_idx %arg12[%iota3A, %broadcast_in_dim3A_632] : memref<16x17xf32, #tpu.memory_space<vmem>>[vector<16xi32>, vector<16xi32>], vector<16xf32>,
        %broadcast_in_dim3A_634 = arith.constant 12 : i32
        %broadcast_in_dim3A_635 = vector.broadcast %broadcast_in_dim3A_634 : i32 to vector<16xi32>
        %gather3A_636 = tpu.vector_load_idx %arg12[%iota3A, %broadcast_in_dim3A_635] : memref<16x17xf32, #tpu.memory_space<vmem>>[vector<16xi32>, vector<16xi32>], vector<16xf32>,
        %broadcast_in_dim3A_637 = arith.constant 13 : i32
        %broadcast_in_dim3A_638 = vector.broadcast %broadcast_in_dim3A_637 : i32 to vector<16xi32>
        %gather3A_639 = tpu.vector_load_idx %arg12[%iota3A, %broadcast_in_dim3A_638] : memref<16x17xf32, #tpu.memory_space<vmem>>[vector<16xi32>, vector<16xi32>], vector<16xf32>,
        %broadcast_in_dim3A_640 = arith.constant 14 : i32
        %broadcast_in_dim3A_641 = vector.broadcast %broadcast_in_dim3A_640 : i32 to vector<16xi32>
        %gather3A_642 = tpu.vector_load_idx %arg12[%iota3A, %broadcast_in_dim3A_641] : memref<16x17xf32, #tpu.memory_space<vmem>>[vector<16xi32>, vector<16xi32>], vector<16xf32>,
        %broadcast_in_dim3A_643 = arith.constant 15 : i32
        %broadcast_in_dim3A_644 = vector.broadcast %broadcast_in_dim3A_643 : i32 to vector<16xi32>
        %gather3A_645 = tpu.vector_load_idx %arg12[%iota3A, %broadcast_in_dim3A_644] : memref<16x17xf32, #tpu.memory_space<vmem>>[vector<16xi32>, vector<16xi32>], vector<16xf32>,
        %add3A_646 = arith.addf %gather3A, %gather3A_603 : vector<16xf32>
        %add3A_647 = arith.addf %gather3A_606, %gather3A_609 : vector<16xf32>
        %add3A_648 = arith.addf %gather3A_612, %gather3A_615 : vector<16xf32>
        %add3A_649 = arith.addf %gather3A_618, %gather3A_621 : vector<16xf32>
        %add3A_650 = arith.addf %gather3A_624, %gather3A_627 : vector<16xf32>
        %add3A_651 = arith.addf %gather3A_630, %gather3A_633 : vector<16xf32>
        %add3A_652 = arith.addf %gather3A_636, %gather3A_639 : vector<16xf32>
        %add3A_653 = arith.addf %gather3A_642, %gather3A_645 : vector<16xf32>
        %add3A_654 = arith.addf %add3A_646, %add3A_647 : vector<16xf32>
        %add3A_655 = arith.addf %add3A_648, %add3A_649 : vector<16xf32>
        %add3A_656 = arith.addf %add3A_650, %add3A_651 : vector<16xf32>
        %add3A_657 = arith.addf %add3A_652, %add3A_653 : vector<16xf32>
        %add3A_658 = arith.addf %add3A_654, %add3A_655 : vector<16xf32>
        %add3A_659 = arith.addf %add3A_656, %add3A_657 : vector<16xf32>
        %add3A_660 = arith.addf %add3A_658, %add3A_659 : vector<16xf32>
        %add3A_661 = arith.constant 112 : i32
        %add3A_662 = arith.addi %add3A_661, %mul3A_264 : i32
        %swap3A_663 = arith.index_cast %add3A_662 : i32 to index
        %swap3A_664 = tpu.vector_load %arg13[%swap3A_663] {strides = array<i32>} : memref<448xf32, #tpu.memory_space<vmem>>, vector<16xf32>,
        tpu.vector_store %arg13[%swap3A_663], %add3A_660 {strides = array<i32>} : memref<448xf32, #tpu.memory_space<vmem>>, vector<16xf32>,
      }
      %scan3A_145 = arith.constant 7 : i32
      %scan3A_146 = arith.constant 0 : i32
      %scan3A_147 = arith.constant 0 : i32
      %scan3A_148 = arith.constant 7 : i32
      %scan3A_149 = arith.addi %scan3A_147, %scan3A_148 : i32
      %scan3A_150 = arith.constant 1 : i32
      scf.for %scan3A_262 = %scan3A_147 to %scan3A_149 step %scan3A_150  : i32 {
        %mul3A_263 = arith.constant 16 : i32
        %mul3A_264 = arith.muli %scan3A_262, %mul3A_263 : i32
        %add3A_265 = arith.constant 0 : i32
        %add3A_266 = arith.addi %mul3A_264, %add3A_265 : i32
        %get3A_267 = arith.constant 2 : i32
        %get3A_268 = arith.index_cast %get3A_267 : i32 to index
        %get3A_269 = arith.index_cast %add3A_266 : i32 to index
        %get3A_270 = arith.constant 0 : index
        %get3A_271 = tpu.vector_load %arg10[%get3A_268, %get3A_269, %get3A_270] {strides = array<i32>} : memref<4x112x32xf32, #tpu.memory_space<vmem>>, vector<16xf32>,
        %add3A_272 = arith.constant 0 : i32
        %add3A_273 = arith.addi %mul3A_264, %add3A_272 : i32
        %get3A_274 = arith.constant 2 : i32
        %get3A_275 = arith.index_cast %get3A_274 : i32 to index
        %get3A_276 = arith.index_cast %add3A_273 : i32 to index
        %get3A_277 = arith.constant 16 : index
        %get3A_278 = tpu.vector_load %arg10[%get3A_275, %get3A_276, %get3A_277] {strides = array<i32>} : memref<4x112x32xf32, #tpu.memory_space<vmem>>, vector<16xf32>,
        %mul3A_279 = arith.mulf %get3A_271, %get3A_130 : vector<16xf32>
        %mul3A_280 = arith.mulf %get3A_278, %get3A_133 : vector<16xf32>
        %add3A_281 = arith.addf %mul3A_279, %mul3A_280 : vector<16xf32>
        %swap3A = arith.constant 0 : i32
        %swap3A_282 = arith.index_cast %swap3A : i32 to index
        %swap3A_283 = arith.constant 0 : index
        %swap3A_284 = tpu.vector_load %arg12[%swap3A_282, %swap3A_283] {strides = array<i32>} : memref<16x17xf32, #tpu.memory_space<vmem>>, vector<16xf32>,
        tpu.vector_store %arg12[%swap3A_282, %swap3A_283], %add3A_281 {strides = array<i32>} : memref<16x17xf32, #tpu.memory_space<vmem>>, vector<16xf32>,
        %add3A_285 = arith.constant 1 : i32
        %add3A_286 = arith.addi %mul3A_264, %add3A_285 : i32
        %get3A_287 = arith.constant 2 : i32
        %get3A_288 = arith.index_cast %get3A_287 : i32 to index
        %get3A_289 = arith.index_cast %add3A_286 : i32 to index
        %get3A_290 = arith.constant 0 : index
        %get3A_291 = tpu.vector_load %arg10[%get3A_288, %get3A_289, %get3A_290] {strides = array<i32>} : memref<4x112x32xf32, #tpu.memory_space<vmem>>, vector<16xf32>,
        %add3A_292 = arith.constant 1 : i32
        %add3A_293 = arith.addi %mul3A_264, %add3A_292 : i32
        %get3A_294 = arith.constant 2 : i32
        %get3A_295 = arith.index_cast %get3A_294 : i32 to index
        %get3A_296 = arith.index_cast %add3A_293 : i32 to index
        %get3A_297 = arith.constant 16 : index
        %get3A_298 = tpu.vector_load %arg10[%get3A_295, %get3A_296, %get3A_297] {strides = array<i32>} : memref<4x112x32xf32, #tpu.memory_space<vmem>>, vector<16xf32>,
        %mul3A_299 = arith.mulf %get3A_291, %get3A_130 : vector<16xf32>
        %mul3A_300 = arith.mulf %get3A_298, %get3A_133 : vector<16xf32>
        %add3A_301 = arith.addf %mul3A_299, %mul3A_300 : vector<16xf32>
        %swap3A_302 = arith.constant 1 : i32
        %swap3A_303 = arith.index_cast %swap3A_302 : i32 to index
        %swap3A_304 = arith.constant 0 : index
        %swap3A_305 = tpu.vector_load %arg12[%swap3A_303, %swap3A_304] {strides = array<i32>} : memref<16x17xf32, #tpu.memory_space<vmem>>, vector<16xf32>,
        tpu.vector_store %arg12[%swap3A_303, %swap3A_304], %add3A_301 {strides = array<i32>} : memref<16x17xf32, #tpu.memory_space<vmem>>, vector<16xf32>,
        %add3A_306 = arith.constant 2 : i32
        %add3A_307 = arith.addi %mul3A_264, %add3A_306 : i32
        %get3A_308 = arith.constant 2 : i32
        %get3A_309 = arith.index_cast %get3A_308 : i32 to index
        %get3A_310 = arith.index_cast %add3A_307 : i32 to index
        %get3A_311 = arith.constant 0 : index
        %get3A_312 = tpu.vector_load %arg10[%get3A_309, %get3A_310, %get3A_311] {strides = array<i32>} : memref<4x112x32xf32, #tpu.memory_space<vmem>>, vector<16xf32>,
        %add3A_313 = arith.constant 2 : i32
        %add3A_314 = arith.addi %mul3A_264, %add3A_313 : i32
        %get3A_315 = arith.constant 2 : i32
        %get3A_316 = arith.index_cast %get3A_315 : i32 to index
        %get3A_317 = arith.index_cast %add3A_314 : i32 to index
        %get3A_318 = arith.constant 16 : index
        %get3A_319 = tpu.vector_load %arg10[%get3A_316, %get3A_317, %get3A_318] {strides = array<i32>} : memref<4x112x32xf32, #tpu.memory_space<vmem>>, vector<16xf32>,
        %mul3A_320 = arith.mulf %get3A_312, %get3A_130 : vector<16xf32>
        %mul3A_321 = arith.mulf %get3A_319, %get3A_133 : vector<16xf32>
        %add3A_322 = arith.addf %mul3A_320, %mul3A_321 : vector<16xf32>
        %swap3A_323 = arith.constant 2 : i32
        %swap3A_324 = arith.index_cast %swap3A_323 : i32 to index
        %swap3A_325 = arith.constant 0 : index
        %swap3A_326 = tpu.vector_load %arg12[%swap3A_324, %swap3A_325] {strides = array<i32>} : memref<16x17xf32, #tpu.memory_space<vmem>>, vector<16xf32>,
        tpu.vector_store %arg12[%swap3A_324, %swap3A_325], %add3A_322 {strides = array<i32>} : memref<16x17xf32, #tpu.memory_space<vmem>>, vector<16xf32>,
        %add3A_327 = arith.constant 3 : i32
        %add3A_328 = arith.addi %mul3A_264, %add3A_327 : i32
        %get3A_329 = arith.constant 2 : i32
        %get3A_330 = arith.index_cast %get3A_329 : i32 to index
        %get3A_331 = arith.index_cast %add3A_328 : i32 to index
        %get3A_332 = arith.constant 0 : index
        %get3A_333 = tpu.vector_load %arg10[%get3A_330, %get3A_331, %get3A_332] {strides = array<i32>} : memref<4x112x32xf32, #tpu.memory_space<vmem>>, vector<16xf32>,
        %add3A_334 = arith.constant 3 : i32
        %add3A_335 = arith.addi %mul3A_264, %add3A_334 : i32
        %get3A_336 = arith.constant 2 : i32
        %get3A_337 = arith.index_cast %get3A_336 : i32 to index
        %get3A_338 = arith.index_cast %add3A_335 : i32 to index
        %get3A_339 = arith.constant 16 : index
        %get3A_340 = tpu.vector_load %arg10[%get3A_337, %get3A_338, %get3A_339] {strides = array<i32>} : memref<4x112x32xf32, #tpu.memory_space<vmem>>, vector<16xf32>,
        %mul3A_341 = arith.mulf %get3A_333, %get3A_130 : vector<16xf32>
        %mul3A_342 = arith.mulf %get3A_340, %get3A_133 : vector<16xf32>
        %add3A_343 = arith.addf %mul3A_341, %mul3A_342 : vector<16xf32>
        %swap3A_344 = arith.constant 3 : i32
        %swap3A_345 = arith.index_cast %swap3A_344 : i32 to index
        %swap3A_346 = arith.constant 0 : index
        %swap3A_347 = tpu.vector_load %arg12[%swap3A_345, %swap3A_346] {strides = array<i32>} : memref<16x17xf32, #tpu.memory_space<vmem>>, vector<16xf32>,
        tpu.vector_store %arg12[%swap3A_345, %swap3A_346], %add3A_343 {strides = array<i32>} : memref<16x17xf32, #tpu.memory_space<vmem>>, vector<16xf32>,
        %add3A_348 = arith.constant 4 : i32
        %add3A_349 = arith.addi %mul3A_264, %add3A_348 : i32
        %get3A_350 = arith.constant 2 : i32
        %get3A_351 = arith.index_cast %get3A_350 : i32 to index
        %get3A_352 = arith.index_cast %add3A_349 : i32 to index
        %get3A_353 = arith.constant 0 : index
        %get3A_354 = tpu.vector_load %arg10[%get3A_351, %get3A_352, %get3A_353] {strides = array<i32>} : memref<4x112x32xf32, #tpu.memory_space<vmem>>, vector<16xf32>,
        %add3A_355 = arith.constant 4 : i32
        %add3A_356 = arith.addi %mul3A_264, %add3A_355 : i32
        %get3A_357 = arith.constant 2 : i32
        %get3A_358 = arith.index_cast %get3A_357 : i32 to index
        %get3A_359 = arith.index_cast %add3A_356 : i32 to index
        %get3A_360 = arith.constant 16 : index
        %get3A_361 = tpu.vector_load %arg10[%get3A_358, %get3A_359, %get3A_360] {strides = array<i32>} : memref<4x112x32xf32, #tpu.memory_space<vmem>>, vector<16xf32>,
        %mul3A_362 = arith.mulf %get3A_354, %get3A_130 : vector<16xf32>
        %mul3A_363 = arith.mulf %get3A_361, %get3A_133 : vector<16xf32>
        %add3A_364 = arith.addf %mul3A_362, %mul3A_363 : vector<16xf32>
        %swap3A_365 = arith.constant 4 : i32
        %swap3A_366 = arith.index_cast %swap3A_365 : i32 to index
        %swap3A_367 = arith.constant 0 : index
        %swap3A_368 = tpu.vector_load %arg12[%swap3A_366, %swap3A_367] {strides = array<i32>} : memref<16x17xf32, #tpu.memory_space<vmem>>, vector<16xf32>,
        tpu.vector_store %arg12[%swap3A_366, %swap3A_367], %add3A_364 {strides = array<i32>} : memref<16x17xf32, #tpu.memory_space<vmem>>, vector<16xf32>,
        %add3A_369 = arith.constant 5 : i32
        %add3A_370 = arith.addi %mul3A_264, %add3A_369 : i32
        %get3A_371 = arith.constant 2 : i32
        %get3A_372 = arith.index_cast %get3A_371 : i32 to index
        %get3A_373 = arith.index_cast %add3A_370 : i32 to index
        %get3A_374 = arith.constant 0 : index
        %get3A_375 = tpu.vector_load %arg10[%get3A_372, %get3A_373, %get3A_374] {strides = array<i32>} : memref<4x112x32xf32, #tpu.memory_space<vmem>>, vector<16xf32>,
        %add3A_376 = arith.constant 5 : i32
        %add3A_377 = arith.addi %mul3A_264, %add3A_376 : i32
        %get3A_378 = arith.constant 2 : i32
        %get3A_379 = arith.index_cast %get3A_378 : i32 to index
        %get3A_380 = arith.index_cast %add3A_377 : i32 to index
        %get3A_381 = arith.constant 16 : index
        %get3A_382 = tpu.vector_load %arg10[%get3A_379, %get3A_380, %get3A_381] {strides = array<i32>} : memref<4x112x32xf32, #tpu.memory_space<vmem>>, vector<16xf32>,
        %mul3A_383 = arith.mulf %get3A_375, %get3A_130 : vector<16xf32>
        %mul3A_384 = arith.mulf %get3A_382, %get3A_133 : vector<16xf32>
        %add3A_385 = arith.addf %mul3A_383, %mul3A_384 : vector<16xf32>
        %swap3A_386 = arith.constant 5 : i32
        %swap3A_387 = arith.index_cast %swap3A_386 : i32 to index
        %swap3A_388 = arith.constant 0 : index
        %swap3A_389 = tpu.vector_load %arg12[%swap3A_387, %swap3A_388] {strides = array<i32>} : memref<16x17xf32, #tpu.memory_space<vmem>>, vector<16xf32>,
        tpu.vector_store %arg12[%swap3A_387, %swap3A_388], %add3A_385 {strides = array<i32>} : memref<16x17xf32, #tpu.memory_space<vmem>>, vector<16xf32>,
        %add3A_390 = arith.constant 6 : i32
        %add3A_391 = arith.addi %mul3A_264, %add3A_390 : i32
        %get3A_392 = arith.constant 2 : i32
        %get3A_393 = arith.index_cast %get3A_392 : i32 to index
        %get3A_394 = arith.index_cast %add3A_391 : i32 to index
        %get3A_395 = arith.constant 0 : index
        %get3A_396 = tpu.vector_load %arg10[%get3A_393, %get3A_394, %get3A_395] {strides = array<i32>} : memref<4x112x32xf32, #tpu.memory_space<vmem>>, vector<16xf32>,
        %add3A_397 = arith.constant 6 : i32
        %add3A_398 = arith.addi %mul3A_264, %add3A_397 : i32
        %get3A_399 = arith.constant 2 : i32
        %get3A_400 = arith.index_cast %get3A_399 : i32 to index
        %get3A_401 = arith.index_cast %add3A_398 : i32 to index
        %get3A_402 = arith.constant 16 : index
        %get3A_403 = tpu.vector_load %arg10[%get3A_400, %get3A_401, %get3A_402] {strides = array<i32>} : memref<4x112x32xf32, #tpu.memory_space<vmem>>, vector<16xf32>,
        %mul3A_404 = arith.mulf %get3A_396, %get3A_130 : vector<16xf32>
        %mul3A_405 = arith.mulf %get3A_403, %get3A_133 : vector<16xf32>
        %add3A_406 = arith.addf %mul3A_404, %mul3A_405 : vector<16xf32>
        %swap3A_407 = arith.constant 6 : i32
        %swap3A_408 = arith.index_cast %swap3A_407 : i32 to index
        %swap3A_409 = arith.constant 0 : index
        %swap3A_410 = tpu.vector_load %arg12[%swap3A_408, %swap3A_409] {strides = array<i32>} : memref<16x17xf32, #tpu.memory_space<vmem>>, vector<16xf32>,
        tpu.vector_store %arg12[%swap3A_408, %swap3A_409], %add3A_406 {strides = array<i32>} : memref<16x17xf32, #tpu.memory_space<vmem>>, vector<16xf32>,
        %add3A_411 = arith.constant 7 : i32
        %add3A_412 = arith.addi %mul3A_264, %add3A_411 : i32
        %get3A_413 = arith.constant 2 : i32
        %get3A_414 = arith.index_cast %get3A_413 : i32 to index
        %get3A_415 = arith.index_cast %add3A_412 : i32 to index
        %get3A_416 = arith.constant 0 : index
        %get3A_417 = tpu.vector_load %arg10[%get3A_414, %get3A_415, %get3A_416] {strides = array<i32>} : memref<4x112x32xf32, #tpu.memory_space<vmem>>, vector<16xf32>,
        %add3A_418 = arith.constant 7 : i32
        %add3A_419 = arith.addi %mul3A_264, %add3A_418 : i32
        %get3A_420 = arith.constant 2 : i32
        %get3A_421 = arith.index_cast %get3A_420 : i32 to index
        %get3A_422 = arith.index_cast %add3A_419 : i32 to index
        %get3A_423 = arith.constant 16 : index
        %get3A_424 = tpu.vector_load %arg10[%get3A_421, %get3A_422, %get3A_423] {strides = array<i32>} : memref<4x112x32xf32, #tpu.memory_space<vmem>>, vector<16xf32>,
        %mul3A_425 = arith.mulf %get3A_417, %get3A_130 : vector<16xf32>
        %mul3A_426 = arith.mulf %get3A_424, %get3A_133 : vector<16xf32>
        %add3A_427 = arith.addf %mul3A_425, %mul3A_426 : vector<16xf32>
        %swap3A_428 = arith.constant 7 : i32
        %swap3A_429 = arith.index_cast %swap3A_428 : i32 to index
        %swap3A_430 = arith.constant 0 : index
        %swap3A_431 = tpu.vector_load %arg12[%swap3A_429, %swap3A_430] {strides = array<i32>} : memref<16x17xf32, #tpu.memory_space<vmem>>, vector<16xf32>,
        tpu.vector_store %arg12[%swap3A_429, %swap3A_430], %add3A_427 {strides = array<i32>} : memref<16x17xf32, #tpu.memory_space<vmem>>, vector<16xf32>,
        %add3A_432 = arith.constant 8 : i32
        %add3A_433 = arith.addi %mul3A_264, %add3A_432 : i32
        %get3A_434 = arith.constant 2 : i32
        %get3A_435 = arith.index_cast %get3A_434 : i32 to index
        %get3A_436 = arith.index_cast %add3A_433 : i32 to index
        %get3A_437 = arith.constant 0 : index
        %get3A_438 = tpu.vector_load %arg10[%get3A_435, %get3A_436, %get3A_437] {strides = array<i32>} : memref<4x112x32xf32, #tpu.memory_space<vmem>>, vector<16xf32>,
        %add3A_439 = arith.constant 8 : i32
        %add3A_440 = arith.addi %mul3A_264, %add3A_439 : i32
        %get3A_441 = arith.constant 2 : i32
        %get3A_442 = arith.index_cast %get3A_441 : i32 to index
        %get3A_443 = arith.index_cast %add3A_440 : i32 to index
        %get3A_444 = arith.constant 16 : index
        %get3A_445 = tpu.vector_load %arg10[%get3A_442, %get3A_443, %get3A_444] {strides = array<i32>} : memref<4x112x32xf32, #tpu.memory_space<vmem>>, vector<16xf32>,
        %mul3A_446 = arith.mulf %get3A_438, %get3A_130 : vector<16xf32>
        %mul3A_447 = arith.mulf %get3A_445, %get3A_133 : vector<16xf32>
        %add3A_448 = arith.addf %mul3A_446, %mul3A_447 : vector<16xf32>
        %swap3A_449 = arith.constant 8 : i32
        %swap3A_450 = arith.index_cast %swap3A_449 : i32 to index
        %swap3A_451 = arith.constant 0 : index
        %swap3A_452 = tpu.vector_load %arg12[%swap3A_450, %swap3A_451] {strides = array<i32>} : memref<16x17xf32, #tpu.memory_space<vmem>>, vector<16xf32>,
        tpu.vector_store %arg12[%swap3A_450, %swap3A_451], %add3A_448 {strides = array<i32>} : memref<16x17xf32, #tpu.memory_space<vmem>>, vector<16xf32>,
        %add3A_453 = arith.constant 9 : i32
        %add3A_454 = arith.addi %mul3A_264, %add3A_453 : i32
        %get3A_455 = arith.constant 2 : i32
        %get3A_456 = arith.index_cast %get3A_455 : i32 to index
        %get3A_457 = arith.index_cast %add3A_454 : i32 to index
        %get3A_458 = arith.constant 0 : index
        %get3A_459 = tpu.vector_load %arg10[%get3A_456, %get3A_457, %get3A_458] {strides = array<i32>} : memref<4x112x32xf32, #tpu.memory_space<vmem>>, vector<16xf32>,
        %add3A_460 = arith.constant 9 : i32
        %add3A_461 = arith.addi %mul3A_264, %add3A_460 : i32
        %get3A_462 = arith.constant 2 : i32
        %get3A_463 = arith.index_cast %get3A_462 : i32 to index
        %get3A_464 = arith.index_cast %add3A_461 : i32 to index
        %get3A_465 = arith.constant 16 : index
        %get3A_466 = tpu.vector_load %arg10[%get3A_463, %get3A_464, %get3A_465] {strides = array<i32>} : memref<4x112x32xf32, #tpu.memory_space<vmem>>, vector<16xf32>,
        %mul3A_467 = arith.mulf %get3A_459, %get3A_130 : vector<16xf32>
        %mul3A_468 = arith.mulf %get3A_466, %get3A_133 : vector<16xf32>
        %add3A_469 = arith.addf %mul3A_467, %mul3A_468 : vector<16xf32>
        %swap3A_470 = arith.constant 9 : i32
        %swap3A_471 = arith.index_cast %swap3A_470 : i32 to index
        %swap3A_472 = arith.constant 0 : index
        %swap3A_473 = tpu.vector_load %arg12[%swap3A_471, %swap3A_472] {strides = array<i32>} : memref<16x17xf32, #tpu.memory_space<vmem>>, vector<16xf32>,
        tpu.vector_store %arg12[%swap3A_471, %swap3A_472], %add3A_469 {strides = array<i32>} : memref<16x17xf32, #tpu.memory_space<vmem>>, vector<16xf32>,
        %add3A_474 = arith.constant 10 : i32
        %add3A_475 = arith.addi %mul3A_264, %add3A_474 : i32
        %get3A_476 = arith.constant 2 : i32
        %get3A_477 = arith.index_cast %get3A_476 : i32 to index
        %get3A_478 = arith.index_cast %add3A_475 : i32 to index
        %get3A_479 = arith.constant 0 : index
        %get3A_480 = tpu.vector_load %arg10[%get3A_477, %get3A_478, %get3A_479] {strides = array<i32>} : memref<4x112x32xf32, #tpu.memory_space<vmem>>, vector<16xf32>,
        %add3A_481 = arith.constant 10 : i32
        %add3A_482 = arith.addi %mul3A_264, %add3A_481 : i32
        %get3A_483 = arith.constant 2 : i32
        %get3A_484 = arith.index_cast %get3A_483 : i32 to index
        %get3A_485 = arith.index_cast %add3A_482 : i32 to index
        %get3A_486 = arith.constant 16 : index
        %get3A_487 = tpu.vector_load %arg10[%get3A_484, %get3A_485, %get3A_486] {strides = array<i32>} : memref<4x112x32xf32, #tpu.memory_space<vmem>>, vector<16xf32>,
        %mul3A_488 = arith.mulf %get3A_480, %get3A_130 : vector<16xf32>
        %mul3A_489 = arith.mulf %get3A_487, %get3A_133 : vector<16xf32>
        %add3A_490 = arith.addf %mul3A_488, %mul3A_489 : vector<16xf32>
        %swap3A_491 = arith.constant 10 : i32
        %swap3A_492 = arith.index_cast %swap3A_491 : i32 to index
        %swap3A_493 = arith.constant 0 : index
        %swap3A_494 = tpu.vector_load %arg12[%swap3A_492, %swap3A_493] {strides = array<i32>} : memref<16x17xf32, #tpu.memory_space<vmem>>, vector<16xf32>,
        tpu.vector_store %arg12[%swap3A_492, %swap3A_493], %add3A_490 {strides = array<i32>} : memref<16x17xf32, #tpu.memory_space<vmem>>, vector<16xf32>,
        %add3A_495 = arith.constant 11 : i32
        %add3A_496 = arith.addi %mul3A_264, %add3A_495 : i32
        %get3A_497 = arith.constant 2 : i32
        %get3A_498 = arith.index_cast %get3A_497 : i32 to index
        %get3A_499 = arith.index_cast %add3A_496 : i32 to index
        %get3A_500 = arith.constant 0 : index
        %get3A_501 = tpu.vector_load %arg10[%get3A_498, %get3A_499, %get3A_500] {strides = array<i32>} : memref<4x112x32xf32, #tpu.memory_space<vmem>>, vector<16xf32>,
        %add3A_502 = arith.constant 11 : i32
        %add3A_503 = arith.addi %mul3A_264, %add3A_502 : i32
        %get3A_504 = arith.constant 2 : i32
        %get3A_505 = arith.index_cast %get3A_504 : i32 to index
        %get3A_506 = arith.index_cast %add3A_503 : i32 to index
        %get3A_507 = arith.constant 16 : index
        %get3A_508 = tpu.vector_load %arg10[%get3A_505, %get3A_506, %get3A_507] {strides = array<i32>} : memref<4x112x32xf32, #tpu.memory_space<vmem>>, vector<16xf32>,
        %mul3A_509 = arith.mulf %get3A_501, %get3A_130 : vector<16xf32>
        %mul3A_510 = arith.mulf %get3A_508, %get3A_133 : vector<16xf32>
        %add3A_511 = arith.addf %mul3A_509, %mul3A_510 : vector<16xf32>
        %swap3A_512 = arith.constant 11 : i32
        %swap3A_513 = arith.index_cast %swap3A_512 : i32 to index
        %swap3A_514 = arith.constant 0 : index
        %swap3A_515 = tpu.vector_load %arg12[%swap3A_513, %swap3A_514] {strides = array<i32>} : memref<16x17xf32, #tpu.memory_space<vmem>>, vector<16xf32>,
        tpu.vector_store %arg12[%swap3A_513, %swap3A_514], %add3A_511 {strides = array<i32>} : memref<16x17xf32, #tpu.memory_space<vmem>>, vector<16xf32>,
        %add3A_516 = arith.constant 12 : i32
        %add3A_517 = arith.addi %mul3A_264, %add3A_516 : i32
        %get3A_518 = arith.constant 2 : i32
        %get3A_519 = arith.index_cast %get3A_518 : i32 to index
        %get3A_520 = arith.index_cast %add3A_517 : i32 to index
        %get3A_521 = arith.constant 0 : index
        %get3A_522 = tpu.vector_load %arg10[%get3A_519, %get3A_520, %get3A_521] {strides = array<i32>} : memref<4x112x32xf32, #tpu.memory_space<vmem>>, vector<16xf32>,
        %add3A_523 = arith.constant 12 : i32
        %add3A_524 = arith.addi %mul3A_264, %add3A_523 : i32
        %get3A_525 = arith.constant 2 : i32
        %get3A_526 = arith.index_cast %get3A_525 : i32 to index
        %get3A_527 = arith.index_cast %add3A_524 : i32 to index
        %get3A_528 = arith.constant 16 : index
        %get3A_529 = tpu.vector_load %arg10[%get3A_526, %get3A_527, %get3A_528] {strides = array<i32>} : memref<4x112x32xf32, #tpu.memory_space<vmem>>, vector<16xf32>,
        %mul3A_530 = arith.mulf %get3A_522, %get3A_130 : vector<16xf32>
        %mul3A_531 = arith.mulf %get3A_529, %get3A_133 : vector<16xf32>
        %add3A_532 = arith.addf %mul3A_530, %mul3A_531 : vector<16xf32>
        %swap3A_533 = arith.constant 12 : i32
        %swap3A_534 = arith.index_cast %swap3A_533 : i32 to index
        %swap3A_535 = arith.constant 0 : index
        %swap3A_536 = tpu.vector_load %arg12[%swap3A_534, %swap3A_535] {strides = array<i32>} : memref<16x17xf32, #tpu.memory_space<vmem>>, vector<16xf32>,
        tpu.vector_store %arg12[%swap3A_534, %swap3A_535], %add3A_532 {strides = array<i32>} : memref<16x17xf32, #tpu.memory_space<vmem>>, vector<16xf32>,
        %add3A_537 = arith.constant 13 : i32
        %add3A_538 = arith.addi %mul3A_264, %add3A_537 : i32
        %get3A_539 = arith.constant 2 : i32
        %get3A_540 = arith.index_cast %get3A_539 : i32 to index
        %get3A_541 = arith.index_cast %add3A_538 : i32 to index
        %get3A_542 = arith.constant 0 : index
        %get3A_543 = tpu.vector_load %arg10[%get3A_540, %get3A_541, %get3A_542] {strides = array<i32>} : memref<4x112x32xf32, #tpu.memory_space<vmem>>, vector<16xf32>,
        %add3A_544 = arith.constant 13 : i32
        %add3A_545 = arith.addi %mul3A_264, %add3A_544 : i32
        %get3A_546 = arith.constant 2 : i32
        %get3A_547 = arith.index_cast %get3A_546 : i32 to index
        %get3A_548 = arith.index_cast %add3A_545 : i32 to index
        %get3A_549 = arith.constant 16 : index
        %get3A_550 = tpu.vector_load %arg10[%get3A_547, %get3A_548, %get3A_549] {strides = array<i32>} : memref<4x112x32xf32, #tpu.memory_space<vmem>>, vector<16xf32>,
        %mul3A_551 = arith.mulf %get3A_543, %get3A_130 : vector<16xf32>
        %mul3A_552 = arith.mulf %get3A_550, %get3A_133 : vector<16xf32>
        %add3A_553 = arith.addf %mul3A_551, %mul3A_552 : vector<16xf32>
        %swap3A_554 = arith.constant 13 : i32
        %swap3A_555 = arith.index_cast %swap3A_554 : i32 to index
        %swap3A_556 = arith.constant 0 : index
        %swap3A_557 = tpu.vector_load %arg12[%swap3A_555, %swap3A_556] {strides = array<i32>} : memref<16x17xf32, #tpu.memory_space<vmem>>, vector<16xf32>,
        tpu.vector_store %arg12[%swap3A_555, %swap3A_556], %add3A_553 {strides = array<i32>} : memref<16x17xf32, #tpu.memory_space<vmem>>, vector<16xf32>,
        %add3A_558 = arith.constant 14 : i32
        %add3A_559 = arith.addi %mul3A_264, %add3A_558 : i32
        %get3A_560 = arith.constant 2 : i32
        %get3A_561 = arith.index_cast %get3A_560 : i32 to index
        %get3A_562 = arith.index_cast %add3A_559 : i32 to index
        %get3A_563 = arith.constant 0 : index
        %get3A_564 = tpu.vector_load %arg10[%get3A_561, %get3A_562, %get3A_563] {strides = array<i32>} : memref<4x112x32xf32, #tpu.memory_space<vmem>>, vector<16xf32>,
        %add3A_565 = arith.constant 14 : i32
        %add3A_566 = arith.addi %mul3A_264, %add3A_565 : i32
        %get3A_567 = arith.constant 2 : i32
        %get3A_568 = arith.index_cast %get3A_567 : i32 to index
        %get3A_569 = arith.index_cast %add3A_566 : i32 to index
        %get3A_570 = arith.constant 16 : index
        %get3A_571 = tpu.vector_load %arg10[%get3A_568, %get3A_569, %get3A_570] {strides = array<i32>} : memref<4x112x32xf32, #tpu.memory_space<vmem>>, vector<16xf32>,
        %mul3A_572 = arith.mulf %get3A_564, %get3A_130 : vector<16xf32>
        %mul3A_573 = arith.mulf %get3A_571, %get3A_133 : vector<16xf32>
        %add3A_574 = arith.addf %mul3A_572, %mul3A_573 : vector<16xf32>
        %swap3A_575 = arith.constant 14 : i32
        %swap3A_576 = arith.index_cast %swap3A_575 : i32 to index
        %swap3A_577 = arith.constant 0 : index
        %swap3A_578 = tpu.vector_load %arg12[%swap3A_576, %swap3A_577] {strides = array<i32>} : memref<16x17xf32, #tpu.memory_space<vmem>>, vector<16xf32>,
        tpu.vector_store %arg12[%swap3A_576, %swap3A_577], %add3A_574 {strides = array<i32>} : memref<16x17xf32, #tpu.memory_space<vmem>>, vector<16xf32>,
        %add3A_579 = arith.constant 15 : i32
        %add3A_580 = arith.addi %mul3A_264, %add3A_579 : i32
        %get3A_581 = arith.constant 2 : i32
        %get3A_582 = arith.index_cast %get3A_581 : i32 to index
        %get3A_583 = arith.index_cast %add3A_580 : i32 to index
        %get3A_584 = arith.constant 0 : index
        %get3A_585 = tpu.vector_load %arg10[%get3A_582, %get3A_583, %get3A_584] {strides = array<i32>} : memref<4x112x32xf32, #tpu.memory_space<vmem>>, vector<16xf32>,
        %add3A_586 = arith.constant 15 : i32
        %add3A_587 = arith.addi %mul3A_264, %add3A_586 : i32
        %get3A_588 = arith.constant 2 : i32
        %get3A_589 = arith.index_cast %get3A_588 : i32 to index
        %get3A_590 = arith.index_cast %add3A_587 : i32 to index
        %get3A_591 = arith.constant 16 : index
        %get3A_592 = tpu.vector_load %arg10[%get3A_589, %get3A_590, %get3A_591] {strides = array<i32>} : memref<4x112x32xf32, #tpu.memory_space<vmem>>, vector<16xf32>,
        %mul3A_593 = arith.mulf %get3A_585, %get3A_130 : vector<16xf32>
        %mul3A_594 = arith.mulf %get3A_592, %get3A_133 : vector<16xf32>
        %add3A_595 = arith.addf %mul3A_593, %mul3A_594 : vector<16xf32>
        %swap3A_596 = arith.constant 15 : i32
        %swap3A_597 = arith.index_cast %swap3A_596 : i32 to index
        %swap3A_598 = arith.constant 0 : index
        %swap3A_599 = tpu.vector_load %arg12[%swap3A_597, %swap3A_598] {strides = array<i32>} : memref<16x17xf32, #tpu.memory_space<vmem>>, vector<16xf32>,
        tpu.vector_store %arg12[%swap3A_597, %swap3A_598], %add3A_595 {strides = array<i32>} : memref<16x17xf32, #tpu.memory_space<vmem>>, vector<16xf32>,
        %broadcast_in_dim3A = arith.constant 0 : i32
        %broadcast_in_dim3A_600 = vector.broadcast %broadcast_in_dim3A : i32 to vector<16xi32>
        %gather3A = tpu.vector_load_idx %arg12[%iota3A, %broadcast_in_dim3A_600] : memref<16x17xf32, #tpu.memory_space<vmem>>[vector<16xi32>, vector<16xi32>], vector<16xf32>,
        %broadcast_in_dim3A_601 = arith.constant 1 : i32
        %broadcast_in_dim3A_602 = vector.broadcast %broadcast_in_dim3A_601 : i32 to vector<16xi32>
        %gather3A_603 = tpu.vector_load_idx %arg12[%iota3A, %broadcast_in_dim3A_602] : memref<16x17xf32, #tpu.memory_space<vmem>>[vector<16xi32>, vector<16xi32>], vector<16xf32>,
        %broadcast_in_dim3A_604 = arith.constant 2 : i32
        %broadcast_in_dim3A_605 = vector.broadcast %broadcast_in_dim3A_604 : i32 to vector<16xi32>
        %gather3A_606 = tpu.vector_load_idx %arg12[%iota3A, %broadcast_in_dim3A_605] : memref<16x17xf32, #tpu.memory_space<vmem>>[vector<16xi32>, vector<16xi32>], vector<16xf32>,
        %broadcast_in_dim3A_607 = arith.constant 3 : i32
        %broadcast_in_dim3A_608 = vector.broadcast %broadcast_in_dim3A_607 : i32 to vector<16xi32>
        %gather3A_609 = tpu.vector_load_idx %arg12[%iota3A, %broadcast_in_dim3A_608] : memref<16x17xf32, #tpu.memory_space<vmem>>[vector<16xi32>, vector<16xi32>], vector<16xf32>,
        %broadcast_in_dim3A_610 = arith.constant 4 : i32
        %broadcast_in_dim3A_611 = vector.broadcast %broadcast_in_dim3A_610 : i32 to vector<16xi32>
        %gather3A_612 = tpu.vector_load_idx %arg12[%iota3A, %broadcast_in_dim3A_611] : memref<16x17xf32, #tpu.memory_space<vmem>>[vector<16xi32>, vector<16xi32>], vector<16xf32>,
        %broadcast_in_dim3A_613 = arith.constant 5 : i32
        %broadcast_in_dim3A_614 = vector.broadcast %broadcast_in_dim3A_613 : i32 to vector<16xi32>
        %gather3A_615 = tpu.vector_load_idx %arg12[%iota3A, %broadcast_in_dim3A_614] : memref<16x17xf32, #tpu.memory_space<vmem>>[vector<16xi32>, vector<16xi32>], vector<16xf32>,
        %broadcast_in_dim3A_616 = arith.constant 6 : i32
        %broadcast_in_dim3A_617 = vector.broadcast %broadcast_in_dim3A_616 : i32 to vector<16xi32>
        %gather3A_618 = tpu.vector_load_idx %arg12[%iota3A, %broadcast_in_dim3A_617] : memref<16x17xf32, #tpu.memory_space<vmem>>[vector<16xi32>, vector<16xi32>], vector<16xf32>,
        %broadcast_in_dim3A_619 = arith.constant 7 : i32
        %broadcast_in_dim3A_620 = vector.broadcast %broadcast_in_dim3A_619 : i32 to vector<16xi32>
        %gather3A_621 = tpu.vector_load_idx %arg12[%iota3A, %broadcast_in_dim3A_620] : memref<16x17xf32, #tpu.memory_space<vmem>>[vector<16xi32>, vector<16xi32>], vector<16xf32>,
        %broadcast_in_dim3A_622 = arith.constant 8 : i32
        %broadcast_in_dim3A_623 = vector.broadcast %broadcast_in_dim3A_622 : i32 to vector<16xi32>
        %gather3A_624 = tpu.vector_load_idx %arg12[%iota3A, %broadcast_in_dim3A_623] : memref<16x17xf32, #tpu.memory_space<vmem>>[vector<16xi32>, vector<16xi32>], vector<16xf32>,
        %broadcast_in_dim3A_625 = arith.constant 9 : i32
        %broadcast_in_dim3A_626 = vector.broadcast %broadcast_in_dim3A_625 : i32 to vector<16xi32>
        %gather3A_627 = tpu.vector_load_idx %arg12[%iota3A, %broadcast_in_dim3A_626] : memref<16x17xf32, #tpu.memory_space<vmem>>[vector<16xi32>, vector<16xi32>], vector<16xf32>,
        %broadcast_in_dim3A_628 = arith.constant 10 : i32
        %broadcast_in_dim3A_629 = vector.broadcast %broadcast_in_dim3A_628 : i32 to vector<16xi32>
        %gather3A_630 = tpu.vector_load_idx %arg12[%iota3A, %broadcast_in_dim3A_629] : memref<16x17xf32, #tpu.memory_space<vmem>>[vector<16xi32>, vector<16xi32>], vector<16xf32>,
        %broadcast_in_dim3A_631 = arith.constant 11 : i32
        %broadcast_in_dim3A_632 = vector.broadcast %broadcast_in_dim3A_631 : i32 to vector<16xi32>
        %gather3A_633 = tpu.vector_load_idx %arg12[%iota3A, %broadcast_in_dim3A_632] : memref<16x17xf32, #tpu.memory_space<vmem>>[vector<16xi32>, vector<16xi32>], vector<16xf32>,
        %broadcast_in_dim3A_634 = arith.constant 12 : i32
        %broadcast_in_dim3A_635 = vector.broadcast %broadcast_in_dim3A_634 : i32 to vector<16xi32>
        %gather3A_636 = tpu.vector_load_idx %arg12[%iota3A, %broadcast_in_dim3A_635] : memref<16x17xf32, #tpu.memory_space<vmem>>[vector<16xi32>, vector<16xi32>], vector<16xf32>,
        %broadcast_in_dim3A_637 = arith.constant 13 : i32
        %broadcast_in_dim3A_638 = vector.broadcast %broadcast_in_dim3A_637 : i32 to vector<16xi32>
        %gather3A_639 = tpu.vector_load_idx %arg12[%iota3A, %broadcast_in_dim3A_638] : memref<16x17xf32, #tpu.memory_space<vmem>>[vector<16xi32>, vector<16xi32>], vector<16xf32>,
        %broadcast_in_dim3A_640 = arith.constant 14 : i32
        %broadcast_in_dim3A_641 = vector.broadcast %broadcast_in_dim3A_640 : i32 to vector<16xi32>
        %gather3A_642 = tpu.vector_load_idx %arg12[%iota3A, %broadcast_in_dim3A_641] : memref<16x17xf32, #tpu.memory_space<vmem>>[vector<16xi32>, vector<16xi32>], vector<16xf32>,
        %broadcast_in_dim3A_643 = arith.constant 15 : i32
        %broadcast_in_dim3A_644 = vector.broadcast %broadcast_in_dim3A_643 : i32 to vector<16xi32>
        %gather3A_645 = tpu.vector_load_idx %arg12[%iota3A, %broadcast_in_dim3A_644] : memref<16x17xf32, #tpu.memory_space<vmem>>[vector<16xi32>, vector<16xi32>], vector<16xf32>,
        %add3A_646 = arith.addf %gather3A, %gather3A_603 : vector<16xf32>
        %add3A_647 = arith.addf %gather3A_606, %gather3A_609 : vector<16xf32>
        %add3A_648 = arith.addf %gather3A_612, %gather3A_615 : vector<16xf32>
        %add3A_649 = arith.addf %gather3A_618, %gather3A_621 : vector<16xf32>
        %add3A_650 = arith.addf %gather3A_624, %gather3A_627 : vector<16xf32>
        %add3A_651 = arith.addf %gather3A_630, %gather3A_633 : vector<16xf32>
        %add3A_652 = arith.addf %gather3A_636, %gather3A_639 : vector<16xf32>
        %add3A_653 = arith.addf %gather3A_642, %gather3A_645 : vector<16xf32>
        %add3A_654 = arith.addf %add3A_646, %add3A_647 : vector<16xf32>
        %add3A_655 = arith.addf %add3A_648, %add3A_649 : vector<16xf32>
        %add3A_656 = arith.addf %add3A_650, %add3A_651 : vector<16xf32>
        %add3A_657 = arith.addf %add3A_652, %add3A_653 : vector<16xf32>
        %add3A_658 = arith.addf %add3A_654, %add3A_655 : vector<16xf32>
        %add3A_659 = arith.addf %add3A_656, %add3A_657 : vector<16xf32>
        %add3A_660 = arith.addf %add3A_658, %add3A_659 : vector<16xf32>
        %add3A_661 = arith.constant 224 : i32
        %add3A_662 = arith.addi %add3A_661, %mul3A_264 : i32
        %swap3A_663 = arith.index_cast %add3A_662 : i32 to index
        %swap3A_664 = tpu.vector_load %arg13[%swap3A_663] {strides = array<i32>} : memref<448xf32, #tpu.memory_space<vmem>>, vector<16xf32>,
        tpu.vector_store %arg13[%swap3A_663], %add3A_660 {strides = array<i32>} : memref<448xf32, #tpu.memory_space<vmem>>, vector<16xf32>,
      }
      %scan3A_151 = arith.constant 7 : i32
      %scan3A_152 = arith.constant 0 : i32
      %scan3A_153 = arith.constant 0 : i32
      %scan3A_154 = arith.constant 7 : i32
      %scan3A_155 = arith.addi %scan3A_153, %scan3A_154 : i32
      %scan3A_156 = arith.constant 1 : i32
      scf.for %scan3A_262 = %scan3A_153 to %scan3A_155 step %scan3A_156  : i32 {
        %mul3A_263 = arith.constant 16 : i32
        %mul3A_264 = arith.muli %scan3A_262, %mul3A_263 : i32
        %add3A_265 = arith.constant 0 : i32
        %add3A_266 = arith.addi %mul3A_264, %add3A_265 : i32
        %get3A_267 = arith.constant 3 : i32
        %get3A_268 = arith.index_cast %get3A_267 : i32 to index
        %get3A_269 = arith.index_cast %add3A_266 : i32 to index
        %get3A_270 = arith.constant 0 : index
        %get3A_271 = tpu.vector_load %arg10[%get3A_268, %get3A_269, %get3A_270] {strides = array<i32>} : memref<4x112x32xf32, #tpu.memory_space<vmem>>, vector<16xf32>,
        %add3A_272 = arith.constant 0 : i32
        %add3A_273 = arith.addi %mul3A_264, %add3A_272 : i32
        %get3A_274 = arith.constant 3 : i32
        %get3A_275 = arith.index_cast %get3A_274 : i32 to index
        %get3A_276 = arith.index_cast %add3A_273 : i32 to index
        %get3A_277 = arith.constant 16 : index
        %get3A_278 = tpu.vector_load %arg10[%get3A_275, %get3A_276, %get3A_277] {strides = array<i32>} : memref<4x112x32xf32, #tpu.memory_space<vmem>>, vector<16xf32>,
        %mul3A_279 = arith.mulf %get3A_271, %get3A_130 : vector<16xf32>
        %mul3A_280 = arith.mulf %get3A_278, %get3A_133 : vector<16xf32>
        %add3A_281 = arith.addf %mul3A_279, %mul3A_280 : vector<16xf32>
        %swap3A = arith.constant 0 : i32
        %swap3A_282 = arith.index_cast %swap3A : i32 to index
        %swap3A_283 = arith.constant 0 : index
        %swap3A_284 = tpu.vector_load %arg12[%swap3A_282, %swap3A_283] {strides = array<i32>} : memref<16x17xf32, #tpu.memory_space<vmem>>, vector<16xf32>,
        tpu.vector_store %arg12[%swap3A_282, %swap3A_283], %add3A_281 {strides = array<i32>} : memref<16x17xf32, #tpu.memory_space<vmem>>, vector<16xf32>,
        %add3A_285 = arith.constant 1 : i32
        %add3A_286 = arith.addi %mul3A_264, %add3A_285 : i32
        %get3A_287 = arith.constant 3 : i32
        %get3A_288 = arith.index_cast %get3A_287 : i32 to index
        %get3A_289 = arith.index_cast %add3A_286 : i32 to index
        %get3A_290 = arith.constant 0 : index
        %get3A_291 = tpu.vector_load %arg10[%get3A_288, %get3A_289, %get3A_290] {strides = array<i32>} : memref<4x112x32xf32, #tpu.memory_space<vmem>>, vector<16xf32>,
        %add3A_292 = arith.constant 1 : i32
        %add3A_293 = arith.addi %mul3A_264, %add3A_292 : i32
        %get3A_294 = arith.constant 3 : i32
        %get3A_295 = arith.index_cast %get3A_294 : i32 to index
        %get3A_296 = arith.index_cast %add3A_293 : i32 to index
        %get3A_297 = arith.constant 16 : index
        %get3A_298 = tpu.vector_load %arg10[%get3A_295, %get3A_296, %get3A_297] {strides = array<i32>} : memref<4x112x32xf32, #tpu.memory_space<vmem>>, vector<16xf32>,
        %mul3A_299 = arith.mulf %get3A_291, %get3A_130 : vector<16xf32>
        %mul3A_300 = arith.mulf %get3A_298, %get3A_133 : vector<16xf32>
        %add3A_301 = arith.addf %mul3A_299, %mul3A_300 : vector<16xf32>
        %swap3A_302 = arith.constant 1 : i32
        %swap3A_303 = arith.index_cast %swap3A_302 : i32 to index
        %swap3A_304 = arith.constant 0 : index
        %swap3A_305 = tpu.vector_load %arg12[%swap3A_303, %swap3A_304] {strides = array<i32>} : memref<16x17xf32, #tpu.memory_space<vmem>>, vector<16xf32>,
        tpu.vector_store %arg12[%swap3A_303, %swap3A_304], %add3A_301 {strides = array<i32>} : memref<16x17xf32, #tpu.memory_space<vmem>>, vector<16xf32>,
        %add3A_306 = arith.constant 2 : i32
        %add3A_307 = arith.addi %mul3A_264, %add3A_306 : i32
        %get3A_308 = arith.constant 3 : i32
        %get3A_309 = arith.index_cast %get3A_308 : i32 to index
        %get3A_310 = arith.index_cast %add3A_307 : i32 to index
        %get3A_311 = arith.constant 0 : index
        %get3A_312 = tpu.vector_load %arg10[%get3A_309, %get3A_310, %get3A_311] {strides = array<i32>} : memref<4x112x32xf32, #tpu.memory_space<vmem>>, vector<16xf32>,
        %add3A_313 = arith.constant 2 : i32
        %add3A_314 = arith.addi %mul3A_264, %add3A_313 : i32
        %get3A_315 = arith.constant 3 : i32
        %get3A_316 = arith.index_cast %get3A_315 : i32 to index
        %get3A_317 = arith.index_cast %add3A_314 : i32 to index
        %get3A_318 = arith.constant 16 : index
        %get3A_319 = tpu.vector_load %arg10[%get3A_316, %get3A_317, %get3A_318] {strides = array<i32>} : memref<4x112x32xf32, #tpu.memory_space<vmem>>, vector<16xf32>,
        %mul3A_320 = arith.mulf %get3A_312, %get3A_130 : vector<16xf32>
        %mul3A_321 = arith.mulf %get3A_319, %get3A_133 : vector<16xf32>
        %add3A_322 = arith.addf %mul3A_320, %mul3A_321 : vector<16xf32>
        %swap3A_323 = arith.constant 2 : i32
        %swap3A_324 = arith.index_cast %swap3A_323 : i32 to index
        %swap3A_325 = arith.constant 0 : index
        %swap3A_326 = tpu.vector_load %arg12[%swap3A_324, %swap3A_325] {strides = array<i32>} : memref<16x17xf32, #tpu.memory_space<vmem>>, vector<16xf32>,
        tpu.vector_store %arg12[%swap3A_324, %swap3A_325], %add3A_322 {strides = array<i32>} : memref<16x17xf32, #tpu.memory_space<vmem>>, vector<16xf32>,
        %add3A_327 = arith.constant 3 : i32
        %add3A_328 = arith.addi %mul3A_264, %add3A_327 : i32
        %get3A_329 = arith.constant 3 : i32
        %get3A_330 = arith.index_cast %get3A_329 : i32 to index
        %get3A_331 = arith.index_cast %add3A_328 : i32 to index
        %get3A_332 = arith.constant 0 : index
        %get3A_333 = tpu.vector_load %arg10[%get3A_330, %get3A_331, %get3A_332] {strides = array<i32>} : memref<4x112x32xf32, #tpu.memory_space<vmem>>, vector<16xf32>,
        %add3A_334 = arith.constant 3 : i32
        %add3A_335 = arith.addi %mul3A_264, %add3A_334 : i32
        %get3A_336 = arith.constant 3 : i32
        %get3A_337 = arith.index_cast %get3A_336 : i32 to index
        %get3A_338 = arith.index_cast %add3A_335 : i32 to index
        %get3A_339 = arith.constant 16 : index
        %get3A_340 = tpu.vector_load %arg10[%get3A_337, %get3A_338, %get3A_339] {strides = array<i32>} : memref<4x112x32xf32, #tpu.memory_space<vmem>>, vector<16xf32>,
        %mul3A_341 = arith.mulf %get3A_333, %get3A_130 : vector<16xf32>
        %mul3A_342 = arith.mulf %get3A_340, %get3A_133 : vector<16xf32>
        %add3A_343 = arith.addf %mul3A_341, %mul3A_342 : vector<16xf32>
        %swap3A_344 = arith.constant 3 : i32
        %swap3A_345 = arith.index_cast %swap3A_344 : i32 to index
        %swap3A_346 = arith.constant 0 : index
        %swap3A_347 = tpu.vector_load %arg12[%swap3A_345, %swap3A_346] {strides = array<i32>} : memref<16x17xf32, #tpu.memory_space<vmem>>, vector<16xf32>,
        tpu.vector_store %arg12[%swap3A_345, %swap3A_346], %add3A_343 {strides = array<i32>} : memref<16x17xf32, #tpu.memory_space<vmem>>, vector<16xf32>,
        %add3A_348 = arith.constant 4 : i32
        %add3A_349 = arith.addi %mul3A_264, %add3A_348 : i32
        %get3A_350 = arith.constant 3 : i32
        %get3A_351 = arith.index_cast %get3A_350 : i32 to index
        %get3A_352 = arith.index_cast %add3A_349 : i32 to index
        %get3A_353 = arith.constant 0 : index
        %get3A_354 = tpu.vector_load %arg10[%get3A_351, %get3A_352, %get3A_353] {strides = array<i32>} : memref<4x112x32xf32, #tpu.memory_space<vmem>>, vector<16xf32>,
        %add3A_355 = arith.constant 4 : i32
        %add3A_356 = arith.addi %mul3A_264, %add3A_355 : i32
        %get3A_357 = arith.constant 3 : i32
        %get3A_358 = arith.index_cast %get3A_357 : i32 to index
        %get3A_359 = arith.index_cast %add3A_356 : i32 to index
        %get3A_360 = arith.constant 16 : index
        %get3A_361 = tpu.vector_load %arg10[%get3A_358, %get3A_359, %get3A_360] {strides = array<i32>} : memref<4x112x32xf32, #tpu.memory_space<vmem>>, vector<16xf32>,
        %mul3A_362 = arith.mulf %get3A_354, %get3A_130 : vector<16xf32>
        %mul3A_363 = arith.mulf %get3A_361, %get3A_133 : vector<16xf32>
        %add3A_364 = arith.addf %mul3A_362, %mul3A_363 : vector<16xf32>
        %swap3A_365 = arith.constant 4 : i32
        %swap3A_366 = arith.index_cast %swap3A_365 : i32 to index
        %swap3A_367 = arith.constant 0 : index
        %swap3A_368 = tpu.vector_load %arg12[%swap3A_366, %swap3A_367] {strides = array<i32>} : memref<16x17xf32, #tpu.memory_space<vmem>>, vector<16xf32>,
        tpu.vector_store %arg12[%swap3A_366, %swap3A_367], %add3A_364 {strides = array<i32>} : memref<16x17xf32, #tpu.memory_space<vmem>>, vector<16xf32>,
        %add3A_369 = arith.constant 5 : i32
        %add3A_370 = arith.addi %mul3A_264, %add3A_369 : i32
        %get3A_371 = arith.constant 3 : i32
        %get3A_372 = arith.index_cast %get3A_371 : i32 to index
        %get3A_373 = arith.index_cast %add3A_370 : i32 to index
        %get3A_374 = arith.constant 0 : index
        %get3A_375 = tpu.vector_load %arg10[%get3A_372, %get3A_373, %get3A_374] {strides = array<i32>} : memref<4x112x32xf32, #tpu.memory_space<vmem>>, vector<16xf32>,
        %add3A_376 = arith.constant 5 : i32
        %add3A_377 = arith.addi %mul3A_264, %add3A_376 : i32
        %get3A_378 = arith.constant 3 : i32
        %get3A_379 = arith.index_cast %get3A_378 : i32 to index
        %get3A_380 = arith.index_cast %add3A_377 : i32 to index
        %get3A_381 = arith.constant 16 : index
        %get3A_382 = tpu.vector_load %arg10[%get3A_379, %get3A_380, %get3A_381] {strides = array<i32>} : memref<4x112x32xf32, #tpu.memory_space<vmem>>, vector<16xf32>,
        %mul3A_383 = arith.mulf %get3A_375, %get3A_130 : vector<16xf32>
        %mul3A_384 = arith.mulf %get3A_382, %get3A_133 : vector<16xf32>
        %add3A_385 = arith.addf %mul3A_383, %mul3A_384 : vector<16xf32>
        %swap3A_386 = arith.constant 5 : i32
        %swap3A_387 = arith.index_cast %swap3A_386 : i32 to index
        %swap3A_388 = arith.constant 0 : index
        %swap3A_389 = tpu.vector_load %arg12[%swap3A_387, %swap3A_388] {strides = array<i32>} : memref<16x17xf32, #tpu.memory_space<vmem>>, vector<16xf32>,
        tpu.vector_store %arg12[%swap3A_387, %swap3A_388], %add3A_385 {strides = array<i32>} : memref<16x17xf32, #tpu.memory_space<vmem>>, vector<16xf32>,
        %add3A_390 = arith.constant 6 : i32
        %add3A_391 = arith.addi %mul3A_264, %add3A_390 : i32
        %get3A_392 = arith.constant 3 : i32
        %get3A_393 = arith.index_cast %get3A_392 : i32 to index
        %get3A_394 = arith.index_cast %add3A_391 : i32 to index
        %get3A_395 = arith.constant 0 : index
        %get3A_396 = tpu.vector_load %arg10[%get3A_393, %get3A_394, %get3A_395] {strides = array<i32>} : memref<4x112x32xf32, #tpu.memory_space<vmem>>, vector<16xf32>,
        %add3A_397 = arith.constant 6 : i32
        %add3A_398 = arith.addi %mul3A_264, %add3A_397 : i32
        %get3A_399 = arith.constant 3 : i32
        %get3A_400 = arith.index_cast %get3A_399 : i32 to index
        %get3A_401 = arith.index_cast %add3A_398 : i32 to index
        %get3A_402 = arith.constant 16 : index
        %get3A_403 = tpu.vector_load %arg10[%get3A_400, %get3A_401, %get3A_402] {strides = array<i32>} : memref<4x112x32xf32, #tpu.memory_space<vmem>>, vector<16xf32>,
        %mul3A_404 = arith.mulf %get3A_396, %get3A_130 : vector<16xf32>
        %mul3A_405 = arith.mulf %get3A_403, %get3A_133 : vector<16xf32>
        %add3A_406 = arith.addf %mul3A_404, %mul3A_405 : vector<16xf32>
        %swap3A_407 = arith.constant 6 : i32
        %swap3A_408 = arith.index_cast %swap3A_407 : i32 to index
        %swap3A_409 = arith.constant 0 : index
        %swap3A_410 = tpu.vector_load %arg12[%swap3A_408, %swap3A_409] {strides = array<i32>} : memref<16x17xf32, #tpu.memory_space<vmem>>, vector<16xf32>,
        tpu.vector_store %arg12[%swap3A_408, %swap3A_409], %add3A_406 {strides = array<i32>} : memref<16x17xf32, #tpu.memory_space<vmem>>, vector<16xf32>,
        %add3A_411 = arith.constant 7 : i32
        %add3A_412 = arith.addi %mul3A_264, %add3A_411 : i32
        %get3A_413 = arith.constant 3 : i32
        %get3A_414 = arith.index_cast %get3A_413 : i32 to index
        %get3A_415 = arith.index_cast %add3A_412 : i32 to index
        %get3A_416 = arith.constant 0 : index
        %get3A_417 = tpu.vector_load %arg10[%get3A_414, %get3A_415, %get3A_416] {strides = array<i32>} : memref<4x112x32xf32, #tpu.memory_space<vmem>>, vector<16xf32>,
        %add3A_418 = arith.constant 7 : i32
        %add3A_419 = arith.addi %mul3A_264, %add3A_418 : i32
        %get3A_420 = arith.constant 3 : i32
        %get3A_421 = arith.index_cast %get3A_420 : i32 to index
        %get3A_422 = arith.index_cast %add3A_419 : i32 to index
        %get3A_423 = arith.constant 16 : index
        %get3A_424 = tpu.vector_load %arg10[%get3A_421, %get3A_422, %get3A_423] {strides = array<i32>} : memref<4x112x32xf32, #tpu.memory_space<vmem>>, vector<16xf32>,
        %mul3A_425 = arith.mulf %get3A_417, %get3A_130 : vector<16xf32>
        %mul3A_426 = arith.mulf %get3A_424, %get3A_133 : vector<16xf32>
        %add3A_427 = arith.addf %mul3A_425, %mul3A_426 : vector<16xf32>
        %swap3A_428 = arith.constant 7 : i32
        %swap3A_429 = arith.index_cast %swap3A_428 : i32 to index
        %swap3A_430 = arith.constant 0 : index
        %swap3A_431 = tpu.vector_load %arg12[%swap3A_429, %swap3A_430] {strides = array<i32>} : memref<16x17xf32, #tpu.memory_space<vmem>>, vector<16xf32>,
        tpu.vector_store %arg12[%swap3A_429, %swap3A_430], %add3A_427 {strides = array<i32>} : memref<16x17xf32, #tpu.memory_space<vmem>>, vector<16xf32>,
        %add3A_432 = arith.constant 8 : i32
        %add3A_433 = arith.addi %mul3A_264, %add3A_432 : i32
        %get3A_434 = arith.constant 3 : i32
        %get3A_435 = arith.index_cast %get3A_434 : i32 to index
        %get3A_436 = arith.index_cast %add3A_433 : i32 to index
        %get3A_437 = arith.constant 0 : index
        %get3A_438 = tpu.vector_load %arg10[%get3A_435, %get3A_436, %get3A_437] {strides = array<i32>} : memref<4x112x32xf32, #tpu.memory_space<vmem>>, vector<16xf32>,
        %add3A_439 = arith.constant 8 : i32
        %add3A_440 = arith.addi %mul3A_264, %add3A_439 : i32
        %get3A_441 = arith.constant 3 : i32
        %get3A_442 = arith.index_cast %get3A_441 : i32 to index
        %get3A_443 = arith.index_cast %add3A_440 : i32 to index
        %get3A_444 = arith.constant 16 : index
        %get3A_445 = tpu.vector_load %arg10[%get3A_442, %get3A_443, %get3A_444] {strides = array<i32>} : memref<4x112x32xf32, #tpu.memory_space<vmem>>, vector<16xf32>,
        %mul3A_446 = arith.mulf %get3A_438, %get3A_130 : vector<16xf32>
        %mul3A_447 = arith.mulf %get3A_445, %get3A_133 : vector<16xf32>
        %add3A_448 = arith.addf %mul3A_446, %mul3A_447 : vector<16xf32>
        %swap3A_449 = arith.constant 8 : i32
        %swap3A_450 = arith.index_cast %swap3A_449 : i32 to index
        %swap3A_451 = arith.constant 0 : index
        %swap3A_452 = tpu.vector_load %arg12[%swap3A_450, %swap3A_451] {strides = array<i32>} : memref<16x17xf32, #tpu.memory_space<vmem>>, vector<16xf32>,
        tpu.vector_store %arg12[%swap3A_450, %swap3A_451], %add3A_448 {strides = array<i32>} : memref<16x17xf32, #tpu.memory_space<vmem>>, vector<16xf32>,
        %add3A_453 = arith.constant 9 : i32
        %add3A_454 = arith.addi %mul3A_264, %add3A_453 : i32
        %get3A_455 = arith.constant 3 : i32
        %get3A_456 = arith.index_cast %get3A_455 : i32 to index
        %get3A_457 = arith.index_cast %add3A_454 : i32 to index
        %get3A_458 = arith.constant 0 : index
        %get3A_459 = tpu.vector_load %arg10[%get3A_456, %get3A_457, %get3A_458] {strides = array<i32>} : memref<4x112x32xf32, #tpu.memory_space<vmem>>, vector<16xf32>,
        %add3A_460 = arith.constant 9 : i32
        %add3A_461 = arith.addi %mul3A_264, %add3A_460 : i32
        %get3A_462 = arith.constant 3 : i32
        %get3A_463 = arith.index_cast %get3A_462 : i32 to index
        %get3A_464 = arith.index_cast %add3A_461 : i32 to index
        %get3A_465 = arith.constant 16 : index
        %get3A_466 = tpu.vector_load %arg10[%get3A_463, %get3A_464, %get3A_465] {strides = array<i32>} : memref<4x112x32xf32, #tpu.memory_space<vmem>>, vector<16xf32>,
        %mul3A_467 = arith.mulf %get3A_459, %get3A_130 : vector<16xf32>
        %mul3A_468 = arith.mulf %get3A_466, %get3A_133 : vector<16xf32>
        %add3A_469 = arith.addf %mul3A_467, %mul3A_468 : vector<16xf32>
        %swap3A_470 = arith.constant 9 : i32
        %swap3A_471 = arith.index_cast %swap3A_470 : i32 to index
        %swap3A_472 = arith.constant 0 : index
        %swap3A_473 = tpu.vector_load %arg12[%swap3A_471, %swap3A_472] {strides = array<i32>} : memref<16x17xf32, #tpu.memory_space<vmem>>, vector<16xf32>,
        tpu.vector_store %arg12[%swap3A_471, %swap3A_472], %add3A_469 {strides = array<i32>} : memref<16x17xf32, #tpu.memory_space<vmem>>, vector<16xf32>,
        %add3A_474 = arith.constant 10 : i32
        %add3A_475 = arith.addi %mul3A_264, %add3A_474 : i32
        %get3A_476 = arith.constant 3 : i32
        %get3A_477 = arith.index_cast %get3A_476 : i32 to index
        %get3A_478 = arith.index_cast %add3A_475 : i32 to index
        %get3A_479 = arith.constant 0 : index
        %get3A_480 = tpu.vector_load %arg10[%get3A_477, %get3A_478, %get3A_479] {strides = array<i32>} : memref<4x112x32xf32, #tpu.memory_space<vmem>>, vector<16xf32>,
        %add3A_481 = arith.constant 10 : i32
        %add3A_482 = arith.addi %mul3A_264, %add3A_481 : i32
        %get3A_483 = arith.constant 3 : i32
        %get3A_484 = arith.index_cast %get3A_483 : i32 to index
        %get3A_485 = arith.index_cast %add3A_482 : i32 to index
        %get3A_486 = arith.constant 16 : index
        %get3A_487 = tpu.vector_load %arg10[%get3A_484, %get3A_485, %get3A_486] {strides = array<i32>} : memref<4x112x32xf32, #tpu.memory_space<vmem>>, vector<16xf32>,
        %mul3A_488 = arith.mulf %get3A_480, %get3A_130 : vector<16xf32>
        %mul3A_489 = arith.mulf %get3A_487, %get3A_133 : vector<16xf32>
        %add3A_490 = arith.addf %mul3A_488, %mul3A_489 : vector<16xf32>
        %swap3A_491 = arith.constant 10 : i32
        %swap3A_492 = arith.index_cast %swap3A_491 : i32 to index
        %swap3A_493 = arith.constant 0 : index
        %swap3A_494 = tpu.vector_load %arg12[%swap3A_492, %swap3A_493] {strides = array<i32>} : memref<16x17xf32, #tpu.memory_space<vmem>>, vector<16xf32>,
        tpu.vector_store %arg12[%swap3A_492, %swap3A_493], %add3A_490 {strides = array<i32>} : memref<16x17xf32, #tpu.memory_space<vmem>>, vector<16xf32>,
        %add3A_495 = arith.constant 11 : i32
        %add3A_496 = arith.addi %mul3A_264, %add3A_495 : i32
        %get3A_497 = arith.constant 3 : i32
        %get3A_498 = arith.index_cast %get3A_497 : i32 to index
        %get3A_499 = arith.index_cast %add3A_496 : i32 to index
        %get3A_500 = arith.constant 0 : index
        %get3A_501 = tpu.vector_load %arg10[%get3A_498, %get3A_499, %get3A_500] {strides = array<i32>} : memref<4x112x32xf32, #tpu.memory_space<vmem>>, vector<16xf32>,
        %add3A_502 = arith.constant 11 : i32
        %add3A_503 = arith.addi %mul3A_264, %add3A_502 : i32
        %get3A_504 = arith.constant 3 : i32
        %get3A_505 = arith.index_cast %get3A_504 : i32 to index
        %get3A_506 = arith.index_cast %add3A_503 : i32 to index
        %get3A_507 = arith.constant 16 : index
        %get3A_508 = tpu.vector_load %arg10[%get3A_505, %get3A_506, %get3A_507] {strides = array<i32>} : memref<4x112x32xf32, #tpu.memory_space<vmem>>, vector<16xf32>,
        %mul3A_509 = arith.mulf %get3A_501, %get3A_130 : vector<16xf32>
        %mul3A_510 = arith.mulf %get3A_508, %get3A_133 : vector<16xf32>
        %add3A_511 = arith.addf %mul3A_509, %mul3A_510 : vector<16xf32>
        %swap3A_512 = arith.constant 11 : i32
        %swap3A_513 = arith.index_cast %swap3A_512 : i32 to index
        %swap3A_514 = arith.constant 0 : index
        %swap3A_515 = tpu.vector_load %arg12[%swap3A_513, %swap3A_514] {strides = array<i32>} : memref<16x17xf32, #tpu.memory_space<vmem>>, vector<16xf32>,
        tpu.vector_store %arg12[%swap3A_513, %swap3A_514], %add3A_511 {strides = array<i32>} : memref<16x17xf32, #tpu.memory_space<vmem>>, vector<16xf32>,
        %add3A_516 = arith.constant 12 : i32
        %add3A_517 = arith.addi %mul3A_264, %add3A_516 : i32
        %get3A_518 = arith.constant 3 : i32
        %get3A_519 = arith.index_cast %get3A_518 : i32 to index
        %get3A_520 = arith.index_cast %add3A_517 : i32 to index
        %get3A_521 = arith.constant 0 : index
        %get3A_522 = tpu.vector_load %arg10[%get3A_519, %get3A_520, %get3A_521] {strides = array<i32>} : memref<4x112x32xf32, #tpu.memory_space<vmem>>, vector<16xf32>,
        %add3A_523 = arith.constant 12 : i32
        %add3A_524 = arith.addi %mul3A_264, %add3A_523 : i32
        %get3A_525 = arith.constant 3 : i32
        %get3A_526 = arith.index_cast %get3A_525 : i32 to index
        %get3A_527 = arith.index_cast %add3A_524 : i32 to index
        %get3A_528 = arith.constant 16 : index
        %get3A_529 = tpu.vector_load %arg10[%get3A_526, %get3A_527, %get3A_528] {strides = array<i32>} : memref<4x112x32xf32, #tpu.memory_space<vmem>>, vector<16xf32>,
        %mul3A_530 = arith.mulf %get3A_522, %get3A_130 : vector<16xf32>
        %mul3A_531 = arith.mulf %get3A_529, %get3A_133 : vector<16xf32>
        %add3A_532 = arith.addf %mul3A_530, %mul3A_531 : vector<16xf32>
        %swap3A_533 = arith.constant 12 : i32
        %swap3A_534 = arith.index_cast %swap3A_533 : i32 to index
        %swap3A_535 = arith.constant 0 : index
        %swap3A_536 = tpu.vector_load %arg12[%swap3A_534, %swap3A_535] {strides = array<i32>} : memref<16x17xf32, #tpu.memory_space<vmem>>, vector<16xf32>,
        tpu.vector_store %arg12[%swap3A_534, %swap3A_535], %add3A_532 {strides = array<i32>} : memref<16x17xf32, #tpu.memory_space<vmem>>, vector<16xf32>,
        %add3A_537 = arith.constant 13 : i32
        %add3A_538 = arith.addi %mul3A_264, %add3A_537 : i32
        %get3A_539 = arith.constant 3 : i32
        %get3A_540 = arith.index_cast %get3A_539 : i32 to index
        %get3A_541 = arith.index_cast %add3A_538 : i32 to index
        %get3A_542 = arith.constant 0 : index
        %get3A_543 = tpu.vector_load %arg10[%get3A_540, %get3A_541, %get3A_542] {strides = array<i32>} : memref<4x112x32xf32, #tpu.memory_space<vmem>>, vector<16xf32>,
        %add3A_544 = arith.constant 13 : i32
        %add3A_545 = arith.addi %mul3A_264, %add3A_544 : i32
        %get3A_546 = arith.constant 3 : i32
        %get3A_547 = arith.index_cast %get3A_546 : i32 to index
        %get3A_548 = arith.index_cast %add3A_545 : i32 to index
        %get3A_549 = arith.constant 16 : index
        %get3A_550 = tpu.vector_load %arg10[%get3A_547, %get3A_548, %get3A_549] {strides = array<i32>} : memref<4x112x32xf32, #tpu.memory_space<vmem>>, vector<16xf32>,
        %mul3A_551 = arith.mulf %get3A_543, %get3A_130 : vector<16xf32>
        %mul3A_552 = arith.mulf %get3A_550, %get3A_133 : vector<16xf32>
        %add3A_553 = arith.addf %mul3A_551, %mul3A_552 : vector<16xf32>
        %swap3A_554 = arith.constant 13 : i32
        %swap3A_555 = arith.index_cast %swap3A_554 : i32 to index
        %swap3A_556 = arith.constant 0 : index
        %swap3A_557 = tpu.vector_load %arg12[%swap3A_555, %swap3A_556] {strides = array<i32>} : memref<16x17xf32, #tpu.memory_space<vmem>>, vector<16xf32>,
        tpu.vector_store %arg12[%swap3A_555, %swap3A_556], %add3A_553 {strides = array<i32>} : memref<16x17xf32, #tpu.memory_space<vmem>>, vector<16xf32>,
        %add3A_558 = arith.constant 14 : i32
        %add3A_559 = arith.addi %mul3A_264, %add3A_558 : i32
        %get3A_560 = arith.constant 3 : i32
        %get3A_561 = arith.index_cast %get3A_560 : i32 to index
        %get3A_562 = arith.index_cast %add3A_559 : i32 to index
        %get3A_563 = arith.constant 0 : index
        %get3A_564 = tpu.vector_load %arg10[%get3A_561, %get3A_562, %get3A_563] {strides = array<i32>} : memref<4x112x32xf32, #tpu.memory_space<vmem>>, vector<16xf32>,
        %add3A_565 = arith.constant 14 : i32
        %add3A_566 = arith.addi %mul3A_264, %add3A_565 : i32
        %get3A_567 = arith.constant 3 : i32
        %get3A_568 = arith.index_cast %get3A_567 : i32 to index
        %get3A_569 = arith.index_cast %add3A_566 : i32 to index
        %get3A_570 = arith.constant 16 : index
        %get3A_571 = tpu.vector_load %arg10[%get3A_568, %get3A_569, %get3A_570] {strides = array<i32>} : memref<4x112x32xf32, #tpu.memory_space<vmem>>, vector<16xf32>,
        %mul3A_572 = arith.mulf %get3A_564, %get3A_130 : vector<16xf32>
        %mul3A_573 = arith.mulf %get3A_571, %get3A_133 : vector<16xf32>
        %add3A_574 = arith.addf %mul3A_572, %mul3A_573 : vector<16xf32>
        %swap3A_575 = arith.constant 14 : i32
        %swap3A_576 = arith.index_cast %swap3A_575 : i32 to index
        %swap3A_577 = arith.constant 0 : index
        %swap3A_578 = tpu.vector_load %arg12[%swap3A_576, %swap3A_577] {strides = array<i32>} : memref<16x17xf32, #tpu.memory_space<vmem>>, vector<16xf32>,
        tpu.vector_store %arg12[%swap3A_576, %swap3A_577], %add3A_574 {strides = array<i32>} : memref<16x17xf32, #tpu.memory_space<vmem>>, vector<16xf32>,
        %add3A_579 = arith.constant 15 : i32
        %add3A_580 = arith.addi %mul3A_264, %add3A_579 : i32
        %get3A_581 = arith.constant 3 : i32
        %get3A_582 = arith.index_cast %get3A_581 : i32 to index
        %get3A_583 = arith.index_cast %add3A_580 : i32 to index
        %get3A_584 = arith.constant 0 : index
        %get3A_585 = tpu.vector_load %arg10[%get3A_582, %get3A_583, %get3A_584] {strides = array<i32>} : memref<4x112x32xf32, #tpu.memory_space<vmem>>, vector<16xf32>,
        %add3A_586 = arith.constant 15 : i32
        %add3A_587 = arith.addi %mul3A_264, %add3A_586 : i32
        %get3A_588 = arith.constant 3 : i32
        %get3A_589 = arith.index_cast %get3A_588 : i32 to index
        %get3A_590 = arith.index_cast %add3A_587 : i32 to index
        %get3A_591 = arith.constant 16 : index
        %get3A_592 = tpu.vector_load %arg10[%get3A_589, %get3A_590, %get3A_591] {strides = array<i32>} : memref<4x112x32xf32, #tpu.memory_space<vmem>>, vector<16xf32>,
        %mul3A_593 = arith.mulf %get3A_585, %get3A_130 : vector<16xf32>
        %mul3A_594 = arith.mulf %get3A_592, %get3A_133 : vector<16xf32>
        %add3A_595 = arith.addf %mul3A_593, %mul3A_594 : vector<16xf32>
        %swap3A_596 = arith.constant 15 : i32
        %swap3A_597 = arith.index_cast %swap3A_596 : i32 to index
        %swap3A_598 = arith.constant 0 : index
        %swap3A_599 = tpu.vector_load %arg12[%swap3A_597, %swap3A_598] {strides = array<i32>} : memref<16x17xf32, #tpu.memory_space<vmem>>, vector<16xf32>,
        tpu.vector_store %arg12[%swap3A_597, %swap3A_598], %add3A_595 {strides = array<i32>} : memref<16x17xf32, #tpu.memory_space<vmem>>, vector<16xf32>,
        %broadcast_in_dim3A = arith.constant 0 : i32
        %broadcast_in_dim3A_600 = vector.broadcast %broadcast_in_dim3A : i32 to vector<16xi32>
        %gather3A = tpu.vector_load_idx %arg12[%iota3A, %broadcast_in_dim3A_600] : memref<16x17xf32, #tpu.memory_space<vmem>>[vector<16xi32>, vector<16xi32>], vector<16xf32>,
        %broadcast_in_dim3A_601 = arith.constant 1 : i32
        %broadcast_in_dim3A_602 = vector.broadcast %broadcast_in_dim3A_601 : i32 to vector<16xi32>
        %gather3A_603 = tpu.vector_load_idx %arg12[%iota3A, %broadcast_in_dim3A_602] : memref<16x17xf32, #tpu.memory_space<vmem>>[vector<16xi32>, vector<16xi32>], vector<16xf32>,
        %broadcast_in_dim3A_604 = arith.constant 2 : i32
        %broadcast_in_dim3A_605 = vector.broadcast %broadcast_in_dim3A_604 : i32 to vector<16xi32>
        %gather3A_606 = tpu.vector_load_idx %arg12[%iota3A, %broadcast_in_dim3A_605] : memref<16x17xf32, #tpu.memory_space<vmem>>[vector<16xi32>, vector<16xi32>], vector<16xf32>,
        %broadcast_in_dim3A_607 = arith.constant 3 : i32
        %broadcast_in_dim3A_608 = vector.broadcast %broadcast_in_dim3A_607 : i32 to vector<16xi32>
        %gather3A_609 = tpu.vector_load_idx %arg12[%iota3A, %broadcast_in_dim3A_608] : memref<16x17xf32, #tpu.memory_space<vmem>>[vector<16xi32>, vector<16xi32>], vector<16xf32>,
        %broadcast_in_dim3A_610 = arith.constant 4 : i32
        %broadcast_in_dim3A_611 = vector.broadcast %broadcast_in_dim3A_610 : i32 to vector<16xi32>
        %gather3A_612 = tpu.vector_load_idx %arg12[%iota3A, %broadcast_in_dim3A_611] : memref<16x17xf32, #tpu.memory_space<vmem>>[vector<16xi32>, vector<16xi32>], vector<16xf32>,
        %broadcast_in_dim3A_613 = arith.constant 5 : i32
        %broadcast_in_dim3A_614 = vector.broadcast %broadcast_in_dim3A_613 : i32 to vector<16xi32>
        %gather3A_615 = tpu.vector_load_idx %arg12[%iota3A, %broadcast_in_dim3A_614] : memref<16x17xf32, #tpu.memory_space<vmem>>[vector<16xi32>, vector<16xi32>], vector<16xf32>,
        %broadcast_in_dim3A_616 = arith.constant 6 : i32
        %broadcast_in_dim3A_617 = vector.broadcast %broadcast_in_dim3A_616 : i32 to vector<16xi32>
        %gather3A_618 = tpu.vector_load_idx %arg12[%iota3A, %broadcast_in_dim3A_617] : memref<16x17xf32, #tpu.memory_space<vmem>>[vector<16xi32>, vector<16xi32>], vector<16xf32>,
        %broadcast_in_dim3A_619 = arith.constant 7 : i32
        %broadcast_in_dim3A_620 = vector.broadcast %broadcast_in_dim3A_619 : i32 to vector<16xi32>
        %gather3A_621 = tpu.vector_load_idx %arg12[%iota3A, %broadcast_in_dim3A_620] : memref<16x17xf32, #tpu.memory_space<vmem>>[vector<16xi32>, vector<16xi32>], vector<16xf32>,
        %broadcast_in_dim3A_622 = arith.constant 8 : i32
        %broadcast_in_dim3A_623 = vector.broadcast %broadcast_in_dim3A_622 : i32 to vector<16xi32>
        %gather3A_624 = tpu.vector_load_idx %arg12[%iota3A, %broadcast_in_dim3A_623] : memref<16x17xf32, #tpu.memory_space<vmem>>[vector<16xi32>, vector<16xi32>], vector<16xf32>,
        %broadcast_in_dim3A_625 = arith.constant 9 : i32
        %broadcast_in_dim3A_626 = vector.broadcast %broadcast_in_dim3A_625 : i32 to vector<16xi32>
        %gather3A_627 = tpu.vector_load_idx %arg12[%iota3A, %broadcast_in_dim3A_626] : memref<16x17xf32, #tpu.memory_space<vmem>>[vector<16xi32>, vector<16xi32>], vector<16xf32>,
        %broadcast_in_dim3A_628 = arith.constant 10 : i32
        %broadcast_in_dim3A_629 = vector.broadcast %broadcast_in_dim3A_628 : i32 to vector<16xi32>
        %gather3A_630 = tpu.vector_load_idx %arg12[%iota3A, %broadcast_in_dim3A_629] : memref<16x17xf32, #tpu.memory_space<vmem>>[vector<16xi32>, vector<16xi32>], vector<16xf32>,
        %broadcast_in_dim3A_631 = arith.constant 11 : i32
        %broadcast_in_dim3A_632 = vector.broadcast %broadcast_in_dim3A_631 : i32 to vector<16xi32>
        %gather3A_633 = tpu.vector_load_idx %arg12[%iota3A, %broadcast_in_dim3A_632] : memref<16x17xf32, #tpu.memory_space<vmem>>[vector<16xi32>, vector<16xi32>], vector<16xf32>,
        %broadcast_in_dim3A_634 = arith.constant 12 : i32
        %broadcast_in_dim3A_635 = vector.broadcast %broadcast_in_dim3A_634 : i32 to vector<16xi32>
        %gather3A_636 = tpu.vector_load_idx %arg12[%iota3A, %broadcast_in_dim3A_635] : memref<16x17xf32, #tpu.memory_space<vmem>>[vector<16xi32>, vector<16xi32>], vector<16xf32>,
        %broadcast_in_dim3A_637 = arith.constant 13 : i32
        %broadcast_in_dim3A_638 = vector.broadcast %broadcast_in_dim3A_637 : i32 to vector<16xi32>
        %gather3A_639 = tpu.vector_load_idx %arg12[%iota3A, %broadcast_in_dim3A_638] : memref<16x17xf32, #tpu.memory_space<vmem>>[vector<16xi32>, vector<16xi32>], vector<16xf32>,
        %broadcast_in_dim3A_640 = arith.constant 14 : i32
        %broadcast_in_dim3A_641 = vector.broadcast %broadcast_in_dim3A_640 : i32 to vector<16xi32>
        %gather3A_642 = tpu.vector_load_idx %arg12[%iota3A, %broadcast_in_dim3A_641] : memref<16x17xf32, #tpu.memory_space<vmem>>[vector<16xi32>, vector<16xi32>], vector<16xf32>,
        %broadcast_in_dim3A_643 = arith.constant 15 : i32
        %broadcast_in_dim3A_644 = vector.broadcast %broadcast_in_dim3A_643 : i32 to vector<16xi32>
        %gather3A_645 = tpu.vector_load_idx %arg12[%iota3A, %broadcast_in_dim3A_644] : memref<16x17xf32, #tpu.memory_space<vmem>>[vector<16xi32>, vector<16xi32>], vector<16xf32>,
        %add3A_646 = arith.addf %gather3A, %gather3A_603 : vector<16xf32>
        %add3A_647 = arith.addf %gather3A_606, %gather3A_609 : vector<16xf32>
        %add3A_648 = arith.addf %gather3A_612, %gather3A_615 : vector<16xf32>
        %add3A_649 = arith.addf %gather3A_618, %gather3A_621 : vector<16xf32>
        %add3A_650 = arith.addf %gather3A_624, %gather3A_627 : vector<16xf32>
        %add3A_651 = arith.addf %gather3A_630, %gather3A_633 : vector<16xf32>
        %add3A_652 = arith.addf %gather3A_636, %gather3A_639 : vector<16xf32>
        %add3A_653 = arith.addf %gather3A_642, %gather3A_645 : vector<16xf32>
        %add3A_654 = arith.addf %add3A_646, %add3A_647 : vector<16xf32>
        %add3A_655 = arith.addf %add3A_648, %add3A_649 : vector<16xf32>
        %add3A_656 = arith.addf %add3A_650, %add3A_651 : vector<16xf32>
        %add3A_657 = arith.addf %add3A_652, %add3A_653 : vector<16xf32>
        %add3A_658 = arith.addf %add3A_654, %add3A_655 : vector<16xf32>
        %add3A_659 = arith.addf %add3A_656, %add3A_657 : vector<16xf32>
        %add3A_660 = arith.addf %add3A_658, %add3A_659 : vector<16xf32>
        %add3A_661 = arith.constant 336 : i32
        %add3A_662 = arith.addi %add3A_661, %mul3A_264 : i32
        %swap3A_663 = arith.index_cast %add3A_662 : i32 to index
        %swap3A_664 = tpu.vector_load %arg13[%swap3A_663] {strides = array<i32>} : memref<448xf32, #tpu.memory_space<vmem>>, vector<16xf32>,
        tpu.vector_store %arg13[%swap3A_663], %add3A_660 {strides = array<i32>} : memref<448xf32, #tpu.memory_space<vmem>>, vector<16xf32>,
      }
      %scan3A_157 = arith.constant 7 : i32
      %add3A_158 = arith.addi %mul3A_2, %add3A_64 : i32
      "tpu.region"() ({
        %run_scoped3A = tpu.sem_alloc : memref<!tpu.dma_semaphore, #tpu.memory_space<semaphore_mem>>
        %dma_start3A_262 = arith.constant 0 : i32
        %dma_start3A_263 = tpu.memref_slice %arg6[%add3A_158, %dma_start3A_262] : memref<4096x448xf32, #tpu.memory_space<hbm>> -> memref<1x448xf32, #tpu.memory_space<hbm>>
        %dma_start3A_264 = tpu.memref_squeeze %dma_start3A_263 : memref<1x448xf32, #tpu.memory_space<hbm>> -> memref<448xf32, #tpu.memory_space<hbm>>
        %dma_start3A_265 = arith.constant 0 : i32
        %dma_start3A_266 = tpu.memref_slice %arg6[%add3A_158, %dma_start3A_265] : memref<4096x448xf32, #tpu.memory_space<hbm>> -> memref<1x448xf32, #tpu.memory_space<hbm>>
        %dma_start3A_267 = tpu.memref_squeeze %dma_start3A_266 : memref<1x448xf32, #tpu.memory_space<hbm>> -> memref<448xf32, #tpu.memory_space<hbm>>
        tpu.enqueue_dma source(%arg13 : memref<448xf32, #tpu.memory_space<vmem>>) target(%dma_start3A_267 : memref<448xf32, #tpu.memory_space<hbm>>) target_semaphore(%run_scoped3A : memref<!tpu.dma_semaphore, #tpu.memory_space<semaphore_mem>>)
        %dma_wait3A_268 = arith.constant 0 : i32
        %dma_wait3A_269 = tpu.memref_slice %arg6[%add3A_158, %dma_wait3A_268] : memref<4096x448xf32, #tpu.memory_space<hbm>> -> memref<1x448xf32, #tpu.memory_space<hbm>>
        %dma_wait3A_270 = tpu.memref_squeeze %dma_wait3A_269 : memref<1x448xf32, #tpu.memory_space<hbm>> -> memref<448xf32, #tpu.memory_space<hbm>>
        %dma_wait3A_271 = arith.constant 0 : i32
        %dma_wait3A_272 = tpu.memref_slice %arg6[%add3A_158, %dma_wait3A_271] : memref<4096x448xf32, #tpu.memory_space<hbm>> -> memref<1x448xf32, #tpu.memory_space<hbm>>
        %dma_wait3A_273 = tpu.memref_squeeze %dma_wait3A_272 : memref<1x448xf32, #tpu.memory_space<hbm>> -> memref<448xf32, #tpu.memory_space<hbm>>
        tpu.wait_dma2 semaphore(%run_scoped3A : memref<!tpu.dma_semaphore, #tpu.memory_space<semaphore_mem>>) src(%arg13 : memref<448xf32, #tpu.memory_space<vmem>>) dst(%dma_wait3A_273 : memref<448xf32, #tpu.memory_space<hbm>>)
        tpu.yield
      }) : () -> ()
      %mul3A_159 = arith.constant 2 : i32
      %mul3A_160 = arith.muli %mul3A_159, %scan3A_60 : i32
      %add3A_161 = arith.constant 1 : i32
      %add3A_162 = arith.addi %mul3A_160, %add3A_161 : i32
      %add3A_163 = arith.constant 1 : i32
      %add3A_164 = arith.addi %add3A_162, %add3A_163 : i32
      %lt3A_165 = arith.constant 128 : i32
      %lt3A_166 = arith.cmpi slt, %add3A_164, %lt3A_165 : i32
      %convert_element_type3A_167 = arith.extui %lt3A_166 : i1 to i32
      %cond3A_168 = arith.constant 0 : i32
      %cond3A_169 = arith.cmpi ne, %convert_element_type3A_167, %cond3A_168 : i32
      scf.if %cond3A_169 {
        %dma_start3A_262 = arith.constant 0 : i32
        %dma_start3A_263 = arith.constant 0 : i32
        %dma_start3A_264 = arith.constant 0 : i32
        %dma_start3A_265 = tpu.memref_slice %arg10[%dma_start3A_262, %dma_start3A_263, %dma_start3A_264] : memref<4x112x32xf32, #tpu.memory_space<vmem>> -> memref<1x112x32xf32, #tpu.memory_space<vmem>>
        %dma_start3A_266 = tpu.memref_squeeze %dma_start3A_265 : memref<1x112x32xf32, #tpu.memory_space<vmem>> -> memref<112x32xf32, #tpu.memory_space<vmem>>
        %dma_start3A_267 = arith.constant 0 : i32
        %dma_start3A_268 = tpu.memref_slice %arg9[%add3A_164, %dma_start3A_267] : memref<128x448xi32, #tpu.memory_space<vmem>> -> memref<1x112xi32, #tpu.memory_space<vmem>>
        %dma_start3A_269 = tpu.memref_squeeze %dma_start3A_268 : memref<1x112xi32, #tpu.memory_space<vmem>> -> memref<112xi32, #tpu.memory_space<vmem>>
        %dma_start3A_270 = arith.constant 0 : i32
        %dma_start3A_271 = arith.constant 0 : i32
        %dma_start3A_272 = tpu.memref_slice %arg5[%dma_start3A_270, %dma_start3A_271] : memref<1000000x32xf32, #tpu.memory_space<hbm>> -> memref<1000000x32xf32, #tpu.memory_space<hbm>>
        tpu.enqueue_indirect_dma source(%dma_start3A_272 : memref<1000000x32xf32, #tpu.memory_space<hbm>>) target(%dma_start3A_266 : memref<112x32xf32, #tpu.memory_space<vmem>>) offsets(%dma_start3A_269 : memref<112xi32, #tpu.memory_space<vmem>>) semaphore(%arg16 : memref<!tpu.dma_semaphore, #tpu.memory_space<semaphore_mem>>)
        %dma_start3A_273 = arith.constant 1 : i32
        %dma_start3A_274 = arith.constant 0 : i32
        %dma_start3A_275 = arith.constant 0 : i32
        %dma_start3A_276 = tpu.memref_slice %arg10[%dma_start3A_273, %dma_start3A_274, %dma_start3A_275] : memref<4x112x32xf32, #tpu.memory_space<vmem>> -> memref<1x112x32xf32, #tpu.memory_space<vmem>>
        %dma_start3A_277 = tpu.memref_squeeze %dma_start3A_276 : memref<1x112x32xf32, #tpu.memory_space<vmem>> -> memref<112x32xf32, #tpu.memory_space<vmem>>
        %dma_start3A_278 = arith.constant 112 : i32
        %dma_start3A_279 = tpu.memref_slice %arg9[%add3A_164, %dma_start3A_278] : memref<128x448xi32, #tpu.memory_space<vmem>> -> memref<1x112xi32, #tpu.memory_space<vmem>>
        %dma_start3A_280 = tpu.memref_squeeze %dma_start3A_279 : memref<1x112xi32, #tpu.memory_space<vmem>> -> memref<112xi32, #tpu.memory_space<vmem>>
        %dma_start3A_281 = arith.constant 0 : i32
        %dma_start3A_282 = arith.constant 0 : i32
        %dma_start3A_283 = tpu.memref_slice %arg5[%dma_start3A_281, %dma_start3A_282] : memref<1000000x32xf32, #tpu.memory_space<hbm>> -> memref<1000000x32xf32, #tpu.memory_space<hbm>>
        tpu.enqueue_indirect_dma source(%dma_start3A_283 : memref<1000000x32xf32, #tpu.memory_space<hbm>>) target(%dma_start3A_277 : memref<112x32xf32, #tpu.memory_space<vmem>>) offsets(%dma_start3A_280 : memref<112xi32, #tpu.memory_space<vmem>>) semaphore(%arg16 : memref<!tpu.dma_semaphore, #tpu.memory_space<semaphore_mem>>)
        %dma_start3A_284 = arith.constant 2 : i32
        %dma_start3A_285 = arith.constant 0 : i32
        %dma_start3A_286 = arith.constant 0 : i32
        %dma_start3A_287 = tpu.memref_slice %arg10[%dma_start3A_284, %dma_start3A_285, %dma_start3A_286] : memref<4x112x32xf32, #tpu.memory_space<vmem>> -> memref<1x112x32xf32, #tpu.memory_space<vmem>>
        %dma_start3A_288 = tpu.memref_squeeze %dma_start3A_287 : memref<1x112x32xf32, #tpu.memory_space<vmem>> -> memref<112x32xf32, #tpu.memory_space<vmem>>
        %dma_start3A_289 = arith.constant 224 : i32
        %dma_start3A_290 = tpu.memref_slice %arg9[%add3A_164, %dma_start3A_289] : memref<128x448xi32, #tpu.memory_space<vmem>> -> memref<1x112xi32, #tpu.memory_space<vmem>>
        %dma_start3A_291 = tpu.memref_squeeze %dma_start3A_290 : memref<1x112xi32, #tpu.memory_space<vmem>> -> memref<112xi32, #tpu.memory_space<vmem>>
        %dma_start3A_292 = arith.constant 0 : i32
        %dma_start3A_293 = arith.constant 0 : i32
        %dma_start3A_294 = tpu.memref_slice %arg5[%dma_start3A_292, %dma_start3A_293] : memref<1000000x32xf32, #tpu.memory_space<hbm>> -> memref<1000000x32xf32, #tpu.memory_space<hbm>>
        tpu.enqueue_indirect_dma source(%dma_start3A_294 : memref<1000000x32xf32, #tpu.memory_space<hbm>>) target(%dma_start3A_288 : memref<112x32xf32, #tpu.memory_space<vmem>>) offsets(%dma_start3A_291 : memref<112xi32, #tpu.memory_space<vmem>>) semaphore(%arg16 : memref<!tpu.dma_semaphore, #tpu.memory_space<semaphore_mem>>)
        %dma_start3A_295 = arith.constant 3 : i32
        %dma_start3A_296 = arith.constant 0 : i32
        %dma_start3A_297 = arith.constant 0 : i32
        %dma_start3A_298 = tpu.memref_slice %arg10[%dma_start3A_295, %dma_start3A_296, %dma_start3A_297] : memref<4x112x32xf32, #tpu.memory_space<vmem>> -> memref<1x112x32xf32, #tpu.memory_space<vmem>>
        %dma_start3A_299 = tpu.memref_squeeze %dma_start3A_298 : memref<1x112x32xf32, #tpu.memory_space<vmem>> -> memref<112x32xf32, #tpu.memory_space<vmem>>
        %dma_start3A_300 = arith.constant 336 : i32
        %dma_start3A_301 = tpu.memref_slice %arg9[%add3A_164, %dma_start3A_300] : memref<128x448xi32, #tpu.memory_space<vmem>> -> memref<1x112xi32, #tpu.memory_space<vmem>>
        %dma_start3A_302 = tpu.memref_squeeze %dma_start3A_301 : memref<1x112xi32, #tpu.memory_space<vmem>> -> memref<112xi32, #tpu.memory_space<vmem>>
        %dma_start3A_303 = arith.constant 0 : i32
        %dma_start3A_304 = arith.constant 0 : i32
        %dma_start3A_305 = tpu.memref_slice %arg5[%dma_start3A_303, %dma_start3A_304] : memref<1000000x32xf32, #tpu.memory_space<hbm>> -> memref<1000000x32xf32, #tpu.memory_space<hbm>>
        tpu.enqueue_indirect_dma source(%dma_start3A_305 : memref<1000000x32xf32, #tpu.memory_space<hbm>>) target(%dma_start3A_299 : memref<112x32xf32, #tpu.memory_space<vmem>>) offsets(%dma_start3A_302 : memref<112xi32, #tpu.memory_space<vmem>>) semaphore(%arg16 : memref<!tpu.dma_semaphore, #tpu.memory_space<semaphore_mem>>)
      } else {
      }
      %dma_wait3A_170 = arith.constant 0 : i32
      %dma_wait3A_171 = arith.constant 0 : i32
      %dma_wait3A_172 = arith.constant 0 : i32
      %dma_wait3A_173 = tpu.memref_slice %arg11[%dma_wait3A_170, %dma_wait3A_171, %dma_wait3A_172] : memref<4x112x32xf32, #tpu.memory_space<vmem>> -> memref<1x112x32xf32, #tpu.memory_space<vmem>>
      %dma_wait3A_174 = tpu.memref_squeeze %dma_wait3A_173 : memref<1x112x32xf32, #tpu.memory_space<vmem>> -> memref<112x32xf32, #tpu.memory_space<vmem>>
      %dma_wait3A_175 = arith.constant 0 : i32
      %dma_wait3A_176 = arith.constant 0 : i32
      %dma_wait3A_177 = tpu.memref_slice %arg5[%dma_wait3A_175, %dma_wait3A_176] : memref<1000000x32xf32, #tpu.memory_space<hbm>> -> memref<112x32xf32, #tpu.memory_space<hbm>>
      %dma_wait3A_178 = arith.constant 0 : i32
      %dma_wait3A_179 = arith.constant 0 : i32
      %dma_wait3A_180 = tpu.memref_slice %arg11[%dma_wait3A_170, %dma_wait3A_178, %dma_wait3A_179] : memref<4x112x32xf32, #tpu.memory_space<vmem>> -> memref<1x112x32xf32, #tpu.memory_space<vmem>>
      %dma_wait3A_181 = tpu.memref_squeeze %dma_wait3A_180 : memref<1x112x32xf32, #tpu.memory_space<vmem>> -> memref<112x32xf32, #tpu.memory_space<vmem>>
      %dma_wait3A_182 = arith.constant 0 : i32
      %dma_wait3A_183 = arith.constant 0 : i32
      %dma_wait3A_184 = tpu.memref_slice %arg5[%dma_wait3A_182, %dma_wait3A_183] : memref<1000000x32xf32, #tpu.memory_space<hbm>> -> memref<112x32xf32, #tpu.memory_space<hbm>>
      tpu.wait_dma2 semaphore(%arg17 : memref<!tpu.dma_semaphore, #tpu.memory_space<semaphore_mem>>) src(%dma_wait3A_184 : memref<112x32xf32, #tpu.memory_space<hbm>>) dst(%dma_wait3A_181 : memref<112x32xf32, #tpu.memory_space<vmem>>)
      %dma_wait3A_185 = arith.constant 1 : i32
      %dma_wait3A_186 = arith.constant 0 : i32
      %dma_wait3A_187 = arith.constant 0 : i32
      %dma_wait3A_188 = tpu.memref_slice %arg11[%dma_wait3A_185, %dma_wait3A_186, %dma_wait3A_187] : memref<4x112x32xf32, #tpu.memory_space<vmem>> -> memref<1x112x32xf32, #tpu.memory_space<vmem>>
      %dma_wait3A_189 = tpu.memref_squeeze %dma_wait3A_188 : memref<1x112x32xf32, #tpu.memory_space<vmem>> -> memref<112x32xf32, #tpu.memory_space<vmem>>
      %dma_wait3A_190 = arith.constant 0 : i32
      %dma_wait3A_191 = arith.constant 0 : i32
      %dma_wait3A_192 = tpu.memref_slice %arg5[%dma_wait3A_190, %dma_wait3A_191] : memref<1000000x32xf32, #tpu.memory_space<hbm>> -> memref<112x32xf32, #tpu.memory_space<hbm>>
      %dma_wait3A_193 = arith.constant 0 : i32
      %dma_wait3A_194 = arith.constant 0 : i32
      %dma_wait3A_195 = tpu.memref_slice %arg11[%dma_wait3A_185, %dma_wait3A_193, %dma_wait3A_194] : memref<4x112x32xf32, #tpu.memory_space<vmem>> -> memref<1x112x32xf32, #tpu.memory_space<vmem>>
      %dma_wait3A_196 = tpu.memref_squeeze %dma_wait3A_195 : memref<1x112x32xf32, #tpu.memory_space<vmem>> -> memref<112x32xf32, #tpu.memory_space<vmem>>
      %dma_wait3A_197 = arith.constant 0 : i32
      %dma_wait3A_198 = arith.constant 0 : i32
      %dma_wait3A_199 = tpu.memref_slice %arg5[%dma_wait3A_197, %dma_wait3A_198] : memref<1000000x32xf32, #tpu.memory_space<hbm>> -> memref<112x32xf32, #tpu.memory_space<hbm>>
      tpu.wait_dma2 semaphore(%arg17 : memref<!tpu.dma_semaphore, #tpu.memory_space<semaphore_mem>>) src(%dma_wait3A_199 : memref<112x32xf32, #tpu.memory_space<hbm>>) dst(%dma_wait3A_196 : memref<112x32xf32, #tpu.memory_space<vmem>>)
      %dma_wait3A_200 = arith.constant 2 : i32
      %dma_wait3A_201 = arith.constant 0 : i32
      %dma_wait3A_202 = arith.constant 0 : i32
      %dma_wait3A_203 = tpu.memref_slice %arg11[%dma_wait3A_200, %dma_wait3A_201, %dma_wait3A_202] : memref<4x112x32xf32, #tpu.memory_space<vmem>> -> memref<1x112x32xf32, #tpu.memory_space<vmem>>
      %dma_wait3A_204 = tpu.memref_squeeze %dma_wait3A_203 : memref<1x112x32xf32, #tpu.memory_space<vmem>> -> memref<112x32xf32, #tpu.memory_space<vmem>>
      %dma_wait3A_205 = arith.constant 0 : i32
      %dma_wait3A_206 = arith.constant 0 : i32
      %dma_wait3A_207 = tpu.memref_slice %arg5[%dma_wait3A_205, %dma_wait3A_206] : memref<1000000x32xf32, #tpu.memory_space<hbm>> -> memref<112x32xf32, #tpu.memory_space<hbm>>
      %dma_wait3A_208 = arith.constant 0 : i32
      %dma_wait3A_209 = arith.constant 0 : i32
      %dma_wait3A_210 = tpu.memref_slice %arg11[%dma_wait3A_200, %dma_wait3A_208, %dma_wait3A_209] : memref<4x112x32xf32, #tpu.memory_space<vmem>> -> memref<1x112x32xf32, #tpu.memory_space<vmem>>
      %dma_wait3A_211 = tpu.memref_squeeze %dma_wait3A_210 : memref<1x112x32xf32, #tpu.memory_space<vmem>> -> memref<112x32xf32, #tpu.memory_space<vmem>>
      %dma_wait3A_212 = arith.constant 0 : i32
      %dma_wait3A_213 = arith.constant 0 : i32
      %dma_wait3A_214 = tpu.memref_slice %arg5[%dma_wait3A_212, %dma_wait3A_213] : memref<1000000x32xf32, #tpu.memory_space<hbm>> -> memref<112x32xf32, #tpu.memory_space<hbm>>
      tpu.wait_dma2 semaphore(%arg17 : memref<!tpu.dma_semaphore, #tpu.memory_space<semaphore_mem>>) src(%dma_wait3A_214 : memref<112x32xf32, #tpu.memory_space<hbm>>) dst(%dma_wait3A_211 : memref<112x32xf32, #tpu.memory_space<vmem>>)
      %dma_wait3A_215 = arith.constant 3 : i32
      %dma_wait3A_216 = arith.constant 0 : i32
      %dma_wait3A_217 = arith.constant 0 : i32
      %dma_wait3A_218 = tpu.memref_slice %arg11[%dma_wait3A_215, %dma_wait3A_216, %dma_wait3A_217] : memref<4x112x32xf32, #tpu.memory_space<vmem>> -> memref<1x112x32xf32, #tpu.memory_space<vmem>>
      %dma_wait3A_219 = tpu.memref_squeeze %dma_wait3A_218 : memref<1x112x32xf32, #tpu.memory_space<vmem>> -> memref<112x32xf32, #tpu.memory_space<vmem>>
      %dma_wait3A_220 = arith.constant 0 : i32
      %dma_wait3A_221 = arith.constant 0 : i32
      %dma_wait3A_222 = tpu.memref_slice %arg5[%dma_wait3A_220, %dma_wait3A_221] : memref<1000000x32xf32, #tpu.memory_space<hbm>> -> memref<112x32xf32, #tpu.memory_space<hbm>>
      %dma_wait3A_223 = arith.constant 0 : i32
      %dma_wait3A_224 = arith.constant 0 : i32
      %dma_wait3A_225 = tpu.memref_slice %arg11[%dma_wait3A_215, %dma_wait3A_223, %dma_wait3A_224] : memref<4x112x32xf32, #tpu.memory_space<vmem>> -> memref<1x112x32xf32, #tpu.memory_space<vmem>>
      %dma_wait3A_226 = tpu.memref_squeeze %dma_wait3A_225 : memref<1x112x32xf32, #tpu.memory_space<vmem>> -> memref<112x32xf32, #tpu.memory_space<vmem>>
      %dma_wait3A_227 = arith.constant 0 : i32
      %dma_wait3A_228 = arith.constant 0 : i32
      %dma_wait3A_229 = tpu.memref_slice %arg5[%dma_wait3A_227, %dma_wait3A_228] : memref<1000000x32xf32, #tpu.memory_space<hbm>> -> memref<112x32xf32, #tpu.memory_space<hbm>>
      tpu.wait_dma2 semaphore(%arg17 : memref<!tpu.dma_semaphore, #tpu.memory_space<semaphore_mem>>) src(%dma_wait3A_229 : memref<112x32xf32, #tpu.memory_space<hbm>>) dst(%dma_wait3A_226 : memref<112x32xf32, #tpu.memory_space<vmem>>)
      %get3A_230 = arith.index_cast %add3A_162 : i32 to index
      %get3A_231 = arith.constant 0 : index
      %get3A_232 = tpu.vector_load %arg8[%get3A_230, %get3A_231] {strides = array<i32>} : memref<128x32xf32, #tpu.memory_space<vmem>>, vector<16xf32>,
      %get3A_233 = arith.index_cast %add3A_162 : i32 to index
      %get3A_234 = arith.constant 16 : index
      %get3A_235 = tpu.vector_load %arg8[%get3A_233, %get3A_234] {strides = array<i32>} : memref<128x32xf32, #tpu.memory_space<vmem>>, vector<16xf32>,
      %iota3A_236 = tpu.iota {dimensions = array<i32: 0>} : vector<16xi32>
      %scan3A_237 = arith.constant 0 : i32
      %scan3A_238 = arith.constant 0 : i32
      %scan3A_239 = arith.constant 7 : i32
      %scan3A_240 = arith.addi %scan3A_238, %scan3A_239 : i32
      %scan3A_241 = arith.constant 1 : i32
      scf.for %scan3A_262 = %scan3A_238 to %scan3A_240 step %scan3A_241  : i32 {
        %mul3A_263 = arith.constant 16 : i32
        %mul3A_264 = arith.muli %scan3A_262, %mul3A_263 : i32
        %add3A_265 = arith.constant 0 : i32
        %add3A_266 = arith.addi %mul3A_264, %add3A_265 : i32
        %get3A_267 = arith.constant 0 : i32
        %get3A_268 = arith.index_cast %get3A_267 : i32 to index
        %get3A_269 = arith.index_cast %add3A_266 : i32 to index
        %get3A_270 = arith.constant 0 : index
        %get3A_271 = tpu.vector_load %arg11[%get3A_268, %get3A_269, %get3A_270] {strides = array<i32>} : memref<4x112x32xf32, #tpu.memory_space<vmem>>, vector<16xf32>,
        %add3A_272 = arith.constant 0 : i32
        %add3A_273 = arith.addi %mul3A_264, %add3A_272 : i32
        %get3A_274 = arith.constant 0 : i32
        %get3A_275 = arith.index_cast %get3A_274 : i32 to index
        %get3A_276 = arith.index_cast %add3A_273 : i32 to index
        %get3A_277 = arith.constant 16 : index
        %get3A_278 = tpu.vector_load %arg11[%get3A_275, %get3A_276, %get3A_277] {strides = array<i32>} : memref<4x112x32xf32, #tpu.memory_space<vmem>>, vector<16xf32>,
        %mul3A_279 = arith.mulf %get3A_271, %get3A_232 : vector<16xf32>
        %mul3A_280 = arith.mulf %get3A_278, %get3A_235 : vector<16xf32>
        %add3A_281 = arith.addf %mul3A_279, %mul3A_280 : vector<16xf32>
        %swap3A = arith.constant 0 : i32
        %swap3A_282 = arith.index_cast %swap3A : i32 to index
        %swap3A_283 = arith.constant 0 : index
        %swap3A_284 = tpu.vector_load %arg12[%swap3A_282, %swap3A_283] {strides = array<i32>} : memref<16x17xf32, #tpu.memory_space<vmem>>, vector<16xf32>,
        tpu.vector_store %arg12[%swap3A_282, %swap3A_283], %add3A_281 {strides = array<i32>} : memref<16x17xf32, #tpu.memory_space<vmem>>, vector<16xf32>,
        %add3A_285 = arith.constant 1 : i32
        %add3A_286 = arith.addi %mul3A_264, %add3A_285 : i32
        %get3A_287 = arith.constant 0 : i32
        %get3A_288 = arith.index_cast %get3A_287 : i32 to index
        %get3A_289 = arith.index_cast %add3A_286 : i32 to index
        %get3A_290 = arith.constant 0 : index
        %get3A_291 = tpu.vector_load %arg11[%get3A_288, %get3A_289, %get3A_290] {strides = array<i32>} : memref<4x112x32xf32, #tpu.memory_space<vmem>>, vector<16xf32>,
        %add3A_292 = arith.constant 1 : i32
        %add3A_293 = arith.addi %mul3A_264, %add3A_292 : i32
        %get3A_294 = arith.constant 0 : i32
        %get3A_295 = arith.index_cast %get3A_294 : i32 to index
        %get3A_296 = arith.index_cast %add3A_293 : i32 to index
        %get3A_297 = arith.constant 16 : index
        %get3A_298 = tpu.vector_load %arg11[%get3A_295, %get3A_296, %get3A_297] {strides = array<i32>} : memref<4x112x32xf32, #tpu.memory_space<vmem>>, vector<16xf32>,
        %mul3A_299 = arith.mulf %get3A_291, %get3A_232 : vector<16xf32>
        %mul3A_300 = arith.mulf %get3A_298, %get3A_235 : vector<16xf32>
        %add3A_301 = arith.addf %mul3A_299, %mul3A_300 : vector<16xf32>
        %swap3A_302 = arith.constant 1 : i32
        %swap3A_303 = arith.index_cast %swap3A_302 : i32 to index
        %swap3A_304 = arith.constant 0 : index
        %swap3A_305 = tpu.vector_load %arg12[%swap3A_303, %swap3A_304] {strides = array<i32>} : memref<16x17xf32, #tpu.memory_space<vmem>>, vector<16xf32>,
        tpu.vector_store %arg12[%swap3A_303, %swap3A_304], %add3A_301 {strides = array<i32>} : memref<16x17xf32, #tpu.memory_space<vmem>>, vector<16xf32>,
        %add3A_306 = arith.constant 2 : i32
        %add3A_307 = arith.addi %mul3A_264, %add3A_306 : i32
        %get3A_308 = arith.constant 0 : i32
        %get3A_309 = arith.index_cast %get3A_308 : i32 to index
        %get3A_310 = arith.index_cast %add3A_307 : i32 to index
        %get3A_311 = arith.constant 0 : index
        %get3A_312 = tpu.vector_load %arg11[%get3A_309, %get3A_310, %get3A_311] {strides = array<i32>} : memref<4x112x32xf32, #tpu.memory_space<vmem>>, vector<16xf32>,
        %add3A_313 = arith.constant 2 : i32
        %add3A_314 = arith.addi %mul3A_264, %add3A_313 : i32
        %get3A_315 = arith.constant 0 : i32
        %get3A_316 = arith.index_cast %get3A_315 : i32 to index
        %get3A_317 = arith.index_cast %add3A_314 : i32 to index
        %get3A_318 = arith.constant 16 : index
        %get3A_319 = tpu.vector_load %arg11[%get3A_316, %get3A_317, %get3A_318] {strides = array<i32>} : memref<4x112x32xf32, #tpu.memory_space<vmem>>, vector<16xf32>,
        %mul3A_320 = arith.mulf %get3A_312, %get3A_232 : vector<16xf32>
        %mul3A_321 = arith.mulf %get3A_319, %get3A_235 : vector<16xf32>
        %add3A_322 = arith.addf %mul3A_320, %mul3A_321 : vector<16xf32>
        %swap3A_323 = arith.constant 2 : i32
        %swap3A_324 = arith.index_cast %swap3A_323 : i32 to index
        %swap3A_325 = arith.constant 0 : index
        %swap3A_326 = tpu.vector_load %arg12[%swap3A_324, %swap3A_325] {strides = array<i32>} : memref<16x17xf32, #tpu.memory_space<vmem>>, vector<16xf32>,
        tpu.vector_store %arg12[%swap3A_324, %swap3A_325], %add3A_322 {strides = array<i32>} : memref<16x17xf32, #tpu.memory_space<vmem>>, vector<16xf32>,
        %add3A_327 = arith.constant 3 : i32
        %add3A_328 = arith.addi %mul3A_264, %add3A_327 : i32
        %get3A_329 = arith.constant 0 : i32
        %get3A_330 = arith.index_cast %get3A_329 : i32 to index
        %get3A_331 = arith.index_cast %add3A_328 : i32 to index
        %get3A_332 = arith.constant 0 : index
        %get3A_333 = tpu.vector_load %arg11[%get3A_330, %get3A_331, %get3A_332] {strides = array<i32>} : memref<4x112x32xf32, #tpu.memory_space<vmem>>, vector<16xf32>,
        %add3A_334 = arith.constant 3 : i32
        %add3A_335 = arith.addi %mul3A_264, %add3A_334 : i32
        %get3A_336 = arith.constant 0 : i32
        %get3A_337 = arith.index_cast %get3A_336 : i32 to index
        %get3A_338 = arith.index_cast %add3A_335 : i32 to index
        %get3A_339 = arith.constant 16 : index
        %get3A_340 = tpu.vector_load %arg11[%get3A_337, %get3A_338, %get3A_339] {strides = array<i32>} : memref<4x112x32xf32, #tpu.memory_space<vmem>>, vector<16xf32>,
        %mul3A_341 = arith.mulf %get3A_333, %get3A_232 : vector<16xf32>
        %mul3A_342 = arith.mulf %get3A_340, %get3A_235 : vector<16xf32>
        %add3A_343 = arith.addf %mul3A_341, %mul3A_342 : vector<16xf32>
        %swap3A_344 = arith.constant 3 : i32
        %swap3A_345 = arith.index_cast %swap3A_344 : i32 to index
        %swap3A_346 = arith.constant 0 : index
        %swap3A_347 = tpu.vector_load %arg12[%swap3A_345, %swap3A_346] {strides = array<i32>} : memref<16x17xf32, #tpu.memory_space<vmem>>, vector<16xf32>,
        tpu.vector_store %arg12[%swap3A_345, %swap3A_346], %add3A_343 {strides = array<i32>} : memref<16x17xf32, #tpu.memory_space<vmem>>, vector<16xf32>,
        %add3A_348 = arith.constant 4 : i32
        %add3A_349 = arith.addi %mul3A_264, %add3A_348 : i32
        %get3A_350 = arith.constant 0 : i32
        %get3A_351 = arith.index_cast %get3A_350 : i32 to index
        %get3A_352 = arith.index_cast %add3A_349 : i32 to index
        %get3A_353 = arith.constant 0 : index
        %get3A_354 = tpu.vector_load %arg11[%get3A_351, %get3A_352, %get3A_353] {strides = array<i32>} : memref<4x112x32xf32, #tpu.memory_space<vmem>>, vector<16xf32>,
        %add3A_355 = arith.constant 4 : i32
        %add3A_356 = arith.addi %mul3A_264, %add3A_355 : i32
        %get3A_357 = arith.constant 0 : i32
        %get3A_358 = arith.index_cast %get3A_357 : i32 to index
        %get3A_359 = arith.index_cast %add3A_356 : i32 to index
        %get3A_360 = arith.constant 16 : index
        %get3A_361 = tpu.vector_load %arg11[%get3A_358, %get3A_359, %get3A_360] {strides = array<i32>} : memref<4x112x32xf32, #tpu.memory_space<vmem>>, vector<16xf32>,
        %mul3A_362 = arith.mulf %get3A_354, %get3A_232 : vector<16xf32>
        %mul3A_363 = arith.mulf %get3A_361, %get3A_235 : vector<16xf32>
        %add3A_364 = arith.addf %mul3A_362, %mul3A_363 : vector<16xf32>
        %swap3A_365 = arith.constant 4 : i32
        %swap3A_366 = arith.index_cast %swap3A_365 : i32 to index
        %swap3A_367 = arith.constant 0 : index
        %swap3A_368 = tpu.vector_load %arg12[%swap3A_366, %swap3A_367] {strides = array<i32>} : memref<16x17xf32, #tpu.memory_space<vmem>>, vector<16xf32>,
        tpu.vector_store %arg12[%swap3A_366, %swap3A_367], %add3A_364 {strides = array<i32>} : memref<16x17xf32, #tpu.memory_space<vmem>>, vector<16xf32>,
        %add3A_369 = arith.constant 5 : i32
        %add3A_370 = arith.addi %mul3A_264, %add3A_369 : i32
        %get3A_371 = arith.constant 0 : i32
        %get3A_372 = arith.index_cast %get3A_371 : i32 to index
        %get3A_373 = arith.index_cast %add3A_370 : i32 to index
        %get3A_374 = arith.constant 0 : index
        %get3A_375 = tpu.vector_load %arg11[%get3A_372, %get3A_373, %get3A_374] {strides = array<i32>} : memref<4x112x32xf32, #tpu.memory_space<vmem>>, vector<16xf32>,
        %add3A_376 = arith.constant 5 : i32
        %add3A_377 = arith.addi %mul3A_264, %add3A_376 : i32
        %get3A_378 = arith.constant 0 : i32
        %get3A_379 = arith.index_cast %get3A_378 : i32 to index
        %get3A_380 = arith.index_cast %add3A_377 : i32 to index
        %get3A_381 = arith.constant 16 : index
        %get3A_382 = tpu.vector_load %arg11[%get3A_379, %get3A_380, %get3A_381] {strides = array<i32>} : memref<4x112x32xf32, #tpu.memory_space<vmem>>, vector<16xf32>,
        %mul3A_383 = arith.mulf %get3A_375, %get3A_232 : vector<16xf32>
        %mul3A_384 = arith.mulf %get3A_382, %get3A_235 : vector<16xf32>
        %add3A_385 = arith.addf %mul3A_383, %mul3A_384 : vector<16xf32>
        %swap3A_386 = arith.constant 5 : i32
        %swap3A_387 = arith.index_cast %swap3A_386 : i32 to index
        %swap3A_388 = arith.constant 0 : index
        %swap3A_389 = tpu.vector_load %arg12[%swap3A_387, %swap3A_388] {strides = array<i32>} : memref<16x17xf32, #tpu.memory_space<vmem>>, vector<16xf32>,
        tpu.vector_store %arg12[%swap3A_387, %swap3A_388], %add3A_385 {strides = array<i32>} : memref<16x17xf32, #tpu.memory_space<vmem>>, vector<16xf32>,
        %add3A_390 = arith.constant 6 : i32
        %add3A_391 = arith.addi %mul3A_264, %add3A_390 : i32
        %get3A_392 = arith.constant 0 : i32
        %get3A_393 = arith.index_cast %get3A_392 : i32 to index
        %get3A_394 = arith.index_cast %add3A_391 : i32 to index
        %get3A_395 = arith.constant 0 : index
        %get3A_396 = tpu.vector_load %arg11[%get3A_393, %get3A_394, %get3A_395] {strides = array<i32>} : memref<4x112x32xf32, #tpu.memory_space<vmem>>, vector<16xf32>,
        %add3A_397 = arith.constant 6 : i32
        %add3A_398 = arith.addi %mul3A_264, %add3A_397 : i32
        %get3A_399 = arith.constant 0 : i32
        %get3A_400 = arith.index_cast %get3A_399 : i32 to index
        %get3A_401 = arith.index_cast %add3A_398 : i32 to index
        %get3A_402 = arith.constant 16 : index
        %get3A_403 = tpu.vector_load %arg11[%get3A_400, %get3A_401, %get3A_402] {strides = array<i32>} : memref<4x112x32xf32, #tpu.memory_space<vmem>>, vector<16xf32>,
        %mul3A_404 = arith.mulf %get3A_396, %get3A_232 : vector<16xf32>
        %mul3A_405 = arith.mulf %get3A_403, %get3A_235 : vector<16xf32>
        %add3A_406 = arith.addf %mul3A_404, %mul3A_405 : vector<16xf32>
        %swap3A_407 = arith.constant 6 : i32
        %swap3A_408 = arith.index_cast %swap3A_407 : i32 to index
        %swap3A_409 = arith.constant 0 : index
        %swap3A_410 = tpu.vector_load %arg12[%swap3A_408, %swap3A_409] {strides = array<i32>} : memref<16x17xf32, #tpu.memory_space<vmem>>, vector<16xf32>,
        tpu.vector_store %arg12[%swap3A_408, %swap3A_409], %add3A_406 {strides = array<i32>} : memref<16x17xf32, #tpu.memory_space<vmem>>, vector<16xf32>,
        %add3A_411 = arith.constant 7 : i32
        %add3A_412 = arith.addi %mul3A_264, %add3A_411 : i32
        %get3A_413 = arith.constant 0 : i32
        %get3A_414 = arith.index_cast %get3A_413 : i32 to index
        %get3A_415 = arith.index_cast %add3A_412 : i32 to index
        %get3A_416 = arith.constant 0 : index
        %get3A_417 = tpu.vector_load %arg11[%get3A_414, %get3A_415, %get3A_416] {strides = array<i32>} : memref<4x112x32xf32, #tpu.memory_space<vmem>>, vector<16xf32>,
        %add3A_418 = arith.constant 7 : i32
        %add3A_419 = arith.addi %mul3A_264, %add3A_418 : i32
        %get3A_420 = arith.constant 0 : i32
        %get3A_421 = arith.index_cast %get3A_420 : i32 to index
        %get3A_422 = arith.index_cast %add3A_419 : i32 to index
        %get3A_423 = arith.constant 16 : index
        %get3A_424 = tpu.vector_load %arg11[%get3A_421, %get3A_422, %get3A_423] {strides = array<i32>} : memref<4x112x32xf32, #tpu.memory_space<vmem>>, vector<16xf32>,
        %mul3A_425 = arith.mulf %get3A_417, %get3A_232 : vector<16xf32>
        %mul3A_426 = arith.mulf %get3A_424, %get3A_235 : vector<16xf32>
        %add3A_427 = arith.addf %mul3A_425, %mul3A_426 : vector<16xf32>
        %swap3A_428 = arith.constant 7 : i32
        %swap3A_429 = arith.index_cast %swap3A_428 : i32 to index
        %swap3A_430 = arith.constant 0 : index
        %swap3A_431 = tpu.vector_load %arg12[%swap3A_429, %swap3A_430] {strides = array<i32>} : memref<16x17xf32, #tpu.memory_space<vmem>>, vector<16xf32>,
        tpu.vector_store %arg12[%swap3A_429, %swap3A_430], %add3A_427 {strides = array<i32>} : memref<16x17xf32, #tpu.memory_space<vmem>>, vector<16xf32>,
        %add3A_432 = arith.constant 8 : i32
        %add3A_433 = arith.addi %mul3A_264, %add3A_432 : i32
        %get3A_434 = arith.constant 0 : i32
        %get3A_435 = arith.index_cast %get3A_434 : i32 to index
        %get3A_436 = arith.index_cast %add3A_433 : i32 to index
        %get3A_437 = arith.constant 0 : index
        %get3A_438 = tpu.vector_load %arg11[%get3A_435, %get3A_436, %get3A_437] {strides = array<i32>} : memref<4x112x32xf32, #tpu.memory_space<vmem>>, vector<16xf32>,
        %add3A_439 = arith.constant 8 : i32
        %add3A_440 = arith.addi %mul3A_264, %add3A_439 : i32
        %get3A_441 = arith.constant 0 : i32
        %get3A_442 = arith.index_cast %get3A_441 : i32 to index
        %get3A_443 = arith.index_cast %add3A_440 : i32 to index
        %get3A_444 = arith.constant 16 : index
        %get3A_445 = tpu.vector_load %arg11[%get3A_442, %get3A_443, %get3A_444] {strides = array<i32>} : memref<4x112x32xf32, #tpu.memory_space<vmem>>, vector<16xf32>,
        %mul3A_446 = arith.mulf %get3A_438, %get3A_232 : vector<16xf32>
        %mul3A_447 = arith.mulf %get3A_445, %get3A_235 : vector<16xf32>
        %add3A_448 = arith.addf %mul3A_446, %mul3A_447 : vector<16xf32>
        %swap3A_449 = arith.constant 8 : i32
        %swap3A_450 = arith.index_cast %swap3A_449 : i32 to index
        %swap3A_451 = arith.constant 0 : index
        %swap3A_452 = tpu.vector_load %arg12[%swap3A_450, %swap3A_451] {strides = array<i32>} : memref<16x17xf32, #tpu.memory_space<vmem>>, vector<16xf32>,
        tpu.vector_store %arg12[%swap3A_450, %swap3A_451], %add3A_448 {strides = array<i32>} : memref<16x17xf32, #tpu.memory_space<vmem>>, vector<16xf32>,
        %add3A_453 = arith.constant 9 : i32
        %add3A_454 = arith.addi %mul3A_264, %add3A_453 : i32
        %get3A_455 = arith.constant 0 : i32
        %get3A_456 = arith.index_cast %get3A_455 : i32 to index
        %get3A_457 = arith.index_cast %add3A_454 : i32 to index
        %get3A_458 = arith.constant 0 : index
        %get3A_459 = tpu.vector_load %arg11[%get3A_456, %get3A_457, %get3A_458] {strides = array<i32>} : memref<4x112x32xf32, #tpu.memory_space<vmem>>, vector<16xf32>,
        %add3A_460 = arith.constant 9 : i32
        %add3A_461 = arith.addi %mul3A_264, %add3A_460 : i32
        %get3A_462 = arith.constant 0 : i32
        %get3A_463 = arith.index_cast %get3A_462 : i32 to index
        %get3A_464 = arith.index_cast %add3A_461 : i32 to index
        %get3A_465 = arith.constant 16 : index
        %get3A_466 = tpu.vector_load %arg11[%get3A_463, %get3A_464, %get3A_465] {strides = array<i32>} : memref<4x112x32xf32, #tpu.memory_space<vmem>>, vector<16xf32>,
        %mul3A_467 = arith.mulf %get3A_459, %get3A_232 : vector<16xf32>
        %mul3A_468 = arith.mulf %get3A_466, %get3A_235 : vector<16xf32>
        %add3A_469 = arith.addf %mul3A_467, %mul3A_468 : vector<16xf32>
        %swap3A_470 = arith.constant 9 : i32
        %swap3A_471 = arith.index_cast %swap3A_470 : i32 to index
        %swap3A_472 = arith.constant 0 : index
        %swap3A_473 = tpu.vector_load %arg12[%swap3A_471, %swap3A_472] {strides = array<i32>} : memref<16x17xf32, #tpu.memory_space<vmem>>, vector<16xf32>,
        tpu.vector_store %arg12[%swap3A_471, %swap3A_472], %add3A_469 {strides = array<i32>} : memref<16x17xf32, #tpu.memory_space<vmem>>, vector<16xf32>,
        %add3A_474 = arith.constant 10 : i32
        %add3A_475 = arith.addi %mul3A_264, %add3A_474 : i32
        %get3A_476 = arith.constant 0 : i32
        %get3A_477 = arith.index_cast %get3A_476 : i32 to index
        %get3A_478 = arith.index_cast %add3A_475 : i32 to index
        %get3A_479 = arith.constant 0 : index
        %get3A_480 = tpu.vector_load %arg11[%get3A_477, %get3A_478, %get3A_479] {strides = array<i32>} : memref<4x112x32xf32, #tpu.memory_space<vmem>>, vector<16xf32>,
        %add3A_481 = arith.constant 10 : i32
        %add3A_482 = arith.addi %mul3A_264, %add3A_481 : i32
        %get3A_483 = arith.constant 0 : i32
        %get3A_484 = arith.index_cast %get3A_483 : i32 to index
        %get3A_485 = arith.index_cast %add3A_482 : i32 to index
        %get3A_486 = arith.constant 16 : index
        %get3A_487 = tpu.vector_load %arg11[%get3A_484, %get3A_485, %get3A_486] {strides = array<i32>} : memref<4x112x32xf32, #tpu.memory_space<vmem>>, vector<16xf32>,
        %mul3A_488 = arith.mulf %get3A_480, %get3A_232 : vector<16xf32>
        %mul3A_489 = arith.mulf %get3A_487, %get3A_235 : vector<16xf32>
        %add3A_490 = arith.addf %mul3A_488, %mul3A_489 : vector<16xf32>
        %swap3A_491 = arith.constant 10 : i32
        %swap3A_492 = arith.index_cast %swap3A_491 : i32 to index
        %swap3A_493 = arith.constant 0 : index
        %swap3A_494 = tpu.vector_load %arg12[%swap3A_492, %swap3A_493] {strides = array<i32>} : memref<16x17xf32, #tpu.memory_space<vmem>>, vector<16xf32>,
        tpu.vector_store %arg12[%swap3A_492, %swap3A_493], %add3A_490 {strides = array<i32>} : memref<16x17xf32, #tpu.memory_space<vmem>>, vector<16xf32>,
        %add3A_495 = arith.constant 11 : i32
        %add3A_496 = arith.addi %mul3A_264, %add3A_495 : i32
        %get3A_497 = arith.constant 0 : i32
        %get3A_498 = arith.index_cast %get3A_497 : i32 to index
        %get3A_499 = arith.index_cast %add3A_496 : i32 to index
        %get3A_500 = arith.constant 0 : index
        %get3A_501 = tpu.vector_load %arg11[%get3A_498, %get3A_499, %get3A_500] {strides = array<i32>} : memref<4x112x32xf32, #tpu.memory_space<vmem>>, vector<16xf32>,
        %add3A_502 = arith.constant 11 : i32
        %add3A_503 = arith.addi %mul3A_264, %add3A_502 : i32
        %get3A_504 = arith.constant 0 : i32
        %get3A_505 = arith.index_cast %get3A_504 : i32 to index
        %get3A_506 = arith.index_cast %add3A_503 : i32 to index
        %get3A_507 = arith.constant 16 : index
        %get3A_508 = tpu.vector_load %arg11[%get3A_505, %get3A_506, %get3A_507] {strides = array<i32>} : memref<4x112x32xf32, #tpu.memory_space<vmem>>, vector<16xf32>,
        %mul3A_509 = arith.mulf %get3A_501, %get3A_232 : vector<16xf32>
        %mul3A_510 = arith.mulf %get3A_508, %get3A_235 : vector<16xf32>
        %add3A_511 = arith.addf %mul3A_509, %mul3A_510 : vector<16xf32>
        %swap3A_512 = arith.constant 11 : i32
        %swap3A_513 = arith.index_cast %swap3A_512 : i32 to index
        %swap3A_514 = arith.constant 0 : index
        %swap3A_515 = tpu.vector_load %arg12[%swap3A_513, %swap3A_514] {strides = array<i32>} : memref<16x17xf32, #tpu.memory_space<vmem>>, vector<16xf32>,
        tpu.vector_store %arg12[%swap3A_513, %swap3A_514], %add3A_511 {strides = array<i32>} : memref<16x17xf32, #tpu.memory_space<vmem>>, vector<16xf32>,
        %add3A_516 = arith.constant 12 : i32
        %add3A_517 = arith.addi %mul3A_264, %add3A_516 : i32
        %get3A_518 = arith.constant 0 : i32
        %get3A_519 = arith.index_cast %get3A_518 : i32 to index
        %get3A_520 = arith.index_cast %add3A_517 : i32 to index
        %get3A_521 = arith.constant 0 : index
        %get3A_522 = tpu.vector_load %arg11[%get3A_519, %get3A_520, %get3A_521] {strides = array<i32>} : memref<4x112x32xf32, #tpu.memory_space<vmem>>, vector<16xf32>,
        %add3A_523 = arith.constant 12 : i32
        %add3A_524 = arith.addi %mul3A_264, %add3A_523 : i32
        %get3A_525 = arith.constant 0 : i32
        %get3A_526 = arith.index_cast %get3A_525 : i32 to index
        %get3A_527 = arith.index_cast %add3A_524 : i32 to index
        %get3A_528 = arith.constant 16 : index
        %get3A_529 = tpu.vector_load %arg11[%get3A_526, %get3A_527, %get3A_528] {strides = array<i32>} : memref<4x112x32xf32, #tpu.memory_space<vmem>>, vector<16xf32>,
        %mul3A_530 = arith.mulf %get3A_522, %get3A_232 : vector<16xf32>
        %mul3A_531 = arith.mulf %get3A_529, %get3A_235 : vector<16xf32>
        %add3A_532 = arith.addf %mul3A_530, %mul3A_531 : vector<16xf32>
        %swap3A_533 = arith.constant 12 : i32
        %swap3A_534 = arith.index_cast %swap3A_533 : i32 to index
        %swap3A_535 = arith.constant 0 : index
        %swap3A_536 = tpu.vector_load %arg12[%swap3A_534, %swap3A_535] {strides = array<i32>} : memref<16x17xf32, #tpu.memory_space<vmem>>, vector<16xf32>,
        tpu.vector_store %arg12[%swap3A_534, %swap3A_535], %add3A_532 {strides = array<i32>} : memref<16x17xf32, #tpu.memory_space<vmem>>, vector<16xf32>,
        %add3A_537 = arith.constant 13 : i32
        %add3A_538 = arith.addi %mul3A_264, %add3A_537 : i32
        %get3A_539 = arith.constant 0 : i32
        %get3A_540 = arith.index_cast %get3A_539 : i32 to index
        %get3A_541 = arith.index_cast %add3A_538 : i32 to index
        %get3A_542 = arith.constant 0 : index
        %get3A_543 = tpu.vector_load %arg11[%get3A_540, %get3A_541, %get3A_542] {strides = array<i32>} : memref<4x112x32xf32, #tpu.memory_space<vmem>>, vector<16xf32>,
        %add3A_544 = arith.constant 13 : i32
        %add3A_545 = arith.addi %mul3A_264, %add3A_544 : i32
        %get3A_546 = arith.constant 0 : i32
        %get3A_547 = arith.index_cast %get3A_546 : i32 to index
        %get3A_548 = arith.index_cast %add3A_545 : i32 to index
        %get3A_549 = arith.constant 16 : index
        %get3A_550 = tpu.vector_load %arg11[%get3A_547, %get3A_548, %get3A_549] {strides = array<i32>} : memref<4x112x32xf32, #tpu.memory_space<vmem>>, vector<16xf32>,
        %mul3A_551 = arith.mulf %get3A_543, %get3A_232 : vector<16xf32>
        %mul3A_552 = arith.mulf %get3A_550, %get3A_235 : vector<16xf32>
        %add3A_553 = arith.addf %mul3A_551, %mul3A_552 : vector<16xf32>
        %swap3A_554 = arith.constant 13 : i32
        %swap3A_555 = arith.index_cast %swap3A_554 : i32 to index
        %swap3A_556 = arith.constant 0 : index
        %swap3A_557 = tpu.vector_load %arg12[%swap3A_555, %swap3A_556] {strides = array<i32>} : memref<16x17xf32, #tpu.memory_space<vmem>>, vector<16xf32>,
        tpu.vector_store %arg12[%swap3A_555, %swap3A_556], %add3A_553 {strides = array<i32>} : memref<16x17xf32, #tpu.memory_space<vmem>>, vector<16xf32>,
        %add3A_558 = arith.constant 14 : i32
        %add3A_559 = arith.addi %mul3A_264, %add3A_558 : i32
        %get3A_560 = arith.constant 0 : i32
        %get3A_561 = arith.index_cast %get3A_560 : i32 to index
        %get3A_562 = arith.index_cast %add3A_559 : i32 to index
        %get3A_563 = arith.constant 0 : index
        %get3A_564 = tpu.vector_load %arg11[%get3A_561, %get3A_562, %get3A_563] {strides = array<i32>} : memref<4x112x32xf32, #tpu.memory_space<vmem>>, vector<16xf32>,
        %add3A_565 = arith.constant 14 : i32
        %add3A_566 = arith.addi %mul3A_264, %add3A_565 : i32
        %get3A_567 = arith.constant 0 : i32
        %get3A_568 = arith.index_cast %get3A_567 : i32 to index
        %get3A_569 = arith.index_cast %add3A_566 : i32 to index
        %get3A_570 = arith.constant 16 : index
        %get3A_571 = tpu.vector_load %arg11[%get3A_568, %get3A_569, %get3A_570] {strides = array<i32>} : memref<4x112x32xf32, #tpu.memory_space<vmem>>, vector<16xf32>,
        %mul3A_572 = arith.mulf %get3A_564, %get3A_232 : vector<16xf32>
        %mul3A_573 = arith.mulf %get3A_571, %get3A_235 : vector<16xf32>
        %add3A_574 = arith.addf %mul3A_572, %mul3A_573 : vector<16xf32>
        %swap3A_575 = arith.constant 14 : i32
        %swap3A_576 = arith.index_cast %swap3A_575 : i32 to index
        %swap3A_577 = arith.constant 0 : index
        %swap3A_578 = tpu.vector_load %arg12[%swap3A_576, %swap3A_577] {strides = array<i32>} : memref<16x17xf32, #tpu.memory_space<vmem>>, vector<16xf32>,
        tpu.vector_store %arg12[%swap3A_576, %swap3A_577], %add3A_574 {strides = array<i32>} : memref<16x17xf32, #tpu.memory_space<vmem>>, vector<16xf32>,
        %add3A_579 = arith.constant 15 : i32
        %add3A_580 = arith.addi %mul3A_264, %add3A_579 : i32
        %get3A_581 = arith.constant 0 : i32
        %get3A_582 = arith.index_cast %get3A_581 : i32 to index
        %get3A_583 = arith.index_cast %add3A_580 : i32 to index
        %get3A_584 = arith.constant 0 : index
        %get3A_585 = tpu.vector_load %arg11[%get3A_582, %get3A_583, %get3A_584] {strides = array<i32>} : memref<4x112x32xf32, #tpu.memory_space<vmem>>, vector<16xf32>,
        %add3A_586 = arith.constant 15 : i32
        %add3A_587 = arith.addi %mul3A_264, %add3A_586 : i32
        %get3A_588 = arith.constant 0 : i32
        %get3A_589 = arith.index_cast %get3A_588 : i32 to index
        %get3A_590 = arith.index_cast %add3A_587 : i32 to index
        %get3A_591 = arith.constant 16 : index
        %get3A_592 = tpu.vector_load %arg11[%get3A_589, %get3A_590, %get3A_591] {strides = array<i32>} : memref<4x112x32xf32, #tpu.memory_space<vmem>>, vector<16xf32>,
        %mul3A_593 = arith.mulf %get3A_585, %get3A_232 : vector<16xf32>
        %mul3A_594 = arith.mulf %get3A_592, %get3A_235 : vector<16xf32>
        %add3A_595 = arith.addf %mul3A_593, %mul3A_594 : vector<16xf32>
        %swap3A_596 = arith.constant 15 : i32
        %swap3A_597 = arith.index_cast %swap3A_596 : i32 to index
        %swap3A_598 = arith.constant 0 : index
        %swap3A_599 = tpu.vector_load %arg12[%swap3A_597, %swap3A_598] {strides = array<i32>} : memref<16x17xf32, #tpu.memory_space<vmem>>, vector<16xf32>,
        tpu.vector_store %arg12[%swap3A_597, %swap3A_598], %add3A_595 {strides = array<i32>} : memref<16x17xf32, #tpu.memory_space<vmem>>, vector<16xf32>,
        %broadcast_in_dim3A = arith.constant 0 : i32
        %broadcast_in_dim3A_600 = vector.broadcast %broadcast_in_dim3A : i32 to vector<16xi32>
        %gather3A = tpu.vector_load_idx %arg12[%iota3A_236, %broadcast_in_dim3A_600] : memref<16x17xf32, #tpu.memory_space<vmem>>[vector<16xi32>, vector<16xi32>], vector<16xf32>,
        %broadcast_in_dim3A_601 = arith.constant 1 : i32
        %broadcast_in_dim3A_602 = vector.broadcast %broadcast_in_dim3A_601 : i32 to vector<16xi32>
        %gather3A_603 = tpu.vector_load_idx %arg12[%iota3A_236, %broadcast_in_dim3A_602] : memref<16x17xf32, #tpu.memory_space<vmem>>[vector<16xi32>, vector<16xi32>], vector<16xf32>,
        %broadcast_in_dim3A_604 = arith.constant 2 : i32
        %broadcast_in_dim3A_605 = vector.broadcast %broadcast_in_dim3A_604 : i32 to vector<16xi32>
        %gather3A_606 = tpu.vector_load_idx %arg12[%iota3A_236, %broadcast_in_dim3A_605] : memref<16x17xf32, #tpu.memory_space<vmem>>[vector<16xi32>, vector<16xi32>], vector<16xf32>,
        %broadcast_in_dim3A_607 = arith.constant 3 : i32
        %broadcast_in_dim3A_608 = vector.broadcast %broadcast_in_dim3A_607 : i32 to vector<16xi32>
        %gather3A_609 = tpu.vector_load_idx %arg12[%iota3A_236, %broadcast_in_dim3A_608] : memref<16x17xf32, #tpu.memory_space<vmem>>[vector<16xi32>, vector<16xi32>], vector<16xf32>,
        %broadcast_in_dim3A_610 = arith.constant 4 : i32
        %broadcast_in_dim3A_611 = vector.broadcast %broadcast_in_dim3A_610 : i32 to vector<16xi32>
        %gather3A_612 = tpu.vector_load_idx %arg12[%iota3A_236, %broadcast_in_dim3A_611] : memref<16x17xf32, #tpu.memory_space<vmem>>[vector<16xi32>, vector<16xi32>], vector<16xf32>,
        %broadcast_in_dim3A_613 = arith.constant 5 : i32
        %broadcast_in_dim3A_614 = vector.broadcast %broadcast_in_dim3A_613 : i32 to vector<16xi32>
        %gather3A_615 = tpu.vector_load_idx %arg12[%iota3A_236, %broadcast_in_dim3A_614] : memref<16x17xf32, #tpu.memory_space<vmem>>[vector<16xi32>, vector<16xi32>], vector<16xf32>,
        %broadcast_in_dim3A_616 = arith.constant 6 : i32
        %broadcast_in_dim3A_617 = vector.broadcast %broadcast_in_dim3A_616 : i32 to vector<16xi32>
        %gather3A_618 = tpu.vector_load_idx %arg12[%iota3A_236, %broadcast_in_dim3A_617] : memref<16x17xf32, #tpu.memory_space<vmem>>[vector<16xi32>, vector<16xi32>], vector<16xf32>,
        %broadcast_in_dim3A_619 = arith.constant 7 : i32
        %broadcast_in_dim3A_620 = vector.broadcast %broadcast_in_dim3A_619 : i32 to vector<16xi32>
        %gather3A_621 = tpu.vector_load_idx %arg12[%iota3A_236, %broadcast_in_dim3A_620] : memref<16x17xf32, #tpu.memory_space<vmem>>[vector<16xi32>, vector<16xi32>], vector<16xf32>,
        %broadcast_in_dim3A_622 = arith.constant 8 : i32
        %broadcast_in_dim3A_623 = vector.broadcast %broadcast_in_dim3A_622 : i32 to vector<16xi32>
        %gather3A_624 = tpu.vector_load_idx %arg12[%iota3A_236, %broadcast_in_dim3A_623] : memref<16x17xf32, #tpu.memory_space<vmem>>[vector<16xi32>, vector<16xi32>], vector<16xf32>,
        %broadcast_in_dim3A_625 = arith.constant 9 : i32
        %broadcast_in_dim3A_626 = vector.broadcast %broadcast_in_dim3A_625 : i32 to vector<16xi32>
        %gather3A_627 = tpu.vector_load_idx %arg12[%iota3A_236, %broadcast_in_dim3A_626] : memref<16x17xf32, #tpu.memory_space<vmem>>[vector<16xi32>, vector<16xi32>], vector<16xf32>,
        %broadcast_in_dim3A_628 = arith.constant 10 : i32
        %broadcast_in_dim3A_629 = vector.broadcast %broadcast_in_dim3A_628 : i32 to vector<16xi32>
        %gather3A_630 = tpu.vector_load_idx %arg12[%iota3A_236, %broadcast_in_dim3A_629] : memref<16x17xf32, #tpu.memory_space<vmem>>[vector<16xi32>, vector<16xi32>], vector<16xf32>,
        %broadcast_in_dim3A_631 = arith.constant 11 : i32
        %broadcast_in_dim3A_632 = vector.broadcast %broadcast_in_dim3A_631 : i32 to vector<16xi32>
        %gather3A_633 = tpu.vector_load_idx %arg12[%iota3A_236, %broadcast_in_dim3A_632] : memref<16x17xf32, #tpu.memory_space<vmem>>[vector<16xi32>, vector<16xi32>], vector<16xf32>,
        %broadcast_in_dim3A_634 = arith.constant 12 : i32
        %broadcast_in_dim3A_635 = vector.broadcast %broadcast_in_dim3A_634 : i32 to vector<16xi32>
        %gather3A_636 = tpu.vector_load_idx %arg12[%iota3A_236, %broadcast_in_dim3A_635] : memref<16x17xf32, #tpu.memory_space<vmem>>[vector<16xi32>, vector<16xi32>], vector<16xf32>,
        %broadcast_in_dim3A_637 = arith.constant 13 : i32
        %broadcast_in_dim3A_638 = vector.broadcast %broadcast_in_dim3A_637 : i32 to vector<16xi32>
        %gather3A_639 = tpu.vector_load_idx %arg12[%iota3A_236, %broadcast_in_dim3A_638] : memref<16x17xf32, #tpu.memory_space<vmem>>[vector<16xi32>, vector<16xi32>], vector<16xf32>,
        %broadcast_in_dim3A_640 = arith.constant 14 : i32
        %broadcast_in_dim3A_641 = vector.broadcast %broadcast_in_dim3A_640 : i32 to vector<16xi32>
        %gather3A_642 = tpu.vector_load_idx %arg12[%iota3A_236, %broadcast_in_dim3A_641] : memref<16x17xf32, #tpu.memory_space<vmem>>[vector<16xi32>, vector<16xi32>], vector<16xf32>,
        %broadcast_in_dim3A_643 = arith.constant 15 : i32
        %broadcast_in_dim3A_644 = vector.broadcast %broadcast_in_dim3A_643 : i32 to vector<16xi32>
        %gather3A_645 = tpu.vector_load_idx %arg12[%iota3A_236, %broadcast_in_dim3A_644] : memref<16x17xf32, #tpu.memory_space<vmem>>[vector<16xi32>, vector<16xi32>], vector<16xf32>,
        %add3A_646 = arith.addf %gather3A, %gather3A_603 : vector<16xf32>
        %add3A_647 = arith.addf %gather3A_606, %gather3A_609 : vector<16xf32>
        %add3A_648 = arith.addf %gather3A_612, %gather3A_615 : vector<16xf32>
        %add3A_649 = arith.addf %gather3A_618, %gather3A_621 : vector<16xf32>
        %add3A_650 = arith.addf %gather3A_624, %gather3A_627 : vector<16xf32>
        %add3A_651 = arith.addf %gather3A_630, %gather3A_633 : vector<16xf32>
        %add3A_652 = arith.addf %gather3A_636, %gather3A_639 : vector<16xf32>
        %add3A_653 = arith.addf %gather3A_642, %gather3A_645 : vector<16xf32>
        %add3A_654 = arith.addf %add3A_646, %add3A_647 : vector<16xf32>
        %add3A_655 = arith.addf %add3A_648, %add3A_649 : vector<16xf32>
        %add3A_656 = arith.addf %add3A_650, %add3A_651 : vector<16xf32>
        %add3A_657 = arith.addf %add3A_652, %add3A_653 : vector<16xf32>
        %add3A_658 = arith.addf %add3A_654, %add3A_655 : vector<16xf32>
        %add3A_659 = arith.addf %add3A_656, %add3A_657 : vector<16xf32>
        %add3A_660 = arith.addf %add3A_658, %add3A_659 : vector<16xf32>
        %add3A_661 = arith.constant 0 : i32
        %add3A_662 = arith.addi %add3A_661, %mul3A_264 : i32
        %swap3A_663 = arith.index_cast %add3A_662 : i32 to index
        %swap3A_664 = tpu.vector_load %arg14[%swap3A_663] {strides = array<i32>} : memref<448xf32, #tpu.memory_space<vmem>>, vector<16xf32>,
        tpu.vector_store %arg14[%swap3A_663], %add3A_660 {strides = array<i32>} : memref<448xf32, #tpu.memory_space<vmem>>, vector<16xf32>,
      }
      %scan3A_242 = arith.constant 7 : i32
      %scan3A_243 = arith.constant 0 : i32
      %scan3A_244 = arith.constant 0 : i32
      %scan3A_245 = arith.constant 7 : i32
      %scan3A_246 = arith.addi %scan3A_244, %scan3A_245 : i32
      %scan3A_247 = arith.constant 1 : i32
      scf.for %scan3A_262 = %scan3A_244 to %scan3A_246 step %scan3A_247  : i32 {
        %mul3A_263 = arith.constant 16 : i32
        %mul3A_264 = arith.muli %scan3A_262, %mul3A_263 : i32
        %add3A_265 = arith.constant 0 : i32
        %add3A_266 = arith.addi %mul3A_264, %add3A_265 : i32
        %get3A_267 = arith.constant 1 : i32
        %get3A_268 = arith.index_cast %get3A_267 : i32 to index
        %get3A_269 = arith.index_cast %add3A_266 : i32 to index
        %get3A_270 = arith.constant 0 : index
        %get3A_271 = tpu.vector_load %arg11[%get3A_268, %get3A_269, %get3A_270] {strides = array<i32>} : memref<4x112x32xf32, #tpu.memory_space<vmem>>, vector<16xf32>,
        %add3A_272 = arith.constant 0 : i32
        %add3A_273 = arith.addi %mul3A_264, %add3A_272 : i32
        %get3A_274 = arith.constant 1 : i32
        %get3A_275 = arith.index_cast %get3A_274 : i32 to index
        %get3A_276 = arith.index_cast %add3A_273 : i32 to index
        %get3A_277 = arith.constant 16 : index
        %get3A_278 = tpu.vector_load %arg11[%get3A_275, %get3A_276, %get3A_277] {strides = array<i32>} : memref<4x112x32xf32, #tpu.memory_space<vmem>>, vector<16xf32>,
        %mul3A_279 = arith.mulf %get3A_271, %get3A_232 : vector<16xf32>
        %mul3A_280 = arith.mulf %get3A_278, %get3A_235 : vector<16xf32>
        %add3A_281 = arith.addf %mul3A_279, %mul3A_280 : vector<16xf32>
        %swap3A = arith.constant 0 : i32
        %swap3A_282 = arith.index_cast %swap3A : i32 to index
        %swap3A_283 = arith.constant 0 : index
        %swap3A_284 = tpu.vector_load %arg12[%swap3A_282, %swap3A_283] {strides = array<i32>} : memref<16x17xf32, #tpu.memory_space<vmem>>, vector<16xf32>,
        tpu.vector_store %arg12[%swap3A_282, %swap3A_283], %add3A_281 {strides = array<i32>} : memref<16x17xf32, #tpu.memory_space<vmem>>, vector<16xf32>,
        %add3A_285 = arith.constant 1 : i32
        %add3A_286 = arith.addi %mul3A_264, %add3A_285 : i32
        %get3A_287 = arith.constant 1 : i32
        %get3A_288 = arith.index_cast %get3A_287 : i32 to index
        %get3A_289 = arith.index_cast %add3A_286 : i32 to index
        %get3A_290 = arith.constant 0 : index
        %get3A_291 = tpu.vector_load %arg11[%get3A_288, %get3A_289, %get3A_290] {strides = array<i32>} : memref<4x112x32xf32, #tpu.memory_space<vmem>>, vector<16xf32>,
        %add3A_292 = arith.constant 1 : i32
        %add3A_293 = arith.addi %mul3A_264, %add3A_292 : i32
        %get3A_294 = arith.constant 1 : i32
        %get3A_295 = arith.index_cast %get3A_294 : i32 to index
        %get3A_296 = arith.index_cast %add3A_293 : i32 to index
        %get3A_297 = arith.constant 16 : index
        %get3A_298 = tpu.vector_load %arg11[%get3A_295, %get3A_296, %get3A_297] {strides = array<i32>} : memref<4x112x32xf32, #tpu.memory_space<vmem>>, vector<16xf32>,
        %mul3A_299 = arith.mulf %get3A_291, %get3A_232 : vector<16xf32>
        %mul3A_300 = arith.mulf %get3A_298, %get3A_235 : vector<16xf32>
        %add3A_301 = arith.addf %mul3A_299, %mul3A_300 : vector<16xf32>
        %swap3A_302 = arith.constant 1 : i32
        %swap3A_303 = arith.index_cast %swap3A_302 : i32 to index
        %swap3A_304 = arith.constant 0 : index
        %swap3A_305 = tpu.vector_load %arg12[%swap3A_303, %swap3A_304] {strides = array<i32>} : memref<16x17xf32, #tpu.memory_space<vmem>>, vector<16xf32>,
        tpu.vector_store %arg12[%swap3A_303, %swap3A_304], %add3A_301 {strides = array<i32>} : memref<16x17xf32, #tpu.memory_space<vmem>>, vector<16xf32>,
        %add3A_306 = arith.constant 2 : i32
        %add3A_307 = arith.addi %mul3A_264, %add3A_306 : i32
        %get3A_308 = arith.constant 1 : i32
        %get3A_309 = arith.index_cast %get3A_308 : i32 to index
        %get3A_310 = arith.index_cast %add3A_307 : i32 to index
        %get3A_311 = arith.constant 0 : index
        %get3A_312 = tpu.vector_load %arg11[%get3A_309, %get3A_310, %get3A_311] {strides = array<i32>} : memref<4x112x32xf32, #tpu.memory_space<vmem>>, vector<16xf32>,
        %add3A_313 = arith.constant 2 : i32
        %add3A_314 = arith.addi %mul3A_264, %add3A_313 : i32
        %get3A_315 = arith.constant 1 : i32
        %get3A_316 = arith.index_cast %get3A_315 : i32 to index
        %get3A_317 = arith.index_cast %add3A_314 : i32 to index
        %get3A_318 = arith.constant 16 : index
        %get3A_319 = tpu.vector_load %arg11[%get3A_316, %get3A_317, %get3A_318] {strides = array<i32>} : memref<4x112x32xf32, #tpu.memory_space<vmem>>, vector<16xf32>,
        %mul3A_320 = arith.mulf %get3A_312, %get3A_232 : vector<16xf32>
        %mul3A_321 = arith.mulf %get3A_319, %get3A_235 : vector<16xf32>
        %add3A_322 = arith.addf %mul3A_320, %mul3A_321 : vector<16xf32>
        %swap3A_323 = arith.constant 2 : i32
        %swap3A_324 = arith.index_cast %swap3A_323 : i32 to index
        %swap3A_325 = arith.constant 0 : index
        %swap3A_326 = tpu.vector_load %arg12[%swap3A_324, %swap3A_325] {strides = array<i32>} : memref<16x17xf32, #tpu.memory_space<vmem>>, vector<16xf32>,
        tpu.vector_store %arg12[%swap3A_324, %swap3A_325], %add3A_322 {strides = array<i32>} : memref<16x17xf32, #tpu.memory_space<vmem>>, vector<16xf32>,
        %add3A_327 = arith.constant 3 : i32
        %add3A_328 = arith.addi %mul3A_264, %add3A_327 : i32
        %get3A_329 = arith.constant 1 : i32
        %get3A_330 = arith.index_cast %get3A_329 : i32 to index
        %get3A_331 = arith.index_cast %add3A_328 : i32 to index
        %get3A_332 = arith.constant 0 : index
        %get3A_333 = tpu.vector_load %arg11[%get3A_330, %get3A_331, %get3A_332] {strides = array<i32>} : memref<4x112x32xf32, #tpu.memory_space<vmem>>, vector<16xf32>,
        %add3A_334 = arith.constant 3 : i32
        %add3A_335 = arith.addi %mul3A_264, %add3A_334 : i32
        %get3A_336 = arith.constant 1 : i32
        %get3A_337 = arith.index_cast %get3A_336 : i32 to index
        %get3A_338 = arith.index_cast %add3A_335 : i32 to index
        %get3A_339 = arith.constant 16 : index
        %get3A_340 = tpu.vector_load %arg11[%get3A_337, %get3A_338, %get3A_339] {strides = array<i32>} : memref<4x112x32xf32, #tpu.memory_space<vmem>>, vector<16xf32>,
        %mul3A_341 = arith.mulf %get3A_333, %get3A_232 : vector<16xf32>
        %mul3A_342 = arith.mulf %get3A_340, %get3A_235 : vector<16xf32>
        %add3A_343 = arith.addf %mul3A_341, %mul3A_342 : vector<16xf32>
        %swap3A_344 = arith.constant 3 : i32
        %swap3A_345 = arith.index_cast %swap3A_344 : i32 to index
        %swap3A_346 = arith.constant 0 : index
        %swap3A_347 = tpu.vector_load %arg12[%swap3A_345, %swap3A_346] {strides = array<i32>} : memref<16x17xf32, #tpu.memory_space<vmem>>, vector<16xf32>,
        tpu.vector_store %arg12[%swap3A_345, %swap3A_346], %add3A_343 {strides = array<i32>} : memref<16x17xf32, #tpu.memory_space<vmem>>, vector<16xf32>,
        %add3A_348 = arith.constant 4 : i32
        %add3A_349 = arith.addi %mul3A_264, %add3A_348 : i32
        %get3A_350 = arith.constant 1 : i32
        %get3A_351 = arith.index_cast %get3A_350 : i32 to index
        %get3A_352 = arith.index_cast %add3A_349 : i32 to index
        %get3A_353 = arith.constant 0 : index
        %get3A_354 = tpu.vector_load %arg11[%get3A_351, %get3A_352, %get3A_353] {strides = array<i32>} : memref<4x112x32xf32, #tpu.memory_space<vmem>>, vector<16xf32>,
        %add3A_355 = arith.constant 4 : i32
        %add3A_356 = arith.addi %mul3A_264, %add3A_355 : i32
        %get3A_357 = arith.constant 1 : i32
        %get3A_358 = arith.index_cast %get3A_357 : i32 to index
        %get3A_359 = arith.index_cast %add3A_356 : i32 to index
        %get3A_360 = arith.constant 16 : index
        %get3A_361 = tpu.vector_load %arg11[%get3A_358, %get3A_359, %get3A_360] {strides = array<i32>} : memref<4x112x32xf32, #tpu.memory_space<vmem>>, vector<16xf32>,
        %mul3A_362 = arith.mulf %get3A_354, %get3A_232 : vector<16xf32>
        %mul3A_363 = arith.mulf %get3A_361, %get3A_235 : vector<16xf32>
        %add3A_364 = arith.addf %mul3A_362, %mul3A_363 : vector<16xf32>
        %swap3A_365 = arith.constant 4 : i32
        %swap3A_366 = arith.index_cast %swap3A_365 : i32 to index
        %swap3A_367 = arith.constant 0 : index
        %swap3A_368 = tpu.vector_load %arg12[%swap3A_366, %swap3A_367] {strides = array<i32>} : memref<16x17xf32, #tpu.memory_space<vmem>>, vector<16xf32>,
        tpu.vector_store %arg12[%swap3A_366, %swap3A_367], %add3A_364 {strides = array<i32>} : memref<16x17xf32, #tpu.memory_space<vmem>>, vector<16xf32>,
        %add3A_369 = arith.constant 5 : i32
        %add3A_370 = arith.addi %mul3A_264, %add3A_369 : i32
        %get3A_371 = arith.constant 1 : i32
        %get3A_372 = arith.index_cast %get3A_371 : i32 to index
        %get3A_373 = arith.index_cast %add3A_370 : i32 to index
        %get3A_374 = arith.constant 0 : index
        %get3A_375 = tpu.vector_load %arg11[%get3A_372, %get3A_373, %get3A_374] {strides = array<i32>} : memref<4x112x32xf32, #tpu.memory_space<vmem>>, vector<16xf32>,
        %add3A_376 = arith.constant 5 : i32
        %add3A_377 = arith.addi %mul3A_264, %add3A_376 : i32
        %get3A_378 = arith.constant 1 : i32
        %get3A_379 = arith.index_cast %get3A_378 : i32 to index
        %get3A_380 = arith.index_cast %add3A_377 : i32 to index
        %get3A_381 = arith.constant 16 : index
        %get3A_382 = tpu.vector_load %arg11[%get3A_379, %get3A_380, %get3A_381] {strides = array<i32>} : memref<4x112x32xf32, #tpu.memory_space<vmem>>, vector<16xf32>,
        %mul3A_383 = arith.mulf %get3A_375, %get3A_232 : vector<16xf32>
        %mul3A_384 = arith.mulf %get3A_382, %get3A_235 : vector<16xf32>
        %add3A_385 = arith.addf %mul3A_383, %mul3A_384 : vector<16xf32>
        %swap3A_386 = arith.constant 5 : i32
        %swap3A_387 = arith.index_cast %swap3A_386 : i32 to index
        %swap3A_388 = arith.constant 0 : index
        %swap3A_389 = tpu.vector_load %arg12[%swap3A_387, %swap3A_388] {strides = array<i32>} : memref<16x17xf32, #tpu.memory_space<vmem>>, vector<16xf32>,
        tpu.vector_store %arg12[%swap3A_387, %swap3A_388], %add3A_385 {strides = array<i32>} : memref<16x17xf32, #tpu.memory_space<vmem>>, vector<16xf32>,
        %add3A_390 = arith.constant 6 : i32
        %add3A_391 = arith.addi %mul3A_264, %add3A_390 : i32
        %get3A_392 = arith.constant 1 : i32
        %get3A_393 = arith.index_cast %get3A_392 : i32 to index
        %get3A_394 = arith.index_cast %add3A_391 : i32 to index
        %get3A_395 = arith.constant 0 : index
        %get3A_396 = tpu.vector_load %arg11[%get3A_393, %get3A_394, %get3A_395] {strides = array<i32>} : memref<4x112x32xf32, #tpu.memory_space<vmem>>, vector<16xf32>,
        %add3A_397 = arith.constant 6 : i32
        %add3A_398 = arith.addi %mul3A_264, %add3A_397 : i32
        %get3A_399 = arith.constant 1 : i32
        %get3A_400 = arith.index_cast %get3A_399 : i32 to index
        %get3A_401 = arith.index_cast %add3A_398 : i32 to index
        %get3A_402 = arith.constant 16 : index
        %get3A_403 = tpu.vector_load %arg11[%get3A_400, %get3A_401, %get3A_402] {strides = array<i32>} : memref<4x112x32xf32, #tpu.memory_space<vmem>>, vector<16xf32>,
        %mul3A_404 = arith.mulf %get3A_396, %get3A_232 : vector<16xf32>
        %mul3A_405 = arith.mulf %get3A_403, %get3A_235 : vector<16xf32>
        %add3A_406 = arith.addf %mul3A_404, %mul3A_405 : vector<16xf32>
        %swap3A_407 = arith.constant 6 : i32
        %swap3A_408 = arith.index_cast %swap3A_407 : i32 to index
        %swap3A_409 = arith.constant 0 : index
        %swap3A_410 = tpu.vector_load %arg12[%swap3A_408, %swap3A_409] {strides = array<i32>} : memref<16x17xf32, #tpu.memory_space<vmem>>, vector<16xf32>,
        tpu.vector_store %arg12[%swap3A_408, %swap3A_409], %add3A_406 {strides = array<i32>} : memref<16x17xf32, #tpu.memory_space<vmem>>, vector<16xf32>,
        %add3A_411 = arith.constant 7 : i32
        %add3A_412 = arith.addi %mul3A_264, %add3A_411 : i32
        %get3A_413 = arith.constant 1 : i32
        %get3A_414 = arith.index_cast %get3A_413 : i32 to index
        %get3A_415 = arith.index_cast %add3A_412 : i32 to index
        %get3A_416 = arith.constant 0 : index
        %get3A_417 = tpu.vector_load %arg11[%get3A_414, %get3A_415, %get3A_416] {strides = array<i32>} : memref<4x112x32xf32, #tpu.memory_space<vmem>>, vector<16xf32>,
        %add3A_418 = arith.constant 7 : i32
        %add3A_419 = arith.addi %mul3A_264, %add3A_418 : i32
        %get3A_420 = arith.constant 1 : i32
        %get3A_421 = arith.index_cast %get3A_420 : i32 to index
        %get3A_422 = arith.index_cast %add3A_419 : i32 to index
        %get3A_423 = arith.constant 16 : index
        %get3A_424 = tpu.vector_load %arg11[%get3A_421, %get3A_422, %get3A_423] {strides = array<i32>} : memref<4x112x32xf32, #tpu.memory_space<vmem>>, vector<16xf32>,
        %mul3A_425 = arith.mulf %get3A_417, %get3A_232 : vector<16xf32>
        %mul3A_426 = arith.mulf %get3A_424, %get3A_235 : vector<16xf32>
        %add3A_427 = arith.addf %mul3A_425, %mul3A_426 : vector<16xf32>
        %swap3A_428 = arith.constant 7 : i32
        %swap3A_429 = arith.index_cast %swap3A_428 : i32 to index
        %swap3A_430 = arith.constant 0 : index
        %swap3A_431 = tpu.vector_load %arg12[%swap3A_429, %swap3A_430] {strides = array<i32>} : memref<16x17xf32, #tpu.memory_space<vmem>>, vector<16xf32>,
        tpu.vector_store %arg12[%swap3A_429, %swap3A_430], %add3A_427 {strides = array<i32>} : memref<16x17xf32, #tpu.memory_space<vmem>>, vector<16xf32>,
        %add3A_432 = arith.constant 8 : i32
        %add3A_433 = arith.addi %mul3A_264, %add3A_432 : i32
        %get3A_434 = arith.constant 1 : i32
        %get3A_435 = arith.index_cast %get3A_434 : i32 to index
        %get3A_436 = arith.index_cast %add3A_433 : i32 to index
        %get3A_437 = arith.constant 0 : index
        %get3A_438 = tpu.vector_load %arg11[%get3A_435, %get3A_436, %get3A_437] {strides = array<i32>} : memref<4x112x32xf32, #tpu.memory_space<vmem>>, vector<16xf32>,
        %add3A_439 = arith.constant 8 : i32
        %add3A_440 = arith.addi %mul3A_264, %add3A_439 : i32
        %get3A_441 = arith.constant 1 : i32
        %get3A_442 = arith.index_cast %get3A_441 : i32 to index
        %get3A_443 = arith.index_cast %add3A_440 : i32 to index
        %get3A_444 = arith.constant 16 : index
        %get3A_445 = tpu.vector_load %arg11[%get3A_442, %get3A_443, %get3A_444] {strides = array<i32>} : memref<4x112x32xf32, #tpu.memory_space<vmem>>, vector<16xf32>,
        %mul3A_446 = arith.mulf %get3A_438, %get3A_232 : vector<16xf32>
        %mul3A_447 = arith.mulf %get3A_445, %get3A_235 : vector<16xf32>
        %add3A_448 = arith.addf %mul3A_446, %mul3A_447 : vector<16xf32>
        %swap3A_449 = arith.constant 8 : i32
        %swap3A_450 = arith.index_cast %swap3A_449 : i32 to index
        %swap3A_451 = arith.constant 0 : index
        %swap3A_452 = tpu.vector_load %arg12[%swap3A_450, %swap3A_451] {strides = array<i32>} : memref<16x17xf32, #tpu.memory_space<vmem>>, vector<16xf32>,
        tpu.vector_store %arg12[%swap3A_450, %swap3A_451], %add3A_448 {strides = array<i32>} : memref<16x17xf32, #tpu.memory_space<vmem>>, vector<16xf32>,
        %add3A_453 = arith.constant 9 : i32
        %add3A_454 = arith.addi %mul3A_264, %add3A_453 : i32
        %get3A_455 = arith.constant 1 : i32
        %get3A_456 = arith.index_cast %get3A_455 : i32 to index
        %get3A_457 = arith.index_cast %add3A_454 : i32 to index
        %get3A_458 = arith.constant 0 : index
        %get3A_459 = tpu.vector_load %arg11[%get3A_456, %get3A_457, %get3A_458] {strides = array<i32>} : memref<4x112x32xf32, #tpu.memory_space<vmem>>, vector<16xf32>,
        %add3A_460 = arith.constant 9 : i32
        %add3A_461 = arith.addi %mul3A_264, %add3A_460 : i32
        %get3A_462 = arith.constant 1 : i32
        %get3A_463 = arith.index_cast %get3A_462 : i32 to index
        %get3A_464 = arith.index_cast %add3A_461 : i32 to index
        %get3A_465 = arith.constant 16 : index
        %get3A_466 = tpu.vector_load %arg11[%get3A_463, %get3A_464, %get3A_465] {strides = array<i32>} : memref<4x112x32xf32, #tpu.memory_space<vmem>>, vector<16xf32>,
        %mul3A_467 = arith.mulf %get3A_459, %get3A_232 : vector<16xf32>
        %mul3A_468 = arith.mulf %get3A_466, %get3A_235 : vector<16xf32>
        %add3A_469 = arith.addf %mul3A_467, %mul3A_468 : vector<16xf32>
        %swap3A_470 = arith.constant 9 : i32
        %swap3A_471 = arith.index_cast %swap3A_470 : i32 to index
        %swap3A_472 = arith.constant 0 : index
        %swap3A_473 = tpu.vector_load %arg12[%swap3A_471, %swap3A_472] {strides = array<i32>} : memref<16x17xf32, #tpu.memory_space<vmem>>, vector<16xf32>,
        tpu.vector_store %arg12[%swap3A_471, %swap3A_472], %add3A_469 {strides = array<i32>} : memref<16x17xf32, #tpu.memory_space<vmem>>, vector<16xf32>,
        %add3A_474 = arith.constant 10 : i32
        %add3A_475 = arith.addi %mul3A_264, %add3A_474 : i32
        %get3A_476 = arith.constant 1 : i32
        %get3A_477 = arith.index_cast %get3A_476 : i32 to index
        %get3A_478 = arith.index_cast %add3A_475 : i32 to index
        %get3A_479 = arith.constant 0 : index
        %get3A_480 = tpu.vector_load %arg11[%get3A_477, %get3A_478, %get3A_479] {strides = array<i32>} : memref<4x112x32xf32, #tpu.memory_space<vmem>>, vector<16xf32>,
        %add3A_481 = arith.constant 10 : i32
        %add3A_482 = arith.addi %mul3A_264, %add3A_481 : i32
        %get3A_483 = arith.constant 1 : i32
        %get3A_484 = arith.index_cast %get3A_483 : i32 to index
        %get3A_485 = arith.index_cast %add3A_482 : i32 to index
        %get3A_486 = arith.constant 16 : index
        %get3A_487 = tpu.vector_load %arg11[%get3A_484, %get3A_485, %get3A_486] {strides = array<i32>} : memref<4x112x32xf32, #tpu.memory_space<vmem>>, vector<16xf32>,
        %mul3A_488 = arith.mulf %get3A_480, %get3A_232 : vector<16xf32>
        %mul3A_489 = arith.mulf %get3A_487, %get3A_235 : vector<16xf32>
        %add3A_490 = arith.addf %mul3A_488, %mul3A_489 : vector<16xf32>
        %swap3A_491 = arith.constant 10 : i32
        %swap3A_492 = arith.index_cast %swap3A_491 : i32 to index
        %swap3A_493 = arith.constant 0 : index
        %swap3A_494 = tpu.vector_load %arg12[%swap3A_492, %swap3A_493] {strides = array<i32>} : memref<16x17xf32, #tpu.memory_space<vmem>>, vector<16xf32>,
        tpu.vector_store %arg12[%swap3A_492, %swap3A_493], %add3A_490 {strides = array<i32>} : memref<16x17xf32, #tpu.memory_space<vmem>>, vector<16xf32>,
        %add3A_495 = arith.constant 11 : i32
        %add3A_496 = arith.addi %mul3A_264, %add3A_495 : i32
        %get3A_497 = arith.constant 1 : i32
        %get3A_498 = arith.index_cast %get3A_497 : i32 to index
        %get3A_499 = arith.index_cast %add3A_496 : i32 to index
        %get3A_500 = arith.constant 0 : index
        %get3A_501 = tpu.vector_load %arg11[%get3A_498, %get3A_499, %get3A_500] {strides = array<i32>} : memref<4x112x32xf32, #tpu.memory_space<vmem>>, vector<16xf32>,
        %add3A_502 = arith.constant 11 : i32
        %add3A_503 = arith.addi %mul3A_264, %add3A_502 : i32
        %get3A_504 = arith.constant 1 : i32
        %get3A_505 = arith.index_cast %get3A_504 : i32 to index
        %get3A_506 = arith.index_cast %add3A_503 : i32 to index
        %get3A_507 = arith.constant 16 : index
        %get3A_508 = tpu.vector_load %arg11[%get3A_505, %get3A_506, %get3A_507] {strides = array<i32>} : memref<4x112x32xf32, #tpu.memory_space<vmem>>, vector<16xf32>,
        %mul3A_509 = arith.mulf %get3A_501, %get3A_232 : vector<16xf32>
        %mul3A_510 = arith.mulf %get3A_508, %get3A_235 : vector<16xf32>
        %add3A_511 = arith.addf %mul3A_509, %mul3A_510 : vector<16xf32>
        %swap3A_512 = arith.constant 11 : i32
        %swap3A_513 = arith.index_cast %swap3A_512 : i32 to index
        %swap3A_514 = arith.constant 0 : index
        %swap3A_515 = tpu.vector_load %arg12[%swap3A_513, %swap3A_514] {strides = array<i32>} : memref<16x17xf32, #tpu.memory_space<vmem>>, vector<16xf32>,
        tpu.vector_store %arg12[%swap3A_513, %swap3A_514], %add3A_511 {strides = array<i32>} : memref<16x17xf32, #tpu.memory_space<vmem>>, vector<16xf32>,
        %add3A_516 = arith.constant 12 : i32
        %add3A_517 = arith.addi %mul3A_264, %add3A_516 : i32
        %get3A_518 = arith.constant 1 : i32
        %get3A_519 = arith.index_cast %get3A_518 : i32 to index
        %get3A_520 = arith.index_cast %add3A_517 : i32 to index
        %get3A_521 = arith.constant 0 : index
        %get3A_522 = tpu.vector_load %arg11[%get3A_519, %get3A_520, %get3A_521] {strides = array<i32>} : memref<4x112x32xf32, #tpu.memory_space<vmem>>, vector<16xf32>,
        %add3A_523 = arith.constant 12 : i32
        %add3A_524 = arith.addi %mul3A_264, %add3A_523 : i32
        %get3A_525 = arith.constant 1 : i32
        %get3A_526 = arith.index_cast %get3A_525 : i32 to index
        %get3A_527 = arith.index_cast %add3A_524 : i32 to index
        %get3A_528 = arith.constant 16 : index
        %get3A_529 = tpu.vector_load %arg11[%get3A_526, %get3A_527, %get3A_528] {strides = array<i32>} : memref<4x112x32xf32, #tpu.memory_space<vmem>>, vector<16xf32>,
        %mul3A_530 = arith.mulf %get3A_522, %get3A_232 : vector<16xf32>
        %mul3A_531 = arith.mulf %get3A_529, %get3A_235 : vector<16xf32>
        %add3A_532 = arith.addf %mul3A_530, %mul3A_531 : vector<16xf32>
        %swap3A_533 = arith.constant 12 : i32
        %swap3A_534 = arith.index_cast %swap3A_533 : i32 to index
        %swap3A_535 = arith.constant 0 : index
        %swap3A_536 = tpu.vector_load %arg12[%swap3A_534, %swap3A_535] {strides = array<i32>} : memref<16x17xf32, #tpu.memory_space<vmem>>, vector<16xf32>,
        tpu.vector_store %arg12[%swap3A_534, %swap3A_535], %add3A_532 {strides = array<i32>} : memref<16x17xf32, #tpu.memory_space<vmem>>, vector<16xf32>,
        %add3A_537 = arith.constant 13 : i32
        %add3A_538 = arith.addi %mul3A_264, %add3A_537 : i32
        %get3A_539 = arith.constant 1 : i32
        %get3A_540 = arith.index_cast %get3A_539 : i32 to index
        %get3A_541 = arith.index_cast %add3A_538 : i32 to index
        %get3A_542 = arith.constant 0 : index
        %get3A_543 = tpu.vector_load %arg11[%get3A_540, %get3A_541, %get3A_542] {strides = array<i32>} : memref<4x112x32xf32, #tpu.memory_space<vmem>>, vector<16xf32>,
        %add3A_544 = arith.constant 13 : i32
        %add3A_545 = arith.addi %mul3A_264, %add3A_544 : i32
        %get3A_546 = arith.constant 1 : i32
        %get3A_547 = arith.index_cast %get3A_546 : i32 to index
        %get3A_548 = arith.index_cast %add3A_545 : i32 to index
        %get3A_549 = arith.constant 16 : index
        %get3A_550 = tpu.vector_load %arg11[%get3A_547, %get3A_548, %get3A_549] {strides = array<i32>} : memref<4x112x32xf32, #tpu.memory_space<vmem>>, vector<16xf32>,
        %mul3A_551 = arith.mulf %get3A_543, %get3A_232 : vector<16xf32>
        %mul3A_552 = arith.mulf %get3A_550, %get3A_235 : vector<16xf32>
        %add3A_553 = arith.addf %mul3A_551, %mul3A_552 : vector<16xf32>
        %swap3A_554 = arith.constant 13 : i32
        %swap3A_555 = arith.index_cast %swap3A_554 : i32 to index
        %swap3A_556 = arith.constant 0 : index
        %swap3A_557 = tpu.vector_load %arg12[%swap3A_555, %swap3A_556] {strides = array<i32>} : memref<16x17xf32, #tpu.memory_space<vmem>>, vector<16xf32>,
        tpu.vector_store %arg12[%swap3A_555, %swap3A_556], %add3A_553 {strides = array<i32>} : memref<16x17xf32, #tpu.memory_space<vmem>>, vector<16xf32>,
        %add3A_558 = arith.constant 14 : i32
        %add3A_559 = arith.addi %mul3A_264, %add3A_558 : i32
        %get3A_560 = arith.constant 1 : i32
        %get3A_561 = arith.index_cast %get3A_560 : i32 to index
        %get3A_562 = arith.index_cast %add3A_559 : i32 to index
        %get3A_563 = arith.constant 0 : index
        %get3A_564 = tpu.vector_load %arg11[%get3A_561, %get3A_562, %get3A_563] {strides = array<i32>} : memref<4x112x32xf32, #tpu.memory_space<vmem>>, vector<16xf32>,
        %add3A_565 = arith.constant 14 : i32
        %add3A_566 = arith.addi %mul3A_264, %add3A_565 : i32
        %get3A_567 = arith.constant 1 : i32
        %get3A_568 = arith.index_cast %get3A_567 : i32 to index
        %get3A_569 = arith.index_cast %add3A_566 : i32 to index
        %get3A_570 = arith.constant 16 : index
        %get3A_571 = tpu.vector_load %arg11[%get3A_568, %get3A_569, %get3A_570] {strides = array<i32>} : memref<4x112x32xf32, #tpu.memory_space<vmem>>, vector<16xf32>,
        %mul3A_572 = arith.mulf %get3A_564, %get3A_232 : vector<16xf32>
        %mul3A_573 = arith.mulf %get3A_571, %get3A_235 : vector<16xf32>
        %add3A_574 = arith.addf %mul3A_572, %mul3A_573 : vector<16xf32>
        %swap3A_575 = arith.constant 14 : i32
        %swap3A_576 = arith.index_cast %swap3A_575 : i32 to index
        %swap3A_577 = arith.constant 0 : index
        %swap3A_578 = tpu.vector_load %arg12[%swap3A_576, %swap3A_577] {strides = array<i32>} : memref<16x17xf32, #tpu.memory_space<vmem>>, vector<16xf32>,
        tpu.vector_store %arg12[%swap3A_576, %swap3A_577], %add3A_574 {strides = array<i32>} : memref<16x17xf32, #tpu.memory_space<vmem>>, vector<16xf32>,
        %add3A_579 = arith.constant 15 : i32
        %add3A_580 = arith.addi %mul3A_264, %add3A_579 : i32
        %get3A_581 = arith.constant 1 : i32
        %get3A_582 = arith.index_cast %get3A_581 : i32 to index
        %get3A_583 = arith.index_cast %add3A_580 : i32 to index
        %get3A_584 = arith.constant 0 : index
        %get3A_585 = tpu.vector_load %arg11[%get3A_582, %get3A_583, %get3A_584] {strides = array<i32>} : memref<4x112x32xf32, #tpu.memory_space<vmem>>, vector<16xf32>,
        %add3A_586 = arith.constant 15 : i32
        %add3A_587 = arith.addi %mul3A_264, %add3A_586 : i32
        %get3A_588 = arith.constant 1 : i32
        %get3A_589 = arith.index_cast %get3A_588 : i32 to index
        %get3A_590 = arith.index_cast %add3A_587 : i32 to index
        %get3A_591 = arith.constant 16 : index
        %get3A_592 = tpu.vector_load %arg11[%get3A_589, %get3A_590, %get3A_591] {strides = array<i32>} : memref<4x112x32xf32, #tpu.memory_space<vmem>>, vector<16xf32>,
        %mul3A_593 = arith.mulf %get3A_585, %get3A_232 : vector<16xf32>
        %mul3A_594 = arith.mulf %get3A_592, %get3A_235 : vector<16xf32>
        %add3A_595 = arith.addf %mul3A_593, %mul3A_594 : vector<16xf32>
        %swap3A_596 = arith.constant 15 : i32
        %swap3A_597 = arith.index_cast %swap3A_596 : i32 to index
        %swap3A_598 = arith.constant 0 : index
        %swap3A_599 = tpu.vector_load %arg12[%swap3A_597, %swap3A_598] {strides = array<i32>} : memref<16x17xf32, #tpu.memory_space<vmem>>, vector<16xf32>,
        tpu.vector_store %arg12[%swap3A_597, %swap3A_598], %add3A_595 {strides = array<i32>} : memref<16x17xf32, #tpu.memory_space<vmem>>, vector<16xf32>,
        %broadcast_in_dim3A = arith.constant 0 : i32
        %broadcast_in_dim3A_600 = vector.broadcast %broadcast_in_dim3A : i32 to vector<16xi32>
        %gather3A = tpu.vector_load_idx %arg12[%iota3A_236, %broadcast_in_dim3A_600] : memref<16x17xf32, #tpu.memory_space<vmem>>[vector<16xi32>, vector<16xi32>], vector<16xf32>,
        %broadcast_in_dim3A_601 = arith.constant 1 : i32
        %broadcast_in_dim3A_602 = vector.broadcast %broadcast_in_dim3A_601 : i32 to vector<16xi32>
        %gather3A_603 = tpu.vector_load_idx %arg12[%iota3A_236, %broadcast_in_dim3A_602] : memref<16x17xf32, #tpu.memory_space<vmem>>[vector<16xi32>, vector<16xi32>], vector<16xf32>,
        %broadcast_in_dim3A_604 = arith.constant 2 : i32
        %broadcast_in_dim3A_605 = vector.broadcast %broadcast_in_dim3A_604 : i32 to vector<16xi32>
        %gather3A_606 = tpu.vector_load_idx %arg12[%iota3A_236, %broadcast_in_dim3A_605] : memref<16x17xf32, #tpu.memory_space<vmem>>[vector<16xi32>, vector<16xi32>], vector<16xf32>,
        %broadcast_in_dim3A_607 = arith.constant 3 : i32
        %broadcast_in_dim3A_608 = vector.broadcast %broadcast_in_dim3A_607 : i32 to vector<16xi32>
        %gather3A_609 = tpu.vector_load_idx %arg12[%iota3A_236, %broadcast_in_dim3A_608] : memref<16x17xf32, #tpu.memory_space<vmem>>[vector<16xi32>, vector<16xi32>], vector<16xf32>,
        %broadcast_in_dim3A_610 = arith.constant 4 : i32
        %broadcast_in_dim3A_611 = vector.broadcast %broadcast_in_dim3A_610 : i32 to vector<16xi32>
        %gather3A_612 = tpu.vector_load_idx %arg12[%iota3A_236, %broadcast_in_dim3A_611] : memref<16x17xf32, #tpu.memory_space<vmem>>[vector<16xi32>, vector<16xi32>], vector<16xf32>,
        %broadcast_in_dim3A_613 = arith.constant 5 : i32
        %broadcast_in_dim3A_614 = vector.broadcast %broadcast_in_dim3A_613 : i32 to vector<16xi32>
        %gather3A_615 = tpu.vector_load_idx %arg12[%iota3A_236, %broadcast_in_dim3A_614] : memref<16x17xf32, #tpu.memory_space<vmem>>[vector<16xi32>, vector<16xi32>], vector<16xf32>,
        %broadcast_in_dim3A_616 = arith.constant 6 : i32
        %broadcast_in_dim3A_617 = vector.broadcast %broadcast_in_dim3A_616 : i32 to vector<16xi32>
        %gather3A_618 = tpu.vector_load_idx %arg12[%iota3A_236, %broadcast_in_dim3A_617] : memref<16x17xf32, #tpu.memory_space<vmem>>[vector<16xi32>, vector<16xi32>], vector<16xf32>,
        %broadcast_in_dim3A_619 = arith.constant 7 : i32
        %broadcast_in_dim3A_620 = vector.broadcast %broadcast_in_dim3A_619 : i32 to vector<16xi32>
        %gather3A_621 = tpu.vector_load_idx %arg12[%iota3A_236, %broadcast_in_dim3A_620] : memref<16x17xf32, #tpu.memory_space<vmem>>[vector<16xi32>, vector<16xi32>], vector<16xf32>,
        %broadcast_in_dim3A_622 = arith.constant 8 : i32
        %broadcast_in_dim3A_623 = vector.broadcast %broadcast_in_dim3A_622 : i32 to vector<16xi32>
        %gather3A_624 = tpu.vector_load_idx %arg12[%iota3A_236, %broadcast_in_dim3A_623] : memref<16x17xf32, #tpu.memory_space<vmem>>[vector<16xi32>, vector<16xi32>], vector<16xf32>,
        %broadcast_in_dim3A_625 = arith.constant 9 : i32
        %broadcast_in_dim3A_626 = vector.broadcast %broadcast_in_dim3A_625 : i32 to vector<16xi32>
        %gather3A_627 = tpu.vector_load_idx %arg12[%iota3A_236, %broadcast_in_dim3A_626] : memref<16x17xf32, #tpu.memory_space<vmem>>[vector<16xi32>, vector<16xi32>], vector<16xf32>,
        %broadcast_in_dim3A_628 = arith.constant 10 : i32
        %broadcast_in_dim3A_629 = vector.broadcast %broadcast_in_dim3A_628 : i32 to vector<16xi32>
        %gather3A_630 = tpu.vector_load_idx %arg12[%iota3A_236, %broadcast_in_dim3A_629] : memref<16x17xf32, #tpu.memory_space<vmem>>[vector<16xi32>, vector<16xi32>], vector<16xf32>,
        %broadcast_in_dim3A_631 = arith.constant 11 : i32
        %broadcast_in_dim3A_632 = vector.broadcast %broadcast_in_dim3A_631 : i32 to vector<16xi32>
        %gather3A_633 = tpu.vector_load_idx %arg12[%iota3A_236, %broadcast_in_dim3A_632] : memref<16x17xf32, #tpu.memory_space<vmem>>[vector<16xi32>, vector<16xi32>], vector<16xf32>,
        %broadcast_in_dim3A_634 = arith.constant 12 : i32
        %broadcast_in_dim3A_635 = vector.broadcast %broadcast_in_dim3A_634 : i32 to vector<16xi32>
        %gather3A_636 = tpu.vector_load_idx %arg12[%iota3A_236, %broadcast_in_dim3A_635] : memref<16x17xf32, #tpu.memory_space<vmem>>[vector<16xi32>, vector<16xi32>], vector<16xf32>,
        %broadcast_in_dim3A_637 = arith.constant 13 : i32
        %broadcast_in_dim3A_638 = vector.broadcast %broadcast_in_dim3A_637 : i32 to vector<16xi32>
        %gather3A_639 = tpu.vector_load_idx %arg12[%iota3A_236, %broadcast_in_dim3A_638] : memref<16x17xf32, #tpu.memory_space<vmem>>[vector<16xi32>, vector<16xi32>], vector<16xf32>,
        %broadcast_in_dim3A_640 = arith.constant 14 : i32
        %broadcast_in_dim3A_641 = vector.broadcast %broadcast_in_dim3A_640 : i32 to vector<16xi32>
        %gather3A_642 = tpu.vector_load_idx %arg12[%iota3A_236, %broadcast_in_dim3A_641] : memref<16x17xf32, #tpu.memory_space<vmem>>[vector<16xi32>, vector<16xi32>], vector<16xf32>,
        %broadcast_in_dim3A_643 = arith.constant 15 : i32
        %broadcast_in_dim3A_644 = vector.broadcast %broadcast_in_dim3A_643 : i32 to vector<16xi32>
        %gather3A_645 = tpu.vector_load_idx %arg12[%iota3A_236, %broadcast_in_dim3A_644] : memref<16x17xf32, #tpu.memory_space<vmem>>[vector<16xi32>, vector<16xi32>], vector<16xf32>,
        %add3A_646 = arith.addf %gather3A, %gather3A_603 : vector<16xf32>
        %add3A_647 = arith.addf %gather3A_606, %gather3A_609 : vector<16xf32>
        %add3A_648 = arith.addf %gather3A_612, %gather3A_615 : vector<16xf32>
        %add3A_649 = arith.addf %gather3A_618, %gather3A_621 : vector<16xf32>
        %add3A_650 = arith.addf %gather3A_624, %gather3A_627 : vector<16xf32>
        %add3A_651 = arith.addf %gather3A_630, %gather3A_633 : vector<16xf32>
        %add3A_652 = arith.addf %gather3A_636, %gather3A_639 : vector<16xf32>
        %add3A_653 = arith.addf %gather3A_642, %gather3A_645 : vector<16xf32>
        %add3A_654 = arith.addf %add3A_646, %add3A_647 : vector<16xf32>
        %add3A_655 = arith.addf %add3A_648, %add3A_649 : vector<16xf32>
        %add3A_656 = arith.addf %add3A_650, %add3A_651 : vector<16xf32>
        %add3A_657 = arith.addf %add3A_652, %add3A_653 : vector<16xf32>
        %add3A_658 = arith.addf %add3A_654, %add3A_655 : vector<16xf32>
        %add3A_659 = arith.addf %add3A_656, %add3A_657 : vector<16xf32>
        %add3A_660 = arith.addf %add3A_658, %add3A_659 : vector<16xf32>
        %add3A_661 = arith.constant 112 : i32
        %add3A_662 = arith.addi %add3A_661, %mul3A_264 : i32
        %swap3A_663 = arith.index_cast %add3A_662 : i32 to index
        %swap3A_664 = tpu.vector_load %arg14[%swap3A_663] {strides = array<i32>} : memref<448xf32, #tpu.memory_space<vmem>>, vector<16xf32>,
        tpu.vector_store %arg14[%swap3A_663], %add3A_660 {strides = array<i32>} : memref<448xf32, #tpu.memory_space<vmem>>, vector<16xf32>,
      }
      %scan3A_248 = arith.constant 7 : i32
      %scan3A_249 = arith.constant 0 : i32
      %scan3A_250 = arith.constant 0 : i32
      %scan3A_251 = arith.constant 7 : i32
      %scan3A_252 = arith.addi %scan3A_250, %scan3A_251 : i32
      %scan3A_253 = arith.constant 1 : i32
      scf.for %scan3A_262 = %scan3A_250 to %scan3A_252 step %scan3A_253  : i32 {
        %mul3A_263 = arith.constant 16 : i32
        %mul3A_264 = arith.muli %scan3A_262, %mul3A_263 : i32
        %add3A_265 = arith.constant 0 : i32
        %add3A_266 = arith.addi %mul3A_264, %add3A_265 : i32
        %get3A_267 = arith.constant 2 : i32
        %get3A_268 = arith.index_cast %get3A_267 : i32 to index
        %get3A_269 = arith.index_cast %add3A_266 : i32 to index
        %get3A_270 = arith.constant 0 : index
        %get3A_271 = tpu.vector_load %arg11[%get3A_268, %get3A_269, %get3A_270] {strides = array<i32>} : memref<4x112x32xf32, #tpu.memory_space<vmem>>, vector<16xf32>,
        %add3A_272 = arith.constant 0 : i32
        %add3A_273 = arith.addi %mul3A_264, %add3A_272 : i32
        %get3A_274 = arith.constant 2 : i32
        %get3A_275 = arith.index_cast %get3A_274 : i32 to index
        %get3A_276 = arith.index_cast %add3A_273 : i32 to index
        %get3A_277 = arith.constant 16 : index
        %get3A_278 = tpu.vector_load %arg11[%get3A_275, %get3A_276, %get3A_277] {strides = array<i32>} : memref<4x112x32xf32, #tpu.memory_space<vmem>>, vector<16xf32>,
        %mul3A_279 = arith.mulf %get3A_271, %get3A_232 : vector<16xf32>
        %mul3A_280 = arith.mulf %get3A_278, %get3A_235 : vector<16xf32>
        %add3A_281 = arith.addf %mul3A_279, %mul3A_280 : vector<16xf32>
        %swap3A = arith.constant 0 : i32
        %swap3A_282 = arith.index_cast %swap3A : i32 to index
        %swap3A_283 = arith.constant 0 : index
        %swap3A_284 = tpu.vector_load %arg12[%swap3A_282, %swap3A_283] {strides = array<i32>} : memref<16x17xf32, #tpu.memory_space<vmem>>, vector<16xf32>,
        tpu.vector_store %arg12[%swap3A_282, %swap3A_283], %add3A_281 {strides = array<i32>} : memref<16x17xf32, #tpu.memory_space<vmem>>, vector<16xf32>,
        %add3A_285 = arith.constant 1 : i32
        %add3A_286 = arith.addi %mul3A_264, %add3A_285 : i32
        %get3A_287 = arith.constant 2 : i32
        %get3A_288 = arith.index_cast %get3A_287 : i32 to index
        %get3A_289 = arith.index_cast %add3A_286 : i32 to index
        %get3A_290 = arith.constant 0 : index
        %get3A_291 = tpu.vector_load %arg11[%get3A_288, %get3A_289, %get3A_290] {strides = array<i32>} : memref<4x112x32xf32, #tpu.memory_space<vmem>>, vector<16xf32>,
        %add3A_292 = arith.constant 1 : i32
        %add3A_293 = arith.addi %mul3A_264, %add3A_292 : i32
        %get3A_294 = arith.constant 2 : i32
        %get3A_295 = arith.index_cast %get3A_294 : i32 to index
        %get3A_296 = arith.index_cast %add3A_293 : i32 to index
        %get3A_297 = arith.constant 16 : index
        %get3A_298 = tpu.vector_load %arg11[%get3A_295, %get3A_296, %get3A_297] {strides = array<i32>} : memref<4x112x32xf32, #tpu.memory_space<vmem>>, vector<16xf32>,
        %mul3A_299 = arith.mulf %get3A_291, %get3A_232 : vector<16xf32>
        %mul3A_300 = arith.mulf %get3A_298, %get3A_235 : vector<16xf32>
        %add3A_301 = arith.addf %mul3A_299, %mul3A_300 : vector<16xf32>
        %swap3A_302 = arith.constant 1 : i32
        %swap3A_303 = arith.index_cast %swap3A_302 : i32 to index
        %swap3A_304 = arith.constant 0 : index
        %swap3A_305 = tpu.vector_load %arg12[%swap3A_303, %swap3A_304] {strides = array<i32>} : memref<16x17xf32, #tpu.memory_space<vmem>>, vector<16xf32>,
        tpu.vector_store %arg12[%swap3A_303, %swap3A_304], %add3A_301 {strides = array<i32>} : memref<16x17xf32, #tpu.memory_space<vmem>>, vector<16xf32>,
        %add3A_306 = arith.constant 2 : i32
        %add3A_307 = arith.addi %mul3A_264, %add3A_306 : i32
        %get3A_308 = arith.constant 2 : i32
        %get3A_309 = arith.index_cast %get3A_308 : i32 to index
        %get3A_310 = arith.index_cast %add3A_307 : i32 to index
        %get3A_311 = arith.constant 0 : index
        %get3A_312 = tpu.vector_load %arg11[%get3A_309, %get3A_310, %get3A_311] {strides = array<i32>} : memref<4x112x32xf32, #tpu.memory_space<vmem>>, vector<16xf32>,
        %add3A_313 = arith.constant 2 : i32
        %add3A_314 = arith.addi %mul3A_264, %add3A_313 : i32
        %get3A_315 = arith.constant 2 : i32
        %get3A_316 = arith.index_cast %get3A_315 : i32 to index
        %get3A_317 = arith.index_cast %add3A_314 : i32 to index
        %get3A_318 = arith.constant 16 : index
        %get3A_319 = tpu.vector_load %arg11[%get3A_316, %get3A_317, %get3A_318] {strides = array<i32>} : memref<4x112x32xf32, #tpu.memory_space<vmem>>, vector<16xf32>,
        %mul3A_320 = arith.mulf %get3A_312, %get3A_232 : vector<16xf32>
        %mul3A_321 = arith.mulf %get3A_319, %get3A_235 : vector<16xf32>
        %add3A_322 = arith.addf %mul3A_320, %mul3A_321 : vector<16xf32>
        %swap3A_323 = arith.constant 2 : i32
        %swap3A_324 = arith.index_cast %swap3A_323 : i32 to index
        %swap3A_325 = arith.constant 0 : index
        %swap3A_326 = tpu.vector_load %arg12[%swap3A_324, %swap3A_325] {strides = array<i32>} : memref<16x17xf32, #tpu.memory_space<vmem>>, vector<16xf32>,
        tpu.vector_store %arg12[%swap3A_324, %swap3A_325], %add3A_322 {strides = array<i32>} : memref<16x17xf32, #tpu.memory_space<vmem>>, vector<16xf32>,
        %add3A_327 = arith.constant 3 : i32
        %add3A_328 = arith.addi %mul3A_264, %add3A_327 : i32
        %get3A_329 = arith.constant 2 : i32
        %get3A_330 = arith.index_cast %get3A_329 : i32 to index
        %get3A_331 = arith.index_cast %add3A_328 : i32 to index
        %get3A_332 = arith.constant 0 : index
        %get3A_333 = tpu.vector_load %arg11[%get3A_330, %get3A_331, %get3A_332] {strides = array<i32>} : memref<4x112x32xf32, #tpu.memory_space<vmem>>, vector<16xf32>,
        %add3A_334 = arith.constant 3 : i32
        %add3A_335 = arith.addi %mul3A_264, %add3A_334 : i32
        %get3A_336 = arith.constant 2 : i32
        %get3A_337 = arith.index_cast %get3A_336 : i32 to index
        %get3A_338 = arith.index_cast %add3A_335 : i32 to index
        %get3A_339 = arith.constant 16 : index
        %get3A_340 = tpu.vector_load %arg11[%get3A_337, %get3A_338, %get3A_339] {strides = array<i32>} : memref<4x112x32xf32, #tpu.memory_space<vmem>>, vector<16xf32>,
        %mul3A_341 = arith.mulf %get3A_333, %get3A_232 : vector<16xf32>
        %mul3A_342 = arith.mulf %get3A_340, %get3A_235 : vector<16xf32>
        %add3A_343 = arith.addf %mul3A_341, %mul3A_342 : vector<16xf32>
        %swap3A_344 = arith.constant 3 : i32
        %swap3A_345 = arith.index_cast %swap3A_344 : i32 to index
        %swap3A_346 = arith.constant 0 : index
        %swap3A_347 = tpu.vector_load %arg12[%swap3A_345, %swap3A_346] {strides = array<i32>} : memref<16x17xf32, #tpu.memory_space<vmem>>, vector<16xf32>,
        tpu.vector_store %arg12[%swap3A_345, %swap3A_346], %add3A_343 {strides = array<i32>} : memref<16x17xf32, #tpu.memory_space<vmem>>, vector<16xf32>,
        %add3A_348 = arith.constant 4 : i32
        %add3A_349 = arith.addi %mul3A_264, %add3A_348 : i32
        %get3A_350 = arith.constant 2 : i32
        %get3A_351 = arith.index_cast %get3A_350 : i32 to index
        %get3A_352 = arith.index_cast %add3A_349 : i32 to index
        %get3A_353 = arith.constant 0 : index
        %get3A_354 = tpu.vector_load %arg11[%get3A_351, %get3A_352, %get3A_353] {strides = array<i32>} : memref<4x112x32xf32, #tpu.memory_space<vmem>>, vector<16xf32>,
        %add3A_355 = arith.constant 4 : i32
        %add3A_356 = arith.addi %mul3A_264, %add3A_355 : i32
        %get3A_357 = arith.constant 2 : i32
        %get3A_358 = arith.index_cast %get3A_357 : i32 to index
        %get3A_359 = arith.index_cast %add3A_356 : i32 to index
        %get3A_360 = arith.constant 16 : index
        %get3A_361 = tpu.vector_load %arg11[%get3A_358, %get3A_359, %get3A_360] {strides = array<i32>} : memref<4x112x32xf32, #tpu.memory_space<vmem>>, vector<16xf32>,
        %mul3A_362 = arith.mulf %get3A_354, %get3A_232 : vector<16xf32>
        %mul3A_363 = arith.mulf %get3A_361, %get3A_235 : vector<16xf32>
        %add3A_364 = arith.addf %mul3A_362, %mul3A_363 : vector<16xf32>
        %swap3A_365 = arith.constant 4 : i32
        %swap3A_366 = arith.index_cast %swap3A_365 : i32 to index
        %swap3A_367 = arith.constant 0 : index
        %swap3A_368 = tpu.vector_load %arg12[%swap3A_366, %swap3A_367] {strides = array<i32>} : memref<16x17xf32, #tpu.memory_space<vmem>>, vector<16xf32>,
        tpu.vector_store %arg12[%swap3A_366, %swap3A_367], %add3A_364 {strides = array<i32>} : memref<16x17xf32, #tpu.memory_space<vmem>>, vector<16xf32>,
        %add3A_369 = arith.constant 5 : i32
        %add3A_370 = arith.addi %mul3A_264, %add3A_369 : i32
        %get3A_371 = arith.constant 2 : i32
        %get3A_372 = arith.index_cast %get3A_371 : i32 to index
        %get3A_373 = arith.index_cast %add3A_370 : i32 to index
        %get3A_374 = arith.constant 0 : index
        %get3A_375 = tpu.vector_load %arg11[%get3A_372, %get3A_373, %get3A_374] {strides = array<i32>} : memref<4x112x32xf32, #tpu.memory_space<vmem>>, vector<16xf32>,
        %add3A_376 = arith.constant 5 : i32
        %add3A_377 = arith.addi %mul3A_264, %add3A_376 : i32
        %get3A_378 = arith.constant 2 : i32
        %get3A_379 = arith.index_cast %get3A_378 : i32 to index
        %get3A_380 = arith.index_cast %add3A_377 : i32 to index
        %get3A_381 = arith.constant 16 : index
        %get3A_382 = tpu.vector_load %arg11[%get3A_379, %get3A_380, %get3A_381] {strides = array<i32>} : memref<4x112x32xf32, #tpu.memory_space<vmem>>, vector<16xf32>,
        %mul3A_383 = arith.mulf %get3A_375, %get3A_232 : vector<16xf32>
        %mul3A_384 = arith.mulf %get3A_382, %get3A_235 : vector<16xf32>
        %add3A_385 = arith.addf %mul3A_383, %mul3A_384 : vector<16xf32>
        %swap3A_386 = arith.constant 5 : i32
        %swap3A_387 = arith.index_cast %swap3A_386 : i32 to index
        %swap3A_388 = arith.constant 0 : index
        %swap3A_389 = tpu.vector_load %arg12[%swap3A_387, %swap3A_388] {strides = array<i32>} : memref<16x17xf32, #tpu.memory_space<vmem>>, vector<16xf32>,
        tpu.vector_store %arg12[%swap3A_387, %swap3A_388], %add3A_385 {strides = array<i32>} : memref<16x17xf32, #tpu.memory_space<vmem>>, vector<16xf32>,
        %add3A_390 = arith.constant 6 : i32
        %add3A_391 = arith.addi %mul3A_264, %add3A_390 : i32
        %get3A_392 = arith.constant 2 : i32
        %get3A_393 = arith.index_cast %get3A_392 : i32 to index
        %get3A_394 = arith.index_cast %add3A_391 : i32 to index
        %get3A_395 = arith.constant 0 : index
        %get3A_396 = tpu.vector_load %arg11[%get3A_393, %get3A_394, %get3A_395] {strides = array<i32>} : memref<4x112x32xf32, #tpu.memory_space<vmem>>, vector<16xf32>,
        %add3A_397 = arith.constant 6 : i32
        %add3A_398 = arith.addi %mul3A_264, %add3A_397 : i32
        %get3A_399 = arith.constant 2 : i32
        %get3A_400 = arith.index_cast %get3A_399 : i32 to index
        %get3A_401 = arith.index_cast %add3A_398 : i32 to index
        %get3A_402 = arith.constant 16 : index
        %get3A_403 = tpu.vector_load %arg11[%get3A_400, %get3A_401, %get3A_402] {strides = array<i32>} : memref<4x112x32xf32, #tpu.memory_space<vmem>>, vector<16xf32>,
        %mul3A_404 = arith.mulf %get3A_396, %get3A_232 : vector<16xf32>
        %mul3A_405 = arith.mulf %get3A_403, %get3A_235 : vector<16xf32>
        %add3A_406 = arith.addf %mul3A_404, %mul3A_405 : vector<16xf32>
        %swap3A_407 = arith.constant 6 : i32
        %swap3A_408 = arith.index_cast %swap3A_407 : i32 to index
        %swap3A_409 = arith.constant 0 : index
        %swap3A_410 = tpu.vector_load %arg12[%swap3A_408, %swap3A_409] {strides = array<i32>} : memref<16x17xf32, #tpu.memory_space<vmem>>, vector<16xf32>,
        tpu.vector_store %arg12[%swap3A_408, %swap3A_409], %add3A_406 {strides = array<i32>} : memref<16x17xf32, #tpu.memory_space<vmem>>, vector<16xf32>,
        %add3A_411 = arith.constant 7 : i32
        %add3A_412 = arith.addi %mul3A_264, %add3A_411 : i32
        %get3A_413 = arith.constant 2 : i32
        %get3A_414 = arith.index_cast %get3A_413 : i32 to index
        %get3A_415 = arith.index_cast %add3A_412 : i32 to index
        %get3A_416 = arith.constant 0 : index
        %get3A_417 = tpu.vector_load %arg11[%get3A_414, %get3A_415, %get3A_416] {strides = array<i32>} : memref<4x112x32xf32, #tpu.memory_space<vmem>>, vector<16xf32>,
        %add3A_418 = arith.constant 7 : i32
        %add3A_419 = arith.addi %mul3A_264, %add3A_418 : i32
        %get3A_420 = arith.constant 2 : i32
        %get3A_421 = arith.index_cast %get3A_420 : i32 to index
        %get3A_422 = arith.index_cast %add3A_419 : i32 to index
        %get3A_423 = arith.constant 16 : index
        %get3A_424 = tpu.vector_load %arg11[%get3A_421, %get3A_422, %get3A_423] {strides = array<i32>} : memref<4x112x32xf32, #tpu.memory_space<vmem>>, vector<16xf32>,
        %mul3A_425 = arith.mulf %get3A_417, %get3A_232 : vector<16xf32>
        %mul3A_426 = arith.mulf %get3A_424, %get3A_235 : vector<16xf32>
        %add3A_427 = arith.addf %mul3A_425, %mul3A_426 : vector<16xf32>
        %swap3A_428 = arith.constant 7 : i32
        %swap3A_429 = arith.index_cast %swap3A_428 : i32 to index
        %swap3A_430 = arith.constant 0 : index
        %swap3A_431 = tpu.vector_load %arg12[%swap3A_429, %swap3A_430] {strides = array<i32>} : memref<16x17xf32, #tpu.memory_space<vmem>>, vector<16xf32>,
        tpu.vector_store %arg12[%swap3A_429, %swap3A_430], %add3A_427 {strides = array<i32>} : memref<16x17xf32, #tpu.memory_space<vmem>>, vector<16xf32>,
        %add3A_432 = arith.constant 8 : i32
        %add3A_433 = arith.addi %mul3A_264, %add3A_432 : i32
        %get3A_434 = arith.constant 2 : i32
        %get3A_435 = arith.index_cast %get3A_434 : i32 to index
        %get3A_436 = arith.index_cast %add3A_433 : i32 to index
        %get3A_437 = arith.constant 0 : index
        %get3A_438 = tpu.vector_load %arg11[%get3A_435, %get3A_436, %get3A_437] {strides = array<i32>} : memref<4x112x32xf32, #tpu.memory_space<vmem>>, vector<16xf32>,
        %add3A_439 = arith.constant 8 : i32
        %add3A_440 = arith.addi %mul3A_264, %add3A_439 : i32
        %get3A_441 = arith.constant 2 : i32
        %get3A_442 = arith.index_cast %get3A_441 : i32 to index
        %get3A_443 = arith.index_cast %add3A_440 : i32 to index
        %get3A_444 = arith.constant 16 : index
        %get3A_445 = tpu.vector_load %arg11[%get3A_442, %get3A_443, %get3A_444] {strides = array<i32>} : memref<4x112x32xf32, #tpu.memory_space<vmem>>, vector<16xf32>,
        %mul3A_446 = arith.mulf %get3A_438, %get3A_232 : vector<16xf32>
        %mul3A_447 = arith.mulf %get3A_445, %get3A_235 : vector<16xf32>
        %add3A_448 = arith.addf %mul3A_446, %mul3A_447 : vector<16xf32>
        %swap3A_449 = arith.constant 8 : i32
        %swap3A_450 = arith.index_cast %swap3A_449 : i32 to index
        %swap3A_451 = arith.constant 0 : index
        %swap3A_452 = tpu.vector_load %arg12[%swap3A_450, %swap3A_451] {strides = array<i32>} : memref<16x17xf32, #tpu.memory_space<vmem>>, vector<16xf32>,
        tpu.vector_store %arg12[%swap3A_450, %swap3A_451], %add3A_448 {strides = array<i32>} : memref<16x17xf32, #tpu.memory_space<vmem>>, vector<16xf32>,
        %add3A_453 = arith.constant 9 : i32
        %add3A_454 = arith.addi %mul3A_264, %add3A_453 : i32
        %get3A_455 = arith.constant 2 : i32
        %get3A_456 = arith.index_cast %get3A_455 : i32 to index
        %get3A_457 = arith.index_cast %add3A_454 : i32 to index
        %get3A_458 = arith.constant 0 : index
        %get3A_459 = tpu.vector_load %arg11[%get3A_456, %get3A_457, %get3A_458] {strides = array<i32>} : memref<4x112x32xf32, #tpu.memory_space<vmem>>, vector<16xf32>,
        %add3A_460 = arith.constant 9 : i32
        %add3A_461 = arith.addi %mul3A_264, %add3A_460 : i32
        %get3A_462 = arith.constant 2 : i32
        %get3A_463 = arith.index_cast %get3A_462 : i32 to index
        %get3A_464 = arith.index_cast %add3A_461 : i32 to index
        %get3A_465 = arith.constant 16 : index
        %get3A_466 = tpu.vector_load %arg11[%get3A_463, %get3A_464, %get3A_465] {strides = array<i32>} : memref<4x112x32xf32, #tpu.memory_space<vmem>>, vector<16xf32>,
        %mul3A_467 = arith.mulf %get3A_459, %get3A_232 : vector<16xf32>
        %mul3A_468 = arith.mulf %get3A_466, %get3A_235 : vector<16xf32>
        %add3A_469 = arith.addf %mul3A_467, %mul3A_468 : vector<16xf32>
        %swap3A_470 = arith.constant 9 : i32
        %swap3A_471 = arith.index_cast %swap3A_470 : i32 to index
        %swap3A_472 = arith.constant 0 : index
        %swap3A_473 = tpu.vector_load %arg12[%swap3A_471, %swap3A_472] {strides = array<i32>} : memref<16x17xf32, #tpu.memory_space<vmem>>, vector<16xf32>,
        tpu.vector_store %arg12[%swap3A_471, %swap3A_472], %add3A_469 {strides = array<i32>} : memref<16x17xf32, #tpu.memory_space<vmem>>, vector<16xf32>,
        %add3A_474 = arith.constant 10 : i32
        %add3A_475 = arith.addi %mul3A_264, %add3A_474 : i32
        %get3A_476 = arith.constant 2 : i32
        %get3A_477 = arith.index_cast %get3A_476 : i32 to index
        %get3A_478 = arith.index_cast %add3A_475 : i32 to index
        %get3A_479 = arith.constant 0 : index
        %get3A_480 = tpu.vector_load %arg11[%get3A_477, %get3A_478, %get3A_479] {strides = array<i32>} : memref<4x112x32xf32, #tpu.memory_space<vmem>>, vector<16xf32>,
        %add3A_481 = arith.constant 10 : i32
        %add3A_482 = arith.addi %mul3A_264, %add3A_481 : i32
        %get3A_483 = arith.constant 2 : i32
        %get3A_484 = arith.index_cast %get3A_483 : i32 to index
        %get3A_485 = arith.index_cast %add3A_482 : i32 to index
        %get3A_486 = arith.constant 16 : index
        %get3A_487 = tpu.vector_load %arg11[%get3A_484, %get3A_485, %get3A_486] {strides = array<i32>} : memref<4x112x32xf32, #tpu.memory_space<vmem>>, vector<16xf32>,
        %mul3A_488 = arith.mulf %get3A_480, %get3A_232 : vector<16xf32>
        %mul3A_489 = arith.mulf %get3A_487, %get3A_235 : vector<16xf32>
        %add3A_490 = arith.addf %mul3A_488, %mul3A_489 : vector<16xf32>
        %swap3A_491 = arith.constant 10 : i32
        %swap3A_492 = arith.index_cast %swap3A_491 : i32 to index
        %swap3A_493 = arith.constant 0 : index
        %swap3A_494 = tpu.vector_load %arg12[%swap3A_492, %swap3A_493] {strides = array<i32>} : memref<16x17xf32, #tpu.memory_space<vmem>>, vector<16xf32>,
        tpu.vector_store %arg12[%swap3A_492, %swap3A_493], %add3A_490 {strides = array<i32>} : memref<16x17xf32, #tpu.memory_space<vmem>>, vector<16xf32>,
        %add3A_495 = arith.constant 11 : i32
        %add3A_496 = arith.addi %mul3A_264, %add3A_495 : i32
        %get3A_497 = arith.constant 2 : i32
        %get3A_498 = arith.index_cast %get3A_497 : i32 to index
        %get3A_499 = arith.index_cast %add3A_496 : i32 to index
        %get3A_500 = arith.constant 0 : index
        %get3A_501 = tpu.vector_load %arg11[%get3A_498, %get3A_499, %get3A_500] {strides = array<i32>} : memref<4x112x32xf32, #tpu.memory_space<vmem>>, vector<16xf32>,
        %add3A_502 = arith.constant 11 : i32
        %add3A_503 = arith.addi %mul3A_264, %add3A_502 : i32
        %get3A_504 = arith.constant 2 : i32
        %get3A_505 = arith.index_cast %get3A_504 : i32 to index
        %get3A_506 = arith.index_cast %add3A_503 : i32 to index
        %get3A_507 = arith.constant 16 : index
        %get3A_508 = tpu.vector_load %arg11[%get3A_505, %get3A_506, %get3A_507] {strides = array<i32>} : memref<4x112x32xf32, #tpu.memory_space<vmem>>, vector<16xf32>,
        %mul3A_509 = arith.mulf %get3A_501, %get3A_232 : vector<16xf32>
        %mul3A_510 = arith.mulf %get3A_508, %get3A_235 : vector<16xf32>
        %add3A_511 = arith.addf %mul3A_509, %mul3A_510 : vector<16xf32>
        %swap3A_512 = arith.constant 11 : i32
        %swap3A_513 = arith.index_cast %swap3A_512 : i32 to index
        %swap3A_514 = arith.constant 0 : index
        %swap3A_515 = tpu.vector_load %arg12[%swap3A_513, %swap3A_514] {strides = array<i32>} : memref<16x17xf32, #tpu.memory_space<vmem>>, vector<16xf32>,
        tpu.vector_store %arg12[%swap3A_513, %swap3A_514], %add3A_511 {strides = array<i32>} : memref<16x17xf32, #tpu.memory_space<vmem>>, vector<16xf32>,
        %add3A_516 = arith.constant 12 : i32
        %add3A_517 = arith.addi %mul3A_264, %add3A_516 : i32
        %get3A_518 = arith.constant 2 : i32
        %get3A_519 = arith.index_cast %get3A_518 : i32 to index
        %get3A_520 = arith.index_cast %add3A_517 : i32 to index
        %get3A_521 = arith.constant 0 : index
        %get3A_522 = tpu.vector_load %arg11[%get3A_519, %get3A_520, %get3A_521] {strides = array<i32>} : memref<4x112x32xf32, #tpu.memory_space<vmem>>, vector<16xf32>,
        %add3A_523 = arith.constant 12 : i32
        %add3A_524 = arith.addi %mul3A_264, %add3A_523 : i32
        %get3A_525 = arith.constant 2 : i32
        %get3A_526 = arith.index_cast %get3A_525 : i32 to index
        %get3A_527 = arith.index_cast %add3A_524 : i32 to index
        %get3A_528 = arith.constant 16 : index
        %get3A_529 = tpu.vector_load %arg11[%get3A_526, %get3A_527, %get3A_528] {strides = array<i32>} : memref<4x112x32xf32, #tpu.memory_space<vmem>>, vector<16xf32>,
        %mul3A_530 = arith.mulf %get3A_522, %get3A_232 : vector<16xf32>
        %mul3A_531 = arith.mulf %get3A_529, %get3A_235 : vector<16xf32>
        %add3A_532 = arith.addf %mul3A_530, %mul3A_531 : vector<16xf32>
        %swap3A_533 = arith.constant 12 : i32
        %swap3A_534 = arith.index_cast %swap3A_533 : i32 to index
        %swap3A_535 = arith.constant 0 : index
        %swap3A_536 = tpu.vector_load %arg12[%swap3A_534, %swap3A_535] {strides = array<i32>} : memref<16x17xf32, #tpu.memory_space<vmem>>, vector<16xf32>,
        tpu.vector_store %arg12[%swap3A_534, %swap3A_535], %add3A_532 {strides = array<i32>} : memref<16x17xf32, #tpu.memory_space<vmem>>, vector<16xf32>,
        %add3A_537 = arith.constant 13 : i32
        %add3A_538 = arith.addi %mul3A_264, %add3A_537 : i32
        %get3A_539 = arith.constant 2 : i32
        %get3A_540 = arith.index_cast %get3A_539 : i32 to index
        %get3A_541 = arith.index_cast %add3A_538 : i32 to index
        %get3A_542 = arith.constant 0 : index
        %get3A_543 = tpu.vector_load %arg11[%get3A_540, %get3A_541, %get3A_542] {strides = array<i32>} : memref<4x112x32xf32, #tpu.memory_space<vmem>>, vector<16xf32>,
        %add3A_544 = arith.constant 13 : i32
        %add3A_545 = arith.addi %mul3A_264, %add3A_544 : i32
        %get3A_546 = arith.constant 2 : i32
        %get3A_547 = arith.index_cast %get3A_546 : i32 to index
        %get3A_548 = arith.index_cast %add3A_545 : i32 to index
        %get3A_549 = arith.constant 16 : index
        %get3A_550 = tpu.vector_load %arg11[%get3A_547, %get3A_548, %get3A_549] {strides = array<i32>} : memref<4x112x32xf32, #tpu.memory_space<vmem>>, vector<16xf32>,
        %mul3A_551 = arith.mulf %get3A_543, %get3A_232 : vector<16xf32>
        %mul3A_552 = arith.mulf %get3A_550, %get3A_235 : vector<16xf32>
        %add3A_553 = arith.addf %mul3A_551, %mul3A_552 : vector<16xf32>
        %swap3A_554 = arith.constant 13 : i32
        %swap3A_555 = arith.index_cast %swap3A_554 : i32 to index
        %swap3A_556 = arith.constant 0 : index
        %swap3A_557 = tpu.vector_load %arg12[%swap3A_555, %swap3A_556] {strides = array<i32>} : memref<16x17xf32, #tpu.memory_space<vmem>>, vector<16xf32>,
        tpu.vector_store %arg12[%swap3A_555, %swap3A_556], %add3A_553 {strides = array<i32>} : memref<16x17xf32, #tpu.memory_space<vmem>>, vector<16xf32>,
        %add3A_558 = arith.constant 14 : i32
        %add3A_559 = arith.addi %mul3A_264, %add3A_558 : i32
        %get3A_560 = arith.constant 2 : i32
        %get3A_561 = arith.index_cast %get3A_560 : i32 to index
        %get3A_562 = arith.index_cast %add3A_559 : i32 to index
        %get3A_563 = arith.constant 0 : index
        %get3A_564 = tpu.vector_load %arg11[%get3A_561, %get3A_562, %get3A_563] {strides = array<i32>} : memref<4x112x32xf32, #tpu.memory_space<vmem>>, vector<16xf32>,
        %add3A_565 = arith.constant 14 : i32
        %add3A_566 = arith.addi %mul3A_264, %add3A_565 : i32
        %get3A_567 = arith.constant 2 : i32
        %get3A_568 = arith.index_cast %get3A_567 : i32 to index
        %get3A_569 = arith.index_cast %add3A_566 : i32 to index
        %get3A_570 = arith.constant 16 : index
        %get3A_571 = tpu.vector_load %arg11[%get3A_568, %get3A_569, %get3A_570] {strides = array<i32>} : memref<4x112x32xf32, #tpu.memory_space<vmem>>, vector<16xf32>,
        %mul3A_572 = arith.mulf %get3A_564, %get3A_232 : vector<16xf32>
        %mul3A_573 = arith.mulf %get3A_571, %get3A_235 : vector<16xf32>
        %add3A_574 = arith.addf %mul3A_572, %mul3A_573 : vector<16xf32>
        %swap3A_575 = arith.constant 14 : i32
        %swap3A_576 = arith.index_cast %swap3A_575 : i32 to index
        %swap3A_577 = arith.constant 0 : index
        %swap3A_578 = tpu.vector_load %arg12[%swap3A_576, %swap3A_577] {strides = array<i32>} : memref<16x17xf32, #tpu.memory_space<vmem>>, vector<16xf32>,
        tpu.vector_store %arg12[%swap3A_576, %swap3A_577], %add3A_574 {strides = array<i32>} : memref<16x17xf32, #tpu.memory_space<vmem>>, vector<16xf32>,
        %add3A_579 = arith.constant 15 : i32
        %add3A_580 = arith.addi %mul3A_264, %add3A_579 : i32
        %get3A_581 = arith.constant 2 : i32
        %get3A_582 = arith.index_cast %get3A_581 : i32 to index
        %get3A_583 = arith.index_cast %add3A_580 : i32 to index
        %get3A_584 = arith.constant 0 : index
        %get3A_585 = tpu.vector_load %arg11[%get3A_582, %get3A_583, %get3A_584] {strides = array<i32>} : memref<4x112x32xf32, #tpu.memory_space<vmem>>, vector<16xf32>,
        %add3A_586 = arith.constant 15 : i32
        %add3A_587 = arith.addi %mul3A_264, %add3A_586 : i32
        %get3A_588 = arith.constant 2 : i32
        %get3A_589 = arith.index_cast %get3A_588 : i32 to index
        %get3A_590 = arith.index_cast %add3A_587 : i32 to index
        %get3A_591 = arith.constant 16 : index
        %get3A_592 = tpu.vector_load %arg11[%get3A_589, %get3A_590, %get3A_591] {strides = array<i32>} : memref<4x112x32xf32, #tpu.memory_space<vmem>>, vector<16xf32>,
        %mul3A_593 = arith.mulf %get3A_585, %get3A_232 : vector<16xf32>
        %mul3A_594 = arith.mulf %get3A_592, %get3A_235 : vector<16xf32>
        %add3A_595 = arith.addf %mul3A_593, %mul3A_594 : vector<16xf32>
        %swap3A_596 = arith.constant 15 : i32
        %swap3A_597 = arith.index_cast %swap3A_596 : i32 to index
        %swap3A_598 = arith.constant 0 : index
        %swap3A_599 = tpu.vector_load %arg12[%swap3A_597, %swap3A_598] {strides = array<i32>} : memref<16x17xf32, #tpu.memory_space<vmem>>, vector<16xf32>,
        tpu.vector_store %arg12[%swap3A_597, %swap3A_598], %add3A_595 {strides = array<i32>} : memref<16x17xf32, #tpu.memory_space<vmem>>, vector<16xf32>,
        %broadcast_in_dim3A = arith.constant 0 : i32
        %broadcast_in_dim3A_600 = vector.broadcast %broadcast_in_dim3A : i32 to vector<16xi32>
        %gather3A = tpu.vector_load_idx %arg12[%iota3A_236, %broadcast_in_dim3A_600] : memref<16x17xf32, #tpu.memory_space<vmem>>[vector<16xi32>, vector<16xi32>], vector<16xf32>,
        %broadcast_in_dim3A_601 = arith.constant 1 : i32
        %broadcast_in_dim3A_602 = vector.broadcast %broadcast_in_dim3A_601 : i32 to vector<16xi32>
        %gather3A_603 = tpu.vector_load_idx %arg12[%iota3A_236, %broadcast_in_dim3A_602] : memref<16x17xf32, #tpu.memory_space<vmem>>[vector<16xi32>, vector<16xi32>], vector<16xf32>,
        %broadcast_in_dim3A_604 = arith.constant 2 : i32
        %broadcast_in_dim3A_605 = vector.broadcast %broadcast_in_dim3A_604 : i32 to vector<16xi32>
        %gather3A_606 = tpu.vector_load_idx %arg12[%iota3A_236, %broadcast_in_dim3A_605] : memref<16x17xf32, #tpu.memory_space<vmem>>[vector<16xi32>, vector<16xi32>], vector<16xf32>,
        %broadcast_in_dim3A_607 = arith.constant 3 : i32
        %broadcast_in_dim3A_608 = vector.broadcast %broadcast_in_dim3A_607 : i32 to vector<16xi32>
        %gather3A_609 = tpu.vector_load_idx %arg12[%iota3A_236, %broadcast_in_dim3A_608] : memref<16x17xf32, #tpu.memory_space<vmem>>[vector<16xi32>, vector<16xi32>], vector<16xf32>,
        %broadcast_in_dim3A_610 = arith.constant 4 : i32
        %broadcast_in_dim3A_611 = vector.broadcast %broadcast_in_dim3A_610 : i32 to vector<16xi32>
        %gather3A_612 = tpu.vector_load_idx %arg12[%iota3A_236, %broadcast_in_dim3A_611] : memref<16x17xf32, #tpu.memory_space<vmem>>[vector<16xi32>, vector<16xi32>], vector<16xf32>,
        %broadcast_in_dim3A_613 = arith.constant 5 : i32
        %broadcast_in_dim3A_614 = vector.broadcast %broadcast_in_dim3A_613 : i32 to vector<16xi32>
        %gather3A_615 = tpu.vector_load_idx %arg12[%iota3A_236, %broadcast_in_dim3A_614] : memref<16x17xf32, #tpu.memory_space<vmem>>[vector<16xi32>, vector<16xi32>], vector<16xf32>,
        %broadcast_in_dim3A_616 = arith.constant 6 : i32
        %broadcast_in_dim3A_617 = vector.broadcast %broadcast_in_dim3A_616 : i32 to vector<16xi32>
        %gather3A_618 = tpu.vector_load_idx %arg12[%iota3A_236, %broadcast_in_dim3A_617] : memref<16x17xf32, #tpu.memory_space<vmem>>[vector<16xi32>, vector<16xi32>], vector<16xf32>,
        %broadcast_in_dim3A_619 = arith.constant 7 : i32
        %broadcast_in_dim3A_620 = vector.broadcast %broadcast_in_dim3A_619 : i32 to vector<16xi32>
        %gather3A_621 = tpu.vector_load_idx %arg12[%iota3A_236, %broadcast_in_dim3A_620] : memref<16x17xf32, #tpu.memory_space<vmem>>[vector<16xi32>, vector<16xi32>], vector<16xf32>,
        %broadcast_in_dim3A_622 = arith.constant 8 : i32
        %broadcast_in_dim3A_623 = vector.broadcast %broadcast_in_dim3A_622 : i32 to vector<16xi32>
        %gather3A_624 = tpu.vector_load_idx %arg12[%iota3A_236, %broadcast_in_dim3A_623] : memref<16x17xf32, #tpu.memory_space<vmem>>[vector<16xi32>, vector<16xi32>], vector<16xf32>,
        %broadcast_in_dim3A_625 = arith.constant 9 : i32
        %broadcast_in_dim3A_626 = vector.broadcast %broadcast_in_dim3A_625 : i32 to vector<16xi32>
        %gather3A_627 = tpu.vector_load_idx %arg12[%iota3A_236, %broadcast_in_dim3A_626] : memref<16x17xf32, #tpu.memory_space<vmem>>[vector<16xi32>, vector<16xi32>], vector<16xf32>,
        %broadcast_in_dim3A_628 = arith.constant 10 : i32
        %broadcast_in_dim3A_629 = vector.broadcast %broadcast_in_dim3A_628 : i32 to vector<16xi32>
        %gather3A_630 = tpu.vector_load_idx %arg12[%iota3A_236, %broadcast_in_dim3A_629] : memref<16x17xf32, #tpu.memory_space<vmem>>[vector<16xi32>, vector<16xi32>], vector<16xf32>,
        %broadcast_in_dim3A_631 = arith.constant 11 : i32
        %broadcast_in_dim3A_632 = vector.broadcast %broadcast_in_dim3A_631 : i32 to vector<16xi32>
        %gather3A_633 = tpu.vector_load_idx %arg12[%iota3A_236, %broadcast_in_dim3A_632] : memref<16x17xf32, #tpu.memory_space<vmem>>[vector<16xi32>, vector<16xi32>], vector<16xf32>,
        %broadcast_in_dim3A_634 = arith.constant 12 : i32
        %broadcast_in_dim3A_635 = vector.broadcast %broadcast_in_dim3A_634 : i32 to vector<16xi32>
        %gather3A_636 = tpu.vector_load_idx %arg12[%iota3A_236, %broadcast_in_dim3A_635] : memref<16x17xf32, #tpu.memory_space<vmem>>[vector<16xi32>, vector<16xi32>], vector<16xf32>,
        %broadcast_in_dim3A_637 = arith.constant 13 : i32
        %broadcast_in_dim3A_638 = vector.broadcast %broadcast_in_dim3A_637 : i32 to vector<16xi32>
        %gather3A_639 = tpu.vector_load_idx %arg12[%iota3A_236, %broadcast_in_dim3A_638] : memref<16x17xf32, #tpu.memory_space<vmem>>[vector<16xi32>, vector<16xi32>], vector<16xf32>,
        %broadcast_in_dim3A_640 = arith.constant 14 : i32
        %broadcast_in_dim3A_641 = vector.broadcast %broadcast_in_dim3A_640 : i32 to vector<16xi32>
        %gather3A_642 = tpu.vector_load_idx %arg12[%iota3A_236, %broadcast_in_dim3A_641] : memref<16x17xf32, #tpu.memory_space<vmem>>[vector<16xi32>, vector<16xi32>], vector<16xf32>,
        %broadcast_in_dim3A_643 = arith.constant 15 : i32
        %broadcast_in_dim3A_644 = vector.broadcast %broadcast_in_dim3A_643 : i32 to vector<16xi32>
        %gather3A_645 = tpu.vector_load_idx %arg12[%iota3A_236, %broadcast_in_dim3A_644] : memref<16x17xf32, #tpu.memory_space<vmem>>[vector<16xi32>, vector<16xi32>], vector<16xf32>,
        %add3A_646 = arith.addf %gather3A, %gather3A_603 : vector<16xf32>
        %add3A_647 = arith.addf %gather3A_606, %gather3A_609 : vector<16xf32>
        %add3A_648 = arith.addf %gather3A_612, %gather3A_615 : vector<16xf32>
        %add3A_649 = arith.addf %gather3A_618, %gather3A_621 : vector<16xf32>
        %add3A_650 = arith.addf %gather3A_624, %gather3A_627 : vector<16xf32>
        %add3A_651 = arith.addf %gather3A_630, %gather3A_633 : vector<16xf32>
        %add3A_652 = arith.addf %gather3A_636, %gather3A_639 : vector<16xf32>
        %add3A_653 = arith.addf %gather3A_642, %gather3A_645 : vector<16xf32>
        %add3A_654 = arith.addf %add3A_646, %add3A_647 : vector<16xf32>
        %add3A_655 = arith.addf %add3A_648, %add3A_649 : vector<16xf32>
        %add3A_656 = arith.addf %add3A_650, %add3A_651 : vector<16xf32>
        %add3A_657 = arith.addf %add3A_652, %add3A_653 : vector<16xf32>
        %add3A_658 = arith.addf %add3A_654, %add3A_655 : vector<16xf32>
        %add3A_659 = arith.addf %add3A_656, %add3A_657 : vector<16xf32>
        %add3A_660 = arith.addf %add3A_658, %add3A_659 : vector<16xf32>
        %add3A_661 = arith.constant 224 : i32
        %add3A_662 = arith.addi %add3A_661, %mul3A_264 : i32
        %swap3A_663 = arith.index_cast %add3A_662 : i32 to index
        %swap3A_664 = tpu.vector_load %arg14[%swap3A_663] {strides = array<i32>} : memref<448xf32, #tpu.memory_space<vmem>>, vector<16xf32>,
        tpu.vector_store %arg14[%swap3A_663], %add3A_660 {strides = array<i32>} : memref<448xf32, #tpu.memory_space<vmem>>, vector<16xf32>,
      }
      %scan3A_254 = arith.constant 7 : i32
      %scan3A_255 = arith.constant 0 : i32
      %scan3A_256 = arith.constant 0 : i32
      %scan3A_257 = arith.constant 7 : i32
      %scan3A_258 = arith.addi %scan3A_256, %scan3A_257 : i32
      %scan3A_259 = arith.constant 1 : i32
      scf.for %scan3A_262 = %scan3A_256 to %scan3A_258 step %scan3A_259  : i32 {
        %mul3A_263 = arith.constant 16 : i32
        %mul3A_264 = arith.muli %scan3A_262, %mul3A_263 : i32
        %add3A_265 = arith.constant 0 : i32
        %add3A_266 = arith.addi %mul3A_264, %add3A_265 : i32
        %get3A_267 = arith.constant 3 : i32
        %get3A_268 = arith.index_cast %get3A_267 : i32 to index
        %get3A_269 = arith.index_cast %add3A_266 : i32 to index
        %get3A_270 = arith.constant 0 : index
        %get3A_271 = tpu.vector_load %arg11[%get3A_268, %get3A_269, %get3A_270] {strides = array<i32>} : memref<4x112x32xf32, #tpu.memory_space<vmem>>, vector<16xf32>,
        %add3A_272 = arith.constant 0 : i32
        %add3A_273 = arith.addi %mul3A_264, %add3A_272 : i32
        %get3A_274 = arith.constant 3 : i32
        %get3A_275 = arith.index_cast %get3A_274 : i32 to index
        %get3A_276 = arith.index_cast %add3A_273 : i32 to index
        %get3A_277 = arith.constant 16 : index
        %get3A_278 = tpu.vector_load %arg11[%get3A_275, %get3A_276, %get3A_277] {strides = array<i32>} : memref<4x112x32xf32, #tpu.memory_space<vmem>>, vector<16xf32>,
        %mul3A_279 = arith.mulf %get3A_271, %get3A_232 : vector<16xf32>
        %mul3A_280 = arith.mulf %get3A_278, %get3A_235 : vector<16xf32>
        %add3A_281 = arith.addf %mul3A_279, %mul3A_280 : vector<16xf32>
        %swap3A = arith.constant 0 : i32
        %swap3A_282 = arith.index_cast %swap3A : i32 to index
        %swap3A_283 = arith.constant 0 : index
        %swap3A_284 = tpu.vector_load %arg12[%swap3A_282, %swap3A_283] {strides = array<i32>} : memref<16x17xf32, #tpu.memory_space<vmem>>, vector<16xf32>,
        tpu.vector_store %arg12[%swap3A_282, %swap3A_283], %add3A_281 {strides = array<i32>} : memref<16x17xf32, #tpu.memory_space<vmem>>, vector<16xf32>,
        %add3A_285 = arith.constant 1 : i32
        %add3A_286 = arith.addi %mul3A_264, %add3A_285 : i32
        %get3A_287 = arith.constant 3 : i32
        %get3A_288 = arith.index_cast %get3A_287 : i32 to index
        %get3A_289 = arith.index_cast %add3A_286 : i32 to index
        %get3A_290 = arith.constant 0 : index
        %get3A_291 = tpu.vector_load %arg11[%get3A_288, %get3A_289, %get3A_290] {strides = array<i32>} : memref<4x112x32xf32, #tpu.memory_space<vmem>>, vector<16xf32>,
        %add3A_292 = arith.constant 1 : i32
        %add3A_293 = arith.addi %mul3A_264, %add3A_292 : i32
        %get3A_294 = arith.constant 3 : i32
        %get3A_295 = arith.index_cast %get3A_294 : i32 to index
        %get3A_296 = arith.index_cast %add3A_293 : i32 to index
        %get3A_297 = arith.constant 16 : index
        %get3A_298 = tpu.vector_load %arg11[%get3A_295, %get3A_296, %get3A_297] {strides = array<i32>} : memref<4x112x32xf32, #tpu.memory_space<vmem>>, vector<16xf32>,
        %mul3A_299 = arith.mulf %get3A_291, %get3A_232 : vector<16xf32>
        %mul3A_300 = arith.mulf %get3A_298, %get3A_235 : vector<16xf32>
        %add3A_301 = arith.addf %mul3A_299, %mul3A_300 : vector<16xf32>
        %swap3A_302 = arith.constant 1 : i32
        %swap3A_303 = arith.index_cast %swap3A_302 : i32 to index
        %swap3A_304 = arith.constant 0 : index
        %swap3A_305 = tpu.vector_load %arg12[%swap3A_303, %swap3A_304] {strides = array<i32>} : memref<16x17xf32, #tpu.memory_space<vmem>>, vector<16xf32>,
        tpu.vector_store %arg12[%swap3A_303, %swap3A_304], %add3A_301 {strides = array<i32>} : memref<16x17xf32, #tpu.memory_space<vmem>>, vector<16xf32>,
        %add3A_306 = arith.constant 2 : i32
        %add3A_307 = arith.addi %mul3A_264, %add3A_306 : i32
        %get3A_308 = arith.constant 3 : i32
        %get3A_309 = arith.index_cast %get3A_308 : i32 to index
        %get3A_310 = arith.index_cast %add3A_307 : i32 to index
        %get3A_311 = arith.constant 0 : index
        %get3A_312 = tpu.vector_load %arg11[%get3A_309, %get3A_310, %get3A_311] {strides = array<i32>} : memref<4x112x32xf32, #tpu.memory_space<vmem>>, vector<16xf32>,
        %add3A_313 = arith.constant 2 : i32
        %add3A_314 = arith.addi %mul3A_264, %add3A_313 : i32
        %get3A_315 = arith.constant 3 : i32
        %get3A_316 = arith.index_cast %get3A_315 : i32 to index
        %get3A_317 = arith.index_cast %add3A_314 : i32 to index
        %get3A_318 = arith.constant 16 : index
        %get3A_319 = tpu.vector_load %arg11[%get3A_316, %get3A_317, %get3A_318] {strides = array<i32>} : memref<4x112x32xf32, #tpu.memory_space<vmem>>, vector<16xf32>,
        %mul3A_320 = arith.mulf %get3A_312, %get3A_232 : vector<16xf32>
        %mul3A_321 = arith.mulf %get3A_319, %get3A_235 : vector<16xf32>
        %add3A_322 = arith.addf %mul3A_320, %mul3A_321 : vector<16xf32>
        %swap3A_323 = arith.constant 2 : i32
        %swap3A_324 = arith.index_cast %swap3A_323 : i32 to index
        %swap3A_325 = arith.constant 0 : index
        %swap3A_326 = tpu.vector_load %arg12[%swap3A_324, %swap3A_325] {strides = array<i32>} : memref<16x17xf32, #tpu.memory_space<vmem>>, vector<16xf32>,
        tpu.vector_store %arg12[%swap3A_324, %swap3A_325], %add3A_322 {strides = array<i32>} : memref<16x17xf32, #tpu.memory_space<vmem>>, vector<16xf32>,
        %add3A_327 = arith.constant 3 : i32
        %add3A_328 = arith.addi %mul3A_264, %add3A_327 : i32
        %get3A_329 = arith.constant 3 : i32
        %get3A_330 = arith.index_cast %get3A_329 : i32 to index
        %get3A_331 = arith.index_cast %add3A_328 : i32 to index
        %get3A_332 = arith.constant 0 : index
        %get3A_333 = tpu.vector_load %arg11[%get3A_330, %get3A_331, %get3A_332] {strides = array<i32>} : memref<4x112x32xf32, #tpu.memory_space<vmem>>, vector<16xf32>,
        %add3A_334 = arith.constant 3 : i32
        %add3A_335 = arith.addi %mul3A_264, %add3A_334 : i32
        %get3A_336 = arith.constant 3 : i32
        %get3A_337 = arith.index_cast %get3A_336 : i32 to index
        %get3A_338 = arith.index_cast %add3A_335 : i32 to index
        %get3A_339 = arith.constant 16 : index
        %get3A_340 = tpu.vector_load %arg11[%get3A_337, %get3A_338, %get3A_339] {strides = array<i32>} : memref<4x112x32xf32, #tpu.memory_space<vmem>>, vector<16xf32>,
        %mul3A_341 = arith.mulf %get3A_333, %get3A_232 : vector<16xf32>
        %mul3A_342 = arith.mulf %get3A_340, %get3A_235 : vector<16xf32>
        %add3A_343 = arith.addf %mul3A_341, %mul3A_342 : vector<16xf32>
        %swap3A_344 = arith.constant 3 : i32
        %swap3A_345 = arith.index_cast %swap3A_344 : i32 to index
        %swap3A_346 = arith.constant 0 : index
        %swap3A_347 = tpu.vector_load %arg12[%swap3A_345, %swap3A_346] {strides = array<i32>} : memref<16x17xf32, #tpu.memory_space<vmem>>, vector<16xf32>,
        tpu.vector_store %arg12[%swap3A_345, %swap3A_346], %add3A_343 {strides = array<i32>} : memref<16x17xf32, #tpu.memory_space<vmem>>, vector<16xf32>,
        %add3A_348 = arith.constant 4 : i32
        %add3A_349 = arith.addi %mul3A_264, %add3A_348 : i32
        %get3A_350 = arith.constant 3 : i32
        %get3A_351 = arith.index_cast %get3A_350 : i32 to index
        %get3A_352 = arith.index_cast %add3A_349 : i32 to index
        %get3A_353 = arith.constant 0 : index
        %get3A_354 = tpu.vector_load %arg11[%get3A_351, %get3A_352, %get3A_353] {strides = array<i32>} : memref<4x112x32xf32, #tpu.memory_space<vmem>>, vector<16xf32>,
        %add3A_355 = arith.constant 4 : i32
        %add3A_356 = arith.addi %mul3A_264, %add3A_355 : i32
        %get3A_357 = arith.constant 3 : i32
        %get3A_358 = arith.index_cast %get3A_357 : i32 to index
        %get3A_359 = arith.index_cast %add3A_356 : i32 to index
        %get3A_360 = arith.constant 16 : index
        %get3A_361 = tpu.vector_load %arg11[%get3A_358, %get3A_359, %get3A_360] {strides = array<i32>} : memref<4x112x32xf32, #tpu.memory_space<vmem>>, vector<16xf32>,
        %mul3A_362 = arith.mulf %get3A_354, %get3A_232 : vector<16xf32>
        %mul3A_363 = arith.mulf %get3A_361, %get3A_235 : vector<16xf32>
        %add3A_364 = arith.addf %mul3A_362, %mul3A_363 : vector<16xf32>
        %swap3A_365 = arith.constant 4 : i32
        %swap3A_366 = arith.index_cast %swap3A_365 : i32 to index
        %swap3A_367 = arith.constant 0 : index
        %swap3A_368 = tpu.vector_load %arg12[%swap3A_366, %swap3A_367] {strides = array<i32>} : memref<16x17xf32, #tpu.memory_space<vmem>>, vector<16xf32>,
        tpu.vector_store %arg12[%swap3A_366, %swap3A_367], %add3A_364 {strides = array<i32>} : memref<16x17xf32, #tpu.memory_space<vmem>>, vector<16xf32>,
        %add3A_369 = arith.constant 5 : i32
        %add3A_370 = arith.addi %mul3A_264, %add3A_369 : i32
        %get3A_371 = arith.constant 3 : i32
        %get3A_372 = arith.index_cast %get3A_371 : i32 to index
        %get3A_373 = arith.index_cast %add3A_370 : i32 to index
        %get3A_374 = arith.constant 0 : index
        %get3A_375 = tpu.vector_load %arg11[%get3A_372, %get3A_373, %get3A_374] {strides = array<i32>} : memref<4x112x32xf32, #tpu.memory_space<vmem>>, vector<16xf32>,
        %add3A_376 = arith.constant 5 : i32
        %add3A_377 = arith.addi %mul3A_264, %add3A_376 : i32
        %get3A_378 = arith.constant 3 : i32
        %get3A_379 = arith.index_cast %get3A_378 : i32 to index
        %get3A_380 = arith.index_cast %add3A_377 : i32 to index
        %get3A_381 = arith.constant 16 : index
        %get3A_382 = tpu.vector_load %arg11[%get3A_379, %get3A_380, %get3A_381] {strides = array<i32>} : memref<4x112x32xf32, #tpu.memory_space<vmem>>, vector<16xf32>,
        %mul3A_383 = arith.mulf %get3A_375, %get3A_232 : vector<16xf32>
        %mul3A_384 = arith.mulf %get3A_382, %get3A_235 : vector<16xf32>
        %add3A_385 = arith.addf %mul3A_383, %mul3A_384 : vector<16xf32>
        %swap3A_386 = arith.constant 5 : i32
        %swap3A_387 = arith.index_cast %swap3A_386 : i32 to index
        %swap3A_388 = arith.constant 0 : index
        %swap3A_389 = tpu.vector_load %arg12[%swap3A_387, %swap3A_388] {strides = array<i32>} : memref<16x17xf32, #tpu.memory_space<vmem>>, vector<16xf32>,
        tpu.vector_store %arg12[%swap3A_387, %swap3A_388], %add3A_385 {strides = array<i32>} : memref<16x17xf32, #tpu.memory_space<vmem>>, vector<16xf32>,
        %add3A_390 = arith.constant 6 : i32
        %add3A_391 = arith.addi %mul3A_264, %add3A_390 : i32
        %get3A_392 = arith.constant 3 : i32
        %get3A_393 = arith.index_cast %get3A_392 : i32 to index
        %get3A_394 = arith.index_cast %add3A_391 : i32 to index
        %get3A_395 = arith.constant 0 : index
        %get3A_396 = tpu.vector_load %arg11[%get3A_393, %get3A_394, %get3A_395] {strides = array<i32>} : memref<4x112x32xf32, #tpu.memory_space<vmem>>, vector<16xf32>,
        %add3A_397 = arith.constant 6 : i32
        %add3A_398 = arith.addi %mul3A_264, %add3A_397 : i32
        %get3A_399 = arith.constant 3 : i32
        %get3A_400 = arith.index_cast %get3A_399 : i32 to index
        %get3A_401 = arith.index_cast %add3A_398 : i32 to index
        %get3A_402 = arith.constant 16 : index
        %get3A_403 = tpu.vector_load %arg11[%get3A_400, %get3A_401, %get3A_402] {strides = array<i32>} : memref<4x112x32xf32, #tpu.memory_space<vmem>>, vector<16xf32>,
        %mul3A_404 = arith.mulf %get3A_396, %get3A_232 : vector<16xf32>
        %mul3A_405 = arith.mulf %get3A_403, %get3A_235 : vector<16xf32>
        %add3A_406 = arith.addf %mul3A_404, %mul3A_405 : vector<16xf32>
        %swap3A_407 = arith.constant 6 : i32
        %swap3A_408 = arith.index_cast %swap3A_407 : i32 to index
        %swap3A_409 = arith.constant 0 : index
        %swap3A_410 = tpu.vector_load %arg12[%swap3A_408, %swap3A_409] {strides = array<i32>} : memref<16x17xf32, #tpu.memory_space<vmem>>, vector<16xf32>,
        tpu.vector_store %arg12[%swap3A_408, %swap3A_409], %add3A_406 {strides = array<i32>} : memref<16x17xf32, #tpu.memory_space<vmem>>, vector<16xf32>,
        %add3A_411 = arith.constant 7 : i32
        %add3A_412 = arith.addi %mul3A_264, %add3A_411 : i32
        %get3A_413 = arith.constant 3 : i32
        %get3A_414 = arith.index_cast %get3A_413 : i32 to index
        %get3A_415 = arith.index_cast %add3A_412 : i32 to index
        %get3A_416 = arith.constant 0 : index
        %get3A_417 = tpu.vector_load %arg11[%get3A_414, %get3A_415, %get3A_416] {strides = array<i32>} : memref<4x112x32xf32, #tpu.memory_space<vmem>>, vector<16xf32>,
        %add3A_418 = arith.constant 7 : i32
        %add3A_419 = arith.addi %mul3A_264, %add3A_418 : i32
        %get3A_420 = arith.constant 3 : i32
        %get3A_421 = arith.index_cast %get3A_420 : i32 to index
        %get3A_422 = arith.index_cast %add3A_419 : i32 to index
        %get3A_423 = arith.constant 16 : index
        %get3A_424 = tpu.vector_load %arg11[%get3A_421, %get3A_422, %get3A_423] {strides = array<i32>} : memref<4x112x32xf32, #tpu.memory_space<vmem>>, vector<16xf32>,
        %mul3A_425 = arith.mulf %get3A_417, %get3A_232 : vector<16xf32>
        %mul3A_426 = arith.mulf %get3A_424, %get3A_235 : vector<16xf32>
        %add3A_427 = arith.addf %mul3A_425, %mul3A_426 : vector<16xf32>
        %swap3A_428 = arith.constant 7 : i32
        %swap3A_429 = arith.index_cast %swap3A_428 : i32 to index
        %swap3A_430 = arith.constant 0 : index
        %swap3A_431 = tpu.vector_load %arg12[%swap3A_429, %swap3A_430] {strides = array<i32>} : memref<16x17xf32, #tpu.memory_space<vmem>>, vector<16xf32>,
        tpu.vector_store %arg12[%swap3A_429, %swap3A_430], %add3A_427 {strides = array<i32>} : memref<16x17xf32, #tpu.memory_space<vmem>>, vector<16xf32>,
        %add3A_432 = arith.constant 8 : i32
        %add3A_433 = arith.addi %mul3A_264, %add3A_432 : i32
        %get3A_434 = arith.constant 3 : i32
        %get3A_435 = arith.index_cast %get3A_434 : i32 to index
        %get3A_436 = arith.index_cast %add3A_433 : i32 to index
        %get3A_437 = arith.constant 0 : index
        %get3A_438 = tpu.vector_load %arg11[%get3A_435, %get3A_436, %get3A_437] {strides = array<i32>} : memref<4x112x32xf32, #tpu.memory_space<vmem>>, vector<16xf32>,
        %add3A_439 = arith.constant 8 : i32
        %add3A_440 = arith.addi %mul3A_264, %add3A_439 : i32
        %get3A_441 = arith.constant 3 : i32
        %get3A_442 = arith.index_cast %get3A_441 : i32 to index
        %get3A_443 = arith.index_cast %add3A_440 : i32 to index
        %get3A_444 = arith.constant 16 : index
        %get3A_445 = tpu.vector_load %arg11[%get3A_442, %get3A_443, %get3A_444] {strides = array<i32>} : memref<4x112x32xf32, #tpu.memory_space<vmem>>, vector<16xf32>,
        %mul3A_446 = arith.mulf %get3A_438, %get3A_232 : vector<16xf32>
        %mul3A_447 = arith.mulf %get3A_445, %get3A_235 : vector<16xf32>
        %add3A_448 = arith.addf %mul3A_446, %mul3A_447 : vector<16xf32>
        %swap3A_449 = arith.constant 8 : i32
        %swap3A_450 = arith.index_cast %swap3A_449 : i32 to index
        %swap3A_451 = arith.constant 0 : index
        %swap3A_452 = tpu.vector_load %arg12[%swap3A_450, %swap3A_451] {strides = array<i32>} : memref<16x17xf32, #tpu.memory_space<vmem>>, vector<16xf32>,
        tpu.vector_store %arg12[%swap3A_450, %swap3A_451], %add3A_448 {strides = array<i32>} : memref<16x17xf32, #tpu.memory_space<vmem>>, vector<16xf32>,
        %add3A_453 = arith.constant 9 : i32
        %add3A_454 = arith.addi %mul3A_264, %add3A_453 : i32
        %get3A_455 = arith.constant 3 : i32
        %get3A_456 = arith.index_cast %get3A_455 : i32 to index
        %get3A_457 = arith.index_cast %add3A_454 : i32 to index
        %get3A_458 = arith.constant 0 : index
        %get3A_459 = tpu.vector_load %arg11[%get3A_456, %get3A_457, %get3A_458] {strides = array<i32>} : memref<4x112x32xf32, #tpu.memory_space<vmem>>, vector<16xf32>,
        %add3A_460 = arith.constant 9 : i32
        %add3A_461 = arith.addi %mul3A_264, %add3A_460 : i32
        %get3A_462 = arith.constant 3 : i32
        %get3A_463 = arith.index_cast %get3A_462 : i32 to index
        %get3A_464 = arith.index_cast %add3A_461 : i32 to index
        %get3A_465 = arith.constant 16 : index
        %get3A_466 = tpu.vector_load %arg11[%get3A_463, %get3A_464, %get3A_465] {strides = array<i32>} : memref<4x112x32xf32, #tpu.memory_space<vmem>>, vector<16xf32>,
        %mul3A_467 = arith.mulf %get3A_459, %get3A_232 : vector<16xf32>
        %mul3A_468 = arith.mulf %get3A_466, %get3A_235 : vector<16xf32>
        %add3A_469 = arith.addf %mul3A_467, %mul3A_468 : vector<16xf32>
        %swap3A_470 = arith.constant 9 : i32
        %swap3A_471 = arith.index_cast %swap3A_470 : i32 to index
        %swap3A_472 = arith.constant 0 : index
        %swap3A_473 = tpu.vector_load %arg12[%swap3A_471, %swap3A_472] {strides = array<i32>} : memref<16x17xf32, #tpu.memory_space<vmem>>, vector<16xf32>,
        tpu.vector_store %arg12[%swap3A_471, %swap3A_472], %add3A_469 {strides = array<i32>} : memref<16x17xf32, #tpu.memory_space<vmem>>, vector<16xf32>,
        %add3A_474 = arith.constant 10 : i32
        %add3A_475 = arith.addi %mul3A_264, %add3A_474 : i32
        %get3A_476 = arith.constant 3 : i32
        %get3A_477 = arith.index_cast %get3A_476 : i32 to index
        %get3A_478 = arith.index_cast %add3A_475 : i32 to index
        %get3A_479 = arith.constant 0 : index
        %get3A_480 = tpu.vector_load %arg11[%get3A_477, %get3A_478, %get3A_479] {strides = array<i32>} : memref<4x112x32xf32, #tpu.memory_space<vmem>>, vector<16xf32>,
        %add3A_481 = arith.constant 10 : i32
        %add3A_482 = arith.addi %mul3A_264, %add3A_481 : i32
        %get3A_483 = arith.constant 3 : i32
        %get3A_484 = arith.index_cast %get3A_483 : i32 to index
        %get3A_485 = arith.index_cast %add3A_482 : i32 to index
        %get3A_486 = arith.constant 16 : index
        %get3A_487 = tpu.vector_load %arg11[%get3A_484, %get3A_485, %get3A_486] {strides = array<i32>} : memref<4x112x32xf32, #tpu.memory_space<vmem>>, vector<16xf32>,
        %mul3A_488 = arith.mulf %get3A_480, %get3A_232 : vector<16xf32>
        %mul3A_489 = arith.mulf %get3A_487, %get3A_235 : vector<16xf32>
        %add3A_490 = arith.addf %mul3A_488, %mul3A_489 : vector<16xf32>
        %swap3A_491 = arith.constant 10 : i32
        %swap3A_492 = arith.index_cast %swap3A_491 : i32 to index
        %swap3A_493 = arith.constant 0 : index
        %swap3A_494 = tpu.vector_load %arg12[%swap3A_492, %swap3A_493] {strides = array<i32>} : memref<16x17xf32, #tpu.memory_space<vmem>>, vector<16xf32>,
        tpu.vector_store %arg12[%swap3A_492, %swap3A_493], %add3A_490 {strides = array<i32>} : memref<16x17xf32, #tpu.memory_space<vmem>>, vector<16xf32>,
        %add3A_495 = arith.constant 11 : i32
        %add3A_496 = arith.addi %mul3A_264, %add3A_495 : i32
        %get3A_497 = arith.constant 3 : i32
        %get3A_498 = arith.index_cast %get3A_497 : i32 to index
        %get3A_499 = arith.index_cast %add3A_496 : i32 to index
        %get3A_500 = arith.constant 0 : index
        %get3A_501 = tpu.vector_load %arg11[%get3A_498, %get3A_499, %get3A_500] {strides = array<i32>} : memref<4x112x32xf32, #tpu.memory_space<vmem>>, vector<16xf32>,
        %add3A_502 = arith.constant 11 : i32
        %add3A_503 = arith.addi %mul3A_264, %add3A_502 : i32
        %get3A_504 = arith.constant 3 : i32
        %get3A_505 = arith.index_cast %get3A_504 : i32 to index
        %get3A_506 = arith.index_cast %add3A_503 : i32 to index
        %get3A_507 = arith.constant 16 : index
        %get3A_508 = tpu.vector_load %arg11[%get3A_505, %get3A_506, %get3A_507] {strides = array<i32>} : memref<4x112x32xf32, #tpu.memory_space<vmem>>, vector<16xf32>,
        %mul3A_509 = arith.mulf %get3A_501, %get3A_232 : vector<16xf32>
        %mul3A_510 = arith.mulf %get3A_508, %get3A_235 : vector<16xf32>
        %add3A_511 = arith.addf %mul3A_509, %mul3A_510 : vector<16xf32>
        %swap3A_512 = arith.constant 11 : i32
        %swap3A_513 = arith.index_cast %swap3A_512 : i32 to index
        %swap3A_514 = arith.constant 0 : index
        %swap3A_515 = tpu.vector_load %arg12[%swap3A_513, %swap3A_514] {strides = array<i32>} : memref<16x17xf32, #tpu.memory_space<vmem>>, vector<16xf32>,
        tpu.vector_store %arg12[%swap3A_513, %swap3A_514], %add3A_511 {strides = array<i32>} : memref<16x17xf32, #tpu.memory_space<vmem>>, vector<16xf32>,
        %add3A_516 = arith.constant 12 : i32
        %add3A_517 = arith.addi %mul3A_264, %add3A_516 : i32
        %get3A_518 = arith.constant 3 : i32
        %get3A_519 = arith.index_cast %get3A_518 : i32 to index
        %get3A_520 = arith.index_cast %add3A_517 : i32 to index
        %get3A_521 = arith.constant 0 : index
        %get3A_522 = tpu.vector_load %arg11[%get3A_519, %get3A_520, %get3A_521] {strides = array<i32>} : memref<4x112x32xf32, #tpu.memory_space<vmem>>, vector<16xf32>,
        %add3A_523 = arith.constant 12 : i32
        %add3A_524 = arith.addi %mul3A_264, %add3A_523 : i32
        %get3A_525 = arith.constant 3 : i32
        %get3A_526 = arith.index_cast %get3A_525 : i32 to index
        %get3A_527 = arith.index_cast %add3A_524 : i32 to index
        %get3A_528 = arith.constant 16 : index
        %get3A_529 = tpu.vector_load %arg11[%get3A_526, %get3A_527, %get3A_528] {strides = array<i32>} : memref<4x112x32xf32, #tpu.memory_space<vmem>>, vector<16xf32>,
        %mul3A_530 = arith.mulf %get3A_522, %get3A_232 : vector<16xf32>
        %mul3A_531 = arith.mulf %get3A_529, %get3A_235 : vector<16xf32>
        %add3A_532 = arith.addf %mul3A_530, %mul3A_531 : vector<16xf32>
        %swap3A_533 = arith.constant 12 : i32
        %swap3A_534 = arith.index_cast %swap3A_533 : i32 to index
        %swap3A_535 = arith.constant 0 : index
        %swap3A_536 = tpu.vector_load %arg12[%swap3A_534, %swap3A_535] {strides = array<i32>} : memref<16x17xf32, #tpu.memory_space<vmem>>, vector<16xf32>,
        tpu.vector_store %arg12[%swap3A_534, %swap3A_535], %add3A_532 {strides = array<i32>} : memref<16x17xf32, #tpu.memory_space<vmem>>, vector<16xf32>,
        %add3A_537 = arith.constant 13 : i32
        %add3A_538 = arith.addi %mul3A_264, %add3A_537 : i32
        %get3A_539 = arith.constant 3 : i32
        %get3A_540 = arith.index_cast %get3A_539 : i32 to index
        %get3A_541 = arith.index_cast %add3A_538 : i32 to index
        %get3A_542 = arith.constant 0 : index
        %get3A_543 = tpu.vector_load %arg11[%get3A_540, %get3A_541, %get3A_542] {strides = array<i32>} : memref<4x112x32xf32, #tpu.memory_space<vmem>>, vector<16xf32>,
        %add3A_544 = arith.constant 13 : i32
        %add3A_545 = arith.addi %mul3A_264, %add3A_544 : i32
        %get3A_546 = arith.constant 3 : i32
        %get3A_547 = arith.index_cast %get3A_546 : i32 to index
        %get3A_548 = arith.index_cast %add3A_545 : i32 to index
        %get3A_549 = arith.constant 16 : index
        %get3A_550 = tpu.vector_load %arg11[%get3A_547, %get3A_548, %get3A_549] {strides = array<i32>} : memref<4x112x32xf32, #tpu.memory_space<vmem>>, vector<16xf32>,
        %mul3A_551 = arith.mulf %get3A_543, %get3A_232 : vector<16xf32>
        %mul3A_552 = arith.mulf %get3A_550, %get3A_235 : vector<16xf32>
        %add3A_553 = arith.addf %mul3A_551, %mul3A_552 : vector<16xf32>
        %swap3A_554 = arith.constant 13 : i32
        %swap3A_555 = arith.index_cast %swap3A_554 : i32 to index
        %swap3A_556 = arith.constant 0 : index
        %swap3A_557 = tpu.vector_load %arg12[%swap3A_555, %swap3A_556] {strides = array<i32>} : memref<16x17xf32, #tpu.memory_space<vmem>>, vector<16xf32>,
        tpu.vector_store %arg12[%swap3A_555, %swap3A_556], %add3A_553 {strides = array<i32>} : memref<16x17xf32, #tpu.memory_space<vmem>>, vector<16xf32>,
        %add3A_558 = arith.constant 14 : i32
        %add3A_559 = arith.addi %mul3A_264, %add3A_558 : i32
        %get3A_560 = arith.constant 3 : i32
        %get3A_561 = arith.index_cast %get3A_560 : i32 to index
        %get3A_562 = arith.index_cast %add3A_559 : i32 to index
        %get3A_563 = arith.constant 0 : index
        %get3A_564 = tpu.vector_load %arg11[%get3A_561, %get3A_562, %get3A_563] {strides = array<i32>} : memref<4x112x32xf32, #tpu.memory_space<vmem>>, vector<16xf32>,
        %add3A_565 = arith.constant 14 : i32
        %add3A_566 = arith.addi %mul3A_264, %add3A_565 : i32
        %get3A_567 = arith.constant 3 : i32
        %get3A_568 = arith.index_cast %get3A_567 : i32 to index
        %get3A_569 = arith.index_cast %add3A_566 : i32 to index
        %get3A_570 = arith.constant 16 : index
        %get3A_571 = tpu.vector_load %arg11[%get3A_568, %get3A_569, %get3A_570] {strides = array<i32>} : memref<4x112x32xf32, #tpu.memory_space<vmem>>, vector<16xf32>,
        %mul3A_572 = arith.mulf %get3A_564, %get3A_232 : vector<16xf32>
        %mul3A_573 = arith.mulf %get3A_571, %get3A_235 : vector<16xf32>
        %add3A_574 = arith.addf %mul3A_572, %mul3A_573 : vector<16xf32>
        %swap3A_575 = arith.constant 14 : i32
        %swap3A_576 = arith.index_cast %swap3A_575 : i32 to index
        %swap3A_577 = arith.constant 0 : index
        %swap3A_578 = tpu.vector_load %arg12[%swap3A_576, %swap3A_577] {strides = array<i32>} : memref<16x17xf32, #tpu.memory_space<vmem>>, vector<16xf32>,
        tpu.vector_store %arg12[%swap3A_576, %swap3A_577], %add3A_574 {strides = array<i32>} : memref<16x17xf32, #tpu.memory_space<vmem>>, vector<16xf32>,
        %add3A_579 = arith.constant 15 : i32
        %add3A_580 = arith.addi %mul3A_264, %add3A_579 : i32
        %get3A_581 = arith.constant 3 : i32
        %get3A_582 = arith.index_cast %get3A_581 : i32 to index
        %get3A_583 = arith.index_cast %add3A_580 : i32 to index
        %get3A_584 = arith.constant 0 : index
        %get3A_585 = tpu.vector_load %arg11[%get3A_582, %get3A_583, %get3A_584] {strides = array<i32>} : memref<4x112x32xf32, #tpu.memory_space<vmem>>, vector<16xf32>,
        %add3A_586 = arith.constant 15 : i32
        %add3A_587 = arith.addi %mul3A_264, %add3A_586 : i32
        %get3A_588 = arith.constant 3 : i32
        %get3A_589 = arith.index_cast %get3A_588 : i32 to index
        %get3A_590 = arith.index_cast %add3A_587 : i32 to index
        %get3A_591 = arith.constant 16 : index
        %get3A_592 = tpu.vector_load %arg11[%get3A_589, %get3A_590, %get3A_591] {strides = array<i32>} : memref<4x112x32xf32, #tpu.memory_space<vmem>>, vector<16xf32>,
        %mul3A_593 = arith.mulf %get3A_585, %get3A_232 : vector<16xf32>
        %mul3A_594 = arith.mulf %get3A_592, %get3A_235 : vector<16xf32>
        %add3A_595 = arith.addf %mul3A_593, %mul3A_594 : vector<16xf32>
        %swap3A_596 = arith.constant 15 : i32
        %swap3A_597 = arith.index_cast %swap3A_596 : i32 to index
        %swap3A_598 = arith.constant 0 : index
        %swap3A_599 = tpu.vector_load %arg12[%swap3A_597, %swap3A_598] {strides = array<i32>} : memref<16x17xf32, #tpu.memory_space<vmem>>, vector<16xf32>,
        tpu.vector_store %arg12[%swap3A_597, %swap3A_598], %add3A_595 {strides = array<i32>} : memref<16x17xf32, #tpu.memory_space<vmem>>, vector<16xf32>,
        %broadcast_in_dim3A = arith.constant 0 : i32
        %broadcast_in_dim3A_600 = vector.broadcast %broadcast_in_dim3A : i32 to vector<16xi32>
        %gather3A = tpu.vector_load_idx %arg12[%iota3A_236, %broadcast_in_dim3A_600] : memref<16x17xf32, #tpu.memory_space<vmem>>[vector<16xi32>, vector<16xi32>], vector<16xf32>,
        %broadcast_in_dim3A_601 = arith.constant 1 : i32
        %broadcast_in_dim3A_602 = vector.broadcast %broadcast_in_dim3A_601 : i32 to vector<16xi32>
        %gather3A_603 = tpu.vector_load_idx %arg12[%iota3A_236, %broadcast_in_dim3A_602] : memref<16x17xf32, #tpu.memory_space<vmem>>[vector<16xi32>, vector<16xi32>], vector<16xf32>,
        %broadcast_in_dim3A_604 = arith.constant 2 : i32
        %broadcast_in_dim3A_605 = vector.broadcast %broadcast_in_dim3A_604 : i32 to vector<16xi32>
        %gather3A_606 = tpu.vector_load_idx %arg12[%iota3A_236, %broadcast_in_dim3A_605] : memref<16x17xf32, #tpu.memory_space<vmem>>[vector<16xi32>, vector<16xi32>], vector<16xf32>,
        %broadcast_in_dim3A_607 = arith.constant 3 : i32
        %broadcast_in_dim3A_608 = vector.broadcast %broadcast_in_dim3A_607 : i32 to vector<16xi32>
        %gather3A_609 = tpu.vector_load_idx %arg12[%iota3A_236, %broadcast_in_dim3A_608] : memref<16x17xf32, #tpu.memory_space<vmem>>[vector<16xi32>, vector<16xi32>], vector<16xf32>,
        %broadcast_in_dim3A_610 = arith.constant 4 : i32
        %broadcast_in_dim3A_611 = vector.broadcast %broadcast_in_dim3A_610 : i32 to vector<16xi32>
        %gather3A_612 = tpu.vector_load_idx %arg12[%iota3A_236, %broadcast_in_dim3A_611] : memref<16x17xf32, #tpu.memory_space<vmem>>[vector<16xi32>, vector<16xi32>], vector<16xf32>,
        %broadcast_in_dim3A_613 = arith.constant 5 : i32
        %broadcast_in_dim3A_614 = vector.broadcast %broadcast_in_dim3A_613 : i32 to vector<16xi32>
        %gather3A_615 = tpu.vector_load_idx %arg12[%iota3A_236, %broadcast_in_dim3A_614] : memref<16x17xf32, #tpu.memory_space<vmem>>[vector<16xi32>, vector<16xi32>], vector<16xf32>,
        %broadcast_in_dim3A_616 = arith.constant 6 : i32
        %broadcast_in_dim3A_617 = vector.broadcast %broadcast_in_dim3A_616 : i32 to vector<16xi32>
        %gather3A_618 = tpu.vector_load_idx %arg12[%iota3A_236, %broadcast_in_dim3A_617] : memref<16x17xf32, #tpu.memory_space<vmem>>[vector<16xi32>, vector<16xi32>], vector<16xf32>,
        %broadcast_in_dim3A_619 = arith.constant 7 : i32
        %broadcast_in_dim3A_620 = vector.broadcast %broadcast_in_dim3A_619 : i32 to vector<16xi32>
        %gather3A_621 = tpu.vector_load_idx %arg12[%iota3A_236, %broadcast_in_dim3A_620] : memref<16x17xf32, #tpu.memory_space<vmem>>[vector<16xi32>, vector<16xi32>], vector<16xf32>,
        %broadcast_in_dim3A_622 = arith.constant 8 : i32
        %broadcast_in_dim3A_623 = vector.broadcast %broadcast_in_dim3A_622 : i32 to vector<16xi32>
        %gather3A_624 = tpu.vector_load_idx %arg12[%iota3A_236, %broadcast_in_dim3A_623] : memref<16x17xf32, #tpu.memory_space<vmem>>[vector<16xi32>, vector<16xi32>], vector<16xf32>,
        %broadcast_in_dim3A_625 = arith.constant 9 : i32
        %broadcast_in_dim3A_626 = vector.broadcast %broadcast_in_dim3A_625 : i32 to vector<16xi32>
        %gather3A_627 = tpu.vector_load_idx %arg12[%iota3A_236, %broadcast_in_dim3A_626] : memref<16x17xf32, #tpu.memory_space<vmem>>[vector<16xi32>, vector<16xi32>], vector<16xf32>,
        %broadcast_in_dim3A_628 = arith.constant 10 : i32
        %broadcast_in_dim3A_629 = vector.broadcast %broadcast_in_dim3A_628 : i32 to vector<16xi32>
        %gather3A_630 = tpu.vector_load_idx %arg12[%iota3A_236, %broadcast_in_dim3A_629] : memref<16x17xf32, #tpu.memory_space<vmem>>[vector<16xi32>, vector<16xi32>], vector<16xf32>,
        %broadcast_in_dim3A_631 = arith.constant 11 : i32
        %broadcast_in_dim3A_632 = vector.broadcast %broadcast_in_dim3A_631 : i32 to vector<16xi32>
        %gather3A_633 = tpu.vector_load_idx %arg12[%iota3A_236, %broadcast_in_dim3A_632] : memref<16x17xf32, #tpu.memory_space<vmem>>[vector<16xi32>, vector<16xi32>], vector<16xf32>,
        %broadcast_in_dim3A_634 = arith.constant 12 : i32
        %broadcast_in_dim3A_635 = vector.broadcast %broadcast_in_dim3A_634 : i32 to vector<16xi32>
        %gather3A_636 = tpu.vector_load_idx %arg12[%iota3A_236, %broadcast_in_dim3A_635] : memref<16x17xf32, #tpu.memory_space<vmem>>[vector<16xi32>, vector<16xi32>], vector<16xf32>,
        %broadcast_in_dim3A_637 = arith.constant 13 : i32
        %broadcast_in_dim3A_638 = vector.broadcast %broadcast_in_dim3A_637 : i32 to vector<16xi32>
        %gather3A_639 = tpu.vector_load_idx %arg12[%iota3A_236, %broadcast_in_dim3A_638] : memref<16x17xf32, #tpu.memory_space<vmem>>[vector<16xi32>, vector<16xi32>], vector<16xf32>,
        %broadcast_in_dim3A_640 = arith.constant 14 : i32
        %broadcast_in_dim3A_641 = vector.broadcast %broadcast_in_dim3A_640 : i32 to vector<16xi32>
        %gather3A_642 = tpu.vector_load_idx %arg12[%iota3A_236, %broadcast_in_dim3A_641] : memref<16x17xf32, #tpu.memory_space<vmem>>[vector<16xi32>, vector<16xi32>], vector<16xf32>,
        %broadcast_in_dim3A_643 = arith.constant 15 : i32
        %broadcast_in_dim3A_644 = vector.broadcast %broadcast_in_dim3A_643 : i32 to vector<16xi32>
        %gather3A_645 = tpu.vector_load_idx %arg12[%iota3A_236, %broadcast_in_dim3A_644] : memref<16x17xf32, #tpu.memory_space<vmem>>[vector<16xi32>, vector<16xi32>], vector<16xf32>,
        %add3A_646 = arith.addf %gather3A, %gather3A_603 : vector<16xf32>
        %add3A_647 = arith.addf %gather3A_606, %gather3A_609 : vector<16xf32>
        %add3A_648 = arith.addf %gather3A_612, %gather3A_615 : vector<16xf32>
        %add3A_649 = arith.addf %gather3A_618, %gather3A_621 : vector<16xf32>
        %add3A_650 = arith.addf %gather3A_624, %gather3A_627 : vector<16xf32>
        %add3A_651 = arith.addf %gather3A_630, %gather3A_633 : vector<16xf32>
        %add3A_652 = arith.addf %gather3A_636, %gather3A_639 : vector<16xf32>
        %add3A_653 = arith.addf %gather3A_642, %gather3A_645 : vector<16xf32>
        %add3A_654 = arith.addf %add3A_646, %add3A_647 : vector<16xf32>
        %add3A_655 = arith.addf %add3A_648, %add3A_649 : vector<16xf32>
        %add3A_656 = arith.addf %add3A_650, %add3A_651 : vector<16xf32>
        %add3A_657 = arith.addf %add3A_652, %add3A_653 : vector<16xf32>
        %add3A_658 = arith.addf %add3A_654, %add3A_655 : vector<16xf32>
        %add3A_659 = arith.addf %add3A_656, %add3A_657 : vector<16xf32>
        %add3A_660 = arith.addf %add3A_658, %add3A_659 : vector<16xf32>
        %add3A_661 = arith.constant 336 : i32
        %add3A_662 = arith.addi %add3A_661, %mul3A_264 : i32
        %swap3A_663 = arith.index_cast %add3A_662 : i32 to index
        %swap3A_664 = tpu.vector_load %arg14[%swap3A_663] {strides = array<i32>} : memref<448xf32, #tpu.memory_space<vmem>>, vector<16xf32>,
        tpu.vector_store %arg14[%swap3A_663], %add3A_660 {strides = array<i32>} : memref<448xf32, #tpu.memory_space<vmem>>, vector<16xf32>,
      }
      %scan3A_260 = arith.constant 7 : i32
      %add3A_261 = arith.addi %mul3A_2, %add3A_162 : i32
      "tpu.region"() ({
        %run_scoped3A = tpu.sem_alloc : memref<!tpu.dma_semaphore, #tpu.memory_space<semaphore_mem>>
        %dma_start3A_262 = arith.constant 0 : i32
        %dma_start3A_263 = tpu.memref_slice %arg6[%add3A_261, %dma_start3A_262] : memref<4096x448xf32, #tpu.memory_space<hbm>> -> memref<1x448xf32, #tpu.memory_space<hbm>>
        %dma_start3A_264 = tpu.memref_squeeze %dma_start3A_263 : memref<1x448xf32, #tpu.memory_space<hbm>> -> memref<448xf32, #tpu.memory_space<hbm>>
        %dma_start3A_265 = arith.constant 0 : i32
        %dma_start3A_266 = tpu.memref_slice %arg6[%add3A_261, %dma_start3A_265] : memref<4096x448xf32, #tpu.memory_space<hbm>> -> memref<1x448xf32, #tpu.memory_space<hbm>>
        %dma_start3A_267 = tpu.memref_squeeze %dma_start3A_266 : memref<1x448xf32, #tpu.memory_space<hbm>> -> memref<448xf32, #tpu.memory_space<hbm>>
        tpu.enqueue_dma source(%arg14 : memref<448xf32, #tpu.memory_space<vmem>>) target(%dma_start3A_267 : memref<448xf32, #tpu.memory_space<hbm>>) target_semaphore(%run_scoped3A : memref<!tpu.dma_semaphore, #tpu.memory_space<semaphore_mem>>)
        %dma_wait3A_268 = arith.constant 0 : i32
        %dma_wait3A_269 = tpu.memref_slice %arg6[%add3A_261, %dma_wait3A_268] : memref<4096x448xf32, #tpu.memory_space<hbm>> -> memref<1x448xf32, #tpu.memory_space<hbm>>
        %dma_wait3A_270 = tpu.memref_squeeze %dma_wait3A_269 : memref<1x448xf32, #tpu.memory_space<hbm>> -> memref<448xf32, #tpu.memory_space<hbm>>
        %dma_wait3A_271 = arith.constant 0 : i32
        %dma_wait3A_272 = tpu.memref_slice %arg6[%add3A_261, %dma_wait3A_271] : memref<4096x448xf32, #tpu.memory_space<hbm>> -> memref<1x448xf32, #tpu.memory_space<hbm>>
        %dma_wait3A_273 = tpu.memref_squeeze %dma_wait3A_272 : memref<1x448xf32, #tpu.memory_space<hbm>> -> memref<448xf32, #tpu.memory_space<hbm>>
        tpu.wait_dma2 semaphore(%run_scoped3A : memref<!tpu.dma_semaphore, #tpu.memory_space<semaphore_mem>>) src(%arg14 : memref<448xf32, #tpu.memory_space<vmem>>) dst(%dma_wait3A_273 : memref<448xf32, #tpu.memory_space<hbm>>)
        tpu.yield
      }) : () -> ()
    }
    %scan3A_59 = arith.constant 64 : i32
    return
  }
}

module attributes {stable_mosaic.version = 14 : i64} {
  func.func @body(%arg0: memref<4096x20xi32, #tpu.memory_space<vmem>>, %arg1: memref<4096x448xi32, #tpu.memory_space<vmem>>) attributes {dimension_semantics = [], scalar_prefetch = 0 : i64, scratch_operands = 0 : i64, tpu.core_type = #tpu.core_type<tc>} {
    %prng_seed3A = arith.constant 12345 : i32
    "tpu.prng_set_seed_32"(%prng_seed3A) : (i32) -> ()
    %prng_random_bits3A = "tpu.prng_random_bits"() : () -> vector<4096x400xi32>
    %bitcast_convert_type3A = tpu.bitcast %prng_random_bits3A : vector<4096x400xi32> -> vector<4096x400xi32>
    %and3A = arith.constant 2147483647 : i32
    %and3A_0 = vector.broadcast %and3A : i32 to vector<4096x400xi32>
    %and3A_1 = arith.andi %bitcast_convert_type3A, %and3A_0 : vector<4096x400xi32>
    %jit3A = arith.constant 1000000 : i32
    %eq3A = arith.constant 0 : i32
    %eq3A_2 = arith.cmpi eq, %jit3A, %eq3A : i32
    %jit3A_3 = arith.constant 1 : i32
    %select_n3A = arith.select %eq3A_2, %jit3A_3, %jit3A : i32
    %rem3A = vector.broadcast %select_n3A : i32 to vector<4096x400xi32>
    %rem3A_4 = arith.remsi %and3A_1, %rem3A : vector<4096x400xi32>
    %ne3A = arith.constant 0 : i32
    %ne3A_5 = vector.broadcast %ne3A : i32 to vector<4096x400xi32>
    %ne3A_6 = arith.cmpi ne, %rem3A_4, %ne3A_5 : vector<4096x400xi32>
    %lt3A = arith.constant 0 : i32
    %lt3A_7 = vector.broadcast %lt3A : i32 to vector<4096x400xi32>
    %lt3A_8 = arith.cmpi slt, %rem3A_4, %lt3A_7 : vector<4096x400xi32>
    %lt3A_9 = arith.constant 0 : i32
    %lt3A_10 = arith.cmpi slt, %select_n3A, %lt3A_9 : i32
    %ne3A_11 = vector.broadcast %lt3A_10 : i1 to vector<4096x400xi1>
    %ne3A_12 = vector.broadcast %ne3A_11 : vector<4096x400xi1> to vector<4096x400xi1>
    %ne3A_13 = arith.xori %lt3A_8, %ne3A_12 : vector<4096x400xi1>
    %and3A_14 = arith.andi %ne3A_13, %ne3A_6 : vector<4096x400xi1>
    %add3A = vector.broadcast %select_n3A : i32 to vector<4096x400xi32>
    %add3A_15 = arith.addi %rem3A_4, %add3A : vector<4096x400xi32>
    %select_n3A_16 = arith.select %and3A_14, %add3A_15, %rem3A_4 : vector<4096x400xi1>, vector<4096x400xi32>
    %broadcast_in_dim3A = arith.constant 0 : i32
    %broadcast_in_dim3A_17 = vector.broadcast %broadcast_in_dim3A : i32 to vector<4096x28xi32>
    %get3A = arith.constant 0 : index
    %get3A_18 = arith.constant 0 : index
    %get3A_19 = vector.load %arg0[%get3A, %get3A_18] : memref<4096x20xi32, #tpu.memory_space<vmem>>, vector<4096x20xi32>
    %concatenate3A = tpu.concatenate %get3A_19, %select_n3A_16, %broadcast_in_dim3A_17 in 1 : vector<4096x20xi32>, vector<4096x400xi32>, vector<4096x28xi32> -> vector<4096x448xi32>
    %swap3A = arith.constant 0 : index
    %swap3A_20 = arith.constant 0 : index
    %swap3A_21 = vector.load %arg1[%swap3A, %swap3A_20] : memref<4096x448xi32, #tpu.memory_space<vmem>>, vector<4096x448xi32>
    tpu.vector_store %arg1[%swap3A, %swap3A_20], %concatenate3A {strides = array<i32>} : memref<4096x448xi32, #tpu.memory_space<vmem>>, vector<4096x448xi32>,
    return
  }
}

module attributes {stable_mosaic.version = 14 : i64} {
  func.func @body(%arg0: memref<4096x448xf32, #tpu.memory_space<vmem>>, %arg1: memref<1x1xf32, #tpu.memory_space<vmem>>) attributes {dimension_semantics = [], scalar_prefetch = 0 : i64, scratch_operands = 0 : i64, tpu.core_type = #tpu.core_type<tc>} {
    %get3A = arith.constant 0 : index
    %get3A_0 = arith.constant 0 : index
    %get3A_1 = vector.load %arg0[%get3A, %get3A_0] : memref<4096x448xf32, #tpu.memory_space<vmem>>, vector<4096x448xf32>
    %iota3A = tpu.iota {dimensions = array<i32: 1>} : vector<4096x448xi32>
    %lt3A = arith.constant 20 : i32
    %lt3A_2 = vector.broadcast %lt3A : i32 to vector<4096x448xi32>
    %lt3A_3 = arith.cmpi slt, %iota3A, %lt3A_2 : vector<4096x448xi32>
    %neg3A = arith.constant 0.000000e+00 : f32
    %neg3A_4 = vector.broadcast %neg3A : f32 to vector<4096x448xf32>
    %neg3A_5 = arith.subf %neg3A_4, %get3A_1 : vector<4096x448xf32>
    %select_n3A = arith.select %lt3A_3, %get3A_1, %neg3A_5 : vector<4096x448xi1>, vector<4096x448xf32>
    %min3A = arith.constant 0.000000e+00 : f32
    %min3A_6 = vector.broadcast %min3A : f32 to vector<4096x448xf32>
    %min3A_7 = arith.minimumf %select_n3A, %min3A_6 : vector<4096x448xf32>
    %abs3A = math.absf %select_n3A : vector<4096x448xf32>
    %neg3A_8 = arith.constant 0.000000e+00 : f32
    %neg3A_9 = vector.broadcast %neg3A_8 : f32 to vector<4096x448xf32>
    %neg3A_10 = arith.subf %neg3A_9, %abs3A : vector<4096x448xf32>
    %exp3A = math.exp %neg3A_10 : vector<4096x448xf32>
    %log1p3A = math.log1p %exp3A : vector<4096x448xf32>
    %sub3A = arith.subf %min3A_7, %log1p3A : vector<4096x448xf32>
    %lt3A_11 = arith.constant 420 : i32
    %lt3A_12 = vector.broadcast %lt3A_11 : i32 to vector<4096x448xi32>
    %lt3A_13 = arith.cmpi slt, %iota3A, %lt3A_12 : vector<4096x448xi32>
    %jit3A = arith.constant 0.000000e+00 : f32
    %broadcast_in_dim3A = vector.broadcast %jit3A : f32 to vector<4096x448xf32>
    %select_n3A_14 = arith.select %lt3A_13, %sub3A, %broadcast_in_dim3A : vector<4096x448xi1>, vector<4096x448xf32>
    %reduce_sum3A = arith.constant dense<0.000000e+00> : vector<4096xf32>
    %reduce_sum3A_15 = vector.multi_reduction <add>, %select_n3A_14, %reduce_sum3A [1] : vector<4096x448xf32> to vector<4096xf32>
    %div3A = arith.constant 2.000000e+01 : f32
    %div3A_16 = vector.broadcast %div3A : f32 to vector<4096xf32>
    %div3A_17 = arith.divf %reduce_sum3A_15, %div3A_16 : vector<4096xf32>
    %reduce_sum3A_18 = vector.shape_cast %div3A_17 : vector<4096xf32> to vector<1x4096xf32>
    %reduce_sum3A_19 = arith.constant dense<0.000000e+00> : vector<1xf32>
    %reduce_sum3A_20 = vector.multi_reduction <add>, %reduce_sum3A_18, %reduce_sum3A_19 [1] : vector<1x4096xf32> to vector<1xf32>
    %reduce_sum3A_21 = vector.shape_cast %reduce_sum3A_20 : vector<1xf32> to vector<1x1xf32>
    %reduce_sum3A_22 = vector.extract %reduce_sum3A_21[0, 0] : f32 from vector<1x1xf32>
    %div3A_23 = arith.constant 4.096000e+03 : f32
    %div3A_24 = arith.divf %reduce_sum3A_22, %div3A_23 : f32
    %neg3A_25 = arith.constant 0.000000e+00 : f32
    %neg3A_26 = arith.subf %neg3A_25, %div3A_24 : f32
    %broadcast_in_dim3A_27 = vector.broadcast %neg3A_26 : f32 to vector<1x1xf32>
    %swap3A = arith.constant 0 : index
    %swap3A_28 = arith.constant 0 : index
    %swap3A_29 = vector.load %arg1[%swap3A, %swap3A_28] : memref<1x1xf32, #tpu.memory_space<vmem>>, vector<1x1xf32>
    tpu.vector_store %arg1[%swap3A, %swap3A_28], %broadcast_in_dim3A_27 {strides = array<i32>} : memref<1x1xf32, #tpu.memory_space<vmem>>, vector<1x1xf32>,
    return
  }
}

</mosaic_0001>

<sc_bundles>
// kernel: kernel.5.cloned.1.call-start
scs
__scs_entry_jumppad:
0x0: {  	(pc) =	sbr.rel $0x88, $3  }
0x1: {  	(tag) =	ssettag $0x0;
	lr =	simm.s32 $0x1  }
0x2: {  	[smem:$0x3F9D] =	sst lr;
	_ =	strace $0xD0000000  }
0x3: {  	_ = 	snop  }
0x4: {  	_ = 	snop  }
0x5: {  	_ = 	snop  }
0x6: {  	_ = 	snop  }
0x7: {  	_ = 	snop  }
__scs_overlays_trampoline_lowered:
0x8: {  	[smem:$0x3FAC] =	sst s0  }
0x9: {  	[smem:$0x3FAD] =	sst s1  }
0xa: {  	[smem:$0x3FAE] =	sst s2  }
0xb: {  	[smem:$0x3FAF] =	sst s3  }
0xc: {  	[smem:$0x3FB0] =	sst s4  }
0xd: {  	[smem:$0x3FB1] =	sst s5  }
0xe: {  	[smem:$0x3FB2] =	sst s6  }
0xf: {  	[smem:$0x3FB3] =	sst s7  }
0x10: {  	[smem:$0x3FB4] =	sst s8  }
0x11: {  	[smem:$0x3FB5] =	sst s9;
	s0 =	simm.s32 @!p0 $0x0  }
0x12: {  	s1 =	sld [smem:$0x3F9B];
	s0 =	simm.s32 @p0 $0x1  }
0x13: {  	[smem:$0x3FB6] =	sst s0;
	s0 =	simm.s32 @!p1 $0x0  }
0x14: {  	s2 =	sld [smem:$0x3F9A];
	s0 =	simm.s32 @p1 $0x1  }
0x15: {  	[smem:$0x3FB7] =	sst s0;
	s0 =	simm.s32 @!p2 $0x0  }
0x16: {  	s3 =	sld [smem:$0x3FDB];
	s0 =	simm.s32 @p2 $0x1  }
0x17: {  	s4 =	simm.s32 $0x1BF5;
	[smem:$0x3FB9] =	sst s0  }
0x18: {  	s0 =	sld [smem:$0x3F9C];
	_ =	swait.ge [sflag:s4], $0x0  }
0x19: {  	s7 =	sld [smem:$0x3F9D]  }
0x1a: {  	s8 =	sadd.s32 $0xFFFFE003, lr  }
0x1b: {  	s9 =	sadd.s32 $0xFFFFFEF7, lr;
	s5 =	simm.s32 $0xFFFFFFFF;
	p2 =	slt.u32 s8, $0xFFFFF086  }
0x1c: {  	p1 =	slt.u32 s9, $0xF7A;
	s5 =	simm.s32 @!p2 $0x0  }
0x1d: {  	s5 =	simm.s32 @p1 $0x1;
	p0 =	seq.s32 s7, s2  }
0x1e: {  	s7 =	smul.u32 @!p0 $0xF7A, s2;
	p2 =	seq.s32 @!p0 s5, $0x0  }
0x1f: {  	s9 =	smul.u32 $0xF7A, s1;
	s8 =	simm.s32 @!p0 $0x1BF5;
	p2 =	por !p2, p0  }
0x20: {  	[sflag:s8] =	ssyncset.s32 @!p0 $0xFFFFF086;
	s6 =	sadd.s32 @!p0 s3, s7;
	s7 =	simm.s32 @!p0 $0x108  }
0x21: {  	s3 =	sadd.s32 s3, s9;
	s6 =	sadd.s32 @!p0 $0x88, s6;
	s7 =	simm.s32 @p2 $0x1082  }
0x22: {  	[simem:s7], [sflag:s8] =	dma.local @!p0 [hbm:s6], $0xF7A  }
0x23: {  	s9 =	sor.u32 $0xD0000000, s2;
	s6 =	simm.s32 $0x108;
	_ =	swait.ge @!p0 [sflag:s8], $0x0  }
0x24: {  	s3 =	sadd.s32 $0x88, s3;
	s6 =	simm.s32 @!p1 $0x1082;
	[sflag:s4] =	ssyncset.s32 $0xFFFFF086  }
0x25: {  	[simem:s6], [sflag:s4] =	dma.local [hbm:s3], $0xF7A  }
0x26: {  	[smem:$0x3F9D] =	sst s1;
	(tag) =	ssettag s2;
	_ =	strace s9  }
0x27: {  	s1 =	sld [smem:$0x3FAD]  }
0x28: {  	s2 =	sld [smem:$0x3FAE]  }
0x29: {  	s4 =	sld [smem:$0x3FB0]  }
0x2a: {  	p0 =	seq.s32 s5, $0x0;
	s5 =	sld [smem:$0x3FB1]  }
0x2b: {  	s6 =	sld [smem:$0x3FB2]  }
0x2c: {  	s7 =	sld [smem:$0x3FB3]  }
0x2d: {  	s3 =	simm.s32 $0x108;
	s8 =	sld [smem:$0x3FB4]  }
0x2e: {  	s3 =	simm.s32 @!p0 $0x1082;
	s9 =	sld [smem:$0x3FB5]  }
0x2f: {  	lr =	sadd.s32 s0, s3;
	s0 =	sld [smem:$0x3FAC]  }
0x30: {  	s3 =	sld [smem:$0x3FAF]  }
0x31: {  	[smem:$0x3FB8] =	sst s10  }
0x32: {  	s10 =	sld [smem:$0x3FB6];
	_ =	sdelay $0x3  }
0x33: {  	p0 =	seq.s32 s10, $0x1;
	s10 =	sld [smem:$0x3FB8];
	_ =	sdelay $0x3  }
0x34: {  	[smem:$0x3FB8] =	sst s10  }
0x35: {  	s10 =	sld [smem:$0x3FB7];
	_ =	sdelay $0x3  }
0x36: {  	p1 =	seq.s32 s10, $0x1;
	s10 =	sld [smem:$0x3FB8];
	_ =	sdelay $0x3  }
0x37: {  	[smem:$0x3FB8] =	sst s10  }
0x38: {  	s10 =	sld [smem:$0x3FB9]  }
0x39: {  	_ = 	snop;
	(pc) =	sbr.ind lr, $3  }
0x3a: {  	_ = 	snop  }
0x3b: {  	_ = 	snop  }
0x3c: {  	p2 =	seq.s32 s10, $0x1;
	s10 =	sld [smem:$0x3FB8]  }
0x3d: {  	_ =	shalt  }
0x3e: {  	_ =	shalt  }
0x3f: {  	_ =	shalt  }
0x40: {  	_ =	shalt  }
0x41: {  	_ =	shalt  }
0x42: {  	_ =	shalt  }
0x43: {  	_ =	shalt  }
0x44: {  	_ =	shalt  }
0x45: {  	_ =	shalt  }
0x46: {  	_ =	shalt  }
0x47: {  	_ =	shalt  }
0x48: {  	_ =	shalt  }
0x49: {  	_ =	shalt  }
0x4a: {  	_ =	shalt  }
0x4b: {  	_ =	shalt  }
0x4c: {  	_ =	shalt  }
0x4d: {  	_ =	shalt  }
0x4e: {  	_ =	shalt  }
0x4f: {  	_ =	shalt  }
0x50: {  	_ =	shalt  }
0x51: {  	_ =	shalt  }
0x52: {  	_ =	shalt  }
0x53: {  	_ =	shalt  }
0x54: {  	_ =	shalt  }
0x55: {  	_ =	shalt  }
0x56: {  	_ =	shalt  }
0x57: {  	_ =	shalt  }
0x58: {  	_ =	shalt  }
0x59: {  	_ =	shalt  }
0x5a: {  	_ =	shalt  }
0x5b: {  	_ =	shalt  }
0x5c: {  	_ =	shalt  }
0x5d: {  	_ =	shalt  }
0x5e: {  	_ =	shalt  }
0x5f: {  	_ =	shalt  }
0x60: {  	_ =	shalt  }
0x61: {  	_ =	shalt  }
0x62: {  	_ =	shalt  }
0x63: {  	_ =	shalt  }
0x64: {  	_ =	shalt  }
0x65: {  	_ =	shalt  }
0x66: {  	_ =	shalt  }
0x67: {  	_ =	shalt  }
0x68: {  	_ =	shalt  }
0x69: {  	_ =	shalt  }
0x6a: {  	_ =	shalt  }
0x6b: {  	_ =	shalt  }
0x6c: {  	_ =	shalt  }
0x6d: {  	_ =	shalt  }
0x6e: {  	_ =	shalt  }
0x6f: {  	_ =	shalt  }
0x70: {  	_ =	shalt  }
0x71: {  	_ =	shalt  }
0x72: {  	_ =	shalt  }
0x73: {  	_ =	shalt  }
0x74: {  	_ =	shalt  }
0x75: {  	_ =	shalt  }
0x76: {  	_ =	shalt  }
0x77: {  	_ =	shalt  }
0x78: {  	_ =	shalt  }
0x79: {  	_ =	shalt  }
0x7a: {  	_ =	shalt  }
0x7b: {  	_ =	shalt  }
0x7c: {  	_ =	shalt  }
0x7d: {  	_ =	shalt  }
0x7e: {  	_ =	shalt  }
0x7f: {  	_ =	shalt  }
0x80: {  	_ =	shalt  }
0x81: {  	_ =	shalt  }
0x82: {  	_ =	shalt  }
0x83: {  	_ =	shalt  }
0x84: {  	_ =	shalt  }
0x85: {  	_ =	shalt  }
0x86: {  	_ =	shalt  }
0x87: {  	_ =	shalt  }
.Lfunc_end0:
.L_simem_size_0:
called_computation_lowered:
.L_overlay_start_0:
0x88: {  	s2 =	sld [smem:$0x3FD9]  }
0x89: {  	s3 =	sld [smem:$0x3FFE];
	_ =	sdelay $0x1  }
0x8a: {  	s1 =	srdreg.scid  }
0x8b: {  	s0 =	sand.u32 $0x1, s1  }
0x8c: {  	s17 =	sshll.u32 s0, $0xA;
	s2 =	sadd.s32 s3, s2  }
0x8d: {  	s2 =	sadd.s32 s2, s17  }
0x8e: {  	[smem:$0x3FC4] =	sst s2  }
0x8f: {  	_ = 	snop  }
0x90: {  	s2 =	sld [smem:$0x3FC9];
	(tm) =	ssettm $0x1  }
0x91: {  	s18 =	sld [smem:$0x3FFB];
	_ =	sdelay $0x3  }
0x92: {  	_ =	strace s18  }
0x93: {  	s3 =	sld [smem:$0x3FFC];
	_ =	sdelay $0x3  }
0x94: {  	_ =	strace s3  }
0x95: {  	s3 =	sld [smem:$0x3FFD];
	_ =	sdelay $0x3  }
0x96: {  	_ =	strace s3  }
0x97: {  	_ =	strace $0x8FFFFFFF  }
0x98: {  	s19 =	sld [smem:$0x3FDB];
	_ =	sdelay $0x1  }
0x99: {  	s4 =	simm.s32 $_scs_section_size  }
0x9a: {  	s5 =	simm.s32 $_size__tile_overlayer_lowered;
	s6 =	simm.s32 $_tile_overlayer_lowered  }
0x9b: {  	s22 =	simm.s32 $0x1BFF;
	s21 =	sshll.u32 s6, $0x1;
	s3 =	sadd.s32 s4, s19  }
0x9c: {  	s7 =	simm.s32 $0x0;
	s20 =	sshll.u32 s5, $0x1;
	s5 =	sadd.s32 s21, s3  }
0x9d: {  	[timem:s7], [sflag:s22] =	dma.local [hbm:s5], s20  }
0x9e: {  	_ =	swait.ge [sflag:s22], s20  }
0x9f: {  	s4 =	ssub.s32 $0x0, s20;
	[sflag:s22] =	ssyncset.done $0x0  }
0xa0: {  	[sflag:s22] =	ssyncadd.s32 s4;
	_ =	sdelay $0x1  }
0xa1: {  	s23 =	simm.s32 $0x1B8B  }
0xa2: {  	_ =	swait.ge [sflag:s23], $0x1  }
0xa3: {  	[sflag:s23] =	ssyncset.done $0x0  }
0xa4: {  	s25 =	simm.s32 $0x1B8E;
	s24 =	sld [smem:$0x3FFE];
	[sflag:s23] =	ssyncadd.s32 $0xFFFFFFFF  }
0xa5: {  	s26 =	simm.s32 $execute0_lowered;
	[smem:$0x3FD2] =	sst s25  }
0xa6: {  	s5 =	sshll.u32 s26, $0x1;
	_ =	strace $0x80000046;
	[dreg:$0x1] =	wrdreg $0xFFFFFFFF  }
0xa7: {  	s28 =	simm.s32 $_size_execute0_lowered;
	s3 =	sadd.s32 s3, s5;
	[dreg:$0x0] =	wrdreg $0x0  }
0xa8: {  	s5 =	sshll.u32 s28, $0x1;
	[dreg:$0x2] =	wrdreg s3  }
0xa9: {  	[dreg:$0x3] =	wrdreg s5  }
0xaa: {  	[dreg:$0x4] =	wrdreg $0xC0  }
0xab: {  	_ =	task [dreg:s7], $0x5FFFF  }
0xac: {  	[dreg:$0x1] =	wrdreg $0xFFFFFFFF  }
0xad: {  	[dreg:$0x0] =	wrdreg $0x60  }
0xae: {  	[dreg:$0x2] =	wrdreg s24  }
0xaf: {  	[dreg:$0x3] =	wrdreg s2  }
0xb0: {  	[dreg:$0x4] =	wrdreg $0x9  }
0xb1: {  	_ =	task.clear_ibuf [dreg:s7], $0x5FFFF;
	_ =	strace $0x90000046  }
0xb2: {  	s29 =	simm.s32 $0x9;
	_ =	strace $0x80000048  }
0xb3: {  	_ =	swait.ge [sflag:s29], $0x1  }
0xb4: {  	[sflag:s29] =	ssyncadd.s32 $0xFFFFFFFF  }
0xb5: {  	_ =	strace $0x90000048  }
0xb6: {  	_ =	sfence  }
0xb7: {  	s30 =	sld [smem:$0x0];
	_ =	sdelay $0x2  }
0xb8: {  	s31 =	sshll.u32 s1, $0xD;
	s1 =	sshrl.u32 s1, $0x2  }
0xb9: {  	s3 =	sand.u32 $0x4000, s31;
	s1 =	sadd.s32 s1, s30  }
0xba: {  	s0 =	sor.u32 s3, s0;
	s1 =	sshll.u32 s1, $0x11  }
0xbb: {  	s0 =	sor.u32 s1, s0  }
0xbc: {  	s0 =	sadd.s32 $0x8F2B, s0  }
0xbd: {  	[sflag:s0] =	ssyncadd.remote.s32 $0x1  }
0xbe: {  	_ =	sfence.sel $0xFFFF  }
0xbf: {  	[dreg:$0x0] =	wrdreg $0xFFFFFFFF;
	(pc) =	sbr.abs _section_cstart, $3  }
0xc0: {  	[dreg:$0x1] =	wrdreg $0xFFFFFFFF  }
0xc1: {  	_ =	task.clear_ibuf [dreg:s7], $0x2FFFF;
	_ =	strace $0x9FFFFFFF  }
0xc2: {  	(tm) =	ssettm $0x7FFFFFFF  }
0xc3: {  	_ =	shalt  }
tec
execute0_lowered:
.L_overlay_start_1:
0x0: {  	(tag) =	ssettag $0x1  }
0x1: {  	s0 =	srdreg.scid;
	s1 =	rddreg [dreg:$0x0]  }
0x2: {  	s2 =	stileid.u32;
	s7 =	rddreg [dreg:$0x1]  }
0x3: {  	s12 =	simm.s32 $0x1080;
	s13 =	simm.s32 $0x1;
	s14 =	simm.s32 $0x70  }
0x4: {  	s22 =	simm.s32 $0x12880;
	s23 =	simm.s32 $0x13680;
	s24 =	simm.s32 $0x14480  }
0x5: {  	s25 =	simm.s32 $0x15280;
	s26 =	simm.s32 $0x2;
	s28 =	simm.s32 $0x16080  }
0x6: {  	v0 =	vlaneseq.u32;
	s29 =	simm.s32 $0x16200;
	s30 =	simm.s32 $0x3;
	s31 =	simm.s32 $0x163C0  }
0x7: {  	s0 =	sand.u32 $0x1, s0;
	s3 =	sshll.u32 s2, $0x8;
	s2 =	simm.s32 $0x0;
	v0 =	vmul.u32 $0x18, v0  }
0x8: {  	s5 =	sadd.s32 $0xF42A00, s1;
	s6 =	sadd.s32 $0x38600, s1;
	s4 =	sshll.u32 s0, $0x7  }
0x9: {  	[smem:$0x7FF] =	sst s2;
	s0 =	ssub.s32 $0x2, s0;
	s3 =	sor.u32 s4, s3;
	v1 =	vor.u32 $0x1, v0;
	v2 =	vor.u32 $0x2, v0;
	v3 =	vor.u32 $0x3, v0  }
0xa: {  	s9 =	sshrl.u32 s0, $0x1;
	v4 =	vor.u32 $0x4, v0;
	v5 =	vor.u32 $0x5, v0;
	v6 =	vor.u32 $0x6, v0;
	s4 =	smul.u32 $0x38, s3;
	s10 =	sshrl.u32 s3, $0x3  }
0xb: {  	_ =	strace $0x80000047;
	v7 =	vor.u32 $0x7, v0;
	v8 =	vadd.s32 $0x8, v0;
	v15 =	vadd.s32 $0xF, v0;
	s0 =	ssub.s32 s0, s9;
	s7 =	sadd.s32 s7, s10  }
0xc: {  	v9 =	vadd.s32 $0x9, v0;
	v10 =	vadd.s32 $0xA, v0;
	v11 =	vadd.s32 $0xB, v0;
	s9 =	smax.u32 s0, $0x1;
	s10 =	simm.s32 $0x4;
	s8 =	sadd.s32 s4, s1  }
0xd: {  	v12 =	vadd.s32 $0xC, v0;
	v13 =	vadd.s32 $0xD, v0;
	v14 =	vadd.s32 $0xE, v0;
	s4 =	sadd.s32 $0x1313400, s1;
	s1 =	simm.s32 $0x0;
	s8 =	sadd.s32 $0x600, s8  }
.LBB2_1:
0xe: {  	[tilespmem:s2], [sflag:$0x4] =	stream.linear.gather [hbm4b:s7+s2], $0x80, $0x38;
	[tilespmem:$0x16580] =	vst v63  }
0xf: {  	_ =	swait.ge [sflag:s10], $0x80  }
0x10: {  	[sflag:s10] =	ssyncset.done $0x0  }
0x11: {  	s0 =	simm.s32 $0x80;
	[sflag:s10] =	ssyncadd.s32 $0xFFFFFF80  }
0x12: {  	[tilespmem:s0], [sflag:$0x1] =	stream.indirect.gather [hbm4b:s4+s0], $0x20, s2, s0, $0xb8;
	[tilespmem:$0x16580] =	vst v63  }
0x13: {  	_ = 	snop  }
0x14: {  	[tilespmem:s12], [sflag:$0x4] =	stream.linear.gather [hbm4b:s8+s2], $0xE000, $0x38;
	[tilespmem:$0x16580] =	vst v63  }
0x15: {  	_ =	swait.ge [sflag:s10], $0xE000  }
0x16: {  	[sflag:s10] =	ssyncset.done $0x0  }
0x17: {  	[sflag:s10] =	ssyncadd.s32 $0xFFFF2000  }
0x18: {  	_ =	swait.ge [sflag:s13], $0x1000  }
0x19: {  	[sflag:s13] =	ssyncset.done $0x0  }
0x1a: {  	s16 =	simm.s32 $0xF080;
	[sflag:s13] =	ssyncadd.s32 $0xFFFFF000  }
0x1b: {  	[tilespmem:s16], [sflag:$0x2] =	stream.indirect.gather [hbm4b:s5+s14], $0x20, s12, s14, $0xb8;
	[tilespmem:$0x16580] =	vst v63  }
0x1c: {  	s17 =	simm.s32 $0x10F0;
	s11 =	simm.s32 $0xFE80  }
0x1d: {  	[tilespmem:s11], [sflag:$0x2] =	stream.indirect.gather [hbm4b:s5+s14], $0x20, s17, s14, $0xb8;
	[tilespmem:$0x16580] =	vst v63  }
0x1e: {  	s18 =	simm.s32 $0x1160;
	s19 =	simm.s32 $0x10C80  }
0x1f: {  	[tilespmem:s19], [sflag:$0x2] =	stream.indirect.gather [hbm4b:s5+s14], $0x20, s18, s14, $0xb8;
	[tilespmem:$0x16580] =	vst v63  }
0x20: {  	s20 =	simm.s32 $0x11D0;
	s21 =	simm.s32 $0x11A80;
	s0 =	simm.s32 $0x0  }
0x21: {  	[tilespmem:s21], [sflag:$0x2] =	stream.indirect.gather [hbm4b:s5+s14], $0x20, s20, s14, $0xb8;
	[tilespmem:$0x16580] =	vst v63  }
.LBB2_2:
0x22: {  	s11 =	sshllo.u32 s0, $0x1  }
0x23: {  	s15 =	smul.u32 $0x700, s11;
	_ =	sdelay $0x1  }
0x24: {  	s15 =	sshra.s32 s15, $0x2  }
0x25: {  	s16 =	sadd.s32 $0x1080, s15  }
0x26: {  	[tilespmem:s22], [sflag:$0x3] =	stream.indirect.gather [hbm4b:s5+s14], $0x20, s16, s14, $0xb8;
	[tilespmem:$0x16580] =	vst v63  }
0x27: {  	s19 =	sadd.s32 $0x10F0, s15  }
0x28: {  	[tilespmem:s23], [sflag:$0x3] =	stream.indirect.gather [hbm4b:s5+s14], $0x20, s19, s14, $0xb8;
	[tilespmem:$0x16580] =	vst v63  }
0x29: {  	s20 =	sadd.s32 $0x1160, s15  }
0x2a: {  	[tilespmem:s24], [sflag:$0x3] =	stream.indirect.gather [hbm4b:s5+s14], $0x20, s20, s14, $0xb8;
	[tilespmem:$0x16580] =	vst v63  }
0x2b: {  	s15 =	sadd.s32 $0x11D0, s15  }
0x2c: {  	[tilespmem:s25], [sflag:$0x3] =	stream.indirect.gather [hbm4b:s5+s14], $0x20, s15, s14, $0xb8;
	[tilespmem:$0x16580] =	vst v63  }
0x2d: {  	_ =	swait.ge [sflag:s26], $0xE00  }
0x2e: {  	[sflag:s26] =	ssyncset.done $0x0  }
0x2f: {  	[sflag:s26] =	ssyncadd.s32 $0xFFFFF200  }
0x30: {  	_ =	swait.ge [sflag:s26], $0xE00  }
0x31: {  	[sflag:s26] =	ssyncset.done $0x0  }
0x32: {  	[sflag:s26] =	ssyncadd.s32 $0xFFFFF200  }
0x33: {  	_ =	swait.ge [sflag:s26], $0xE00  }
0x34: {  	[sflag:s26] =	ssyncset.done $0x0  }
0x35: {  	[sflag:s26] =	ssyncadd.s32 $0xFFFFF200  }
0x36: {  	_ =	swait.ge [sflag:s26], $0xE00  }
0x37: {  	s21 =	sshll.u32 s0, $0x6;
	[sflag:s26] =	ssyncset.done $0x0  }
0x38: {  	s15 =	sand.u32 $0x3FFFFFC0, s21;
	[sflag:s26] =	ssyncadd.s32 $0xFFFFF200  }
0x39: {  	v16 =	vld [tilespmem:s15+$0x80]  }
0x3a: {  	s17 =	simm.s32 $0xF180;
	v17 =	vld [tilespmem:s15+$0x90]  }
0x3b: {  	v18 =	vld [tilespmem:s17+$0xFFFFFF00]  }
0x3c: {  	v19 =	vld [tilespmem:s17+$0xFFFFFF10];
	_ =	sdelay $0x4  }
0x3d: {  	v18 =	vmul.f32 v18, v16;
	v19 =	vmul.f32 v19, v17;
	_ =	sdelay $0x1  }
0x3e: {  	v18 =	vadd.f32 v19, v18;
	_ =	sdelay $0x1  }
0x3f: {  	[tilespmem:$0x16080] =	vst v18  }
0x40: {  	v18 =	vld [tilespmem:s17+$0xFFFFFF30]  }
0x41: {  	v19 =	vld [tilespmem:s17+$0xFFFFFF20];
	_ =	sdelay $0x4  }
0x42: {  	v18 =	vmul.f32 v18, v17;
	v19 =	vmul.f32 v19, v16;
	_ =	sdelay $0x1  }
0x43: {  	v18 =	vadd.f32 v18, v19;
	_ =	sdelay $0x1  }
0x44: {  	[tilespmem:$0x16098] =	vst v18  }
0x45: {  	v18 =	vld [tilespmem:s17+$0xFFFFFF40]  }
0x46: {  	v19 =	vld [tilespmem:s17+$0xFFFFFF50];
	_ =	sdelay $0x4  }
0x47: {  	v18 =	vmul.f32 v18, v16;
	v19 =	vmul.f32 v19, v17;
	_ =	sdelay $0x1  }
0x48: {  	v18 =	vadd.f32 v19, v18;
	_ =	sdelay $0x1  }
0x49: {  	[tilespmem:$0x160B0] =	vst v18  }
0x4a: {  	v18 =	vld [tilespmem:s17+$0xFFFFFF60]  }
0x4b: {  	v19 =	vld [tilespmem:s17+$0xFFFFFF70];
	_ =	sdelay $0x4  }
0x4c: {  	v18 =	vmul.f32 v18, v16;
	v19 =	vmul.f32 v19, v17;
	_ =	sdelay $0x1  }
0x4d: {  	v18 =	vadd.f32 v19, v18;
	_ =	sdelay $0x1  }
0x4e: {  	[tilespmem:$0x160C8] =	vst v18  }
0x4f: {  	v18 =	vld [tilespmem:s17+$0xFFFFFF80]  }
0x50: {  	v19 =	vld [tilespmem:s17+$0xFFFFFF90];
	_ =	sdelay $0x4  }
0x51: {  	v18 =	vmul.f32 v18, v16;
	v19 =	vmul.f32 v19, v17;
	_ =	sdelay $0x1  }
0x52: {  	v18 =	vadd.f32 v19, v18;
	_ =	sdelay $0x1  }
0x53: {  	[tilespmem:$0x160E0] =	vst v18  }
0x54: {  	v18 =	vld [tilespmem:s17+$0xFFFFFFA0]  }
0x55: {  	v19 =	vld [tilespmem:s17+$0xFFFFFFB0];
	_ =	sdelay $0x4  }
0x56: {  	v18 =	vmul.f32 v18, v16;
	v19 =	vmul.f32 v19, v17;
	_ =	sdelay $0x1  }
0x57: {  	v18 =	vadd.f32 v19, v18;
	_ =	sdelay $0x1  }
0x58: {  	[tilespmem:$0x160F8] =	vst v18  }
0x59: {  	v18 =	vld [tilespmem:s17+$0xFFFFFFC0]  }
0x5a: {  	v19 =	vld [tilespmem:s17+$0xFFFFFFD0];
	_ =	sdelay $0x4  }
0x5b: {  	v18 =	vmul.f32 v18, v16;
	v19 =	vmul.f32 v19, v17;
	_ =	sdelay $0x1  }
0x5c: {  	v18 =	vadd.f32 v19, v18;
	_ =	sdelay $0x1  }
0x5d: {  	[tilespmem:$0x16110] =	vst v18  }
0x5e: {  	v18 =	vld [tilespmem:s17+$0xFFFFFFE0]  }
0x5f: {  	v19 =	vld [tilespmem:s17+$0xFFFFFFF0];
	_ =	sdelay $0x4  }
0x60: {  	v18 =	vmul.f32 v18, v16;
	v19 =	vmul.f32 v19, v17;
	_ =	sdelay $0x1  }
0x61: {  	v18 =	vadd.f32 v19, v18;
	_ =	sdelay $0x1  }
0x62: {  	[tilespmem:$0x16128] =	vst v18  }
0x63: {  	v18 =	vld [tilespmem:s17+$0x0]  }
0x64: {  	v19 =	vld [tilespmem:s17+$0x10];
	_ =	sdelay $0x4  }
0x65: {  	v18 =	vmul.f32 v18, v16;
	v19 =	vmul.f32 v19, v17;
	_ =	sdelay $0x1  }
0x66: {  	v18 =	vadd.f32 v19, v18;
	_ =	sdelay $0x1  }
0x67: {  	[tilespmem:$0x16140] =	vst v18  }
0x68: {  	v18 =	vld [tilespmem:s17+$0x20]  }
0x69: {  	v19 =	vld [tilespmem:s17+$0x30];
	_ =	sdelay $0x4  }
0x6a: {  	v18 =	vmul.f32 v18, v16;
	v19 =	vmul.f32 v19, v17;
	_ =	sdelay $0x1  }
0x6b: {  	v18 =	vadd.f32 v19, v18;
	_ =	sdelay $0x1  }
0x6c: {  	[tilespmem:$0x16158] =	vst v18  }
0x6d: {  	v18 =	vld [tilespmem:s17+$0x40]  }
0x6e: {  	v19 =	vld [tilespmem:s17+$0x50];
	_ =	sdelay $0x4  }
0x6f: {  	v18 =	vmul.f32 v18, v16;
	v19 =	vmul.f32 v19, v17;
	_ =	sdelay $0x1  }
0x70: {  	v18 =	vadd.f32 v19, v18;
	_ =	sdelay $0x1  }
0x71: {  	[tilespmem:$0x16170] =	vst v18  }
0x72: {  	v18 =	vld [tilespmem:s17+$0x60]  }
0x73: {  	v19 =	vld [tilespmem:s17+$0x70];
	_ =	sdelay $0x4  }
0x74: {  	v18 =	vmul.f32 v18, v16;
	v19 =	vmul.f32 v19, v17;
	_ =	sdelay $0x1  }
0x75: {  	v18 =	vadd.f32 v19, v18;
	_ =	sdelay $0x1  }
0x76: {  	[tilespmem:$0x16188] =	vst v18  }
0x77: {  	v18 =	vld [tilespmem:s17+$0x80]  }
0x78: {  	v19 =	vld [tilespmem:s17+$0x90];
	_ =	sdelay $0x4  }
0x79: {  	v18 =	vmul.f32 v18, v16;
	v19 =	vmul.f32 v19, v17;
	_ =	sdelay $0x1  }
0x7a: {  	v18 =	vadd.f32 v19, v18;
	_ =	sdelay $0x1  }
0x7b: {  	[tilespmem:$0x161A0] =	vst v18  }
0x7c: {  	v18 =	vld [tilespmem:s17+$0xA0]  }
0x7d: {  	v19 =	vld [tilespmem:s17+$0xB0];
	_ =	sdelay $0x4  }
0x7e: {  	v18 =	vmul.f32 v18, v16;
	v19 =	vmul.f32 v19, v17;
	_ =	sdelay $0x1  }
0x7f: {  	v18 =	vadd.f32 v19, v18;
	_ =	sdelay $0x1  }
0x80: {  	[tilespmem:$0x161B8] =	vst v18  }
0x81: {  	v18 =	vld [tilespmem:s17+$0xC0]  }
0x82: {  	v19 =	vld [tilespmem:s17+$0xD0];
	_ =	sdelay $0x4  }
0x83: {  	v18 =	vmul.f32 v18, v16;
	v19 =	vmul.f32 v19, v17;
	_ =	sdelay $0x1  }
0x84: {  	v18 =	vadd.f32 v19, v18;
	_ =	sdelay $0x1  }
0x85: {  	[tilespmem:$0x161D0] =	vst v18  }
0x86: {  	v18 =	vld [tilespmem:s17+$0xE0]  }
0x87: {  	v19 =	vld [tilespmem:s17+$0xF0];
	_ =	sdelay $0x4  }
0x88: {  	v18 =	vmul.f32 v18, v16;
	v19 =	vmul.f32 v19, v17  }
0x89: {  	s18 =	simm.s32 $0x0  }
0x8a: {  	s16 =	simm.s32 $0x0;
	s19 =	simm.s32 $0x40;
	s15 =	sshll.u32 s0, $0x1;
	v18 =	vadd.f32 v19, v18  }
.LBB2_3:
0x8b: {  	p0 =	sne.s32 s19, $0x180  }
0x8c: {  	s17 =	sadd.s32 $0x200, s17;
	s20 =	smov.u32 s19;
	s19 =	sadd.s32 $0x40, s19;
	[tilespmem:$0x161E8] =	vst v18  }
0x8d: {  	v18 =	vld.idx.msk [tilespmem:v15+s28+$0x0], $0xffff  }
0x8e: {  	v19 =	vld.idx.msk [tilespmem:v5+s28+$0x0], $0xffff  }
0x8f: {  	v20 =	vld.idx.msk [tilespmem:v3+s28+$0x0], $0xffff  }
0x90: {  	v21 =	vld.idx.msk [tilespmem:v7+s28+$0x0], $0xffff  }
0x91: {  	v22 =	vld.idx.msk [tilespmem:v4+s28+$0x0], $0xffff  }
0x92: {  	v23 =	vld.idx.msk [tilespmem:v2+s28+$0x0], $0xffff  }
0x93: {  	v24 =	vld.idx.msk [tilespmem:v9+s28+$0x0], $0xffff  }
0x94: {  	v25 =	vld.idx.msk [tilespmem:v6+s28+$0x0], $0xffff  }
0x95: {  	v26 =	vld.idx.msk [tilespmem:v13+s28+$0x0], $0xffff  }
0x96: {  	v27 =	vld.idx.msk [tilespmem:v1+s28+$0x0], $0xffff  }
0x97: {  	v19 =	vadd.f32 v19, v22;
	v28 =	vld.idx.msk [tilespmem:v11+s28+$0x0], $0xffff  }
0x98: {  	v22 =	vld.idx.msk [tilespmem:v14+s28+$0x0], $0xffff  }
0x99: {  	v29 =	vld.idx.msk [tilespmem:v10+s28+$0x0], $0xffff  }
0x9a: {  	v21 =	vadd.f32 v21, v25;
	v30 =	vld.idx.msk [tilespmem:v12+s28+$0x0], $0xffff  }
0x9b: {  	v20 =	vadd.f32 v20, v23;
	v25 =	vld.idx.msk [tilespmem:v8+s28+$0x0], $0xffff  }
0x9c: {  	v19 =	vadd.f32 v21, v19;
	v23 =	vld.idx.msk [tilespmem:v0+s28+$0x0], $0xffff;
	_ =	sdelay $0x1  }
0x9d: {  	v18 =	vadd.f32 v18, v22  }
0x9e: {  	v21 =	vadd.f32 v28, v29  }
0x9f: {  	v22 =	vadd.f32 v26, v30  }
0xa0: {  	v24 =	vadd.f32 v24, v25  }
0xa1: {  	v23 =	vadd.f32 v27, v23;
	v18 =	vadd.f32 v18, v22  }
0xa2: {  	v21 =	vadd.f32 v21, v24  }
0xa3: {  	v20 =	vadd.f32 v20, v23  }
0xa4: {  	v18 =	vadd.f32 v18, v21  }
0xa5: {  	v19 =	vadd.f32 v19, v20;
	_ =	sdelay $0x1  }
0xa6: {  	s21 =	sshra.s32 s18, $0x2;
	s18 =	smov.u32 s20;
	v18 =	vadd.f32 v18, v19;
	_ =	sdelay $0x1  }
0xa7: {  	[tilespmem:s21+$0x16200] =	vst v18  }
0xa8: {  	v18 =	vld [tilespmem:s17+$0xFFFFFF00]  }
0xa9: {  	v19 =	vld [tilespmem:s17+$0xFFFFFF10];
	_ =	sdelay $0x4  }
0xaa: {  	v18 =	vmul.f32 v18, v16;
	v19 =	vmul.f32 v19, v17;
	_ =	sdelay $0x1  }
0xab: {  	v18 =	vadd.f32 v19, v18;
	_ =	sdelay $0x1  }
0xac: {  	[tilespmem:$0x16080] =	vst v18  }
0xad: {  	v18 =	vld [tilespmem:s17+$0xFFFFFF30]  }
0xae: {  	v19 =	vld [tilespmem:s17+$0xFFFFFF20];
	_ =	sdelay $0x3  }
0xaf: {  	v18 =	vmul.f32 v18, v17  }
0xb0: {  	v19 =	vmul.f32 v19, v16;
	_ =	sdelay $0x1  }
0xb1: {  	v18 =	vadd.f32 v18, v19;
	_ =	sdelay $0x1  }
0xb2: {  	[tilespmem:$0x16098] =	vst v18  }
0xb3: {  	v18 =	vld [tilespmem:s17+$0xFFFFFF40]  }
0xb4: {  	v19 =	vld [tilespmem:s17+$0xFFFFFF50];
	_ =	sdelay $0x3  }
0xb5: {  	v18 =	vmul.f32 v18, v16  }
0xb6: {  	v19 =	vmul.f32 v19, v17;
	_ =	sdelay $0x1  }
0xb7: {  	v18 =	vadd.f32 v19, v18;
	_ =	sdelay $0x1  }
0xb8: {  	[tilespmem:$0x160B0] =	vst v18  }
0xb9: {  	v18 =	vld [tilespmem:s17+$0xFFFFFF60]  }
0xba: {  	v19 =	vld [tilespmem:s17+$0xFFFFFF70];
	_ =	sdelay $0x3  }
0xbb: {  	v18 =	vmul.f32 v18, v16  }
0xbc: {  	v19 =	vmul.f32 v19, v17;
	_ =	sdelay $0x1  }
0xbd: {  	v18 =	vadd.f32 v19, v18;
	_ =	sdelay $0x1  }
0xbe: {  	[tilespmem:$0x160C8] =	vst v18  }
0xbf: {  	v18 =	vld [tilespmem:s17+$0xFFFFFF80]  }
0xc0: {  	v19 =	vld [tilespmem:s17+$0xFFFFFF90];
	_ =	sdelay $0x3  }
0xc1: {  	v18 =	vmul.f32 v18, v16  }
0xc2: {  	v19 =	vmul.f32 v19, v17;
	_ =	sdelay $0x1  }
0xc3: {  	v18 =	vadd.f32 v19, v18;
	_ =	sdelay $0x1  }
0xc4: {  	[tilespmem:$0x160E0] =	vst v18  }
0xc5: {  	v18 =	vld [tilespmem:s17+$0xFFFFFFA0]  }
0xc6: {  	v19 =	vld [tilespmem:s17+$0xFFFFFFB0];
	_ =	sdelay $0x3  }
0xc7: {  	v18 =	vmul.f32 v18, v16  }
0xc8: {  	v19 =	vmul.f32 v19, v17;
	_ =	sdelay $0x1  }
0xc9: {  	v18 =	vadd.f32 v19, v18;
	_ =	sdelay $0x1  }
0xca: {  	[tilespmem:$0x160F8] =	vst v18  }
0xcb: {  	v18 =	vld [tilespmem:s17+$0xFFFFFFC0]  }
0xcc: {  	v19 =	vld [tilespmem:s17+$0xFFFFFFD0];
	_ =	sdelay $0x3  }
0xcd: {  	v18 =	vmul.f32 v18, v16  }
0xce: {  	v19 =	vmul.f32 v19, v17;
	_ =	sdelay $0x1  }
0xcf: {  	v18 =	vadd.f32 v19, v18;
	_ =	sdelay $0x1  }
0xd0: {  	[tilespmem:$0x16110] =	vst v18  }
0xd1: {  	v18 =	vld [tilespmem:s17+$0xFFFFFFE0]  }
0xd2: {  	v19 =	vld [tilespmem:s17+$0xFFFFFFF0];
	_ =	sdelay $0x3  }
0xd3: {  	v18 =	vmul.f32 v18, v16  }
0xd4: {  	v19 =	vmul.f32 v19, v17;
	_ =	sdelay $0x1  }
0xd5: {  	v18 =	vadd.f32 v19, v18;
	_ =	sdelay $0x1  }
0xd6: {  	[tilespmem:$0x16128] =	vst v18  }
0xd7: {  	v18 =	vld [tilespmem:s17+$0x0]  }
0xd8: {  	v19 =	vld [tilespmem:s17+$0x10];
	_ =	sdelay $0x3  }
0xd9: {  	v18 =	vmul.f32 v18, v16  }
0xda: {  	v19 =	vmul.f32 v19, v17;
	_ =	sdelay $0x1  }
0xdb: {  	v18 =	vadd.f32 v19, v18;
	_ =	sdelay $0x1  }
0xdc: {  	[tilespmem:$0x16140] =	vst v18  }
0xdd: {  	v18 =	vld [tilespmem:s17+$0x20]  }
0xde: {  	v19 =	vld [tilespmem:s17+$0x30];
	_ =	sdelay $0x3  }
0xdf: {  	v18 =	vmul.f32 v18, v16  }
0xe0: {  	v19 =	vmul.f32 v19, v17;
	_ =	sdelay $0x1  }
0xe1: {  	v18 =	vadd.f32 v19, v18;
	_ =	sdelay $0x1  }
0xe2: {  	[tilespmem:$0x16158] =	vst v18  }
0xe3: {  	v18 =	vld [tilespmem:s17+$0x40]  }
0xe4: {  	v19 =	vld [tilespmem:s17+$0x50];
	_ =	sdelay $0x3  }
0xe5: {  	v18 =	vmul.f32 v18, v16  }
0xe6: {  	v19 =	vmul.f32 v19, v17;
	_ =	sdelay $0x1  }
0xe7: {  	v18 =	vadd.f32 v19, v18;
	_ =	sdelay $0x1  }
0xe8: {  	[tilespmem:$0x16170] =	vst v18  }
0xe9: {  	v18 =	vld [tilespmem:s17+$0x60]  }
0xea: {  	v19 =	vld [tilespmem:s17+$0x70];
	_ =	sdelay $0x3  }
0xeb: {  	v18 =	vmul.f32 v18, v16  }
0xec: {  	v19 =	vmul.f32 v19, v17;
	_ =	sdelay $0x1  }
0xed: {  	v18 =	vadd.f32 v19, v18;
	_ =	sdelay $0x1  }
0xee: {  	[tilespmem:$0x16188] =	vst v18  }
0xef: {  	v18 =	vld [tilespmem:s17+$0x80]  }
0xf0: {  	v19 =	vld [tilespmem:s17+$0x90];
	_ =	sdelay $0x3  }
0xf1: {  	v18 =	vmul.f32 v18, v16  }
0xf2: {  	v19 =	vmul.f32 v19, v17;
	_ =	sdelay $0x1  }
0xf3: {  	v18 =	vadd.f32 v19, v18;
	_ =	sdelay $0x1  }
0xf4: {  	[tilespmem:$0x161A0] =	vst v18  }
0xf5: {  	v18 =	vld [tilespmem:s17+$0xA0]  }
0xf6: {  	v19 =	vld [tilespmem:s17+$0xB0];
	_ =	sdelay $0x3  }
0xf7: {  	v18 =	vmul.f32 v18, v16  }
0xf8: {  	v19 =	vmul.f32 v19, v17;
	_ =	sdelay $0x1  }
0xf9: {  	v18 =	vadd.f32 v19, v18;
	_ =	sdelay $0x1  }
0xfa: {  	[tilespmem:$0x161B8] =	vst v18  }
0xfb: {  	v18 =	vld [tilespmem:s17+$0xC0]  }
0xfc: {  	v19 =	vld [tilespmem:s17+$0xD0];
	_ =	sdelay $0x3  }
0xfd: {  	v18 =	vmul.f32 v18, v16  }
0xfe: {  	v19 =	vmul.f32 v19, v17;
	_ =	sdelay $0x1  }
0xff: {  	v18 =	vadd.f32 v19, v18;
	_ =	sdelay $0x1  }
0x100: {  	[tilespmem:$0x161D0] =	vst v18  }
0x101: {  	v18 =	vld [tilespmem:s17+$0xE0]  }
0x102: {  	v19 =	vld [tilespmem:s17+$0xF0];
	_ =	sdelay $0x2  }
.Ltmp0:
0x103: {  	(pc) =	sbr.rel @p0 .LBB2_3-.Ltmp0, $3  }
0x104: {  	v18 =	vmul.f32 v18, v16  }
0x105: {  	v19 =	vmul.f32 v19, v17;
	_ =	sdelay $0x1  }
0x106: {  	v18 =	vadd.f32 v19, v18  }
0x107: {  	_ =	sdelay $0x2  }
0x108: {  	[tilespmem:$0x161E8] =	vst v18  }
0x109: {  	v18 =	vld.idx.msk [tilespmem:v15+s28+$0x0], $0xffff  }
0x10a: {  	v19 =	vld.idx.msk [tilespmem:v5+s28+$0x0], $0xffff  }
0x10b: {  	v20 =	vld.idx.msk [tilespmem:v3+s28+$0x0], $0xffff  }
0x10c: {  	v21 =	vld.idx.msk [tilespmem:v7+s28+$0x0], $0xffff  }
0x10d: {  	v22 =	vld.idx.msk [tilespmem:v4+s28+$0x0], $0xffff  }
0x10e: {  	v23 =	vld.idx.msk [tilespmem:v2+s28+$0x0], $0xffff  }
0x10f: {  	v24 =	vld.idx.msk [tilespmem:v9+s28+$0x0], $0xffff  }
0x110: {  	v25 =	vld.idx.msk [tilespmem:v6+s28+$0x0], $0xffff  }
0x111: {  	v26 =	vld.idx.msk [tilespmem:v13+s28+$0x0], $0xffff  }
0x112: {  	v27 =	vld.idx.msk [tilespmem:v1+s28+$0x0], $0xffff  }
0x113: {  	v28 =	vld.idx.msk [tilespmem:v11+s28+$0x0], $0xffff  }
0x114: {  	v29 =	vld.idx.msk [tilespmem:v14+s28+$0x0], $0xffff  }
0x115: {  	v30 =	vld.idx.msk [tilespmem:v10+s28+$0x0], $0xffff  }
0x116: {  	v31 =	vld.idx.msk [tilespmem:v12+s28+$0x0], $0xffff  }
0x117: {  	v32 =	vld.idx.msk [tilespmem:v8+s28+$0x0], $0xffff  }
0x118: {  	v33 =	vld.idx.msk [tilespmem:v0+s28+$0x0], $0xffff;
	_ =	sdelay $0x1  }
0x119: {  	v19 =	vadd.f32 v19, v22;
	v21 =	vadd.f32 v21, v25  }
0x11a: {  	v20 =	vadd.f32 v20, v23;
	v18 =	vadd.f32 v18, v29  }
0x11b: {  	v60 =	vadd.f32 v28, v30;
	v61 =	vadd.f32 v26, v31  }
0x11c: {  	v24 =	vadd.f32 v24, v32;
	v62 =	vadd.f32 v27, v33  }
0x11d: {  	v19 =	vadd.f32 v21, v19;
	v18 =	vadd.f32 v18, v61  }
0x11e: {  	v63 =	vadd.f32 v60, v24;
	v20 =	vadd.f32 v20, v62;
	_ =	sdelay $0x1  }
0x11f: {  	v18 =	vadd.f32 v18, v63;
	v19 =	vadd.f32 v19, v20;
	_ =	sdelay $0x1  }
0x120: {  	v18 =	vadd.f32 v18, v19  }
0x121: {  	s17 =	sshra.s32 s18, $0x2  }
0x122: {  	[tilespmem:s17+$0x16200] =	vst v18;
	s17 =	simm.s32 $0x10070  }
0x123: {  	v18 =	vld [tilespmem:s17+$0xFFFFFE10]  }
0x124: {  	v19 =	vld [tilespmem:s17+$0xFFFFFE20];
	_ =	sdelay $0x4  }
0x125: {  	v18 =	vmul.f32 v18, v16;
	v19 =	vmul.f32 v19, v17;
	_ =	sdelay $0x1  }
0x126: {  	v18 =	vadd.f32 v19, v18;
	_ =	sdelay $0x1  }
0x127: {  	[tilespmem:$0x16080] =	vst v18  }
0x128: {  	v18 =	vld [tilespmem:s17+$0xFFFFFE40]  }
0x129: {  	v19 =	vld [tilespmem:s17+$0xFFFFFE30];
	_ =	sdelay $0x4  }
0x12a: {  	v18 =	vmul.f32 v18, v17;
	v19 =	vmul.f32 v19, v16;
	_ =	sdelay $0x1  }
0x12b: {  	v18 =	vadd.f32 v18, v19;
	_ =	sdelay $0x1  }
0x12c: {  	[tilespmem:$0x16098] =	vst v18  }
0x12d: {  	v18 =	vld [tilespmem:s17+$0xFFFFFE50]  }
0x12e: {  	v19 =	vld [tilespmem:s17+$0xFFFFFE60];
	_ =	sdelay $0x4  }
0x12f: {  	v18 =	vmul.f32 v18, v16;
	v19 =	vmul.f32 v19, v17;
	_ =	sdelay $0x1  }
0x130: {  	v18 =	vadd.f32 v19, v18;
	_ =	sdelay $0x1  }
0x131: {  	[tilespmem:$0x160B0] =	vst v18  }
0x132: {  	v18 =	vld [tilespmem:s17+$0xFFFFFE70]  }
0x133: {  	v19 =	vld [tilespmem:s17+$0xFFFFFE80];
	_ =	sdelay $0x4  }
0x134: {  	v18 =	vmul.f32 v18, v16;
	v19 =	vmul.f32 v19, v17;
	_ =	sdelay $0x1  }
0x135: {  	v18 =	vadd.f32 v19, v18;
	_ =	sdelay $0x1  }
0x136: {  	[tilespmem:$0x160C8] =	vst v18  }
0x137: {  	v18 =	vld [tilespmem:s17+$0xFFFFFE90]  }
0x138: {  	v19 =	vld [tilespmem:s17+$0xFFFFFEA0];
	_ =	sdelay $0x4  }
0x139: {  	v18 =	vmul.f32 v18, v16;
	v19 =	vmul.f32 v19, v17;
	_ =	sdelay $0x1  }
0x13a: {  	v18 =	vadd.f32 v19, v18;
	_ =	sdelay $0x1  }
0x13b: {  	[tilespmem:$0x160E0] =	vst v18  }
0x13c: {  	v18 =	vld [tilespmem:s17+$0xFFFFFEB0]  }
0x13d: {  	v19 =	vld [tilespmem:s17+$0xFFFFFEC0];
	_ =	sdelay $0x4  }
0x13e: {  	v18 =	vmul.f32 v18, v16;
	v19 =	vmul.f32 v19, v17;
	_ =	sdelay $0x1  }
0x13f: {  	v18 =	vadd.f32 v19, v18;
	_ =	sdelay $0x1  }
0x140: {  	[tilespmem:$0x160F8] =	vst v18  }
0x141: {  	v18 =	vld [tilespmem:s17+$0xFFFFFED0]  }
0x142: {  	v19 =	vld [tilespmem:s17+$0xFFFFFEE0];
	_ =	sdelay $0x4  }
0x143: {  	v18 =	vmul.f32 v18, v16;
	v19 =	vmul.f32 v19, v17;
	_ =	sdelay $0x1  }
0x144: {  	v18 =	vadd.f32 v19, v18;
	_ =	sdelay $0x1  }
0x145: {  	[tilespmem:$0x16110] =	vst v18  }
0x146: {  	v18 =	vld [tilespmem:s17+$0xFFFFFEF0]  }
0x147: {  	v19 =	vld [tilespmem:s17+$0xFFFFFF00];
	_ =	sdelay $0x4  }
0x148: {  	v18 =	vmul.f32 v18, v16;
	v19 =	vmul.f32 v19, v17;
	_ =	sdelay $0x1  }
0x149: {  	v18 =	vadd.f32 v19, v18;
	_ =	sdelay $0x1  }
0x14a: {  	[tilespmem:$0x16128] =	vst v18  }
0x14b: {  	v18 =	vld [tilespmem:s17+$0xFFFFFF10]  }
0x14c: {  	v19 =	vld [tilespmem:s17+$0xFFFFFF20];
	_ =	sdelay $0x4  }
0x14d: {  	v18 =	vmul.f32 v18, v16;
	v19 =	vmul.f32 v19, v17;
	_ =	sdelay $0x1  }
0x14e: {  	v18 =	vadd.f32 v19, v18;
	_ =	sdelay $0x1  }
0x14f: {  	[tilespmem:$0x16140] =	vst v18  }
0x150: {  	v18 =	vld [tilespmem:s17+$0xFFFFFF30]  }
0x151: {  	v19 =	vld [tilespmem:s17+$0xFFFFFF40];
	_ =	sdelay $0x4  }
0x152: {  	v18 =	vmul.f32 v18, v16;
	v19 =	vmul.f32 v19, v17;
	_ =	sdelay $0x1  }
0x153: {  	v18 =	vadd.f32 v19, v18;
	_ =	sdelay $0x1  }
0x154: {  	[tilespmem:$0x16158] =	vst v18  }
0x155: {  	v18 =	vld [tilespmem:s17+$0xFFFFFF50]  }
0x156: {  	v19 =	vld [tilespmem:s17+$0xFFFFFF60];
	_ =	sdelay $0x4  }
0x157: {  	v18 =	vmul.f32 v18, v16;
	v19 =	vmul.f32 v19, v17;
	_ =	sdelay $0x1  }
0x158: {  	v18 =	vadd.f32 v19, v18;
	_ =	sdelay $0x1  }
0x159: {  	[tilespmem:$0x16170] =	vst v18  }
0x15a: {  	v18 =	vld [tilespmem:s17+$0xFFFFFF70]  }
0x15b: {  	v19 =	vld [tilespmem:s17+$0xFFFFFF80];
	_ =	sdelay $0x4  }
0x15c: {  	v18 =	vmul.f32 v18, v16;
	v19 =	vmul.f32 v19, v17;
	_ =	sdelay $0x1  }
0x15d: {  	v18 =	vadd.f32 v19, v18;
	_ =	sdelay $0x1  }
0x15e: {  	[tilespmem:$0x16188] =	vst v18  }
0x15f: {  	v18 =	vld [tilespmem:s17+$0xFFFFFF90]  }
0x160: {  	v19 =	vld [tilespmem:s17+$0xFFFFFFA0];
	_ =	sdelay $0x4  }
0x161: {  	v18 =	vmul.f32 v18, v16;
	v19 =	vmul.f32 v19, v17;
	_ =	sdelay $0x1  }
0x162: {  	v18 =	vadd.f32 v19, v18;
	_ =	sdelay $0x1  }
0x163: {  	[tilespmem:$0x161A0] =	vst v18  }
0x164: {  	v18 =	vld [tilespmem:s17+$0xFFFFFFB0]  }
0x165: {  	v19 =	vld [tilespmem:s17+$0xFFFFFFC0];
	_ =	sdelay $0x4  }
0x166: {  	v18 =	vmul.f32 v18, v16;
	v19 =	vmul.f32 v19, v17;
	_ =	sdelay $0x1  }
0x167: {  	v18 =	vadd.f32 v19, v18;
	_ =	sdelay $0x1  }
0x168: {  	[tilespmem:$0x161B8] =	vst v18  }
0x169: {  	v18 =	vld [tilespmem:s17+$0xFFFFFFD0]  }
0x16a: {  	v19 =	vld [tilespmem:s17+$0xFFFFFFE0];
	_ =	sdelay $0x4  }
0x16b: {  	v18 =	vmul.f32 v18, v16;
	v19 =	vmul.f32 v19, v17;
	_ =	sdelay $0x1  }
0x16c: {  	v18 =	vadd.f32 v19, v18;
	_ =	sdelay $0x1  }
0x16d: {  	[tilespmem:$0x161D0] =	vst v18  }
0x16e: {  	v18 =	vld [tilespmem:s17+$0xFFFFFFF0]  }
0x16f: {  	v19 =	vld [tilespmem:s17+$0x0];
	_ =	sdelay $0x4  }
0x170: {  	v18 =	vmul.f32 v18, v16;
	v19 =	vmul.f32 v19, v17;
	_ =	sdelay $0x1  }
0x171: {  	s18 =	simm.s32 $0x40;
	v18 =	vadd.f32 v19, v18  }
.LBB2_5:
0x172: {  	p0 =	sne.s32 s18, $0x180  }
0x173: {  	s17 =	sadd.s32 $0x200, s17;
	s19 =	smov.u32 s18;
	s18 =	sadd.s32 $0x40, s18;
	[tilespmem:$0x161E8] =	vst v18  }
0x174: {  	v18 =	vld.idx.msk [tilespmem:v15+s28+$0x0], $0xffff  }
0x175: {  	v19 =	vld.idx.msk [tilespmem:v5+s28+$0x0], $0xffff  }
0x176: {  	v20 =	vld.idx.msk [tilespmem:v3+s28+$0x0], $0xffff  }
0x177: {  	v21 =	vld.idx.msk [tilespmem:v7+s28+$0x0], $0xffff  }
0x178: {  	v22 =	vld.idx.msk [tilespmem:v4+s28+$0x0], $0xffff  }
0x179: {  	v23 =	vld.idx.msk [tilespmem:v2+s28+$0x0], $0xffff  }
0x17a: {  	v24 =	vld.idx.msk [tilespmem:v9+s28+$0x0], $0xffff  }
0x17b: {  	v25 =	vld.idx.msk [tilespmem:v6+s28+$0x0], $0xffff  }
0x17c: {  	v26 =	vld.idx.msk [tilespmem:v13+s28+$0x0], $0xffff  }
0x17d: {  	v27 =	vld.idx.msk [tilespmem:v1+s28+$0x0], $0xffff  }
0x17e: {  	v19 =	vadd.f32 v19, v22;
	v28 =	vld.idx.msk [tilespmem:v11+s28+$0x0], $0xffff  }
0x17f: {  	v22 =	vld.idx.msk [tilespmem:v14+s28+$0x0], $0xffff  }
0x180: {  	v29 =	vld.idx.msk [tilespmem:v10+s28+$0x0], $0xffff  }
0x181: {  	v21 =	vadd.f32 v21, v25;
	v30 =	vld.idx.msk [tilespmem:v12+s28+$0x0], $0xffff  }
0x182: {  	v20 =	vadd.f32 v20, v23;
	v25 =	vld.idx.msk [tilespmem:v8+s28+$0x0], $0xffff  }
0x183: {  	v19 =	vadd.f32 v21, v19;
	v23 =	vld.idx.msk [tilespmem:v0+s28+$0x0], $0xffff;
	_ =	sdelay $0x1  }
0x184: {  	v18 =	vadd.f32 v18, v22  }
0x185: {  	v21 =	vadd.f32 v28, v29  }
0x186: {  	v22 =	vadd.f32 v26, v30  }
0x187: {  	v24 =	vadd.f32 v24, v25  }
0x188: {  	v23 =	vadd.f32 v27, v23;
	v18 =	vadd.f32 v18, v22  }
0x189: {  	v21 =	vadd.f32 v21, v24  }
0x18a: {  	v20 =	vadd.f32 v20, v23  }
0x18b: {  	v18 =	vadd.f32 v18, v21  }
0x18c: {  	v19 =	vadd.f32 v19, v20;
	_ =	sdelay $0x1  }
0x18d: {  	s20 =	sshra.s32 s16, $0x2;
	s16 =	smov.u32 s19;
	v18 =	vadd.f32 v18, v19;
	_ =	sdelay $0x1  }
0x18e: {  	[tilespmem:s20+$0x16270] =	vst v18  }
0x18f: {  	v18 =	vld [tilespmem:s17+$0xFFFFFE10]  }
0x190: {  	v19 =	vld [tilespmem:s17+$0xFFFFFE20];
	_ =	sdelay $0x4  }
0x191: {  	v18 =	vmul.f32 v18, v16;
	v19 =	vmul.f32 v19, v17;
	_ =	sdelay $0x1  }
0x192: {  	v18 =	vadd.f32 v19, v18;
	_ =	sdelay $0x1  }
0x193: {  	[tilespmem:$0x16080] =	vst v18  }
0x194: {  	v18 =	vld [tilespmem:s17+$0xFFFFFE40]  }
0x195: {  	v19 =	vld [tilespmem:s17+$0xFFFFFE30];
	_ =	sdelay $0x3  }
0x196: {  	v18 =	vmul.f32 v18, v17  }
0x197: {  	v19 =	vmul.f32 v19, v16;
	_ =	sdelay $0x1  }
0x198: {  	v18 =	vadd.f32 v18, v19;
	_ =	sdelay $0x1  }
0x199: {  	[tilespmem:$0x16098] =	vst v18  }
0x19a: {  	v18 =	vld [tilespmem:s17+$0xFFFFFE50]  }
0x19b: {  	v19 =	vld [tilespmem:s17+$0xFFFFFE60];
	_ =	sdelay $0x3  }
0x19c: {  	v18 =	vmul.f32 v18, v16  }
0x19d: {  	v19 =	vmul.f32 v19, v17;
	_ =	sdelay $0x1  }
0x19e: {  	v18 =	vadd.f32 v19, v18;
	_ =	sdelay $0x1  }
0x19f: {  	[tilespmem:$0x160B0] =	vst v18  }
0x1a0: {  	v18 =	vld [tilespmem:s17+$0xFFFFFE70]  }
0x1a1: {  	v19 =	vld [tilespmem:s17+$0xFFFFFE80];
	_ =	sdelay $0x3  }
0x1a2: {  	v18 =	vmul.f32 v18, v16  }
0x1a3: {  	v19 =	vmul.f32 v19, v17;
	_ =	sdelay $0x1  }
0x1a4: {  	v18 =	vadd.f32 v19, v18;
	_ =	sdelay $0x1  }
0x1a5: {  	[tilespmem:$0x160C8] =	vst v18  }
0x1a6: {  	v18 =	vld [tilespmem:s17+$0xFFFFFE90]  }
0x1a7: {  	v19 =	vld [tilespmem:s17+$0xFFFFFEA0];
	_ =	sdelay $0x3  }
0x1a8: {  	v18 =	vmul.f32 v18, v16  }
0x1a9: {  	v19 =	vmul.f32 v19, v17;
	_ =	sdelay $0x1  }
0x1aa: {  	v18 =	vadd.f32 v19, v18;
	_ =	sdelay $0x1  }
0x1ab: {  	[tilespmem:$0x160E0] =	vst v18  }
0x1ac: {  	v18 =	vld [tilespmem:s17+$0xFFFFFEB0]  }
0x1ad: {  	v19 =	vld [tilespmem:s17+$0xFFFFFEC0];
	_ =	sdelay $0x3  }
0x1ae: {  	v18 =	vmul.f32 v18, v16  }
0x1af: {  	v19 =	vmul.f32 v19, v17;
	_ =	sdelay $0x1  }
0x1b0: {  	v18 =	vadd.f32 v19, v18;
	_ =	sdelay $0x1  }
0x1b1: {  	[tilespmem:$0x160F8] =	vst v18  }
0x1b2: {  	v18 =	vld [tilespmem:s17+$0xFFFFFED0]  }
0x1b3: {  	v19 =	vld [tilespmem:s17+$0xFFFFFEE0];
	_ =	sdelay $0x3  }
0x1b4: {  	v18 =	vmul.f32 v18, v16  }
0x1b5: {  	v19 =	vmul.f32 v19, v17;
	_ =	sdelay $0x1  }
0x1b6: {  	v18 =	vadd.f32 v19, v18;
	_ =	sdelay $0x1  }
0x1b7: {  	[tilespmem:$0x16110] =	vst v18  }
0x1b8: {  	v18 =	vld [tilespmem:s17+$0xFFFFFEF0]  }
0x1b9: {  	v19 =	vld [tilespmem:s17+$0xFFFFFF00];
	_ =	sdelay $0x3  }
0x1ba: {  	v18 =	vmul.f32 v18, v16  }
0x1bb: {  	v19 =	vmul.f32 v19, v17;
	_ =	sdelay $0x1  }
0x1bc: {  	v18 =	vadd.f32 v19, v18;
	_ =	sdelay $0x1  }
0x1bd: {  	[tilespmem:$0x16128] =	vst v18  }
0x1be: {  	v18 =	vld [tilespmem:s17+$0xFFFFFF10]  }
0x1bf: {  	v19 =	vld [tilespmem:s17+$0xFFFFFF20];
	_ =	sdelay $0x3  }
0x1c0: {  	v18 =	vmul.f32 v18, v16  }
0x1c1: {  	v19 =	vmul.f32 v19, v17;
	_ =	sdelay $0x1  }
0x1c2: {  	v18 =	vadd.f32 v19, v18;
	_ =	sdelay $0x1  }
0x1c3: {  	[tilespmem:$0x16140] =	vst v18  }
0x1c4: {  	v18 =	vld [tilespmem:s17+$0xFFFFFF30]  }
0x1c5: {  	v19 =	vld [tilespmem:s17+$0xFFFFFF40];
	_ =	sdelay $0x3  }
0x1c6: {  	v18 =	vmul.f32 v18, v16  }
0x1c7: {  	v19 =	vmul.f32 v19, v17;
	_ =	sdelay $0x1  }
0x1c8: {  	v18 =	vadd.f32 v19, v18;
	_ =	sdelay $0x1  }
0x1c9: {  	[tilespmem:$0x16158] =	vst v18  }
0x1ca: {  	v18 =	vld [tilespmem:s17+$0xFFFFFF50]  }
0x1cb: {  	v19 =	vld [tilespmem:s17+$0xFFFFFF60];
	_ =	sdelay $0x3  }
0x1cc: {  	v18 =	vmul.f32 v18, v16  }
0x1cd: {  	v19 =	vmul.f32 v19, v17;
	_ =	sdelay $0x1  }
0x1ce: {  	v18 =	vadd.f32 v19, v18;
	_ =	sdelay $0x1  }
0x1cf: {  	[tilespmem:$0x16170] =	vst v18  }
0x1d0: {  	v18 =	vld [tilespmem:s17+$0xFFFFFF70]  }
0x1d1: {  	v19 =	vld [tilespmem:s17+$0xFFFFFF80];
	_ =	sdelay $0x3  }
0x1d2: {  	v18 =	vmul.f32 v18, v16  }
0x1d3: {  	v19 =	vmul.f32 v19, v17;
	_ =	sdelay $0x1  }
0x1d4: {  	v18 =	vadd.f32 v19, v18;
	_ =	sdelay $0x1  }
0x1d5: {  	[tilespmem:$0x16188] =	vst v18  }
0x1d6: {  	v18 =	vld [tilespmem:s17+$0xFFFFFF90]  }
0x1d7: {  	v19 =	vld [tilespmem:s17+$0xFFFFFFA0];
	_ =	sdelay $0x3  }
0x1d8: {  	v18 =	vmul.f32 v18, v16  }
0x1d9: {  	v19 =	vmul.f32 v19, v17;
	_ =	sdelay $0x1  }
0x1da: {  	v18 =	vadd.f32 v19, v18;
	_ =	sdelay $0x1  }
0x1db: {  	[tilespmem:$0x161A0] =	vst v18  }
0x1dc: {  	v18 =	vld [tilespmem:s17+$0xFFFFFFB0]  }
0x1dd: {  	v19 =	vld [tilespmem:s17+$0xFFFFFFC0];
	_ =	sdelay $0x3  }
0x1de: {  	v18 =	vmul.f32 v18, v16  }
0x1df: {  	v19 =	vmul.f32 v19, v17;
	_ =	sdelay $0x1  }
0x1e0: {  	v18 =	vadd.f32 v19, v18;
	_ =	sdelay $0x1  }
0x1e1: {  	[tilespmem:$0x161B8] =	vst v18  }
0x1e2: {  	v18 =	vld [tilespmem:s17+$0xFFFFFFD0]  }
0x1e3: {  	v19 =	vld [tilespmem:s17+$0xFFFFFFE0];
	_ =	sdelay $0x3  }
0x1e4: {  	v18 =	vmul.f32 v18, v16  }
0x1e5: {  	v19 =	vmul.f32 v19, v17;
	_ =	sdelay $0x1  }
0x1e6: {  	v18 =	vadd.f32 v19, v18;
	_ =	sdelay $0x1  }
0x1e7: {  	[tilespmem:$0x161D0] =	vst v18  }
0x1e8: {  	v18 =	vld [tilespmem:s17+$0xFFFFFFF0]  }
0x1e9: {  	v19 =	vld [tilespmem:s17+$0x0];
	_ =	sdelay $0x2  }
.Ltmp1:
0x1ea: {  	(pc) =	sbr.rel @p0 .LBB2_5-.Ltmp1, $3  }
0x1eb: {  	v18 =	vmul.f32 v18, v16  }
0x1ec: {  	v19 =	vmul.f32 v19, v17;
	_ =	sdelay $0x1  }
0x1ed: {  	v18 =	vadd.f32 v19, v18  }
0x1ee: {  	_ =	sdelay $0x2  }
0x1ef: {  	[tilespmem:$0x161E8] =	vst v18  }
0x1f0: {  	v18 =	vld.idx.msk [tilespmem:v15+s28+$0x0], $0xffff  }
0x1f1: {  	v19 =	vld.idx.msk [tilespmem:v5+s28+$0x0], $0xffff  }
0x1f2: {  	v20 =	vld.idx.msk [tilespmem:v3+s28+$0x0], $0xffff  }
0x1f3: {  	v21 =	vld.idx.msk [tilespmem:v7+s28+$0x0], $0xffff  }
0x1f4: {  	v22 =	vld.idx.msk [tilespmem:v4+s28+$0x0], $0xffff  }
0x1f5: {  	v23 =	vld.idx.msk [tilespmem:v2+s28+$0x0], $0xffff  }
0x1f6: {  	v24 =	vld.idx.msk [tilespmem:v9+s28+$0x0], $0xffff  }
0x1f7: {  	v25 =	vld.idx.msk [tilespmem:v6+s28+$0x0], $0xffff  }
0x1f8: {  	v26 =	vld.idx.msk [tilespmem:v13+s28+$0x0], $0xffff  }
0x1f9: {  	v27 =	vld.idx.msk [tilespmem:v1+s28+$0x0], $0xffff  }
0x1fa: {  	v28 =	vld.idx.msk [tilespmem:v11+s28+$0x0], $0xffff  }
0x1fb: {  	v29 =	vld.idx.msk [tilespmem:v14+s28+$0x0], $0xffff  }
0x1fc: {  	v30 =	vld.idx.msk [tilespmem:v10+s28+$0x0], $0xffff  }
0x1fd: {  	v31 =	vld.idx.msk [tilespmem:v12+s28+$0x0], $0xffff  }
0x1fe: {  	v32 =	vld.idx.msk [tilespmem:v8+s28+$0x0], $0xffff  }
0x1ff: {  	v33 =	vld.idx.msk [tilespmem:v0+s28+$0x0], $0xffff;
	_ =	sdelay $0x1  }
0x200: {  	v19 =	vadd.f32 v19, v22;
	v21 =	vadd.f32 v21, v25  }
0x201: {  	v20 =	vadd.f32 v20, v23;
	v18 =	vadd.f32 v18, v29  }
0x202: {  	v60 =	vadd.f32 v28, v30;
	v61 =	vadd.f32 v26, v31  }
0x203: {  	v24 =	vadd.f32 v24, v32;
	v62 =	vadd.f32 v27, v33  }
0x204: {  	v19 =	vadd.f32 v21, v19;
	v18 =	vadd.f32 v18, v61  }
0x205: {  	v63 =	vadd.f32 v60, v24;
	v20 =	vadd.f32 v20, v62;
	_ =	sdelay $0x1  }
0x206: {  	v18 =	vadd.f32 v18, v63;
	v19 =	vadd.f32 v19, v20;
	_ =	sdelay $0x1  }
0x207: {  	v18 =	vadd.f32 v18, v19  }
0x208: {  	s16 =	sshra.s32 s16, $0x2  }
0x209: {  	s17 =	simm.s32 $0x10E70;
	[tilespmem:s16+$0x16270] =	vst v18  }
0x20a: {  	v18 =	vld [tilespmem:s17+$0xFFFFFE10]  }
0x20b: {  	v19 =	vld [tilespmem:s17+$0xFFFFFE20];
	_ =	sdelay $0x4  }
0x20c: {  	v18 =	vmul.f32 v18, v16;
	v19 =	vmul.f32 v19, v17;
	_ =	sdelay $0x1  }
0x20d: {  	v18 =	vadd.f32 v19, v18;
	_ =	sdelay $0x1  }
0x20e: {  	[tilespmem:$0x16080] =	vst v18  }
0x20f: {  	v18 =	vld [tilespmem:s17+$0xFFFFFE40]  }
0x210: {  	v19 =	vld [tilespmem:s17+$0xFFFFFE30];
	_ =	sdelay $0x4  }
0x211: {  	v18 =	vmul.f32 v18, v17;
	v19 =	vmul.f32 v19, v16;
	_ =	sdelay $0x1  }
0x212: {  	v18 =	vadd.f32 v18, v19;
	_ =	sdelay $0x1  }
0x213: {  	[tilespmem:$0x16098] =	vst v18  }
0x214: {  	v18 =	vld [tilespmem:s17+$0xFFFFFE50]  }
0x215: {  	v19 =	vld [tilespmem:s17+$0xFFFFFE60];
	_ =	sdelay $0x4  }
0x216: {  	v18 =	vmul.f32 v18, v16;
	v19 =	vmul.f32 v19, v17;
	_ =	sdelay $0x1  }
0x217: {  	v18 =	vadd.f32 v19, v18;
	_ =	sdelay $0x1  }
0x218: {  	[tilespmem:$0x160B0] =	vst v18  }
0x219: {  	v18 =	vld [tilespmem:s17+$0xFFFFFE70]  }
0x21a: {  	v19 =	vld [tilespmem:s17+$0xFFFFFE80];
	_ =	sdelay $0x4  }
0x21b: {  	v18 =	vmul.f32 v18, v16;
	v19 =	vmul.f32 v19, v17;
	_ =	sdelay $0x1  }
0x21c: {  	v18 =	vadd.f32 v19, v18;
	_ =	sdelay $0x1  }
0x21d: {  	[tilespmem:$0x160C8] =	vst v18  }
0x21e: {  	v18 =	vld [tilespmem:s17+$0xFFFFFE90]  }
0x21f: {  	v19 =	vld [tilespmem:s17+$0xFFFFFEA0];
	_ =	sdelay $0x4  }
0x220: {  	v18 =	vmul.f32 v18, v16;
	v19 =	vmul.f32 v19, v17;
	_ =	sdelay $0x1  }
0x221: {  	v18 =	vadd.f32 v19, v18;
	_ =	sdelay $0x1  }
0x222: {  	[tilespmem:$0x160E0] =	vst v18  }
0x223: {  	v18 =	vld [tilespmem:s17+$0xFFFFFEB0]  }
0x224: {  	v19 =	vld [tilespmem:s17+$0xFFFFFEC0];
	_ =	sdelay $0x4  }
0x225: {  	v18 =	vmul.f32 v18, v16;
	v19 =	vmul.f32 v19, v17;
	_ =	sdelay $0x1  }
0x226: {  	v18 =	vadd.f32 v19, v18;
	_ =	sdelay $0x1  }
0x227: {  	[tilespmem:$0x160F8] =	vst v18  }
0x228: {  	v18 =	vld [tilespmem:s17+$0xFFFFFED0]  }
0x229: {  	v19 =	vld [tilespmem:s17+$0xFFFFFEE0];
	_ =	sdelay $0x4  }
0x22a: {  	v18 =	vmul.f32 v18, v16;
	v19 =	vmul.f32 v19, v17;
	_ =	sdelay $0x1  }
0x22b: {  	v18 =	vadd.f32 v19, v18;
	_ =	sdelay $0x1  }
0x22c: {  	[tilespmem:$0x16110] =	vst v18  }
0x22d: {  	v18 =	vld [tilespmem:s17+$0xFFFFFEF0]  }
0x22e: {  	v19 =	vld [tilespmem:s17+$0xFFFFFF00];
	_ =	sdelay $0x4  }
0x22f: {  	v18 =	vmul.f32 v18, v16;
	v19 =	vmul.f32 v19, v17;
	_ =	sdelay $0x1  }
0x230: {  	v18 =	vadd.f32 v19, v18;
	_ =	sdelay $0x1  }
0x231: {  	[tilespmem:$0x16128] =	vst v18  }
0x232: {  	v18 =	vld [tilespmem:s17+$0xFFFFFF10]  }
0x233: {  	v19 =	vld [tilespmem:s17+$0xFFFFFF20];
	_ =	sdelay $0x4  }
0x234: {  	v18 =	vmul.f32 v18, v16;
	v19 =	vmul.f32 v19, v17;
	_ =	sdelay $0x1  }
0x235: {  	v18 =	vadd.f32 v19, v18;
	_ =	sdelay $0x1  }
0x236: {  	[tilespmem:$0x16140] =	vst v18  }
0x237: {  	v18 =	vld [tilespmem:s17+$0xFFFFFF30]  }
0x238: {  	v19 =	vld [tilespmem:s17+$0xFFFFFF40];
	_ =	sdelay $0x4  }
0x239: {  	v18 =	vmul.f32 v18, v16;
	v19 =	vmul.f32 v19, v17;
	_ =	sdelay $0x1  }
0x23a: {  	v18 =	vadd.f32 v19, v18;
	_ =	sdelay $0x1  }
0x23b: {  	[tilespmem:$0x16158] =	vst v18  }
0x23c: {  	v18 =	vld [tilespmem:s17+$0xFFFFFF50]  }
0x23d: {  	v19 =	vld [tilespmem:s17+$0xFFFFFF60];
	_ =	sdelay $0x4  }
0x23e: {  	v18 =	vmul.f32 v18, v16;
	v19 =	vmul.f32 v19, v17;
	_ =	sdelay $0x1  }
0x23f: {  	v18 =	vadd.f32 v19, v18;
	_ =	sdelay $0x1  }
0x240: {  	[tilespmem:$0x16170] =	vst v18  }
0x241: {  	v18 =	vld [tilespmem:s17+$0xFFFFFF70]  }
0x242: {  	v19 =	vld [tilespmem:s17+$0xFFFFFF80];
	_ =	sdelay $0x4  }
0x243: {  	v18 =	vmul.f32 v18, v16;
	v19 =	vmul.f32 v19, v17;
	_ =	sdelay $0x1  }
0x244: {  	v18 =	vadd.f32 v19, v18;
	_ =	sdelay $0x1  }
0x245: {  	[tilespmem:$0x16188] =	vst v18  }
0x246: {  	v18 =	vld [tilespmem:s17+$0xFFFFFF90]  }
0x247: {  	v19 =	vld [tilespmem:s17+$0xFFFFFFA0];
	_ =	sdelay $0x4  }
0x248: {  	v18 =	vmul.f32 v18, v16;
	v19 =	vmul.f32 v19, v17;
	_ =	sdelay $0x1  }
0x249: {  	v18 =	vadd.f32 v19, v18;
	_ =	sdelay $0x1  }
0x24a: {  	[tilespmem:$0x161A0] =	vst v18  }
0x24b: {  	v18 =	vld [tilespmem:s17+$0xFFFFFFB0]  }
0x24c: {  	v19 =	vld [tilespmem:s17+$0xFFFFFFC0];
	_ =	sdelay $0x4  }
0x24d: {  	v18 =	vmul.f32 v18, v16;
	v19 =	vmul.f32 v19, v17;
	_ =	sdelay $0x1  }
0x24e: {  	v18 =	vadd.f32 v19, v18;
	_ =	sdelay $0x1  }
0x24f: {  	[tilespmem:$0x161B8] =	vst v18  }
0x250: {  	v18 =	vld [tilespmem:s17+$0xFFFFFFD0]  }
0x251: {  	v19 =	vld [tilespmem:s17+$0xFFFFFFE0];
	_ =	sdelay $0x4  }
0x252: {  	v18 =	vmul.f32 v18, v16;
	v19 =	vmul.f32 v19, v17;
	_ =	sdelay $0x1  }
0x253: {  	v18 =	vadd.f32 v19, v18;
	_ =	sdelay $0x1  }
0x254: {  	[tilespmem:$0x161D0] =	vst v18  }
0x255: {  	v18 =	vld [tilespmem:s17+$0xFFFFFFF0]  }
0x256: {  	v19 =	vld [tilespmem:s17+$0x0];
	_ =	sdelay $0x4  }
0x257: {  	v18 =	vmul.f32 v18, v16;
	v19 =	vmul.f32 v19, v17;
	_ =	sdelay $0x1  }
0x258: {  	s19 =	simm.s32 $0x40;
	s18 =	simm.s32 $0x0;
	s16 =	simm.s32 $0x0;
	v18 =	vadd.f32 v19, v18  }
.LBB2_7:
0x259: {  	p0 =	sne.s32 s19, $0x180  }
0x25a: {  	s17 =	sadd.s32 $0x200, s17;
	s20 =	smov.u32 s19;
	s19 =	sadd.s32 $0x40, s19;
	[tilespmem:$0x161E8] =	vst v18  }
0x25b: {  	v18 =	vld.idx.msk [tilespmem:v15+s28+$0x0], $0xffff  }
0x25c: {  	v19 =	vld.idx.msk [tilespmem:v5+s28+$0x0], $0xffff  }
0x25d: {  	v20 =	vld.idx.msk [tilespmem:v3+s28+$0x0], $0xffff  }
0x25e: {  	v21 =	vld.idx.msk [tilespmem:v7+s28+$0x0], $0xffff  }
0x25f: {  	v22 =	vld.idx.msk [tilespmem:v4+s28+$0x0], $0xffff  }
0x260: {  	v23 =	vld.idx.msk [tilespmem:v2+s28+$0x0], $0xffff  }
0x261: {  	v24 =	vld.idx.msk [tilespmem:v9+s28+$0x0], $0xffff  }
0x262: {  	v25 =	vld.idx.msk [tilespmem:v6+s28+$0x0], $0xffff  }
0x263: {  	v26 =	vld.idx.msk [tilespmem:v13+s28+$0x0], $0xffff  }
0x264: {  	v27 =	vld.idx.msk [tilespmem:v1+s28+$0x0], $0xffff  }
0x265: {  	v19 =	vadd.f32 v19, v22;
	v28 =	vld.idx.msk [tilespmem:v11+s28+$0x0], $0xffff  }
0x266: {  	v22 =	vld.idx.msk [tilespmem:v14+s28+$0x0], $0xffff  }
0x267: {  	v29 =	vld.idx.msk [tilespmem:v10+s28+$0x0], $0xffff  }
0x268: {  	v21 =	vadd.f32 v21, v25;
	v30 =	vld.idx.msk [tilespmem:v12+s28+$0x0], $0xffff  }
0x269: {  	v20 =	vadd.f32 v20, v23;
	v25 =	vld.idx.msk [tilespmem:v8+s28+$0x0], $0xffff  }
0x26a: {  	v19 =	vadd.f32 v21, v19;
	v23 =	vld.idx.msk [tilespmem:v0+s28+$0x0], $0xffff;
	_ =	sdelay $0x1  }
0x26b: {  	v18 =	vadd.f32 v18, v22  }
0x26c: {  	v21 =	vadd.f32 v28, v29  }
0x26d: {  	v22 =	vadd.f32 v26, v30  }
0x26e: {  	v24 =	vadd.f32 v24, v25  }
0x26f: {  	v23 =	vadd.f32 v27, v23;
	v18 =	vadd.f32 v18, v22  }
0x270: {  	v21 =	vadd.f32 v21, v24  }
0x271: {  	v20 =	vadd.f32 v20, v23  }
0x272: {  	v18 =	vadd.f32 v18, v21  }
0x273: {  	v19 =	vadd.f32 v19, v20;
	_ =	sdelay $0x1  }
0x274: {  	s21 =	sshra.s32 s18, $0x2;
	s18 =	smov.u32 s20;
	v18 =	vadd.f32 v18, v19;
	_ =	sdelay $0x1  }
0x275: {  	[tilespmem:s21+$0x162E0] =	vst v18  }
0x276: {  	v18 =	vld [tilespmem:s17+$0xFFFFFE10]  }
0x277: {  	v19 =	vld [tilespmem:s17+$0xFFFFFE20];
	_ =	sdelay $0x4  }
0x278: {  	v18 =	vmul.f32 v18, v16;
	v19 =	vmul.f32 v19, v17;
	_ =	sdelay $0x1  }
0x279: {  	v18 =	vadd.f32 v19, v18;
	_ =	sdelay $0x1  }
0x27a: {  	[tilespmem:$0x16080] =	vst v18  }
0x27b: {  	v18 =	vld [tilespmem:s17+$0xFFFFFE40]  }
0x27c: {  	v19 =	vld [tilespmem:s17+$0xFFFFFE30];
	_ =	sdelay $0x3  }
0x27d: {  	v18 =	vmul.f32 v18, v17  }
0x27e: {  	v19 =	vmul.f32 v19, v16;
	_ =	sdelay $0x1  }
0x27f: {  	v18 =	vadd.f32 v18, v19;
	_ =	sdelay $0x1  }
0x280: {  	[tilespmem:$0x16098] =	vst v18  }
0x281: {  	v18 =	vld [tilespmem:s17+$0xFFFFFE50]  }
0x282: {  	v19 =	vld [tilespmem:s17+$0xFFFFFE60];
	_ =	sdelay $0x3  }
0x283: {  	v18 =	vmul.f32 v18, v16  }
0x284: {  	v19 =	vmul.f32 v19, v17;
	_ =	sdelay $0x1  }
0x285: {  	v18 =	vadd.f32 v19, v18;
	_ =	sdelay $0x1  }
0x286: {  	[tilespmem:$0x160B0] =	vst v18  }
0x287: {  	v18 =	vld [tilespmem:s17+$0xFFFFFE70]  }
0x288: {  	v19 =	vld [tilespmem:s17+$0xFFFFFE80];
	_ =	sdelay $0x3  }
0x289: {  	v18 =	vmul.f32 v18, v16  }
0x28a: {  	v19 =	vmul.f32 v19, v17;
	_ =	sdelay $0x1  }
0x28b: {  	v18 =	vadd.f32 v19, v18;
	_ =	sdelay $0x1  }
0x28c: {  	[tilespmem:$0x160C8] =	vst v18  }
0x28d: {  	v18 =	vld [tilespmem:s17+$0xFFFFFE90]  }
0x28e: {  	v19 =	vld [tilespmem:s17+$0xFFFFFEA0];
	_ =	sdelay $0x3  }
0x28f: {  	v18 =	vmul.f32 v18, v16  }
0x290: {  	v19 =	vmul.f32 v19, v17;
	_ =	sdelay $0x1  }
0x291: {  	v18 =	vadd.f32 v19, v18;
	_ =	sdelay $0x1  }
0x292: {  	[tilespmem:$0x160E0] =	vst v18  }
0x293: {  	v18 =	vld [tilespmem:s17+$0xFFFFFEB0]  }
0x294: {  	v19 =	vld [tilespmem:s17+$0xFFFFFEC0];
	_ =	sdelay $0x3  }
0x295: {  	v18 =	vmul.f32 v18, v16  }
0x296: {  	v19 =	vmul.f32 v19, v17;
	_ =	sdelay $0x1  }
0x297: {  	v18 =	vadd.f32 v19, v18;
	_ =	sdelay $0x1  }
0x298: {  	[tilespmem:$0x160F8] =	vst v18  }
0x299: {  	v18 =	vld [tilespmem:s17+$0xFFFFFED0]  }
0x29a: {  	v19 =	vld [tilespmem:s17+$0xFFFFFEE0];
	_ =	sdelay $0x3  }
0x29b: {  	v18 =	vmul.f32 v18, v16  }
0x29c: {  	v19 =	vmul.f32 v19, v17;
	_ =	sdelay $0x1  }
0x29d: {  	v18 =	vadd.f32 v19, v18;
	_ =	sdelay $0x1  }
0x29e: {  	[tilespmem:$0x16110] =	vst v18  }
0x29f: {  	v18 =	vld [tilespmem:s17+$0xFFFFFEF0]  }
0x2a0: {  	v19 =	vld [tilespmem:s17+$0xFFFFFF00];
	_ =	sdelay $0x3  }
0x2a1: {  	v18 =	vmul.f32 v18, v16  }
0x2a2: {  	v19 =	vmul.f32 v19, v17;
	_ =	sdelay $0x1  }
0x2a3: {  	v18 =	vadd.f32 v19, v18;
	_ =	sdelay $0x1  }
0x2a4: {  	[tilespmem:$0x16128] =	vst v18  }
0x2a5: {  	v18 =	vld [tilespmem:s17+$0xFFFFFF10]  }
0x2a6: {  	v19 =	vld [tilespmem:s17+$0xFFFFFF20];
	_ =	sdelay $0x3  }
0x2a7: {  	v18 =	vmul.f32 v18, v16  }
0x2a8: {  	v19 =	vmul.f32 v19, v17;
	_ =	sdelay $0x1  }
0x2a9: {  	v18 =	vadd.f32 v19, v18;
	_ =	sdelay $0x1  }
0x2aa: {  	[tilespmem:$0x16140] =	vst v18  }
0x2ab: {  	v18 =	vld [tilespmem:s17+$0xFFFFFF30]  }
0x2ac: {  	v19 =	vld [tilespmem:s17+$0xFFFFFF40];
	_ =	sdelay $0x3  }
0x2ad: {  	v18 =	vmul.f32 v18, v16  }
0x2ae: {  	v19 =	vmul.f32 v19, v17;
	_ =	sdelay $0x1  }
0x2af: {  	v18 =	vadd.f32 v19, v18;
	_ =	sdelay $0x1  }
0x2b0: {  	[tilespmem:$0x16158] =	vst v18  }
0x2b1: {  	v18 =	vld [tilespmem:s17+$0xFFFFFF50]  }
0x2b2: {  	v19 =	vld [tilespmem:s17+$0xFFFFFF60];
	_ =	sdelay $0x3  }
0x2b3: {  	v18 =	vmul.f32 v18, v16  }
0x2b4: {  	v19 =	vmul.f32 v19, v17;
	_ =	sdelay $0x1  }
0x2b5: {  	v18 =	vadd.f32 v19, v18;
	_ =	sdelay $0x1  }
0x2b6: {  	[tilespmem:$0x16170] =	vst v18  }
0x2b7: {  	v18 =	vld [tilespmem:s17+$0xFFFFFF70]  }
0x2b8: {  	v19 =	vld [tilespmem:s17+$0xFFFFFF80];
	_ =	sdelay $0x3  }
0x2b9: {  	v18 =	vmul.f32 v18, v16  }
0x2ba: {  	v19 =	vmul.f32 v19, v17;
	_ =	sdelay $0x1  }
0x2bb: {  	v18 =	vadd.f32 v19, v18;
	_ =	sdelay $0x1  }
0x2bc: {  	[tilespmem:$0x16188] =	vst v18  }
0x2bd: {  	v18 =	vld [tilespmem:s17+$0xFFFFFF90]  }
0x2be: {  	v19 =	vld [tilespmem:s17+$0xFFFFFFA0];
	_ =	sdelay $0x3  }
0x2bf: {  	v18 =	vmul.f32 v18, v16  }
0x2c0: {  	v19 =	vmul.f32 v19, v17;
	_ =	sdelay $0x1  }
0x2c1: {  	v18 =	vadd.f32 v19, v18;
	_ =	sdelay $0x1  }
0x2c2: {  	[tilespmem:$0x161A0] =	vst v18  }
0x2c3: {  	v18 =	vld [tilespmem:s17+$0xFFFFFFB0]  }
0x2c4: {  	v19 =	vld [tilespmem:s17+$0xFFFFFFC0];
	_ =	sdelay $0x3  }
0x2c5: {  	v18 =	vmul.f32 v18, v16  }
0x2c6: {  	v19 =	vmul.f32 v19, v17;
	_ =	sdelay $0x1  }
0x2c7: {  	v18 =	vadd.f32 v19, v18;
	_ =	sdelay $0x1  }
0x2c8: {  	[tilespmem:$0x161B8] =	vst v18  }
0x2c9: {  	v18 =	vld [tilespmem:s17+$0xFFFFFFD0]  }
0x2ca: {  	v19 =	vld [tilespmem:s17+$0xFFFFFFE0];
	_ =	sdelay $0x3  }
0x2cb: {  	v18 =	vmul.f32 v18, v16  }
0x2cc: {  	v19 =	vmul.f32 v19, v17;
	_ =	sdelay $0x1  }
0x2cd: {  	v18 =	vadd.f32 v19, v18;
	_ =	sdelay $0x1  }
0x2ce: {  	[tilespmem:$0x161D0] =	vst v18  }
0x2cf: {  	v18 =	vld [tilespmem:s17+$0xFFFFFFF0]  }
0x2d0: {  	v19 =	vld [tilespmem:s17+$0x0];
	_ =	sdelay $0x2  }
.Ltmp2:
0x2d1: {  	(pc) =	sbr.rel @p0 .LBB2_7-.Ltmp2, $3  }
0x2d2: {  	v18 =	vmul.f32 v18, v16  }
0x2d3: {  	v19 =	vmul.f32 v19, v17;
	_ =	sdelay $0x1  }
0x2d4: {  	v18 =	vadd.f32 v19, v18  }
0x2d5: {  	_ =	sdelay $0x2  }
0x2d6: {  	[tilespmem:$0x161E8] =	vst v18  }
0x2d7: {  	v18 =	vld.idx.msk [tilespmem:v15+s28+$0x0], $0xffff  }
0x2d8: {  	v19 =	vld.idx.msk [tilespmem:v5+s28+$0x0], $0xffff  }
0x2d9: {  	v20 =	vld.idx.msk [tilespmem:v3+s28+$0x0], $0xffff  }
0x2da: {  	v21 =	vld.idx.msk [tilespmem:v7+s28+$0x0], $0xffff  }
0x2db: {  	v22 =	vld.idx.msk [tilespmem:v4+s28+$0x0], $0xffff  }
0x2dc: {  	v23 =	vld.idx.msk [tilespmem:v2+s28+$0x0], $0xffff  }
0x2dd: {  	v24 =	vld.idx.msk [tilespmem:v9+s28+$0x0], $0xffff  }
0x2de: {  	v25 =	vld.idx.msk [tilespmem:v6+s28+$0x0], $0xffff  }
0x2df: {  	v26 =	vld.idx.msk [tilespmem:v13+s28+$0x0], $0xffff  }
0x2e0: {  	v27 =	vld.idx.msk [tilespmem:v1+s28+$0x0], $0xffff  }
0x2e1: {  	v28 =	vld.idx.msk [tilespmem:v11+s28+$0x0], $0xffff  }
0x2e2: {  	v29 =	vld.idx.msk [tilespmem:v14+s28+$0x0], $0xffff  }
0x2e3: {  	v30 =	vld.idx.msk [tilespmem:v10+s28+$0x0], $0xffff  }
0x2e4: {  	v31 =	vld.idx.msk [tilespmem:v12+s28+$0x0], $0xffff  }
0x2e5: {  	v32 =	vld.idx.msk [tilespmem:v8+s28+$0x0], $0xffff  }
0x2e6: {  	v33 =	vld.idx.msk [tilespmem:v0+s28+$0x0], $0xffff;
	_ =	sdelay $0x1  }
0x2e7: {  	v19 =	vadd.f32 v19, v22;
	v21 =	vadd.f32 v21, v25  }
0x2e8: {  	v20 =	vadd.f32 v20, v23;
	v18 =	vadd.f32 v18, v29  }
0x2e9: {  	v60 =	vadd.f32 v28, v30;
	v61 =	vadd.f32 v26, v31  }
0x2ea: {  	v24 =	vadd.f32 v24, v32;
	v62 =	vadd.f32 v27, v33  }
0x2eb: {  	v19 =	vadd.f32 v21, v19;
	v18 =	vadd.f32 v18, v61  }
0x2ec: {  	v63 =	vadd.f32 v60, v24;
	v20 =	vadd.f32 v20, v62;
	_ =	sdelay $0x1  }
0x2ed: {  	v18 =	vadd.f32 v18, v63;
	v19 =	vadd.f32 v19, v20;
	_ =	sdelay $0x1  }
0x2ee: {  	v18 =	vadd.f32 v18, v19  }
0x2ef: {  	s17 =	sshra.s32 s18, $0x2  }
0x2f0: {  	[tilespmem:s17+$0x162E0] =	vst v18;
	s17 =	simm.s32 $0x11C70  }
0x2f1: {  	v18 =	vld [tilespmem:s17+$0xFFFFFE10]  }
0x2f2: {  	v19 =	vld [tilespmem:s17+$0xFFFFFE20];
	_ =	sdelay $0x4  }
0x2f3: {  	v18 =	vmul.f32 v18, v16;
	v19 =	vmul.f32 v19, v17;
	_ =	sdelay $0x1  }
0x2f4: {  	v18 =	vadd.f32 v19, v18;
	_ =	sdelay $0x1  }
0x2f5: {  	[tilespmem:$0x16080] =	vst v18  }
0x2f6: {  	v18 =	vld [tilespmem:s17+$0xFFFFFE40]  }
0x2f7: {  	v19 =	vld [tilespmem:s17+$0xFFFFFE30];
	_ =	sdelay $0x4  }
0x2f8: {  	v18 =	vmul.f32 v18, v17;
	v19 =	vmul.f32 v19, v16;
	_ =	sdelay $0x1  }
0x2f9: {  	v18 =	vadd.f32 v18, v19;
	_ =	sdelay $0x1  }
0x2fa: {  	[tilespmem:$0x16098] =	vst v18  }
0x2fb: {  	v18 =	vld [tilespmem:s17+$0xFFFFFE50]  }
0x2fc: {  	v19 =	vld [tilespmem:s17+$0xFFFFFE60];
	_ =	sdelay $0x4  }
0x2fd: {  	v18 =	vmul.f32 v18, v16;
	v19 =	vmul.f32 v19, v17;
	_ =	sdelay $0x1  }
0x2fe: {  	v18 =	vadd.f32 v19, v18;
	_ =	sdelay $0x1  }
0x2ff: {  	[tilespmem:$0x160B0] =	vst v18  }
0x300: {  	v18 =	vld [tilespmem:s17+$0xFFFFFE70]  }
0x301: {  	v19 =	vld [tilespmem:s17+$0xFFFFFE80];
	_ =	sdelay $0x4  }
0x302: {  	v18 =	vmul.f32 v18, v16;
	v19 =	vmul.f32 v19, v17;
	_ =	sdelay $0x1  }
0x303: {  	v18 =	vadd.f32 v19, v18;
	_ =	sdelay $0x1  }
0x304: {  	[tilespmem:$0x160C8] =	vst v18  }
0x305: {  	v18 =	vld [tilespmem:s17+$0xFFFFFE90]  }
0x306: {  	v19 =	vld [tilespmem:s17+$0xFFFFFEA0];
	_ =	sdelay $0x4  }
0x307: {  	v18 =	vmul.f32 v18, v16;
	v19 =	vmul.f32 v19, v17;
	_ =	sdelay $0x1  }
0x308: {  	v18 =	vadd.f32 v19, v18;
	_ =	sdelay $0x1  }
0x309: {  	[tilespmem:$0x160E0] =	vst v18  }
0x30a: {  	v18 =	vld [tilespmem:s17+$0xFFFFFEB0]  }
0x30b: {  	v19 =	vld [tilespmem:s17+$0xFFFFFEC0];
	_ =	sdelay $0x4  }
0x30c: {  	v18 =	vmul.f32 v18, v16;
	v19 =	vmul.f32 v19, v17;
	_ =	sdelay $0x1  }
0x30d: {  	v18 =	vadd.f32 v19, v18;
	_ =	sdelay $0x1  }
0x30e: {  	[tilespmem:$0x160F8] =	vst v18  }
0x30f: {  	v18 =	vld [tilespmem:s17+$0xFFFFFED0]  }
0x310: {  	v19 =	vld [tilespmem:s17+$0xFFFFFEE0];
	_ =	sdelay $0x4  }
0x311: {  	v18 =	vmul.f32 v18, v16;
	v19 =	vmul.f32 v19, v17;
	_ =	sdelay $0x1  }
0x312: {  	v18 =	vadd.f32 v19, v18;
	_ =	sdelay $0x1  }
0x313: {  	[tilespmem:$0x16110] =	vst v18  }
0x314: {  	v18 =	vld [tilespmem:s17+$0xFFFFFEF0]  }
0x315: {  	v19 =	vld [tilespmem:s17+$0xFFFFFF00];
	_ =	sdelay $0x4  }
0x316: {  	v18 =	vmul.f32 v18, v16;
	v19 =	vmul.f32 v19, v17;
	_ =	sdelay $0x1  }
0x317: {  	v18 =	vadd.f32 v19, v18;
	_ =	sdelay $0x1  }
0x318: {  	[tilespmem:$0x16128] =	vst v18  }
0x319: {  	v18 =	vld [tilespmem:s17+$0xFFFFFF10]  }
0x31a: {  	v19 =	vld [tilespmem:s17+$0xFFFFFF20];
	_ =	sdelay $0x4  }
0x31b: {  	v18 =	vmul.f32 v18, v16;
	v19 =	vmul.f32 v19, v17;
	_ =	sdelay $0x1  }
0x31c: {  	v18 =	vadd.f32 v19, v18;
	_ =	sdelay $0x1  }
0x31d: {  	[tilespmem:$0x16140] =	vst v18  }
0x31e: {  	v18 =	vld [tilespmem:s17+$0xFFFFFF30]  }
0x31f: {  	v19 =	vld [tilespmem:s17+$0xFFFFFF40];
	_ =	sdelay $0x4  }
0x320: {  	v18 =	vmul.f32 v18, v16;
	v19 =	vmul.f32 v19, v17;
	_ =	sdelay $0x1  }
0x321: {  	v18 =	vadd.f32 v19, v18;
	_ =	sdelay $0x1  }
0x322: {  	[tilespmem:$0x16158] =	vst v18  }
0x323: {  	v18 =	vld [tilespmem:s17+$0xFFFFFF50]  }
0x324: {  	v19 =	vld [tilespmem:s17+$0xFFFFFF60];
	_ =	sdelay $0x4  }
0x325: {  	v18 =	vmul.f32 v18, v16;
	v19 =	vmul.f32 v19, v17;
	_ =	sdelay $0x1  }
0x326: {  	v18 =	vadd.f32 v19, v18;
	_ =	sdelay $0x1  }
0x327: {  	[tilespmem:$0x16170] =	vst v18  }
0x328: {  	v18 =	vld [tilespmem:s17+$0xFFFFFF70]  }
0x329: {  	v19 =	vld [tilespmem:s17+$0xFFFFFF80];
	_ =	sdelay $0x4  }
0x32a: {  	v18 =	vmul.f32 v18, v16;
	v19 =	vmul.f32 v19, v17;
	_ =	sdelay $0x1  }
0x32b: {  	v18 =	vadd.f32 v19, v18;
	_ =	sdelay $0x1  }
0x32c: {  	[tilespmem:$0x16188] =	vst v18  }
0x32d: {  	v18 =	vld [tilespmem:s17+$0xFFFFFF90]  }
0x32e: {  	v19 =	vld [tilespmem:s17+$0xFFFFFFA0];
	_ =	sdelay $0x4  }
0x32f: {  	v18 =	vmul.f32 v18, v16;
	v19 =	vmul.f32 v19, v17;
	_ =	sdelay $0x1  }
0x330: {  	v18 =	vadd.f32 v19, v18;
	_ =	sdelay $0x1  }
0x331: {  	[tilespmem:$0x161A0] =	vst v18  }
0x332: {  	v18 =	vld [tilespmem:s17+$0xFFFFFFB0]  }
0x333: {  	v19 =	vld [tilespmem:s17+$0xFFFFFFC0];
	_ =	sdelay $0x4  }
0x334: {  	v18 =	vmul.f32 v18, v16;
	v19 =	vmul.f32 v19, v17;
	_ =	sdelay $0x1  }
0x335: {  	v18 =	vadd.f32 v19, v18;
	_ =	sdelay $0x1  }
0x336: {  	[tilespmem:$0x161B8] =	vst v18  }
0x337: {  	v18 =	vld [tilespmem:s17+$0xFFFFFFD0]  }
0x338: {  	v19 =	vld [tilespmem:s17+$0xFFFFFFE0];
	_ =	sdelay $0x4  }
0x339: {  	v18 =	vmul.f32 v18, v16;
	v19 =	vmul.f32 v19, v17;
	_ =	sdelay $0x1  }
0x33a: {  	v18 =	vadd.f32 v19, v18;
	_ =	sdelay $0x1  }
0x33b: {  	[tilespmem:$0x161D0] =	vst v18  }
0x33c: {  	v18 =	vld [tilespmem:s17+$0xFFFFFFF0]  }
0x33d: {  	v19 =	vld [tilespmem:s17+$0x0];
	_ =	sdelay $0x4  }
0x33e: {  	v18 =	vmul.f32 v18, v16;
	v19 =	vmul.f32 v19, v17;
	_ =	sdelay $0x1  }
0x33f: {  	s18 =	simm.s32 $0x40;
	v18 =	vadd.f32 v19, v18  }
.LBB2_9:
0x340: {  	p0 =	sne.s32 s18, $0x180  }
0x341: {  	s17 =	sadd.s32 $0x200, s17;
	s19 =	smov.u32 s18;
	s18 =	sadd.s32 $0x40, s18;
	[tilespmem:$0x161E8] =	vst v18  }
0x342: {  	v18 =	vld.idx.msk [tilespmem:v15+s28+$0x0], $0xffff  }
0x343: {  	v19 =	vld.idx.msk [tilespmem:v5+s28+$0x0], $0xffff  }
0x344: {  	v20 =	vld.idx.msk [tilespmem:v3+s28+$0x0], $0xffff  }
0x345: {  	v21 =	vld.idx.msk [tilespmem:v7+s28+$0x0], $0xffff  }
0x346: {  	v22 =	vld.idx.msk [tilespmem:v4+s28+$0x0], $0xffff  }
0x347: {  	v23 =	vld.idx.msk [tilespmem:v2+s28+$0x0], $0xffff  }
0x348: {  	v24 =	vld.idx.msk [tilespmem:v9+s28+$0x0], $0xffff  }
0x349: {  	v25 =	vld.idx.msk [tilespmem:v6+s28+$0x0], $0xffff  }
0x34a: {  	v26 =	vld.idx.msk [tilespmem:v13+s28+$0x0], $0xffff  }
0x34b: {  	v27 =	vld.idx.msk [tilespmem:v1+s28+$0x0], $0xffff  }
0x34c: {  	v19 =	vadd.f32 v19, v22;
	v28 =	vld.idx.msk [tilespmem:v11+s28+$0x0], $0xffff  }
0x34d: {  	v22 =	vld.idx.msk [tilespmem:v14+s28+$0x0], $0xffff  }
0x34e: {  	v29 =	vld.idx.msk [tilespmem:v10+s28+$0x0], $0xffff  }
0x34f: {  	v21 =	vadd.f32 v21, v25;
	v30 =	vld.idx.msk [tilespmem:v12+s28+$0x0], $0xffff  }
0x350: {  	v20 =	vadd.f32 v20, v23;
	v25 =	vld.idx.msk [tilespmem:v8+s28+$0x0], $0xffff  }
0x351: {  	v19 =	vadd.f32 v21, v19;
	v23 =	vld.idx.msk [tilespmem:v0+s28+$0x0], $0xffff;
	_ =	sdelay $0x1  }
0x352: {  	v18 =	vadd.f32 v18, v22  }
0x353: {  	v21 =	vadd.f32 v28, v29  }
0x354: {  	v22 =	vadd.f32 v26, v30  }
0x355: {  	v24 =	vadd.f32 v24, v25  }
0x356: {  	v23 =	vadd.f32 v27, v23;
	v18 =	vadd.f32 v18, v22  }
0x357: {  	v21 =	vadd.f32 v21, v24  }
0x358: {  	v20 =	vadd.f32 v20, v23  }
0x359: {  	v18 =	vadd.f32 v18, v21  }
0x35a: {  	v19 =	vadd.f32 v19, v20;
	_ =	sdelay $0x1  }
0x35b: {  	s20 =	sshra.s32 s16, $0x2;
	s16 =	smov.u32 s19;
	v18 =	vadd.f32 v18, v19;
	_ =	sdelay $0x1  }
0x35c: {  	[tilespmem:s20+$0x16350] =	vst v18  }
0x35d: {  	v18 =	vld [tilespmem:s17+$0xFFFFFE10]  }
0x35e: {  	v19 =	vld [tilespmem:s17+$0xFFFFFE20];
	_ =	sdelay $0x4  }
0x35f: {  	v18 =	vmul.f32 v18, v16;
	v19 =	vmul.f32 v19, v17;
	_ =	sdelay $0x1  }
0x360: {  	v18 =	vadd.f32 v19, v18;
	_ =	sdelay $0x1  }
0x361: {  	[tilespmem:$0x16080] =	vst v18  }
0x362: {  	v18 =	vld [tilespmem:s17+$0xFFFFFE40]  }
0x363: {  	v19 =	vld [tilespmem:s17+$0xFFFFFE30];
	_ =	sdelay $0x3  }
0x364: {  	v18 =	vmul.f32 v18, v17  }
0x365: {  	v19 =	vmul.f32 v19, v16;
	_ =	sdelay $0x1  }
0x366: {  	v18 =	vadd.f32 v18, v19;
	_ =	sdelay $0x1  }
0x367: {  	[tilespmem:$0x16098] =	vst v18  }
0x368: {  	v18 =	vld [tilespmem:s17+$0xFFFFFE50]  }
0x369: {  	v19 =	vld [tilespmem:s17+$0xFFFFFE60];
	_ =	sdelay $0x3  }
0x36a: {  	v18 =	vmul.f32 v18, v16  }
0x36b: {  	v19 =	vmul.f32 v19, v17;
	_ =	sdelay $0x1  }
0x36c: {  	v18 =	vadd.f32 v19, v18;
	_ =	sdelay $0x1  }
0x36d: {  	[tilespmem:$0x160B0] =	vst v18  }
0x36e: {  	v18 =	vld [tilespmem:s17+$0xFFFFFE70]  }
0x36f: {  	v19 =	vld [tilespmem:s17+$0xFFFFFE80];
	_ =	sdelay $0x3  }
0x370: {  	v18 =	vmul.f32 v18, v16  }
0x371: {  	v19 =	vmul.f32 v19, v17;
	_ =	sdelay $0x1  }
0x372: {  	v18 =	vadd.f32 v19, v18;
	_ =	sdelay $0x1  }
0x373: {  	[tilespmem:$0x160C8] =	vst v18  }
0x374: {  	v18 =	vld [tilespmem:s17+$0xFFFFFE90]  }
0x375: {  	v19 =	vld [tilespmem:s17+$0xFFFFFEA0];
	_ =	sdelay $0x3  }
0x376: {  	v18 =	vmul.f32 v18, v16  }
0x377: {  	v19 =	vmul.f32 v19, v17;
	_ =	sdelay $0x1  }
0x378: {  	v18 =	vadd.f32 v19, v18;
	_ =	sdelay $0x1  }
0x379: {  	[tilespmem:$0x160E0] =	vst v18  }
0x37a: {  	v18 =	vld [tilespmem:s17+$0xFFFFFEB0]  }
0x37b: {  	v19 =	vld [tilespmem:s17+$0xFFFFFEC0];
	_ =	sdelay $0x3  }
0x37c: {  	v18 =	vmul.f32 v18, v16  }
0x37d: {  	v19 =	vmul.f32 v19, v17;
	_ =	sdelay $0x1  }
0x37e: {  	v18 =	vadd.f32 v19, v18;
	_ =	sdelay $0x1  }
0x37f: {  	[tilespmem:$0x160F8] =	vst v18  }
0x380: {  	v18 =	vld [tilespmem:s17+$0xFFFFFED0]  }
0x381: {  	v19 =	vld [tilespmem:s17+$0xFFFFFEE0];
	_ =	sdelay $0x3  }
0x382: {  	v18 =	vmul.f32 v18, v16  }
0x383: {  	v19 =	vmul.f32 v19, v17;
	_ =	sdelay $0x1  }
0x384: {  	v18 =	vadd.f32 v19, v18;
	_ =	sdelay $0x1  }
0x385: {  	[tilespmem:$0x16110] =	vst v18  }
0x386: {  	v18 =	vld [tilespmem:s17+$0xFFFFFEF0]  }
0x387: {  	v19 =	vld [tilespmem:s17+$0xFFFFFF00];
	_ =	sdelay $0x3  }
0x388: {  	v18 =	vmul.f32 v18, v16  }
0x389: {  	v19 =	vmul.f32 v19, v17;
	_ =	sdelay $0x1  }
0x38a: {  	v18 =	vadd.f32 v19, v18;
	_ =	sdelay $0x1  }
0x38b: {  	[tilespmem:$0x16128] =	vst v18  }
0x38c: {  	v18 =	vld [tilespmem:s17+$0xFFFFFF10]  }
0x38d: {  	v19 =	vld [tilespmem:s17+$0xFFFFFF20];
	_ =	sdelay $0x3  }
0x38e: {  	v18 =	vmul.f32 v18, v16  }
0x38f: {  	v19 =	vmul.f32 v19, v17;
	_ =	sdelay $0x1  }
0x390: {  	v18 =	vadd.f32 v19, v18;
	_ =	sdelay $0x1  }
0x391: {  	[tilespmem:$0x16140] =	vst v18  }
0x392: {  	v18 =	vld [tilespmem:s17+$0xFFFFFF30]  }
0x393: {  	v19 =	vld [tilespmem:s17+$0xFFFFFF40];
	_ =	sdelay $0x3  }
0x394: {  	v18 =	vmul.f32 v18, v16  }
0x395: {  	v19 =	vmul.f32 v19, v17;
	_ =	sdelay $0x1  }
0x396: {  	v18 =	vadd.f32 v19, v18;
	_ =	sdelay $0x1  }
0x397: {  	[tilespmem:$0x16158] =	vst v18  }
0x398: {  	v18 =	vld [tilespmem:s17+$0xFFFFFF50]  }
0x399: {  	v19 =	vld [tilespmem:s17+$0xFFFFFF60];
	_ =	sdelay $0x3  }
0x39a: {  	v18 =	vmul.f32 v18, v16  }
0x39b: {  	v19 =	vmul.f32 v19, v17;
	_ =	sdelay $0x1  }
0x39c: {  	v18 =	vadd.f32 v19, v18;
	_ =	sdelay $0x1  }
0x39d: {  	[tilespmem:$0x16170] =	vst v18  }
0x39e: {  	v18 =	vld [tilespmem:s17+$0xFFFFFF70]  }
0x39f: {  	v19 =	vld [tilespmem:s17+$0xFFFFFF80];
	_ =	sdelay $0x3  }
0x3a0: {  	v18 =	vmul.f32 v18, v16  }
0x3a1: {  	v19 =	vmul.f32 v19, v17;
	_ =	sdelay $0x1  }
0x3a2: {  	v18 =	vadd.f32 v19, v18;
	_ =	sdelay $0x1  }
0x3a3: {  	[tilespmem:$0x16188] =	vst v18  }
0x3a4: {  	v18 =	vld [tilespmem:s17+$0xFFFFFF90]  }
0x3a5: {  	v19 =	vld [tilespmem:s17+$0xFFFFFFA0];
	_ =	sdelay $0x3  }
0x3a6: {  	v18 =	vmul.f32 v18, v16  }
0x3a7: {  	v19 =	vmul.f32 v19, v17;
	_ =	sdelay $0x1  }
0x3a8: {  	v18 =	vadd.f32 v19, v18;
	_ =	sdelay $0x1  }
0x3a9: {  	[tilespmem:$0x161A0] =	vst v18  }
0x3aa: {  	v18 =	vld [tilespmem:s17+$0xFFFFFFB0]  }
0x3ab: {  	v19 =	vld [tilespmem:s17+$0xFFFFFFC0];
	_ =	sdelay $0x3  }
0x3ac: {  	v18 =	vmul.f32 v18, v16  }
0x3ad: {  	v19 =	vmul.f32 v19, v17;
	_ =	sdelay $0x1  }
0x3ae: {  	v18 =	vadd.f32 v19, v18;
	_ =	sdelay $0x1  }
0x3af: {  	[tilespmem:$0x161B8] =	vst v18  }
0x3b0: {  	v18 =	vld [tilespmem:s17+$0xFFFFFFD0]  }
0x3b1: {  	v19 =	vld [tilespmem:s17+$0xFFFFFFE0];
	_ =	sdelay $0x3  }
0x3b2: {  	v18 =	vmul.f32 v18, v16  }
0x3b3: {  	v19 =	vmul.f32 v19, v17;
	_ =	sdelay $0x1  }
0x3b4: {  	v18 =	vadd.f32 v19, v18;
	_ =	sdelay $0x1  }
0x3b5: {  	[tilespmem:$0x161D0] =	vst v18  }
0x3b6: {  	v18 =	vld [tilespmem:s17+$0xFFFFFFF0]  }
0x3b7: {  	v19 =	vld [tilespmem:s17+$0x0];
	_ =	sdelay $0x2  }
.Ltmp3:
0x3b8: {  	(pc) =	sbr.rel @p0 .LBB2_9-.Ltmp3, $3  }
0x3b9: {  	v18 =	vmul.f32 v18, v16  }
0x3ba: {  	v19 =	vmul.f32 v19, v17;
	_ =	sdelay $0x1  }
0x3bb: {  	v18 =	vadd.f32 v19, v18  }
0x3bc: {  	_ =	sdelay $0x2  }
0x3bd: {  	[tilespmem:$0x161E8] =	vst v18  }
0x3be: {  	v16 =	vld.idx.msk [tilespmem:v15+s28+$0x0], $0xffff  }
0x3bf: {  	v17 =	vld.idx.msk [tilespmem:v5+s28+$0x0], $0xffff  }
0x3c0: {  	v18 =	vld.idx.msk [tilespmem:v3+s28+$0x0], $0xffff  }
0x3c1: {  	v19 =	vld.idx.msk [tilespmem:v7+s28+$0x0], $0xffff  }
0x3c2: {  	v20 =	vld.idx.msk [tilespmem:v4+s28+$0x0], $0xffff  }
0x3c3: {  	v21 =	vld.idx.msk [tilespmem:v2+s28+$0x0], $0xffff  }
0x3c4: {  	v22 =	vld.idx.msk [tilespmem:v9+s28+$0x0], $0xffff  }
0x3c5: {  	v23 =	vld.idx.msk [tilespmem:v6+s28+$0x0], $0xffff  }
0x3c6: {  	v24 =	vld.idx.msk [tilespmem:v13+s28+$0x0], $0xffff  }
0x3c7: {  	v25 =	vld.idx.msk [tilespmem:v1+s28+$0x0], $0xffff  }
0x3c8: {  	v26 =	vld.idx.msk [tilespmem:v11+s28+$0x0], $0xffff  }
0x3c9: {  	v27 =	vld.idx.msk [tilespmem:v14+s28+$0x0], $0xffff  }
0x3ca: {  	v28 =	vld.idx.msk [tilespmem:v10+s28+$0x0], $0xffff  }
0x3cb: {  	v29 =	vld.idx.msk [tilespmem:v12+s28+$0x0], $0xffff  }
0x3cc: {  	v30 =	vld.idx.msk [tilespmem:v8+s28+$0x0], $0xffff  }
0x3cd: {  	v31 =	vld.idx.msk [tilespmem:v0+s28+$0x0], $0xffff;
	_ =	sdelay $0x1  }
0x3ce: {  	v17 =	vadd.f32 v17, v20;
	v19 =	vadd.f32 v19, v23  }
0x3cf: {  	v18 =	vadd.f32 v18, v21;
	v16 =	vadd.f32 v16, v27  }
0x3d0: {  	v20 =	vadd.f32 v26, v28;
	v62 =	vadd.f32 v24, v29  }
0x3d1: {  	v22 =	vadd.f32 v22, v30;
	v63 =	vadd.f32 v25, v31  }
0x3d2: {  	v17 =	vadd.f32 v19, v17;
	v16 =	vadd.f32 v16, v62  }
0x3d3: {  	v19 =	vadd.f32 v20, v22;
	v18 =	vadd.f32 v18, v63;
	_ =	sdelay $0x1  }
0x3d4: {  	v16 =	vadd.f32 v16, v19;
	v17 =	vadd.f32 v17, v18  }
0x3d5: {  	s15 =	sadd.s32 s3, s15  }
0x3d6: {  	s15 =	smul.u32 $0x38, s15;
	v16 =	vadd.f32 v16, v17  }
0x3d7: {  	s16 =	sshra.s32 s16, $0x2  }
0x3d8: {  	p0 =	seq.s32 s0, $0x3F;
	s15 =	sadd.s32 s6, s15;
	[tilespmem:s16+$0x16350] =	vst v16  }
0x3d9: {  	[hbm4b:s15+s2] =	stream.linear.scatter [tilespmem:s29], [sflag:$0x4], $0x1C0, $0x38;
	[tilespmem:$0x16580] =	vst v63  }
0x3da: {  	s15 =	smul.u32 @!p0 $0xE00, s0  }
0x3db: {  	_ =	swait.ge [sflag:s10], $0x1C0  }
0x3dc: {  	s17 =	simm.s32 @!p0 $0x70;
	[sflag:s10] =	ssyncset.done $0x0;
	s15 =	sshra.s32 @!p0 s15, $0x2  }
0x3dd: {  	s18 =	simm.s32 @!p0 $0xF080;
	[sflag:s10] =	ssyncadd.s32 $0xFFFFFE40;
	s16 =	sadd.s32 @!p0 $0x1400, s15  }
0x3de: {  	[tilespmem:s18], [sflag:$0x2] =	stream.indirect.gather @!p0 [hbm4b:s5+s17], $0x20, s16, s17, $0xb8;
	[tilespmem:$0x16580] =	vst v63  }
0x3df: {  	s16 =	sadd.s32 @!p0 $0x1470, s15;
	s18 =	simm.s32 @!p0 $0xFE80  }
0x3e0: {  	[tilespmem:s18], [sflag:$0x2] =	stream.indirect.gather @!p0 [hbm4b:s5+s17], $0x20, s16, s17, $0xb8;
	[tilespmem:$0x16580] =	vst v63  }
0x3e1: {  	s16 =	sadd.s32 @!p0 $0x14E0, s15;
	s18 =	simm.s32 @!p0 $0x10C80  }
0x3e2: {  	[tilespmem:s18], [sflag:$0x2] =	stream.indirect.gather @!p0 [hbm4b:s5+s17], $0x20, s16, s17, $0xb8;
	[tilespmem:$0x16580] =	vst v63  }
0x3e3: {  	s15 =	sadd.s32 @!p0 $0x1550, s15;
	s16 =	simm.s32 @!p0 $0x11A80  }
0x3e4: {  	[tilespmem:s16], [sflag:$0x2] =	stream.indirect.gather @!p0 [hbm4b:s5+s17], $0x20, s15, s17, $0xb8;
	[tilespmem:$0x16580] =	vst v63  }
0x3e5: {  	_ =	swait.ge [sflag:s30], $0xE00  }
0x3e6: {  	[sflag:s30] =	ssyncset.done $0x0  }
0x3e7: {  	[sflag:s30] =	ssyncadd.s32 $0xFFFFF200  }
0x3e8: {  	_ =	swait.ge [sflag:s30], $0xE00  }
0x3e9: {  	[sflag:s30] =	ssyncset.done $0x0  }
0x3ea: {  	[sflag:s30] =	ssyncadd.s32 $0xFFFFF200  }
0x3eb: {  	_ =	swait.ge [sflag:s30], $0xE00  }
0x3ec: {  	[sflag:s30] =	ssyncset.done $0x0  }
0x3ed: {  	[sflag:s30] =	ssyncadd.s32 $0xFFFFF200  }
0x3ee: {  	_ =	swait.ge [sflag:s30], $0xE00  }
0x3ef: {  	s21 =	sshll.u32 s11, $0x5;
	[sflag:s30] =	ssyncset.done $0x0  }
0x3f0: {  	s15 =	sand.u32 $0x3FFFFFE0, s21;
	[sflag:s30] =	ssyncadd.s32 $0xFFFFF200  }
0x3f1: {  	v16 =	vld [tilespmem:s15+$0x80]  }
0x3f2: {  	s16 =	simm.s32 $0x12980;
	v17 =	vld [tilespmem:s15+$0x90]  }
0x3f3: {  	v18 =	vld [tilespmem:s16+$0xFFFFFF00]  }
0x3f4: {  	v19 =	vld [tilespmem:s16+$0xFFFFFF10];
	_ =	sdelay $0x4  }
0x3f5: {  	v18 =	vmul.f32 v18, v16;
	v19 =	vmul.f32 v19, v17;
	_ =	sdelay $0x1  }
0x3f6: {  	v18 =	vadd.f32 v19, v18;
	_ =	sdelay $0x1  }
0x3f7: {  	[tilespmem:$0x16080] =	vst v18  }
0x3f8: {  	v18 =	vld [tilespmem:s16+$0xFFFFFF30]  }
0x3f9: {  	v19 =	vld [tilespmem:s16+$0xFFFFFF20];
	_ =	sdelay $0x4  }
0x3fa: {  	v18 =	vmul.f32 v18, v17;
	v19 =	vmul.f32 v19, v16;
	_ =	sdelay $0x1  }
0x3fb: {  	v18 =	vadd.f32 v18, v19;
	_ =	sdelay $0x1  }
0x3fc: {  	[tilespmem:$0x16098] =	vst v18  }
0x3fd: {  	v18 =	vld [tilespmem:s16+$0xFFFFFF40]  }
0x3fe: {  	v19 =	vld [tilespmem:s16+$0xFFFFFF50];
	_ =	sdelay $0x4  }
0x3ff: {  	v18 =	vmul.f32 v18, v16;
	v19 =	vmul.f32 v19, v17;
	_ =	sdelay $0x1  }
0x400: {  	v18 =	vadd.f32 v19, v18;
	_ =	sdelay $0x1  }
0x401: {  	[tilespmem:$0x160B0] =	vst v18  }
0x402: {  	v18 =	vld [tilespmem:s16+$0xFFFFFF60]  }
0x403: {  	v19 =	vld [tilespmem:s16+$0xFFFFFF70];
	_ =	sdelay $0x4  }
0x404: {  	v18 =	vmul.f32 v18, v16;
	v19 =	vmul.f32 v19, v17;
	_ =	sdelay $0x1  }
0x405: {  	v18 =	vadd.f32 v19, v18;
	_ =	sdelay $0x1  }
0x406: {  	[tilespmem:$0x160C8] =	vst v18  }
0x407: {  	v18 =	vld [tilespmem:s16+$0xFFFFFF80]  }
0x408: {  	v19 =	vld [tilespmem:s16+$0xFFFFFF90];
	_ =	sdelay $0x4  }
0x409: {  	v18 =	vmul.f32 v18, v16;
	v19 =	vmul.f32 v19, v17;
	_ =	sdelay $0x1  }
0x40a: {  	v18 =	vadd.f32 v19, v18;
	_ =	sdelay $0x1  }
0x40b: {  	[tilespmem:$0x160E0] =	vst v18  }
0x40c: {  	v18 =	vld [tilespmem:s16+$0xFFFFFFA0]  }
0x40d: {  	v19 =	vld [tilespmem:s16+$0xFFFFFFB0];
	_ =	sdelay $0x4  }
0x40e: {  	v18 =	vmul.f32 v18, v16;
	v19 =	vmul.f32 v19, v17;
	_ =	sdelay $0x1  }
0x40f: {  	v18 =	vadd.f32 v19, v18;
	_ =	sdelay $0x1  }
0x410: {  	[tilespmem:$0x160F8] =	vst v18  }
0x411: {  	v18 =	vld [tilespmem:s16+$0xFFFFFFC0]  }
0x412: {  	v19 =	vld [tilespmem:s16+$0xFFFFFFD0];
	_ =	sdelay $0x4  }
0x413: {  	v18 =	vmul.f32 v18, v16;
	v19 =	vmul.f32 v19, v17;
	_ =	sdelay $0x1  }
0x414: {  	v18 =	vadd.f32 v19, v18;
	_ =	sdelay $0x1  }
0x415: {  	[tilespmem:$0x16110] =	vst v18  }
0x416: {  	v18 =	vld [tilespmem:s16+$0xFFFFFFE0]  }
0x417: {  	v19 =	vld [tilespmem:s16+$0xFFFFFFF0];
	_ =	sdelay $0x4  }
0x418: {  	v18 =	vmul.f32 v18, v16;
	v19 =	vmul.f32 v19, v17;
	_ =	sdelay $0x1  }
0x419: {  	v18 =	vadd.f32 v19, v18;
	_ =	sdelay $0x1  }
0x41a: {  	[tilespmem:$0x16128] =	vst v18  }
0x41b: {  	v18 =	vld [tilespmem:s16+$0x0]  }
0x41c: {  	v19 =	vld [tilespmem:s16+$0x10];
	_ =	sdelay $0x4  }
0x41d: {  	v18 =	vmul.f32 v18, v16;
	v19 =	vmul.f32 v19, v17;
	_ =	sdelay $0x1  }
0x41e: {  	v18 =	vadd.f32 v19, v18;
	_ =	sdelay $0x1  }
0x41f: {  	[tilespmem:$0x16140] =	vst v18  }
0x420: {  	v18 =	vld [tilespmem:s16+$0x20]  }
0x421: {  	v19 =	vld [tilespmem:s16+$0x30];
	_ =	sdelay $0x4  }
0x422: {  	v18 =	vmul.f32 v18, v16;
	v19 =	vmul.f32 v19, v17;
	_ =	sdelay $0x1  }
0x423: {  	v18 =	vadd.f32 v19, v18;
	_ =	sdelay $0x1  }
0x424: {  	[tilespmem:$0x16158] =	vst v18  }
0x425: {  	v18 =	vld [tilespmem:s16+$0x40]  }
0x426: {  	v19 =	vld [tilespmem:s16+$0x50];
	_ =	sdelay $0x4  }
0x427: {  	v18 =	vmul.f32 v18, v16;
	v19 =	vmul.f32 v19, v17;
	_ =	sdelay $0x1  }
0x428: {  	v18 =	vadd.f32 v19, v18;
	_ =	sdelay $0x1  }
0x429: {  	[tilespmem:$0x16170] =	vst v18  }
0x42a: {  	v18 =	vld [tilespmem:s16+$0x60]  }
0x42b: {  	v19 =	vld [tilespmem:s16+$0x70];
	_ =	sdelay $0x4  }
0x42c: {  	v18 =	vmul.f32 v18, v16;
	v19 =	vmul.f32 v19, v17;
	_ =	sdelay $0x1  }
0x42d: {  	v18 =	vadd.f32 v19, v18;
	_ =	sdelay $0x1  }
0x42e: {  	[tilespmem:$0x16188] =	vst v18  }
0x42f: {  	v18 =	vld [tilespmem:s16+$0x80]  }
0x430: {  	v19 =	vld [tilespmem:s16+$0x90];
	_ =	sdelay $0x4  }
0x431: {  	v18 =	vmul.f32 v18, v16;
	v19 =	vmul.f32 v19, v17;
	_ =	sdelay $0x1  }
0x432: {  	v18 =	vadd.f32 v19, v18;
	_ =	sdelay $0x1  }
0x433: {  	[tilespmem:$0x161A0] =	vst v18  }
0x434: {  	v18 =	vld [tilespmem:s16+$0xA0]  }
0x435: {  	v19 =	vld [tilespmem:s16+$0xB0];
	_ =	sdelay $0x4  }
0x436: {  	v18 =	vmul.f32 v18, v16;
	v19 =	vmul.f32 v19, v17;
	_ =	sdelay $0x1  }
0x437: {  	v18 =	vadd.f32 v19, v18;
	_ =	sdelay $0x1  }
0x438: {  	[tilespmem:$0x161B8] =	vst v18  }
0x439: {  	v18 =	vld [tilespmem:s16+$0xC0]  }
0x43a: {  	v19 =	vld [tilespmem:s16+$0xD0];
	_ =	sdelay $0x4  }
0x43b: {  	v18 =	vmul.f32 v18, v16;
	v19 =	vmul.f32 v19, v17;
	_ =	sdelay $0x1  }
0x43c: {  	v18 =	vadd.f32 v19, v18;
	_ =	sdelay $0x1  }
0x43d: {  	[tilespmem:$0x161D0] =	vst v18  }
0x43e: {  	v18 =	vld [tilespmem:s16+$0xE0]  }
0x43f: {  	v19 =	vld [tilespmem:s16+$0xF0];
	_ =	sdelay $0x4  }
0x440: {  	v18 =	vmul.f32 v18, v16;
	v19 =	vmul.f32 v19, v17;
	_ =	sdelay $0x1  }
0x441: {  	s18 =	simm.s32 $0x40;
	s17 =	simm.s32 $0x0;
	s15 =	simm.s32 $0x0;
	v18 =	vadd.f32 v19, v18  }
.LBB2_11:
0x442: {  	p0 =	sne.s32 s18, $0x180  }
0x443: {  	s16 =	sadd.s32 $0x200, s16;
	s19 =	smov.u32 s18;
	s18 =	sadd.s32 $0x40, s18;
	[tilespmem:$0x161E8] =	vst v18  }
0x444: {  	v18 =	vld.idx.msk [tilespmem:v15+s28+$0x0], $0xffff  }
0x445: {  	v19 =	vld.idx.msk [tilespmem:v5+s28+$0x0], $0xffff  }
0x446: {  	v20 =	vld.idx.msk [tilespmem:v3+s28+$0x0], $0xffff  }
0x447: {  	v21 =	vld.idx.msk [tilespmem:v7+s28+$0x0], $0xffff  }
0x448: {  	v22 =	vld.idx.msk [tilespmem:v4+s28+$0x0], $0xffff  }
0x449: {  	v23 =	vld.idx.msk [tilespmem:v2+s28+$0x0], $0xffff  }
0x44a: {  	v24 =	vld.idx.msk [tilespmem:v9+s28+$0x0], $0xffff  }
0x44b: {  	v25 =	vld.idx.msk [tilespmem:v6+s28+$0x0], $0xffff  }
0x44c: {  	v26 =	vld.idx.msk [tilespmem:v13+s28+$0x0], $0xffff  }
0x44d: {  	v27 =	vld.idx.msk [tilespmem:v1+s28+$0x0], $0xffff  }
0x44e: {  	v19 =	vadd.f32 v19, v22;
	v28 =	vld.idx.msk [tilespmem:v11+s28+$0x0], $0xffff  }
0x44f: {  	v22 =	vld.idx.msk [tilespmem:v14+s28+$0x0], $0xffff  }
0x450: {  	v29 =	vld.idx.msk [tilespmem:v10+s28+$0x0], $0xffff  }
0x451: {  	v21 =	vadd.f32 v21, v25;
	v30 =	vld.idx.msk [tilespmem:v12+s28+$0x0], $0xffff  }
0x452: {  	v20 =	vadd.f32 v20, v23;
	v25 =	vld.idx.msk [tilespmem:v8+s28+$0x0], $0xffff  }
0x453: {  	v19 =	vadd.f32 v21, v19;
	v23 =	vld.idx.msk [tilespmem:v0+s28+$0x0], $0xffff;
	_ =	sdelay $0x1  }
0x454: {  	v18 =	vadd.f32 v18, v22  }
0x455: {  	v21 =	vadd.f32 v28, v29  }
0x456: {  	v22 =	vadd.f32 v26, v30  }
0x457: {  	v24 =	vadd.f32 v24, v25  }
0x458: {  	v23 =	vadd.f32 v27, v23;
	v18 =	vadd.f32 v18, v22  }
0x459: {  	v21 =	vadd.f32 v21, v24  }
0x45a: {  	v20 =	vadd.f32 v20, v23  }
0x45b: {  	v18 =	vadd.f32 v18, v21  }
0x45c: {  	v19 =	vadd.f32 v19, v20;
	_ =	sdelay $0x1  }
0x45d: {  	s20 =	sshra.s32 s17, $0x2;
	s17 =	smov.u32 s19;
	v18 =	vadd.f32 v18, v19;
	_ =	sdelay $0x1  }
0x45e: {  	[tilespmem:s20+$0x163C0] =	vst v18  }
0x45f: {  	v18 =	vld [tilespmem:s16+$0xFFFFFF00]  }
0x460: {  	v19 =	vld [tilespmem:s16+$0xFFFFFF10];
	_ =	sdelay $0x4  }
0x461: {  	v18 =	vmul.f32 v18, v16;
	v19 =	vmul.f32 v19, v17;
	_ =	sdelay $0x1  }
0x462: {  	v18 =	vadd.f32 v19, v18;
	_ =	sdelay $0x1  }
0x463: {  	[tilespmem:$0x16080] =	vst v18  }
0x464: {  	v18 =	vld [tilespmem:s16+$0xFFFFFF30]  }
0x465: {  	v19 =	vld [tilespmem:s16+$0xFFFFFF20];
	_ =	sdelay $0x3  }
0x466: {  	v18 =	vmul.f32 v18, v17  }
0x467: {  	v19 =	vmul.f32 v19, v16;
	_ =	sdelay $0x1  }
0x468: {  	v18 =	vadd.f32 v18, v19;
	_ =	sdelay $0x1  }
0x469: {  	[tilespmem:$0x16098] =	vst v18  }
0x46a: {  	v18 =	vld [tilespmem:s16+$0xFFFFFF40]  }
0x46b: {  	v19 =	vld [tilespmem:s16+$0xFFFFFF50];
	_ =	sdelay $0x3  }
0x46c: {  	v18 =	vmul.f32 v18, v16  }
0x46d: {  	v19 =	vmul.f32 v19, v17;
	_ =	sdelay $0x1  }
0x46e: {  	v18 =	vadd.f32 v19, v18;
	_ =	sdelay $0x1  }
0x46f: {  	[tilespmem:$0x160B0] =	vst v18  }
0x470: {  	v18 =	vld [tilespmem:s16+$0xFFFFFF60]  }
0x471: {  	v19 =	vld [tilespmem:s16+$0xFFFFFF70];
	_ =	sdelay $0x3  }
0x472: {  	v18 =	vmul.f32 v18, v16  }
0x473: {  	v19 =	vmul.f32 v19, v17;
	_ =	sdelay $0x1  }
0x474: {  	v18 =	vadd.f32 v19, v18;
	_ =	sdelay $0x1  }
0x475: {  	[tilespmem:$0x160C8] =	vst v18  }
0x476: {  	v18 =	vld [tilespmem:s16+$0xFFFFFF80]  }
0x477: {  	v19 =	vld [tilespmem:s16+$0xFFFFFF90];
	_ =	sdelay $0x3  }
0x478: {  	v18 =	vmul.f32 v18, v16  }
0x479: {  	v19 =	vmul.f32 v19, v17;
	_ =	sdelay $0x1  }
0x47a: {  	v18 =	vadd.f32 v19, v18;
	_ =	sdelay $0x1  }
0x47b: {  	[tilespmem:$0x160E0] =	vst v18  }
0x47c: {  	v18 =	vld [tilespmem:s16+$0xFFFFFFA0]  }
0x47d: {  	v19 =	vld [tilespmem:s16+$0xFFFFFFB0];
	_ =	sdelay $0x3  }
0x47e: {  	v18 =	vmul.f32 v18, v16  }
0x47f: {  	v19 =	vmul.f32 v19, v17;
	_ =	sdelay $0x1  }
0x480: {  	v18 =	vadd.f32 v19, v18;
	_ =	sdelay $0x1  }
0x481: {  	[tilespmem:$0x160F8] =	vst v18  }
0x482: {  	v18 =	vld [tilespmem:s16+$0xFFFFFFC0]  }
0x483: {  	v19 =	vld [tilespmem:s16+$0xFFFFFFD0];
	_ =	sdelay $0x3  }
0x484: {  	v18 =	vmul.f32 v18, v16  }
0x485: {  	v19 =	vmul.f32 v19, v17;
	_ =	sdelay $0x1  }
0x486: {  	v18 =	vadd.f32 v19, v18;
	_ =	sdelay $0x1  }
0x487: {  	[tilespmem:$0x16110] =	vst v18  }
0x488: {  	v18 =	vld [tilespmem:s16+$0xFFFFFFE0]  }
0x489: {  	v19 =	vld [tilespmem:s16+$0xFFFFFFF0];
	_ =	sdelay $0x3  }
0x48a: {  	v18 =	vmul.f32 v18, v16  }
0x48b: {  	v19 =	vmul.f32 v19, v17;
	_ =	sdelay $0x1  }
0x48c: {  	v18 =	vadd.f32 v19, v18;
	_ =	sdelay $0x1  }
0x48d: {  	[tilespmem:$0x16128] =	vst v18  }
0x48e: {  	v18 =	vld [tilespmem:s16+$0x0]  }
0x48f: {  	v19 =	vld [tilespmem:s16+$0x10];
	_ =	sdelay $0x3  }
0x490: {  	v18 =	vmul.f32 v18, v16  }
0x491: {  	v19 =	vmul.f32 v19, v17;
	_ =	sdelay $0x1  }
0x492: {  	v18 =	vadd.f32 v19, v18;
	_ =	sdelay $0x1  }
0x493: {  	[tilespmem:$0x16140] =	vst v18  }
0x494: {  	v18 =	vld [tilespmem:s16+$0x20]  }
0x495: {  	v19 =	vld [tilespmem:s16+$0x30];
	_ =	sdelay $0x3  }
0x496: {  	v18 =	vmul.f32 v18, v16  }
0x497: {  	v19 =	vmul.f32 v19, v17;
	_ =	sdelay $0x1  }
0x498: {  	v18 =	vadd.f32 v19, v18;
	_ =	sdelay $0x1  }
0x499: {  	[tilespmem:$0x16158] =	vst v18  }
0x49a: {  	v18 =	vld [tilespmem:s16+$0x40]  }
0x49b: {  	v19 =	vld [tilespmem:s16+$0x50];
	_ =	sdelay $0x3  }
0x49c: {  	v18 =	vmul.f32 v18, v16  }
0x49d: {  	v19 =	vmul.f32 v19, v17;
	_ =	sdelay $0x1  }
0x49e: {  	v18 =	vadd.f32 v19, v18;
	_ =	sdelay $0x1  }
0x49f: {  	[tilespmem:$0x16170] =	vst v18  }
0x4a0: {  	v18 =	vld [tilespmem:s16+$0x60]  }
0x4a1: {  	v19 =	vld [tilespmem:s16+$0x70];
	_ =	sdelay $0x3  }
0x4a2: {  	v18 =	vmul.f32 v18, v16  }
0x4a3: {  	v19 =	vmul.f32 v19, v17;
	_ =	sdelay $0x1  }
0x4a4: {  	v18 =	vadd.f32 v19, v18;
	_ =	sdelay $0x1  }
0x4a5: {  	[tilespmem:$0x16188] =	vst v18  }
0x4a6: {  	v18 =	vld [tilespmem:s16+$0x80]  }
0x4a7: {  	v19 =	vld [tilespmem:s16+$0x90];
	_ =	sdelay $0x3  }
0x4a8: {  	v18 =	vmul.f32 v18, v16  }
0x4a9: {  	v19 =	vmul.f32 v19, v17;
	_ =	sdelay $0x1  }
0x4aa: {  	v18 =	vadd.f32 v19, v18;
	_ =	sdelay $0x1  }
0x4ab: {  	[tilespmem:$0x161A0] =	vst v18  }
0x4ac: {  	v18 =	vld [tilespmem:s16+$0xA0]  }
0x4ad: {  	v19 =	vld [tilespmem:s16+$0xB0];
	_ =	sdelay $0x3  }
0x4ae: {  	v18 =	vmul.f32 v18, v16  }
0x4af: {  	v19 =	vmul.f32 v19, v17;
	_ =	sdelay $0x1  }
0x4b0: {  	v18 =	vadd.f32 v19, v18;
	_ =	sdelay $0x1  }
0x4b1: {  	[tilespmem:$0x161B8] =	vst v18  }
0x4b2: {  	v18 =	vld [tilespmem:s16+$0xC0]  }
0x4b3: {  	v19 =	vld [tilespmem:s16+$0xD0];
	_ =	sdelay $0x3  }
0x4b4: {  	v18 =	vmul.f32 v18, v16  }
0x4b5: {  	v19 =	vmul.f32 v19, v17;
	_ =	sdelay $0x1  }
0x4b6: {  	v18 =	vadd.f32 v19, v18;
	_ =	sdelay $0x1  }
0x4b7: {  	[tilespmem:$0x161D0] =	vst v18  }
0x4b8: {  	v18 =	vld [tilespmem:s16+$0xE0]  }
0x4b9: {  	v19 =	vld [tilespmem:s16+$0xF0];
	_ =	sdelay $0x2  }
.Ltmp4:
0x4ba: {  	(pc) =	sbr.rel @p0 .LBB2_11-.Ltmp4, $3  }
0x4bb: {  	v18 =	vmul.f32 v18, v16  }
0x4bc: {  	v19 =	vmul.f32 v19, v17;
	_ =	sdelay $0x1  }
0x4bd: {  	v18 =	vadd.f32 v19, v18  }
0x4be: {  	_ =	sdelay $0x2  }
0x4bf: {  	[tilespmem:$0x161E8] =	vst v18  }
0x4c0: {  	v18 =	vld.idx.msk [tilespmem:v15+s28+$0x0], $0xffff  }
0x4c1: {  	v19 =	vld.idx.msk [tilespmem:v5+s28+$0x0], $0xffff  }
0x4c2: {  	v20 =	vld.idx.msk [tilespmem:v3+s28+$0x0], $0xffff  }
0x4c3: {  	v21 =	vld.idx.msk [tilespmem:v7+s28+$0x0], $0xffff  }
0x4c4: {  	v22 =	vld.idx.msk [tilespmem:v4+s28+$0x0], $0xffff  }
0x4c5: {  	v23 =	vld.idx.msk [tilespmem:v2+s28+$0x0], $0xffff  }
0x4c6: {  	v24 =	vld.idx.msk [tilespmem:v9+s28+$0x0], $0xffff  }
0x4c7: {  	v25 =	vld.idx.msk [tilespmem:v6+s28+$0x0], $0xffff  }
0x4c8: {  	v26 =	vld.idx.msk [tilespmem:v13+s28+$0x0], $0xffff  }
0x4c9: {  	v27 =	vld.idx.msk [tilespmem:v1+s28+$0x0], $0xffff  }
0x4ca: {  	v28 =	vld.idx.msk [tilespmem:v11+s28+$0x0], $0xffff  }
0x4cb: {  	v29 =	vld.idx.msk [tilespmem:v14+s28+$0x0], $0xffff  }
0x4cc: {  	v30 =	vld.idx.msk [tilespmem:v10+s28+$0x0], $0xffff  }
0x4cd: {  	v31 =	vld.idx.msk [tilespmem:v12+s28+$0x0], $0xffff  }
0x4ce: {  	v32 =	vld.idx.msk [tilespmem:v8+s28+$0x0], $0xffff  }
0x4cf: {  	v33 =	vld.idx.msk [tilespmem:v0+s28+$0x0], $0xffff;
	_ =	sdelay $0x1  }
0x4d0: {  	v19 =	vadd.f32 v19, v22;
	v21 =	vadd.f32 v21, v25  }
0x4d1: {  	v20 =	vadd.f32 v20, v23;
	v18 =	vadd.f32 v18, v29  }
0x4d2: {  	v60 =	vadd.f32 v28, v30;
	v61 =	vadd.f32 v26, v31  }
0x4d3: {  	v24 =	vadd.f32 v24, v32;
	v62 =	vadd.f32 v27, v33  }
0x4d4: {  	v19 =	vadd.f32 v21, v19;
	v18 =	vadd.f32 v18, v61  }
0x4d5: {  	v63 =	vadd.f32 v60, v24;
	v20 =	vadd.f32 v20, v62;
	_ =	sdelay $0x1  }
0x4d6: {  	v18 =	vadd.f32 v18, v63;
	v19 =	vadd.f32 v19, v20;
	_ =	sdelay $0x1  }
0x4d7: {  	v18 =	vadd.f32 v18, v19  }
0x4d8: {  	s16 =	sshra.s32 s17, $0x2  }
0x4d9: {  	[tilespmem:s16+$0x163C0] =	vst v18;
	s16 =	simm.s32 $0x13870  }
0x4da: {  	v18 =	vld [tilespmem:s16+$0xFFFFFE10]  }
0x4db: {  	v19 =	vld [tilespmem:s16+$0xFFFFFE20];
	_ =	sdelay $0x4  }
0x4dc: {  	v18 =	vmul.f32 v18, v16;
	v19 =	vmul.f32 v19, v17;
	_ =	sdelay $0x1  }
0x4dd: {  	v18 =	vadd.f32 v19, v18;
	_ =	sdelay $0x1  }
0x4de: {  	[tilespmem:$0x16080] =	vst v18  }
0x4df: {  	v18 =	vld [tilespmem:s16+$0xFFFFFE40]  }
0x4e0: {  	v19 =	vld [tilespmem:s16+$0xFFFFFE30];
	_ =	sdelay $0x4  }
0x4e1: {  	v18 =	vmul.f32 v18, v17;
	v19 =	vmul.f32 v19, v16;
	_ =	sdelay $0x1  }
0x4e2: {  	v18 =	vadd.f32 v18, v19;
	_ =	sdelay $0x1  }
0x4e3: {  	[tilespmem:$0x16098] =	vst v18  }
0x4e4: {  	v18 =	vld [tilespmem:s16+$0xFFFFFE50]  }
0x4e5: {  	v19 =	vld [tilespmem:s16+$0xFFFFFE60];
	_ =	sdelay $0x4  }
0x4e6: {  	v18 =	vmul.f32 v18, v16;
	v19 =	vmul.f32 v19, v17;
	_ =	sdelay $0x1  }
0x4e7: {  	v18 =	vadd.f32 v19, v18;
	_ =	sdelay $0x1  }
0x4e8: {  	[tilespmem:$0x160B0] =	vst v18  }
0x4e9: {  	v18 =	vld [tilespmem:s16+$0xFFFFFE70]  }
0x4ea: {  	v19 =	vld [tilespmem:s16+$0xFFFFFE80];
	_ =	sdelay $0x4  }
0x4eb: {  	v18 =	vmul.f32 v18, v16;
	v19 =	vmul.f32 v19, v17;
	_ =	sdelay $0x1  }
0x4ec: {  	v18 =	vadd.f32 v19, v18;
	_ =	sdelay $0x1  }
0x4ed: {  	[tilespmem:$0x160C8] =	vst v18  }
0x4ee: {  	v18 =	vld [tilespmem:s16+$0xFFFFFE90]  }
0x4ef: {  	v19 =	vld [tilespmem:s16+$0xFFFFFEA0];
	_ =	sdelay $0x4  }
0x4f0: {  	v18 =	vmul.f32 v18, v16;
	v19 =	vmul.f32 v19, v17;
	_ =	sdelay $0x1  }
0x4f1: {  	v18 =	vadd.f32 v19, v18;
	_ =	sdelay $0x1  }
0x4f2: {  	[tilespmem:$0x160E0] =	vst v18  }
0x4f3: {  	v18 =	vld [tilespmem:s16+$0xFFFFFEB0]  }
0x4f4: {  	v19 =	vld [tilespmem:s16+$0xFFFFFEC0];
	_ =	sdelay $0x4  }
0x4f5: {  	v18 =	vmul.f32 v18, v16;
	v19 =	vmul.f32 v19, v17;
	_ =	sdelay $0x1  }
0x4f6: {  	v18 =	vadd.f32 v19, v18;
	_ =	sdelay $0x1  }
0x4f7: {  	[tilespmem:$0x160F8] =	vst v18  }
0x4f8: {  	v18 =	vld [tilespmem:s16+$0xFFFFFED0]  }
0x4f9: {  	v19 =	vld [tilespmem:s16+$0xFFFFFEE0];
	_ =	sdelay $0x4  }
0x4fa: {  	v18 =	vmul.f32 v18, v16;
	v19 =	vmul.f32 v19, v17;
	_ =	sdelay $0x1  }
0x4fb: {  	v18 =	vadd.f32 v19, v18;
	_ =	sdelay $0x1  }
0x4fc: {  	[tilespmem:$0x16110] =	vst v18  }
0x4fd: {  	v18 =	vld [tilespmem:s16+$0xFFFFFEF0]  }
0x4fe: {  	v19 =	vld [tilespmem:s16+$0xFFFFFF00];
	_ =	sdelay $0x4  }
0x4ff: {  	v18 =	vmul.f32 v18, v16;
	v19 =	vmul.f32 v19, v17;
	_ =	sdelay $0x1  }
0x500: {  	v18 =	vadd.f32 v19, v18;
	_ =	sdelay $0x1  }
0x501: {  	[tilespmem:$0x16128] =	vst v18  }
0x502: {  	v18 =	vld [tilespmem:s16+$0xFFFFFF10]  }
0x503: {  	v19 =	vld [tilespmem:s16+$0xFFFFFF20];
	_ =	sdelay $0x4  }
0x504: {  	v18 =	vmul.f32 v18, v16;
	v19 =	vmul.f32 v19, v17;
	_ =	sdelay $0x1  }
0x505: {  	v18 =	vadd.f32 v19, v18;
	_ =	sdelay $0x1  }
0x506: {  	[tilespmem:$0x16140] =	vst v18  }
0x507: {  	v18 =	vld [tilespmem:s16+$0xFFFFFF30]  }
0x508: {  	v19 =	vld [tilespmem:s16+$0xFFFFFF40];
	_ =	sdelay $0x4  }
0x509: {  	v18 =	vmul.f32 v18, v16;
	v19 =	vmul.f32 v19, v17;
	_ =	sdelay $0x1  }
0x50a: {  	v18 =	vadd.f32 v19, v18;
	_ =	sdelay $0x1  }
0x50b: {  	[tilespmem:$0x16158] =	vst v18  }
0x50c: {  	v18 =	vld [tilespmem:s16+$0xFFFFFF50]  }
0x50d: {  	v19 =	vld [tilespmem:s16+$0xFFFFFF60];
	_ =	sdelay $0x4  }
0x50e: {  	v18 =	vmul.f32 v18, v16;
	v19 =	vmul.f32 v19, v17;
	_ =	sdelay $0x1  }
0x50f: {  	v18 =	vadd.f32 v19, v18;
	_ =	sdelay $0x1  }
0x510: {  	[tilespmem:$0x16170] =	vst v18  }
0x511: {  	v18 =	vld [tilespmem:s16+$0xFFFFFF70]  }
0x512: {  	v19 =	vld [tilespmem:s16+$0xFFFFFF80];
	_ =	sdelay $0x4  }
0x513: {  	v18 =	vmul.f32 v18, v16;
	v19 =	vmul.f32 v19, v17;
	_ =	sdelay $0x1  }
0x514: {  	v18 =	vadd.f32 v19, v18;
	_ =	sdelay $0x1  }
0x515: {  	[tilespmem:$0x16188] =	vst v18  }
0x516: {  	v18 =	vld [tilespmem:s16+$0xFFFFFF90]  }
0x517: {  	v19 =	vld [tilespmem:s16+$0xFFFFFFA0];
	_ =	sdelay $0x4  }
0x518: {  	v18 =	vmul.f32 v18, v16;
	v19 =	vmul.f32 v19, v17;
	_ =	sdelay $0x1  }
0x519: {  	v18 =	vadd.f32 v19, v18;
	_ =	sdelay $0x1  }
0x51a: {  	[tilespmem:$0x161A0] =	vst v18  }
0x51b: {  	v18 =	vld [tilespmem:s16+$0xFFFFFFB0]  }
0x51c: {  	v19 =	vld [tilespmem:s16+$0xFFFFFFC0];
	_ =	sdelay $0x4  }
0x51d: {  	v18 =	vmul.f32 v18, v16;
	v19 =	vmul.f32 v19, v17;
	_ =	sdelay $0x1  }
0x51e: {  	v18 =	vadd.f32 v19, v18;
	_ =	sdelay $0x1  }
0x51f: {  	[tilespmem:$0x161B8] =	vst v18  }
0x520: {  	v18 =	vld [tilespmem:s16+$0xFFFFFFD0]  }
0x521: {  	v19 =	vld [tilespmem:s16+$0xFFFFFFE0];
	_ =	sdelay $0x4  }
0x522: {  	v18 =	vmul.f32 v18, v16;
	v19 =	vmul.f32 v19, v17;
	_ =	sdelay $0x1  }
0x523: {  	v18 =	vadd.f32 v19, v18;
	_ =	sdelay $0x1  }
0x524: {  	[tilespmem:$0x161D0] =	vst v18  }
0x525: {  	v18 =	vld [tilespmem:s16+$0xFFFFFFF0]  }
0x526: {  	v19 =	vld [tilespmem:s16+$0x0];
	_ =	sdelay $0x4  }
0x527: {  	v18 =	vmul.f32 v18, v16;
	v19 =	vmul.f32 v19, v17;
	_ =	sdelay $0x1  }
0x528: {  	s17 =	simm.s32 $0x40;
	v18 =	vadd.f32 v19, v18  }
.LBB2_13:
0x529: {  	p0 =	sne.s32 s17, $0x180  }
0x52a: {  	s16 =	sadd.s32 $0x200, s16;
	s18 =	smov.u32 s17;
	s17 =	sadd.s32 $0x40, s17;
	[tilespmem:$0x161E8] =	vst v18  }
0x52b: {  	v18 =	vld.idx.msk [tilespmem:v15+s28+$0x0], $0xffff  }
0x52c: {  	v19 =	vld.idx.msk [tilespmem:v5+s28+$0x0], $0xffff  }
0x52d: {  	v20 =	vld.idx.msk [tilespmem:v3+s28+$0x0], $0xffff  }
0x52e: {  	v21 =	vld.idx.msk [tilespmem:v7+s28+$0x0], $0xffff  }
0x52f: {  	v22 =	vld.idx.msk [tilespmem:v4+s28+$0x0], $0xffff  }
0x530: {  	v23 =	vld.idx.msk [tilespmem:v2+s28+$0x0], $0xffff  }
0x531: {  	v24 =	vld.idx.msk [tilespmem:v9+s28+$0x0], $0xffff  }
0x532: {  	v25 =	vld.idx.msk [tilespmem:v6+s28+$0x0], $0xffff  }
0x533: {  	v26 =	vld.idx.msk [tilespmem:v13+s28+$0x0], $0xffff  }
0x534: {  	v27 =	vld.idx.msk [tilespmem:v1+s28+$0x0], $0xffff  }
0x535: {  	v19 =	vadd.f32 v19, v22;
	v28 =	vld.idx.msk [tilespmem:v11+s28+$0x0], $0xffff  }
0x536: {  	v22 =	vld.idx.msk [tilespmem:v14+s28+$0x0], $0xffff  }
0x537: {  	v29 =	vld.idx.msk [tilespmem:v10+s28+$0x0], $0xffff  }
0x538: {  	v21 =	vadd.f32 v21, v25;
	v30 =	vld.idx.msk [tilespmem:v12+s28+$0x0], $0xffff  }
0x539: {  	v20 =	vadd.f32 v20, v23;
	v25 =	vld.idx.msk [tilespmem:v8+s28+$0x0], $0xffff  }
0x53a: {  	v19 =	vadd.f32 v21, v19;
	v23 =	vld.idx.msk [tilespmem:v0+s28+$0x0], $0xffff;
	_ =	sdelay $0x1  }
0x53b: {  	v18 =	vadd.f32 v18, v22  }
0x53c: {  	v21 =	vadd.f32 v28, v29  }
0x53d: {  	v22 =	vadd.f32 v26, v30  }
0x53e: {  	v24 =	vadd.f32 v24, v25  }
0x53f: {  	v23 =	vadd.f32 v27, v23;
	v18 =	vadd.f32 v18, v22  }
0x540: {  	v21 =	vadd.f32 v21, v24  }
0x541: {  	v20 =	vadd.f32 v20, v23  }
0x542: {  	v18 =	vadd.f32 v18, v21  }
0x543: {  	v19 =	vadd.f32 v19, v20;
	_ =	sdelay $0x1  }
0x544: {  	s19 =	sshra.s32 s15, $0x2;
	s15 =	smov.u32 s18;
	v18 =	vadd.f32 v18, v19;
	_ =	sdelay $0x1  }
0x545: {  	[tilespmem:s19+$0x16430] =	vst v18  }
0x546: {  	v18 =	vld [tilespmem:s16+$0xFFFFFE10]  }
0x547: {  	v19 =	vld [tilespmem:s16+$0xFFFFFE20];
	_ =	sdelay $0x4  }
0x548: {  	v18 =	vmul.f32 v18, v16;
	v19 =	vmul.f32 v19, v17;
	_ =	sdelay $0x1  }
0x549: {  	v18 =	vadd.f32 v19, v18;
	_ =	sdelay $0x1  }
0x54a: {  	[tilespmem:$0x16080] =	vst v18  }
0x54b: {  	v18 =	vld [tilespmem:s16+$0xFFFFFE40]  }
0x54c: {  	v19 =	vld [tilespmem:s16+$0xFFFFFE30];
	_ =	sdelay $0x3  }
0x54d: {  	v18 =	vmul.f32 v18, v17  }
0x54e: {  	v19 =	vmul.f32 v19, v16;
	_ =	sdelay $0x1  }
0x54f: {  	v18 =	vadd.f32 v18, v19;
	_ =	sdelay $0x1  }
0x550: {  	[tilespmem:$0x16098] =	vst v18  }
0x551: {  	v18 =	vld [tilespmem:s16+$0xFFFFFE50]  }
0x552: {  	v19 =	vld [tilespmem:s16+$0xFFFFFE60];
	_ =	sdelay $0x3  }
0x553: {  	v18 =	vmul.f32 v18, v16  }
0x554: {  	v19 =	vmul.f32 v19, v17;
	_ =	sdelay $0x1  }
0x555: {  	v18 =	vadd.f32 v19, v18;
	_ =	sdelay $0x1  }
0x556: {  	[tilespmem:$0x160B0] =	vst v18  }
0x557: {  	v18 =	vld [tilespmem:s16+$0xFFFFFE70]  }
0x558: {  	v19 =	vld [tilespmem:s16+$0xFFFFFE80];
	_ =	sdelay $0x3  }
0x559: {  	v18 =	vmul.f32 v18, v16  }
0x55a: {  	v19 =	vmul.f32 v19, v17;
	_ =	sdelay $0x1  }
0x55b: {  	v18 =	vadd.f32 v19, v18;
	_ =	sdelay $0x1  }
0x55c: {  	[tilespmem:$0x160C8] =	vst v18  }
0x55d: {  	v18 =	vld [tilespmem:s16+$0xFFFFFE90]  }
0x55e: {  	v19 =	vld [tilespmem:s16+$0xFFFFFEA0];
	_ =	sdelay $0x3  }
0x55f: {  	v18 =	vmul.f32 v18, v16  }
0x560: {  	v19 =	vmul.f32 v19, v17;
	_ =	sdelay $0x1  }
0x561: {  	v18 =	vadd.f32 v19, v18;
	_ =	sdelay $0x1  }
0x562: {  	[tilespmem:$0x160E0] =	vst v18  }
0x563: {  	v18 =	vld [tilespmem:s16+$0xFFFFFEB0]  }
0x564: {  	v19 =	vld [tilespmem:s16+$0xFFFFFEC0];
	_ =	sdelay $0x3  }
0x565: {  	v18 =	vmul.f32 v18, v16  }
0x566: {  	v19 =	vmul.f32 v19, v17;
	_ =	sdelay $0x1  }
0x567: {  	v18 =	vadd.f32 v19, v18;
	_ =	sdelay $0x1  }
0x568: {  	[tilespmem:$0x160F8] =	vst v18  }
0x569: {  	v18 =	vld [tilespmem:s16+$0xFFFFFED0]  }
0x56a: {  	v19 =	vld [tilespmem:s16+$0xFFFFFEE0];
	_ =	sdelay $0x3  }
0x56b: {  	v18 =	vmul.f32 v18, v16  }
0x56c: {  	v19 =	vmul.f32 v19, v17;
	_ =	sdelay $0x1  }
0x56d: {  	v18 =	vadd.f32 v19, v18;
	_ =	sdelay $0x1  }
0x56e: {  	[tilespmem:$0x16110] =	vst v18  }
0x56f: {  	v18 =	vld [tilespmem:s16+$0xFFFFFEF0]  }
0x570: {  	v19 =	vld [tilespmem:s16+$0xFFFFFF00];
	_ =	sdelay $0x3  }
0x571: {  	v18 =	vmul.f32 v18, v16  }
0x572: {  	v19 =	vmul.f32 v19, v17;
	_ =	sdelay $0x1  }
0x573: {  	v18 =	vadd.f32 v19, v18;
	_ =	sdelay $0x1  }
0x574: {  	[tilespmem:$0x16128] =	vst v18  }
0x575: {  	v18 =	vld [tilespmem:s16+$0xFFFFFF10]  }
0x576: {  	v19 =	vld [tilespmem:s16+$0xFFFFFF20];
	_ =	sdelay $0x3  }
0x577: {  	v18 =	vmul.f32 v18, v16  }
0x578: {  	v19 =	vmul.f32 v19, v17;
	_ =	sdelay $0x1  }
0x579: {  	v18 =	vadd.f32 v19, v18;
	_ =	sdelay $0x1  }
0x57a: {  	[tilespmem:$0x16140] =	vst v18  }
0x57b: {  	v18 =	vld [tilespmem:s16+$0xFFFFFF30]  }
0x57c: {  	v19 =	vld [tilespmem:s16+$0xFFFFFF40];
	_ =	sdelay $0x3  }
0x57d: {  	v18 =	vmul.f32 v18, v16  }
0x57e: {  	v19 =	vmul.f32 v19, v17;
	_ =	sdelay $0x1  }
0x57f: {  	v18 =	vadd.f32 v19, v18;
	_ =	sdelay $0x1  }
0x580: {  	[tilespmem:$0x16158] =	vst v18  }
0x581: {  	v18 =	vld [tilespmem:s16+$0xFFFFFF50]  }
0x582: {  	v19 =	vld [tilespmem:s16+$0xFFFFFF60];
	_ =	sdelay $0x3  }
0x583: {  	v18 =	vmul.f32 v18, v16  }
0x584: {  	v19 =	vmul.f32 v19, v17;
	_ =	sdelay $0x1  }
0x585: {  	v18 =	vadd.f32 v19, v18;
	_ =	sdelay $0x1  }
0x586: {  	[tilespmem:$0x16170] =	vst v18  }
0x587: {  	v18 =	vld [tilespmem:s16+$0xFFFFFF70]  }
0x588: {  	v19 =	vld [tilespmem:s16+$0xFFFFFF80];
	_ =	sdelay $0x3  }
0x589: {  	v18 =	vmul.f32 v18, v16  }
0x58a: {  	v19 =	vmul.f32 v19, v17;
	_ =	sdelay $0x1  }
0x58b: {  	v18 =	vadd.f32 v19, v18;
	_ =	sdelay $0x1  }
0x58c: {  	[tilespmem:$0x16188] =	vst v18  }
0x58d: {  	v18 =	vld [tilespmem:s16+$0xFFFFFF90]  }
0x58e: {  	v19 =	vld [tilespmem:s16+$0xFFFFFFA0];
	_ =	sdelay $0x3  }
0x58f: {  	v18 =	vmul.f32 v18, v16  }
0x590: {  	v19 =	vmul.f32 v19, v17;
	_ =	sdelay $0x1  }
0x591: {  	v18 =	vadd.f32 v19, v18;
	_ =	sdelay $0x1  }
0x592: {  	[tilespmem:$0x161A0] =	vst v18  }
0x593: {  	v18 =	vld [tilespmem:s16+$0xFFFFFFB0]  }
0x594: {  	v19 =	vld [tilespmem:s16+$0xFFFFFFC0];
	_ =	sdelay $0x3  }
0x595: {  	v18 =	vmul.f32 v18, v16  }
0x596: {  	v19 =	vmul.f32 v19, v17;
	_ =	sdelay $0x1  }
0x597: {  	v18 =	vadd.f32 v19, v18;
	_ =	sdelay $0x1  }
0x598: {  	[tilespmem:$0x161B8] =	vst v18  }
0x599: {  	v18 =	vld [tilespmem:s16+$0xFFFFFFD0]  }
0x59a: {  	v19 =	vld [tilespmem:s16+$0xFFFFFFE0];
	_ =	sdelay $0x3  }
0x59b: {  	v18 =	vmul.f32 v18, v16  }
0x59c: {  	v19 =	vmul.f32 v19, v17;
	_ =	sdelay $0x1  }
0x59d: {  	v18 =	vadd.f32 v19, v18;
	_ =	sdelay $0x1  }
0x59e: {  	[tilespmem:$0x161D0] =	vst v18  }
0x59f: {  	v18 =	vld [tilespmem:s16+$0xFFFFFFF0]  }
0x5a0: {  	v19 =	vld [tilespmem:s16+$0x0];
	_ =	sdelay $0x2  }
.Ltmp5:
0x5a1: {  	(pc) =	sbr.rel @p0 .LBB2_13-.Ltmp5, $3  }
0x5a2: {  	v18 =	vmul.f32 v18, v16  }
0x5a3: {  	v19 =	vmul.f32 v19, v17;
	_ =	sdelay $0x1  }
0x5a4: {  	v18 =	vadd.f32 v19, v18  }
0x5a5: {  	_ =	sdelay $0x2  }
0x5a6: {  	[tilespmem:$0x161E8] =	vst v18  }
0x5a7: {  	v18 =	vld.idx.msk [tilespmem:v15+s28+$0x0], $0xffff  }
0x5a8: {  	v19 =	vld.idx.msk [tilespmem:v5+s28+$0x0], $0xffff  }
0x5a9: {  	v20 =	vld.idx.msk [tilespmem:v3+s28+$0x0], $0xffff  }
0x5aa: {  	v21 =	vld.idx.msk [tilespmem:v7+s28+$0x0], $0xffff  }
0x5ab: {  	v22 =	vld.idx.msk [tilespmem:v4+s28+$0x0], $0xffff  }
0x5ac: {  	v23 =	vld.idx.msk [tilespmem:v2+s28+$0x0], $0xffff  }
0x5ad: {  	v24 =	vld.idx.msk [tilespmem:v9+s28+$0x0], $0xffff  }
0x5ae: {  	v25 =	vld.idx.msk [tilespmem:v6+s28+$0x0], $0xffff  }
0x5af: {  	v26 =	vld.idx.msk [tilespmem:v13+s28+$0x0], $0xffff  }
0x5b0: {  	v27 =	vld.idx.msk [tilespmem:v1+s28+$0x0], $0xffff  }
0x5b1: {  	v28 =	vld.idx.msk [tilespmem:v11+s28+$0x0], $0xffff  }
0x5b2: {  	v29 =	vld.idx.msk [tilespmem:v14+s28+$0x0], $0xffff  }
0x5b3: {  	v30 =	vld.idx.msk [tilespmem:v10+s28+$0x0], $0xffff  }
0x5b4: {  	v31 =	vld.idx.msk [tilespmem:v12+s28+$0x0], $0xffff  }
0x5b5: {  	v32 =	vld.idx.msk [tilespmem:v8+s28+$0x0], $0xffff  }
0x5b6: {  	v33 =	vld.idx.msk [tilespmem:v0+s28+$0x0], $0xffff;
	_ =	sdelay $0x1  }
0x5b7: {  	v19 =	vadd.f32 v19, v22;
	v21 =	vadd.f32 v21, v25  }
0x5b8: {  	v20 =	vadd.f32 v20, v23;
	v18 =	vadd.f32 v18, v29  }
0x5b9: {  	v60 =	vadd.f32 v28, v30;
	v61 =	vadd.f32 v26, v31  }
0x5ba: {  	v24 =	vadd.f32 v24, v32;
	v62 =	vadd.f32 v27, v33  }
0x5bb: {  	v19 =	vadd.f32 v21, v19;
	v18 =	vadd.f32 v18, v61  }
0x5bc: {  	v63 =	vadd.f32 v60, v24;
	v20 =	vadd.f32 v20, v62;
	_ =	sdelay $0x1  }
0x5bd: {  	v18 =	vadd.f32 v18, v63;
	v19 =	vadd.f32 v19, v20;
	_ =	sdelay $0x1  }
0x5be: {  	v18 =	vadd.f32 v18, v19  }
0x5bf: {  	s15 =	sshra.s32 s15, $0x2  }
0x5c0: {  	s16 =	simm.s32 $0x14670;
	[tilespmem:s15+$0x16430] =	vst v18  }
0x5c1: {  	v18 =	vld [tilespmem:s16+$0xFFFFFE10]  }
0x5c2: {  	v19 =	vld [tilespmem:s16+$0xFFFFFE20];
	_ =	sdelay $0x4  }
0x5c3: {  	v18 =	vmul.f32 v18, v16;
	v19 =	vmul.f32 v19, v17;
	_ =	sdelay $0x1  }
0x5c4: {  	v18 =	vadd.f32 v19, v18;
	_ =	sdelay $0x1  }
0x5c5: {  	[tilespmem:$0x16080] =	vst v18  }
0x5c6: {  	v18 =	vld [tilespmem:s16+$0xFFFFFE40]  }
0x5c7: {  	v19 =	vld [tilespmem:s16+$0xFFFFFE30];
	_ =	sdelay $0x4  }
0x5c8: {  	v18 =	vmul.f32 v18, v17;
	v19 =	vmul.f32 v19, v16;
	_ =	sdelay $0x1  }
0x5c9: {  	v18 =	vadd.f32 v18, v19;
	_ =	sdelay $0x1  }
0x5ca: {  	[tilespmem:$0x16098] =	vst v18  }
0x5cb: {  	v18 =	vld [tilespmem:s16+$0xFFFFFE50]  }
0x5cc: {  	v19 =	vld [tilespmem:s16+$0xFFFFFE60];
	_ =	sdelay $0x4  }
0x5cd: {  	v18 =	vmul.f32 v18, v16;
	v19 =	vmul.f32 v19, v17;
	_ =	sdelay $0x1  }
0x5ce: {  	v18 =	vadd.f32 v19, v18;
	_ =	sdelay $0x1  }
0x5cf: {  	[tilespmem:$0x160B0] =	vst v18  }
0x5d0: {  	v18 =	vld [tilespmem:s16+$0xFFFFFE70]  }
0x5d1: {  	v19 =	vld [tilespmem:s16+$0xFFFFFE80];
	_ =	sdelay $0x4  }
0x5d2: {  	v18 =	vmul.f32 v18, v16;
	v19 =	vmul.f32 v19, v17;
	_ =	sdelay $0x1  }
0x5d3: {  	v18 =	vadd.f32 v19, v18;
	_ =	sdelay $0x1  }
0x5d4: {  	[tilespmem:$0x160C8] =	vst v18  }
0x5d5: {  	v18 =	vld [tilespmem:s16+$0xFFFFFE90]  }
0x5d6: {  	v19 =	vld [tilespmem:s16+$0xFFFFFEA0];
	_ =	sdelay $0x4  }
0x5d7: {  	v18 =	vmul.f32 v18, v16;
	v19 =	vmul.f32 v19, v17;
	_ =	sdelay $0x1  }
0x5d8: {  	v18 =	vadd.f32 v19, v18;
	_ =	sdelay $0x1  }
0x5d9: {  	[tilespmem:$0x160E0] =	vst v18  }
0x5da: {  	v18 =	vld [tilespmem:s16+$0xFFFFFEB0]  }
0x5db: {  	v19 =	vld [tilespmem:s16+$0xFFFFFEC0];
	_ =	sdelay $0x4  }
0x5dc: {  	v18 =	vmul.f32 v18, v16;
	v19 =	vmul.f32 v19, v17;
	_ =	sdelay $0x1  }
0x5dd: {  	v18 =	vadd.f32 v19, v18;
	_ =	sdelay $0x1  }
0x5de: {  	[tilespmem:$0x160F8] =	vst v18  }
0x5df: {  	v18 =	vld [tilespmem:s16+$0xFFFFFED0]  }
0x5e0: {  	v19 =	vld [tilespmem:s16+$0xFFFFFEE0];
	_ =	sdelay $0x4  }
0x5e1: {  	v18 =	vmul.f32 v18, v16;
	v19 =	vmul.f32 v19, v17;
	_ =	sdelay $0x1  }
0x5e2: {  	v18 =	vadd.f32 v19, v18;
	_ =	sdelay $0x1  }
0x5e3: {  	[tilespmem:$0x16110] =	vst v18  }
0x5e4: {  	v18 =	vld [tilespmem:s16+$0xFFFFFEF0]  }
0x5e5: {  	v19 =	vld [tilespmem:s16+$0xFFFFFF00];
	_ =	sdelay $0x4  }
0x5e6: {  	v18 =	vmul.f32 v18, v16;
	v19 =	vmul.f32 v19, v17;
	_ =	sdelay $0x1  }
0x5e7: {  	v18 =	vadd.f32 v19, v18;
	_ =	sdelay $0x1  }
0x5e8: {  	[tilespmem:$0x16128] =	vst v18  }
0x5e9: {  	v18 =	vld [tilespmem:s16+$0xFFFFFF10]  }
0x5ea: {  	v19 =	vld [tilespmem:s16+$0xFFFFFF20];
	_ =	sdelay $0x4  }
0x5eb: {  	v18 =	vmul.f32 v18, v16;
	v19 =	vmul.f32 v19, v17;
	_ =	sdelay $0x1  }
0x5ec: {  	v18 =	vadd.f32 v19, v18;
	_ =	sdelay $0x1  }
0x5ed: {  	[tilespmem:$0x16140] =	vst v18  }
0x5ee: {  	v18 =	vld [tilespmem:s16+$0xFFFFFF30]  }
0x5ef: {  	v19 =	vld [tilespmem:s16+$0xFFFFFF40];
	_ =	sdelay $0x4  }
0x5f0: {  	v18 =	vmul.f32 v18, v16;
	v19 =	vmul.f32 v19, v17;
	_ =	sdelay $0x1  }
0x5f1: {  	v18 =	vadd.f32 v19, v18;
	_ =	sdelay $0x1  }
0x5f2: {  	[tilespmem:$0x16158] =	vst v18  }
0x5f3: {  	v18 =	vld [tilespmem:s16+$0xFFFFFF50]  }
0x5f4: {  	v19 =	vld [tilespmem:s16+$0xFFFFFF60];
	_ =	sdelay $0x4  }
0x5f5: {  	v18 =	vmul.f32 v18, v16;
	v19 =	vmul.f32 v19, v17;
	_ =	sdelay $0x1  }
0x5f6: {  	v18 =	vadd.f32 v19, v18;
	_ =	sdelay $0x1  }
0x5f7: {  	[tilespmem:$0x16170] =	vst v18  }
0x5f8: {  	v18 =	vld [tilespmem:s16+$0xFFFFFF70]  }
0x5f9: {  	v19 =	vld [tilespmem:s16+$0xFFFFFF80];
	_ =	sdelay $0x4  }
0x5fa: {  	v18 =	vmul.f32 v18, v16;
	v19 =	vmul.f32 v19, v17;
	_ =	sdelay $0x1  }
0x5fb: {  	v18 =	vadd.f32 v19, v18;
	_ =	sdelay $0x1  }
0x5fc: {  	[tilespmem:$0x16188] =	vst v18  }
0x5fd: {  	v18 =	vld [tilespmem:s16+$0xFFFFFF90]  }
0x5fe: {  	v19 =	vld [tilespmem:s16+$0xFFFFFFA0];
	_ =	sdelay $0x4  }
0x5ff: {  	v18 =	vmul.f32 v18, v16;
	v19 =	vmul.f32 v19, v17;
	_ =	sdelay $0x1  }
0x600: {  	v18 =	vadd.f32 v19, v18;
	_ =	sdelay $0x1  }
0x601: {  	[tilespmem:$0x161A0] =	vst v18  }
0x602: {  	v18 =	vld [tilespmem:s16+$0xFFFFFFB0]  }
0x603: {  	v19 =	vld [tilespmem:s16+$0xFFFFFFC0];
	_ =	sdelay $0x4  }
0x604: {  	v18 =	vmul.f32 v18, v16;
	v19 =	vmul.f32 v19, v17;
	_ =	sdelay $0x1  }
0x605: {  	v18 =	vadd.f32 v19, v18;
	_ =	sdelay $0x1  }
0x606: {  	[tilespmem:$0x161B8] =	vst v18  }
0x607: {  	v18 =	vld [tilespmem:s16+$0xFFFFFFD0]  }
0x608: {  	v19 =	vld [tilespmem:s16+$0xFFFFFFE0];
	_ =	sdelay $0x4  }
0x609: {  	v18 =	vmul.f32 v18, v16;
	v19 =	vmul.f32 v19, v17;
	_ =	sdelay $0x1  }
0x60a: {  	v18 =	vadd.f32 v19, v18;
	_ =	sdelay $0x1  }
0x60b: {  	[tilespmem:$0x161D0] =	vst v18  }
0x60c: {  	v18 =	vld [tilespmem:s16+$0xFFFFFFF0]  }
0x60d: {  	v19 =	vld [tilespmem:s16+$0x0];
	_ =	sdelay $0x4  }
0x60e: {  	v18 =	vmul.f32 v18, v16;
	v19 =	vmul.f32 v19, v17;
	_ =	sdelay $0x1  }
0x60f: {  	s18 =	simm.s32 $0x40;
	s17 =	simm.s32 $0x0;
	s15 =	simm.s32 $0x0;
	v18 =	vadd.f32 v19, v18  }
.LBB2_15:
0x610: {  	p0 =	sne.s32 s18, $0x180  }
0x611: {  	s16 =	sadd.s32 $0x200, s16;
	s19 =	smov.u32 s18;
	s18 =	sadd.s32 $0x40, s18;
	[tilespmem:$0x161E8] =	vst v18  }
0x612: {  	v18 =	vld.idx.msk [tilespmem:v15+s28+$0x0], $0xffff  }
0x613: {  	v19 =	vld.idx.msk [tilespmem:v5+s28+$0x0], $0xffff  }
0x614: {  	v20 =	vld.idx.msk [tilespmem:v3+s28+$0x0], $0xffff  }
0x615: {  	v21 =	vld.idx.msk [tilespmem:v7+s28+$0x0], $0xffff  }
0x616: {  	v22 =	vld.idx.msk [tilespmem:v4+s28+$0x0], $0xffff  }
0x617: {  	v23 =	vld.idx.msk [tilespmem:v2+s28+$0x0], $0xffff  }
0x618: {  	v24 =	vld.idx.msk [tilespmem:v9+s28+$0x0], $0xffff  }
0x619: {  	v25 =	vld.idx.msk [tilespmem:v6+s28+$0x0], $0xffff  }
0x61a: {  	v26 =	vld.idx.msk [tilespmem:v13+s28+$0x0], $0xffff  }
0x61b: {  	v27 =	vld.idx.msk [tilespmem:v1+s28+$0x0], $0xffff  }
0x61c: {  	v19 =	vadd.f32 v19, v22;
	v28 =	vld.idx.msk [tilespmem:v11+s28+$0x0], $0xffff  }
0x61d: {  	v22 =	vld.idx.msk [tilespmem:v14+s28+$0x0], $0xffff  }
0x61e: {  	v29 =	vld.idx.msk [tilespmem:v10+s28+$0x0], $0xffff  }
0x61f: {  	v21 =	vadd.f32 v21, v25;
	v30 =	vld.idx.msk [tilespmem:v12+s28+$0x0], $0xffff  }
0x620: {  	v20 =	vadd.f32 v20, v23;
	v25 =	vld.idx.msk [tilespmem:v8+s28+$0x0], $0xffff  }
0x621: {  	v19 =	vadd.f32 v21, v19;
	v23 =	vld.idx.msk [tilespmem:v0+s28+$0x0], $0xffff;
	_ =	sdelay $0x1  }
0x622: {  	v18 =	vadd.f32 v18, v22  }
0x623: {  	v21 =	vadd.f32 v28, v29  }
0x624: {  	v22 =	vadd.f32 v26, v30  }
0x625: {  	v24 =	vadd.f32 v24, v25  }
0x626: {  	v23 =	vadd.f32 v27, v23;
	v18 =	vadd.f32 v18, v22  }
0x627: {  	v21 =	vadd.f32 v21, v24  }
0x628: {  	v20 =	vadd.f32 v20, v23  }
0x629: {  	v18 =	vadd.f32 v18, v21  }
0x62a: {  	v19 =	vadd.f32 v19, v20;
	_ =	sdelay $0x1  }
0x62b: {  	s20 =	sshra.s32 s17, $0x2;
	s17 =	smov.u32 s19;
	v18 =	vadd.f32 v18, v19;
	_ =	sdelay $0x1  }
0x62c: {  	[tilespmem:s20+$0x164A0] =	vst v18  }
0x62d: {  	v18 =	vld [tilespmem:s16+$0xFFFFFE10]  }
0x62e: {  	v19 =	vld [tilespmem:s16+$0xFFFFFE20];
	_ =	sdelay $0x4  }
0x62f: {  	v18 =	vmul.f32 v18, v16;
	v19 =	vmul.f32 v19, v17;
	_ =	sdelay $0x1  }
0x630: {  	v18 =	vadd.f32 v19, v18;
	_ =	sdelay $0x1  }
0x631: {  	[tilespmem:$0x16080] =	vst v18  }
0x632: {  	v18 =	vld [tilespmem:s16+$0xFFFFFE40]  }
0x633: {  	v19 =	vld [tilespmem:s16+$0xFFFFFE30];
	_ =	sdelay $0x3  }
0x634: {  	v18 =	vmul.f32 v18, v17  }
0x635: {  	v19 =	vmul.f32 v19, v16;
	_ =	sdelay $0x1  }
0x636: {  	v18 =	vadd.f32 v18, v19;
	_ =	sdelay $0x1  }
0x637: {  	[tilespmem:$0x16098] =	vst v18  }
0x638: {  	v18 =	vld [tilespmem:s16+$0xFFFFFE50]  }
0x639: {  	v19 =	vld [tilespmem:s16+$0xFFFFFE60];
	_ =	sdelay $0x3  }
0x63a: {  	v18 =	vmul.f32 v18, v16  }
0x63b: {  	v19 =	vmul.f32 v19, v17;
	_ =	sdelay $0x1  }
0x63c: {  	v18 =	vadd.f32 v19, v18;
	_ =	sdelay $0x1  }
0x63d: {  	[tilespmem:$0x160B0] =	vst v18  }
0x63e: {  	v18 =	vld [tilespmem:s16+$0xFFFFFE70]  }
0x63f: {  	v19 =	vld [tilespmem:s16+$0xFFFFFE80];
	_ =	sdelay $0x3  }
0x640: {  	v18 =	vmul.f32 v18, v16  }
0x641: {  	v19 =	vmul.f32 v19, v17;
	_ =	sdelay $0x1  }
0x642: {  	v18 =	vadd.f32 v19, v18;
	_ =	sdelay $0x1  }
0x643: {  	[tilespmem:$0x160C8] =	vst v18  }
0x644: {  	v18 =	vld [tilespmem:s16+$0xFFFFFE90]  }
0x645: {  	v19 =	vld [tilespmem:s16+$0xFFFFFEA0];
	_ =	sdelay $0x3  }
0x646: {  	v18 =	vmul.f32 v18, v16  }
0x647: {  	v19 =	vmul.f32 v19, v17;
	_ =	sdelay $0x1  }
0x648: {  	v18 =	vadd.f32 v19, v18;
	_ =	sdelay $0x1  }
0x649: {  	[tilespmem:$0x160E0] =	vst v18  }
0x64a: {  	v18 =	vld [tilespmem:s16+$0xFFFFFEB0]  }
0x64b: {  	v19 =	vld [tilespmem:s16+$0xFFFFFEC0];
	_ =	sdelay $0x3  }
0x64c: {  	v18 =	vmul.f32 v18, v16  }
0x64d: {  	v19 =	vmul.f32 v19, v17;
	_ =	sdelay $0x1  }
0x64e: {  	v18 =	vadd.f32 v19, v18;
	_ =	sdelay $0x1  }
0x64f: {  	[tilespmem:$0x160F8] =	vst v18  }
0x650: {  	v18 =	vld [tilespmem:s16+$0xFFFFFED0]  }
0x651: {  	v19 =	vld [tilespmem:s16+$0xFFFFFEE0];
	_ =	sdelay $0x3  }
0x652: {  	v18 =	vmul.f32 v18, v16  }
0x653: {  	v19 =	vmul.f32 v19, v17;
	_ =	sdelay $0x1  }
0x654: {  	v18 =	vadd.f32 v19, v18;
	_ =	sdelay $0x1  }
0x655: {  	[tilespmem:$0x16110] =	vst v18  }
0x656: {  	v18 =	vld [tilespmem:s16+$0xFFFFFEF0]  }
0x657: {  	v19 =	vld [tilespmem:s16+$0xFFFFFF00];
	_ =	sdelay $0x3  }
0x658: {  	v18 =	vmul.f32 v18, v16  }
0x659: {  	v19 =	vmul.f32 v19, v17;
	_ =	sdelay $0x1  }
0x65a: {  	v18 =	vadd.f32 v19, v18;
	_ =	sdelay $0x1  }
0x65b: {  	[tilespmem:$0x16128] =	vst v18  }
0x65c: {  	v18 =	vld [tilespmem:s16+$0xFFFFFF10]  }
0x65d: {  	v19 =	vld [tilespmem:s16+$0xFFFFFF20];
	_ =	sdelay $0x3  }
0x65e: {  	v18 =	vmul.f32 v18, v16  }
0x65f: {  	v19 =	vmul.f32 v19, v17;
	_ =	sdelay $0x1  }
0x660: {  	v18 =	vadd.f32 v19, v18;
	_ =	sdelay $0x1  }
0x661: {  	[tilespmem:$0x16140] =	vst v18  }
0x662: {  	v18 =	vld [tilespmem:s16+$0xFFFFFF30]  }
0x663: {  	v19 =	vld [tilespmem:s16+$0xFFFFFF40];
	_ =	sdelay $0x3  }
0x664: {  	v18 =	vmul.f32 v18, v16  }
0x665: {  	v19 =	vmul.f32 v19, v17;
	_ =	sdelay $0x1  }
0x666: {  	v18 =	vadd.f32 v19, v18;
	_ =	sdelay $0x1  }
0x667: {  	[tilespmem:$0x16158] =	vst v18  }
0x668: {  	v18 =	vld [tilespmem:s16+$0xFFFFFF50]  }
0x669: {  	v19 =	vld [tilespmem:s16+$0xFFFFFF60];
	_ =	sdelay $0x3  }
0x66a: {  	v18 =	vmul.f32 v18, v16  }
0x66b: {  	v19 =	vmul.f32 v19, v17;
	_ =	sdelay $0x1  }
0x66c: {  	v18 =	vadd.f32 v19, v18;
	_ =	sdelay $0x1  }
0x66d: {  	[tilespmem:$0x16170] =	vst v18  }
0x66e: {  	v18 =	vld [tilespmem:s16+$0xFFFFFF70]  }
0x66f: {  	v19 =	vld [tilespmem:s16+$0xFFFFFF80];
	_ =	sdelay $0x3  }
0x670: {  	v18 =	vmul.f32 v18, v16  }
0x671: {  	v19 =	vmul.f32 v19, v17;
	_ =	sdelay $0x1  }
0x672: {  	v18 =	vadd.f32 v19, v18;
	_ =	sdelay $0x1  }
0x673: {  	[tilespmem:$0x16188] =	vst v18  }
0x674: {  	v18 =	vld [tilespmem:s16+$0xFFFFFF90]  }
0x675: {  	v19 =	vld [tilespmem:s16+$0xFFFFFFA0];
	_ =	sdelay $0x3  }
0x676: {  	v18 =	vmul.f32 v18, v16  }
0x677: {  	v19 =	vmul.f32 v19, v17;
	_ =	sdelay $0x1  }
0x678: {  	v18 =	vadd.f32 v19, v18;
	_ =	sdelay $0x1  }
0x679: {  	[tilespmem:$0x161A0] =	vst v18  }
0x67a: {  	v18 =	vld [tilespmem:s16+$0xFFFFFFB0]  }
0x67b: {  	v19 =	vld [tilespmem:s16+$0xFFFFFFC0];
	_ =	sdelay $0x3  }
0x67c: {  	v18 =	vmul.f32 v18, v16  }
0x67d: {  	v19 =	vmul.f32 v19, v17;
	_ =	sdelay $0x1  }
0x67e: {  	v18 =	vadd.f32 v19, v18;
	_ =	sdelay $0x1  }
0x67f: {  	[tilespmem:$0x161B8] =	vst v18  }
0x680: {  	v18 =	vld [tilespmem:s16+$0xFFFFFFD0]  }
0x681: {  	v19 =	vld [tilespmem:s16+$0xFFFFFFE0];
	_ =	sdelay $0x3  }
0x682: {  	v18 =	vmul.f32 v18, v16  }
0x683: {  	v19 =	vmul.f32 v19, v17;
	_ =	sdelay $0x1  }
0x684: {  	v18 =	vadd.f32 v19, v18;
	_ =	sdelay $0x1  }
0x685: {  	[tilespmem:$0x161D0] =	vst v18  }
0x686: {  	v18 =	vld [tilespmem:s16+$0xFFFFFFF0]  }
0x687: {  	v19 =	vld [tilespmem:s16+$0x0];
	_ =	sdelay $0x2  }
.Ltmp6:
0x688: {  	(pc) =	sbr.rel @p0 .LBB2_15-.Ltmp6, $3  }
0x689: {  	v18 =	vmul.f32 v18, v16  }
0x68a: {  	v19 =	vmul.f32 v19, v17;
	_ =	sdelay $0x1  }
0x68b: {  	v18 =	vadd.f32 v19, v18  }
0x68c: {  	_ =	sdelay $0x2  }
0x68d: {  	[tilespmem:$0x161E8] =	vst v18  }
0x68e: {  	v18 =	vld.idx.msk [tilespmem:v15+s28+$0x0], $0xffff  }
0x68f: {  	v19 =	vld.idx.msk [tilespmem:v5+s28+$0x0], $0xffff  }
0x690: {  	v20 =	vld.idx.msk [tilespmem:v3+s28+$0x0], $0xffff  }
0x691: {  	v21 =	vld.idx.msk [tilespmem:v7+s28+$0x0], $0xffff  }
0x692: {  	v22 =	vld.idx.msk [tilespmem:v4+s28+$0x0], $0xffff  }
0x693: {  	v23 =	vld.idx.msk [tilespmem:v2+s28+$0x0], $0xffff  }
0x694: {  	v24 =	vld.idx.msk [tilespmem:v9+s28+$0x0], $0xffff  }
0x695: {  	v25 =	vld.idx.msk [tilespmem:v6+s28+$0x0], $0xffff  }
0x696: {  	v26 =	vld.idx.msk [tilespmem:v13+s28+$0x0], $0xffff  }
0x697: {  	v27 =	vld.idx.msk [tilespmem:v1+s28+$0x0], $0xffff  }
0x698: {  	v28 =	vld.idx.msk [tilespmem:v11+s28+$0x0], $0xffff  }
0x699: {  	v29 =	vld.idx.msk [tilespmem:v14+s28+$0x0], $0xffff  }
0x69a: {  	v30 =	vld.idx.msk [tilespmem:v10+s28+$0x0], $0xffff  }
0x69b: {  	v31 =	vld.idx.msk [tilespmem:v12+s28+$0x0], $0xffff  }
0x69c: {  	v32 =	vld.idx.msk [tilespmem:v8+s28+$0x0], $0xffff  }
0x69d: {  	v33 =	vld.idx.msk [tilespmem:v0+s28+$0x0], $0xffff;
	_ =	sdelay $0x1  }
0x69e: {  	v19 =	vadd.f32 v19, v22;
	v21 =	vadd.f32 v21, v25  }
0x69f: {  	v20 =	vadd.f32 v20, v23;
	v18 =	vadd.f32 v18, v29  }
0x6a0: {  	v60 =	vadd.f32 v28, v30;
	v61 =	vadd.f32 v26, v31  }
0x6a1: {  	v24 =	vadd.f32 v24, v32;
	v62 =	vadd.f32 v27, v33  }
0x6a2: {  	v19 =	vadd.f32 v21, v19;
	v18 =	vadd.f32 v18, v61  }
0x6a3: {  	v63 =	vadd.f32 v60, v24;
	v20 =	vadd.f32 v20, v62;
	_ =	sdelay $0x1  }
0x6a4: {  	v18 =	vadd.f32 v18, v63;
	v19 =	vadd.f32 v19, v20;
	_ =	sdelay $0x1  }
0x6a5: {  	v18 =	vadd.f32 v18, v19  }
0x6a6: {  	s16 =	sshra.s32 s17, $0x2  }
0x6a7: {  	[tilespmem:s16+$0x164A0] =	vst v18;
	s16 =	simm.s32 $0x15470  }
0x6a8: {  	v18 =	vld [tilespmem:s16+$0xFFFFFE10]  }
0x6a9: {  	v19 =	vld [tilespmem:s16+$0xFFFFFE20];
	_ =	sdelay $0x4  }
0x6aa: {  	v18 =	vmul.f32 v18, v16;
	v19 =	vmul.f32 v19, v17;
	_ =	sdelay $0x1  }
0x6ab: {  	v18 =	vadd.f32 v19, v18;
	_ =	sdelay $0x1  }
0x6ac: {  	[tilespmem:$0x16080] =	vst v18  }
0x6ad: {  	v18 =	vld [tilespmem:s16+$0xFFFFFE40]  }
0x6ae: {  	v19 =	vld [tilespmem:s16+$0xFFFFFE30];
	_ =	sdelay $0x4  }
0x6af: {  	v18 =	vmul.f32 v18, v17;
	v19 =	vmul.f32 v19, v16;
	_ =	sdelay $0x1  }
0x6b0: {  	v18 =	vadd.f32 v18, v19;
	_ =	sdelay $0x1  }
0x6b1: {  	[tilespmem:$0x16098] =	vst v18  }
0x6b2: {  	v18 =	vld [tilespmem:s16+$0xFFFFFE50]  }
0x6b3: {  	v19 =	vld [tilespmem:s16+$0xFFFFFE60];
	_ =	sdelay $0x4  }
0x6b4: {  	v18 =	vmul.f32 v18, v16;
	v19 =	vmul.f32 v19, v17;
	_ =	sdelay $0x1  }
0x6b5: {  	v18 =	vadd.f32 v19, v18;
	_ =	sdelay $0x1  }
0x6b6: {  	[tilespmem:$0x160B0] =	vst v18  }
0x6b7: {  	v18 =	vld [tilespmem:s16+$0xFFFFFE70]  }
0x6b8: {  	v19 =	vld [tilespmem:s16+$0xFFFFFE80];
	_ =	sdelay $0x4  }
0x6b9: {  	v18 =	vmul.f32 v18, v16;
	v19 =	vmul.f32 v19, v17;
	_ =	sdelay $0x1  }
0x6ba: {  	v18 =	vadd.f32 v19, v18;
	_ =	sdelay $0x1  }
0x6bb: {  	[tilespmem:$0x160C8] =	vst v18  }
0x6bc: {  	v18 =	vld [tilespmem:s16+$0xFFFFFE90]  }
0x6bd: {  	v19 =	vld [tilespmem:s16+$0xFFFFFEA0];
	_ =	sdelay $0x4  }
0x6be: {  	v18 =	vmul.f32 v18, v16;
	v19 =	vmul.f32 v19, v17;
	_ =	sdelay $0x1  }
0x6bf: {  	v18 =	vadd.f32 v19, v18;
	_ =	sdelay $0x1  }
0x6c0: {  	[tilespmem:$0x160E0] =	vst v18  }
0x6c1: {  	v18 =	vld [tilespmem:s16+$0xFFFFFEB0]  }
0x6c2: {  	v19 =	vld [tilespmem:s16+$0xFFFFFEC0];
	_ =	sdelay $0x4  }
0x6c3: {  	v18 =	vmul.f32 v18, v16;
	v19 =	vmul.f32 v19, v17;
	_ =	sdelay $0x1  }
0x6c4: {  	v18 =	vadd.f32 v19, v18;
	_ =	sdelay $0x1  }
0x6c5: {  	[tilespmem:$0x160F8] =	vst v18  }
0x6c6: {  	v18 =	vld [tilespmem:s16+$0xFFFFFED0]  }
0x6c7: {  	v19 =	vld [tilespmem:s16+$0xFFFFFEE0];
	_ =	sdelay $0x4  }
0x6c8: {  	v18 =	vmul.f32 v18, v16;
	v19 =	vmul.f32 v19, v17;
	_ =	sdelay $0x1  }
0x6c9: {  	v18 =	vadd.f32 v19, v18;
	_ =	sdelay $0x1  }
0x6ca: {  	[tilespmem:$0x16110] =	vst v18  }
0x6cb: {  	v18 =	vld [tilespmem:s16+$0xFFFFFEF0]  }
0x6cc: {  	v19 =	vld [tilespmem:s16+$0xFFFFFF00];
	_ =	sdelay $0x4  }
0x6cd: {  	v18 =	vmul.f32 v18, v16;
	v19 =	vmul.f32 v19, v17;
	_ =	sdelay $0x1  }
0x6ce: {  	v18 =	vadd.f32 v19, v18;
	_ =	sdelay $0x1  }
0x6cf: {  	[tilespmem:$0x16128] =	vst v18  }
0x6d0: {  	v18 =	vld [tilespmem:s16+$0xFFFFFF10]  }
0x6d1: {  	v19 =	vld [tilespmem:s16+$0xFFFFFF20];
	_ =	sdelay $0x4  }
0x6d2: {  	v18 =	vmul.f32 v18, v16;
	v19 =	vmul.f32 v19, v17;
	_ =	sdelay $0x1  }
0x6d3: {  	v18 =	vadd.f32 v19, v18;
	_ =	sdelay $0x1  }
0x6d4: {  	[tilespmem:$0x16140] =	vst v18  }
0x6d5: {  	v18 =	vld [tilespmem:s16+$0xFFFFFF30]  }
0x6d6: {  	v19 =	vld [tilespmem:s16+$0xFFFFFF40];
	_ =	sdelay $0x4  }
0x6d7: {  	v18 =	vmul.f32 v18, v16;
	v19 =	vmul.f32 v19, v17;
	_ =	sdelay $0x1  }
0x6d8: {  	v18 =	vadd.f32 v19, v18;
	_ =	sdelay $0x1  }
0x6d9: {  	[tilespmem:$0x16158] =	vst v18  }
0x6da: {  	v18 =	vld [tilespmem:s16+$0xFFFFFF50]  }
0x6db: {  	v19 =	vld [tilespmem:s16+$0xFFFFFF60];
	_ =	sdelay $0x4  }
0x6dc: {  	v18 =	vmul.f32 v18, v16;
	v19 =	vmul.f32 v19, v17;
	_ =	sdelay $0x1  }
0x6dd: {  	v18 =	vadd.f32 v19, v18;
	_ =	sdelay $0x1  }
0x6de: {  	[tilespmem:$0x16170] =	vst v18  }
0x6df: {  	v18 =	vld [tilespmem:s16+$0xFFFFFF70]  }
0x6e0: {  	v19 =	vld [tilespmem:s16+$0xFFFFFF80];
	_ =	sdelay $0x4  }
0x6e1: {  	v18 =	vmul.f32 v18, v16;
	v19 =	vmul.f32 v19, v17;
	_ =	sdelay $0x1  }
0x6e2: {  	v18 =	vadd.f32 v19, v18;
	_ =	sdelay $0x1  }
0x6e3: {  	[tilespmem:$0x16188] =	vst v18  }
0x6e4: {  	v18 =	vld [tilespmem:s16+$0xFFFFFF90]  }
0x6e5: {  	v19 =	vld [tilespmem:s16+$0xFFFFFFA0];
	_ =	sdelay $0x4  }
0x6e6: {  	v18 =	vmul.f32 v18, v16;
	v19 =	vmul.f32 v19, v17;
	_ =	sdelay $0x1  }
0x6e7: {  	v18 =	vadd.f32 v19, v18;
	_ =	sdelay $0x1  }
0x6e8: {  	[tilespmem:$0x161A0] =	vst v18  }
0x6e9: {  	v18 =	vld [tilespmem:s16+$0xFFFFFFB0]  }
0x6ea: {  	v19 =	vld [tilespmem:s16+$0xFFFFFFC0];
	_ =	sdelay $0x4  }
0x6eb: {  	v18 =	vmul.f32 v18, v16;
	v19 =	vmul.f32 v19, v17;
	_ =	sdelay $0x1  }
0x6ec: {  	v18 =	vadd.f32 v19, v18;
	_ =	sdelay $0x1  }
0x6ed: {  	[tilespmem:$0x161B8] =	vst v18  }
0x6ee: {  	v18 =	vld [tilespmem:s16+$0xFFFFFFD0]  }
0x6ef: {  	v19 =	vld [tilespmem:s16+$0xFFFFFFE0];
	_ =	sdelay $0x4  }
0x6f0: {  	v18 =	vmul.f32 v18, v16;
	v19 =	vmul.f32 v19, v17;
	_ =	sdelay $0x1  }
0x6f1: {  	v18 =	vadd.f32 v19, v18;
	_ =	sdelay $0x1  }
0x6f2: {  	[tilespmem:$0x161D0] =	vst v18  }
0x6f3: {  	v18 =	vld [tilespmem:s16+$0xFFFFFFF0]  }
0x6f4: {  	v19 =	vld [tilespmem:s16+$0x0];
	_ =	sdelay $0x4  }
0x6f5: {  	v18 =	vmul.f32 v18, v16;
	v19 =	vmul.f32 v19, v17;
	_ =	sdelay $0x1  }
0x6f6: {  	s17 =	simm.s32 $0x40;
	v18 =	vadd.f32 v19, v18  }
.LBB2_17:
0x6f7: {  	p0 =	sne.s32 s17, $0x180  }
0x6f8: {  	s16 =	sadd.s32 $0x200, s16;
	s18 =	smov.u32 s17;
	s17 =	sadd.s32 $0x40, s17;
	[tilespmem:$0x161E8] =	vst v18  }
0x6f9: {  	v18 =	vld.idx.msk [tilespmem:v15+s28+$0x0], $0xffff  }
0x6fa: {  	v19 =	vld.idx.msk [tilespmem:v5+s28+$0x0], $0xffff  }
0x6fb: {  	v20 =	vld.idx.msk [tilespmem:v3+s28+$0x0], $0xffff  }
0x6fc: {  	v21 =	vld.idx.msk [tilespmem:v7+s28+$0x0], $0xffff  }
0x6fd: {  	v22 =	vld.idx.msk [tilespmem:v4+s28+$0x0], $0xffff  }
0x6fe: {  	v23 =	vld.idx.msk [tilespmem:v2+s28+$0x0], $0xffff  }
0x6ff: {  	v24 =	vld.idx.msk [tilespmem:v9+s28+$0x0], $0xffff  }
0x700: {  	v25 =	vld.idx.msk [tilespmem:v6+s28+$0x0], $0xffff  }
0x701: {  	v26 =	vld.idx.msk [tilespmem:v13+s28+$0x0], $0xffff  }
0x702: {  	v27 =	vld.idx.msk [tilespmem:v1+s28+$0x0], $0xffff  }
0x703: {  	v19 =	vadd.f32 v19, v22;
	v28 =	vld.idx.msk [tilespmem:v11+s28+$0x0], $0xffff  }
0x704: {  	v22 =	vld.idx.msk [tilespmem:v14+s28+$0x0], $0xffff  }
0x705: {  	v29 =	vld.idx.msk [tilespmem:v10+s28+$0x0], $0xffff  }
0x706: {  	v21 =	vadd.f32 v21, v25;
	v30 =	vld.idx.msk [tilespmem:v12+s28+$0x0], $0xffff  }
0x707: {  	v20 =	vadd.f32 v20, v23;
	v25 =	vld.idx.msk [tilespmem:v8+s28+$0x0], $0xffff  }
0x708: {  	v19 =	vadd.f32 v21, v19;
	v23 =	vld.idx.msk [tilespmem:v0+s28+$0x0], $0xffff;
	_ =	sdelay $0x1  }
0x709: {  	v18 =	vadd.f32 v18, v22  }
0x70a: {  	v21 =	vadd.f32 v28, v29  }
0x70b: {  	v22 =	vadd.f32 v26, v30  }
0x70c: {  	v24 =	vadd.f32 v24, v25  }
0x70d: {  	v23 =	vadd.f32 v27, v23;
	v18 =	vadd.f32 v18, v22  }
0x70e: {  	v21 =	vadd.f32 v21, v24  }
0x70f: {  	v20 =	vadd.f32 v20, v23  }
0x710: {  	v18 =	vadd.f32 v18, v21  }
0x711: {  	v19 =	vadd.f32 v19, v20;
	_ =	sdelay $0x1  }
0x712: {  	s19 =	sshra.s32 s15, $0x2;
	s15 =	smov.u32 s18;
	v18 =	vadd.f32 v18, v19;
	_ =	sdelay $0x1  }
0x713: {  	[tilespmem:s19+$0x16510] =	vst v18  }
0x714: {  	v18 =	vld [tilespmem:s16+$0xFFFFFE10]  }
0x715: {  	v19 =	vld [tilespmem:s16+$0xFFFFFE20];
	_ =	sdelay $0x4  }
0x716: {  	v18 =	vmul.f32 v18, v16;
	v19 =	vmul.f32 v19, v17;
	_ =	sdelay $0x1  }
0x717: {  	v18 =	vadd.f32 v19, v18;
	_ =	sdelay $0x1  }
0x718: {  	[tilespmem:$0x16080] =	vst v18  }
0x719: {  	v18 =	vld [tilespmem:s16+$0xFFFFFE40]  }
0x71a: {  	v19 =	vld [tilespmem:s16+$0xFFFFFE30];
	_ =	sdelay $0x3  }
0x71b: {  	v18 =	vmul.f32 v18, v17  }
0x71c: {  	v19 =	vmul.f32 v19, v16;
	_ =	sdelay $0x1  }
0x71d: {  	v18 =	vadd.f32 v18, v19;
	_ =	sdelay $0x1  }
0x71e: {  	[tilespmem:$0x16098] =	vst v18  }
0x71f: {  	v18 =	vld [tilespmem:s16+$0xFFFFFE50]  }
0x720: {  	v19 =	vld [tilespmem:s16+$0xFFFFFE60];
	_ =	sdelay $0x3  }
0x721: {  	v18 =	vmul.f32 v18, v16  }
0x722: {  	v19 =	vmul.f32 v19, v17;
	_ =	sdelay $0x1  }
0x723: {  	v18 =	vadd.f32 v19, v18;
	_ =	sdelay $0x1  }
0x724: {  	[tilespmem:$0x160B0] =	vst v18  }
0x725: {  	v18 =	vld [tilespmem:s16+$0xFFFFFE70]  }
0x726: {  	v19 =	vld [tilespmem:s16+$0xFFFFFE80];
	_ =	sdelay $0x3  }
0x727: {  	v18 =	vmul.f32 v18, v16  }
0x728: {  	v19 =	vmul.f32 v19, v17;
	_ =	sdelay $0x1  }
0x729: {  	v18 =	vadd.f32 v19, v18;
	_ =	sdelay $0x1  }
0x72a: {  	[tilespmem:$0x160C8] =	vst v18  }
0x72b: {  	v18 =	vld [tilespmem:s16+$0xFFFFFE90]  }
0x72c: {  	v19 =	vld [tilespmem:s16+$0xFFFFFEA0];
	_ =	sdelay $0x3  }
0x72d: {  	v18 =	vmul.f32 v18, v16  }
0x72e: {  	v19 =	vmul.f32 v19, v17;
	_ =	sdelay $0x1  }
0x72f: {  	v18 =	vadd.f32 v19, v18;
	_ =	sdelay $0x1  }
0x730: {  	[tilespmem:$0x160E0] =	vst v18  }
0x731: {  	v18 =	vld [tilespmem:s16+$0xFFFFFEB0]  }
0x732: {  	v19 =	vld [tilespmem:s16+$0xFFFFFEC0];
	_ =	sdelay $0x3  }
0x733: {  	v18 =	vmul.f32 v18, v16  }
0x734: {  	v19 =	vmul.f32 v19, v17;
	_ =	sdelay $0x1  }
0x735: {  	v18 =	vadd.f32 v19, v18;
	_ =	sdelay $0x1  }
0x736: {  	[tilespmem:$0x160F8] =	vst v18  }
0x737: {  	v18 =	vld [tilespmem:s16+$0xFFFFFED0]  }
0x738: {  	v19 =	vld [tilespmem:s16+$0xFFFFFEE0];
	_ =	sdelay $0x3  }
0x739: {  	v18 =	vmul.f32 v18, v16  }
0x73a: {  	v19 =	vmul.f32 v19, v17;
	_ =	sdelay $0x1  }
0x73b: {  	v18 =	vadd.f32 v19, v18;
	_ =	sdelay $0x1  }
0x73c: {  	[tilespmem:$0x16110] =	vst v18  }
0x73d: {  	v18 =	vld [tilespmem:s16+$0xFFFFFEF0]  }
0x73e: {  	v19 =	vld [tilespmem:s16+$0xFFFFFF00];
	_ =	sdelay $0x3  }
0x73f: {  	v18 =	vmul.f32 v18, v16  }
0x740: {  	v19 =	vmul.f32 v19, v17;
	_ =	sdelay $0x1  }
0x741: {  	v18 =	vadd.f32 v19, v18;
	_ =	sdelay $0x1  }
0x742: {  	[tilespmem:$0x16128] =	vst v18  }
0x743: {  	v18 =	vld [tilespmem:s16+$0xFFFFFF10]  }
0x744: {  	v19 =	vld [tilespmem:s16+$0xFFFFFF20];
	_ =	sdelay $0x3  }
0x745: {  	v18 =	vmul.f32 v18, v16  }
0x746: {  	v19 =	vmul.f32 v19, v17;
	_ =	sdelay $0x1  }
0x747: {  	v18 =	vadd.f32 v19, v18;
	_ =	sdelay $0x1  }
0x748: {  	[tilespmem:$0x16140] =	vst v18  }
0x749: {  	v18 =	vld [tilespmem:s16+$0xFFFFFF30]  }
0x74a: {  	v19 =	vld [tilespmem:s16+$0xFFFFFF40];
	_ =	sdelay $0x3  }
0x74b: {  	v18 =	vmul.f32 v18, v16  }
0x74c: {  	v19 =	vmul.f32 v19, v17;
	_ =	sdelay $0x1  }
0x74d: {  	v18 =	vadd.f32 v19, v18;
	_ =	sdelay $0x1  }
0x74e: {  	[tilespmem:$0x16158] =	vst v18  }
0x74f: {  	v18 =	vld [tilespmem:s16+$0xFFFFFF50]  }
0x750: {  	v19 =	vld [tilespmem:s16+$0xFFFFFF60];
	_ =	sdelay $0x3  }
0x751: {  	v18 =	vmul.f32 v18, v16  }
0x752: {  	v19 =	vmul.f32 v19, v17;
	_ =	sdelay $0x1  }
0x753: {  	v18 =	vadd.f32 v19, v18;
	_ =	sdelay $0x1  }
0x754: {  	[tilespmem:$0x16170] =	vst v18  }
0x755: {  	v18 =	vld [tilespmem:s16+$0xFFFFFF70]  }
0x756: {  	v19 =	vld [tilespmem:s16+$0xFFFFFF80];
	_ =	sdelay $0x3  }
0x757: {  	v18 =	vmul.f32 v18, v16  }
0x758: {  	v19 =	vmul.f32 v19, v17;
	_ =	sdelay $0x1  }
0x759: {  	v18 =	vadd.f32 v19, v18;
	_ =	sdelay $0x1  }
0x75a: {  	[tilespmem:$0x16188] =	vst v18  }
0x75b: {  	v18 =	vld [tilespmem:s16+$0xFFFFFF90]  }
0x75c: {  	v19 =	vld [tilespmem:s16+$0xFFFFFFA0];
	_ =	sdelay $0x3  }
0x75d: {  	v18 =	vmul.f32 v18, v16  }
0x75e: {  	v19 =	vmul.f32 v19, v17;
	_ =	sdelay $0x1  }
0x75f: {  	v18 =	vadd.f32 v19, v18;
	_ =	sdelay $0x1  }
0x760: {  	[tilespmem:$0x161A0] =	vst v18  }
0x761: {  	v18 =	vld [tilespmem:s16+$0xFFFFFFB0]  }
0x762: {  	v19 =	vld [tilespmem:s16+$0xFFFFFFC0];
	_ =	sdelay $0x3  }
0x763: {  	v18 =	vmul.f32 v18, v16  }
0x764: {  	v19 =	vmul.f32 v19, v17;
	_ =	sdelay $0x1  }
0x765: {  	v18 =	vadd.f32 v19, v18;
	_ =	sdelay $0x1  }
0x766: {  	[tilespmem:$0x161B8] =	vst v18  }
0x767: {  	v18 =	vld [tilespmem:s16+$0xFFFFFFD0]  }
0x768: {  	v19 =	vld [tilespmem:s16+$0xFFFFFFE0];
	_ =	sdelay $0x3  }
0x769: {  	v18 =	vmul.f32 v18, v16  }
0x76a: {  	v19 =	vmul.f32 v19, v17;
	_ =	sdelay $0x1  }
0x76b: {  	v18 =	vadd.f32 v19, v18;
	_ =	sdelay $0x1  }
0x76c: {  	[tilespmem:$0x161D0] =	vst v18  }
0x76d: {  	v18 =	vld [tilespmem:s16+$0xFFFFFFF0]  }
0x76e: {  	v19 =	vld [tilespmem:s16+$0x0];
	_ =	sdelay $0x2  }
.Ltmp7:
0x76f: {  	(pc) =	sbr.rel @p0 .LBB2_17-.Ltmp7, $3  }
0x770: {  	v18 =	vmul.f32 v18, v16  }
0x771: {  	v19 =	vmul.f32 v19, v17;
	_ =	sdelay $0x1  }
0x772: {  	v18 =	vadd.f32 v19, v18  }
0x773: {  	_ =	sdelay $0x2  }
0x774: {  	[tilespmem:$0x161E8] =	vst v18  }
0x775: {  	v16 =	vld.idx.msk [tilespmem:v15+s28+$0x0], $0xffff  }
0x776: {  	v17 =	vld.idx.msk [tilespmem:v5+s28+$0x0], $0xffff  }
0x777: {  	v18 =	vld.idx.msk [tilespmem:v3+s28+$0x0], $0xffff  }
0x778: {  	v19 =	vld.idx.msk [tilespmem:v7+s28+$0x0], $0xffff  }
0x779: {  	v20 =	vld.idx.msk [tilespmem:v4+s28+$0x0], $0xffff  }
0x77a: {  	v21 =	vld.idx.msk [tilespmem:v2+s28+$0x0], $0xffff  }
0x77b: {  	v22 =	vld.idx.msk [tilespmem:v9+s28+$0x0], $0xffff  }
0x77c: {  	v23 =	vld.idx.msk [tilespmem:v6+s28+$0x0], $0xffff  }
0x77d: {  	v24 =	vld.idx.msk [tilespmem:v13+s28+$0x0], $0xffff  }
0x77e: {  	v25 =	vld.idx.msk [tilespmem:v1+s28+$0x0], $0xffff  }
0x77f: {  	v26 =	vld.idx.msk [tilespmem:v11+s28+$0x0], $0xffff  }
0x780: {  	v27 =	vld.idx.msk [tilespmem:v14+s28+$0x0], $0xffff  }
0x781: {  	v28 =	vld.idx.msk [tilespmem:v10+s28+$0x0], $0xffff  }
0x782: {  	v29 =	vld.idx.msk [tilespmem:v12+s28+$0x0], $0xffff  }
0x783: {  	v30 =	vld.idx.msk [tilespmem:v8+s28+$0x0], $0xffff  }
0x784: {  	v31 =	vld.idx.msk [tilespmem:v0+s28+$0x0], $0xffff;
	_ =	sdelay $0x1  }
0x785: {  	v17 =	vadd.f32 v17, v20;
	v19 =	vadd.f32 v19, v23  }
0x786: {  	v18 =	vadd.f32 v18, v21;
	v16 =	vadd.f32 v16, v27  }
0x787: {  	v60 =	vadd.f32 v26, v28;
	v61 =	vadd.f32 v24, v29  }
0x788: {  	v22 =	vadd.f32 v22, v30;
	v62 =	vadd.f32 v25, v31  }
0x789: {  	v17 =	vadd.f32 v19, v17;
	v16 =	vadd.f32 v16, v61  }
0x78a: {  	v63 =	vadd.f32 v60, v22;
	v18 =	vadd.f32 v18, v62;
	_ =	sdelay $0x1  }
0x78b: {  	v16 =	vadd.f32 v16, v63;
	v17 =	vadd.f32 v17, v18  }
0x78c: {  	s11 =	sadd.s32 s3, s11  }
0x78d: {  	s0 =	sadd.s32 $0x1, s0;
	s11 =	smul.u32 $0x38, s11;
	v16 =	vadd.f32 v16, v17  }
0x78e: {  	s15 =	sshra.s32 s15, $0x2;
	p0 =	sne.s32 s0, $0x40  }
.Ltmp8:
0x78f: {  	s11 =	sadd.s32 s6, s11;
	[tilespmem:s15+$0x16510] =	vst v16;
	(pc) =	sbr.rel @p0 .LBB2_2-.Ltmp8, $4  }
0x790: {  	[hbm4b:s11+s2] =	stream.linear.scatter [tilespmem:s31], [sflag:$0x4], $0x1C0, $0x38;
	[tilespmem:$0x16580] =	vst v63  }
0x791: {  	_ =	swait.ge [sflag:s10], $0x1C0  }
0x792: {  	[sflag:s10] =	ssyncset.done $0x0  }
0x793: {  	[sflag:s10] =	ssyncadd.s32 $0xFFFFFE40  }
0x794: {  	s1 =	sadd.s32 $0x1, s1  }
0x795: {  	p0 =	sne.s32 s1, s9  }
.Ltmp9:
0x796: {  	_ = 	snop;
	(pc) =	sbr.rel @p0 .LBB2_1-.Ltmp9, $1  }
0x797: {  	_ =	sdelay $0x3  }
0x798: {  	_ =	sfence.sel $0x180000  }
0x799: {  	[bflag:$0x0] =	sbarrier.arrive $0xFFFF  }
0x79a: {  	_ =	strace $0x90000047  }
0x79b: {  	s0 =	stileid.u32;
	[bflag:$0x2] =	sbarrier.arrive $0xFFFF  }
0x79c: {  	p0 =	sne.s32 s0, $0x0;
	s0 =	rddreg [dreg:$0x2]  }
0x79d: {  	s0 =	sadd.s32 @!p0 $0x100000, s0  }
0x79e: {  	[sflag:s0] =	ssyncadd.tile.s32 @!p0 $0x1;
	_ =	shalt  }
.Lfunc_end2:
_tile_overlayer_lowered:
.L_overlay_start_2:
0x79f: {  	(tag) =	ssettag $0x2  }
0x7a0: {  	s0 =	rddreg [dreg:$0x0];
	s2 =	stileid.u32  }
0x7a1: {  	s1 =	rddreg [dreg:$0x1];
	p0 =	sne.s32 s2, $0x0  }
0x7a2: {  	s3 =	rddreg [dreg:$0x2];
	[bflag:$0x3] =	sbarrier.arrive $0xFFFF;
	s2 =	simm.s32 @!p0 $0x1C04  }
0x7a3: {  	[timem:s3], [sflag:s2] =	dma.local @!p0 [hbm:s0], s1  }
0x7a4: {  	s0 =	simm.s32 @!p0 $0x4  }
0x7a5: {  	_ =	swait.ge @!p0 [sflag:s0], s1  }
0x7a6: {  	s1 =	ssub.s32 @!p0 $0x0, s1;
	[sflag:s0] =	ssyncset.done @!p0 $0x0  }
0x7a7: {  	[sflag:s0] =	ssyncadd.s32 @!p0 s1  }
0x7a8: {  	[bflag:$0x3] =	sbarrier.arrive $0xFFFF  }
0x7a9: {  	_ =	shalt  }

</sc_bundles>
